<compile_context>
chip_gen: v7x
topology: tpu7x:2x2x1
jax: 0.10.2.dev20260603
libtpu: 0.0.44.dev20260713+nightly
codegen_flags: <defaults>
</compile_context>

<pallas_src>
import functools

import jax
import jax.numpy as jnp
from jax import lax
from jax.experimental import pallas as pl
from jax.experimental.pallas import tpu as pltpu
from jax.experimental.pallas import tpu_sc as plsc

NUM_MOVIES = 1000000
FEAT_DIM = 64
EMBED_DIM = 32
BATCH = 16384

NC = 2
NS = 16
NW = NC * NS
B_PER_W = BATCH // NW
GRP = 8
OUT_W = 128


def _gather_body(b_per_w, idx_hbm, tabt_hbm, out_hbm, idx_v, buf_a, buf_b,
                 out_v, sem_a, sem_b):
    wid = lax.axis_index("s") * NC + lax.axis_index("c")
    base = wid * b_per_w
    pltpu.sync_copy(idx_hbm.at[pl.ds(base, b_per_w)], idx_v)
    iota = lax.iota(jnp.int32, 16)

    def fire(buf, sem, v16, lane0):
        for j in range(GRP):
            col0 = pl.multiple_of(
                lax.bitwise_and(v16[lane0 + j], jnp.int32(~127)), 128)
            pltpu.async_copy(tabt_hbm.at[:, pl.ds(col0, 128)],
                             buf.at[pl.ds(j * EMBED_DIM, EMBED_DIM)], sem)

    def drain(buf, sem):
        for j in range(GRP):
            pltpu.make_async_copy(tabt_hbm.at[:, pl.ds(0, 128)],
                                  buf.at[pl.ds(j * EMBED_DIM, EMBED_DIM)],
                                  sem).wait()

    def select(buf, v16, lane0, r0):
        for j in range(GRP):
            p16 = jnp.full((16,), lax.bitwise_and(v16[lane0 + j],
                                                  jnp.int32(127)), jnp.int32)
            lo = plsc.load_gather(buf, [j * EMBED_DIM + iota, p16])
            hi = plsc.load_gather(buf, [j * EMBED_DIM + 16 + iota, p16])
            r = r0 + j
            row = lax.shift_right_logical(r, 2)
            cb = lax.bitwise_and(r, jnp.int32(3)) * EMBED_DIM
            out_v[row, pl.ds(cb, 16)] = lo
            out_v[row, pl.ds(cb + 16, 16)] = hi

    v16_0 = idx_v[pl.ds(0, 16)]
    fire(buf_a, sem_a, v16_0, 0)
    fire(buf_b, sem_b, v16_0, GRP)
    n_iter = b_per_w // (2 * GRP)

    def body(t, _):
        r0 = t * (2 * GRP)
        v16 = idx_v[pl.ds(r0, 16)]
        drain(buf_a, sem_a)
        select(buf_a, v16, 0, r0)

        @pl.when(t < n_iter - 1)
        def _():
            nv16 = idx_v[pl.ds(r0 + 16, 16)]
            fire(buf_a, sem_a, nv16, 0)

        drain(buf_b, sem_b)
        select(buf_b, v16, GRP, r0 + GRP)

        @pl.when(t < n_iter - 1)
        def _():
            nv16 = idx_v[pl.ds(r0 + 16, 16)]
            fire(buf_b, sem_b, nv16, GRP)

        return 0

    lax.fori_loop(0, n_iter, body, 0)
    pltpu.sync_copy(out_v, out_hbm.at[pl.ds(wid * (b_per_w // 4), b_per_w // 4)])


def _sc_gather(movie_id, tabt):
    n = movie_id.shape[0]
    b_per_w = n // NW
    mesh = plsc.VectorSubcoreMesh(core_axis_name="c", subcore_axis_name="s")
    return pl.kernel(
        functools.partial(_gather_body, b_per_w),
        mesh=mesh,
        out_type=jax.ShapeDtypeStruct((n * EMBED_DIM // 128, 128),
                                      jnp.float32),
        scratch_types=[
            pltpu.VMEM((b_per_w,), jnp.int32),
            pltpu.VMEM((GRP * EMBED_DIM, 128), jnp.float32),
            pltpu.VMEM((GRP * EMBED_DIM, 128), jnp.float32),
            pltpu.VMEM((b_per_w // 4, 128), jnp.float32),
            pltpu.SemaphoreType.DMA,
            pltpu.SemaphoreType.DMA,
        ],
        compiler_params=pltpu.CompilerParams(use_tc_tiling_on_sc=True,
                                             needs_layout_passes=False),
    )(movie_id, tabt)


BLK = 2048


def _mlp_body(e_ref, f_ref, w1e_ref, w1f_ref, b1_ref, w2_ref, b2_ref,
              w3_ref, b3_ref, o_ref):
    h = jnp.dot(e_ref[...], w1e_ref[...], preferred_element_type=jnp.float32)
    h = h + jnp.dot(f_ref[...], w1f_ref[...],
                    preferred_element_type=jnp.float32)
    h = jnp.maximum(h + b1_ref[...], 0.0)
    h = jnp.maximum(
        jnp.dot(h, w2_ref[...], preferred_element_type=jnp.float32)
        + b2_ref[...], 0.0)
    o_ref[...] = (
        jnp.dot(h, w3_ref[...], preferred_element_type=jnp.float32)
        + b3_ref[...])


def _full(shape):
    return pl.BlockSpec(shape, lambda i: (0, 0))


def _tc_mlp(embed, feat, w1e_t, w1f_t, b1, w2_t, b2, w3_t, b3):
    n = embed.shape[0]
    grid = (n // BLK,)
    return pl.pallas_call(
        _mlp_body,
        grid=grid,
        in_specs=[
            pl.BlockSpec((BLK, EMBED_DIM), lambda i: (i, 0)),
            pl.BlockSpec((BLK, FEAT_DIM), lambda i: (i, 0)),
            _full(w1e_t.shape),
            _full(w1f_t.shape),
            _full(b1.shape),
            _full(w2_t.shape),
            _full(b2.shape),
            _full(w3_t.shape),
            _full(b3.shape),
        ],
        out_specs=pl.BlockSpec((BLK, EMBED_DIM), lambda i: (i, 0)),
        out_shape=jax.ShapeDtypeStruct((n, EMBED_DIM), jnp.float32),
    )(embed, feat, w1e_t, w1f_t, b1, w2_t, b2, w3_t, b3)


def kernel(movie_id, movie_features, table, W1, b1, W2, b2, W3, b3):
    tabt = table.T
    w1e_t = W1[:, :EMBED_DIM].T
    w1f_t = W1[:, EMBED_DIM:].T
    b1r, b2r, b3r = b1.reshape(1, -1), b2.reshape(1, -1), b3.reshape(1, -1)
    w2_t, w3_t = W2.T, W3.T
    cut = 14336
    g0 = _sc_gather(movie_id[:cut], tabt)
    g1 = _sc_gather(movie_id[cut:], tabt)
    o0 = _tc_mlp(g0.reshape(cut, EMBED_DIM), movie_features[:cut],
                 w1e_t, w1f_t, b1r, w2_t, b2r, w3_t, b3r)
    o1 = _tc_mlp(g1.reshape(BATCH - cut, EMBED_DIM), movie_features[cut:],
                 w1e_t, w1f_t, b1r, w2_t, b2r, w3_t, b3r)
    return jnp.concatenate([o0, o1], axis=0)

# --- scband reference (transcript-rebuilt; emitter-appended) ---
"""Pipeline reference for scband-movie-tower-3470333575589 (READ-ONLY COPY).

The authoritative reference and input builder live on the scoring server;
editing this copy changes nothing except your own understanding.
"""

import jax, jax.numpy as jnp
import numpy as np

NUM_MOVIES = 1000000
FEAT_DIM = 64
EMBED_DIM = 32
BATCH = 16384


def setup_inputs(seed: int = 0) -> dict:
    key = jax.random.key(seed)
    ks = jax.random.split(key, 10)
    movie_id = jax.random.randint(ks[0], (BATCH,), 0, NUM_MOVIES, dtype=jnp.int64 if jax.config.jax_enable_x64 else jnp.int32).astype(jnp.int32)
    movie_features = jax.random.normal(ks[1], (BATCH, FEAT_DIM), dtype=jnp.float32)
    table = jax.random.normal(ks[2], (NUM_MOVIES, EMBED_DIM), dtype=jnp.float32) * 0.02
    in_dim = FEAT_DIM + EMBED_DIM
    W1 = jax.random.normal(ks[3], (128, in_dim), dtype=jnp.float32) * (1.0 / np.sqrt(in_dim))
    b1 = jnp.zeros((128,), dtype=jnp.float32)
    W2 = jax.random.normal(ks[4], (64, 128), dtype=jnp.float32) * (1.0 / np.sqrt(128))
    b2 = jnp.zeros((64,), dtype=jnp.float32)
    W3 = jax.random.normal(ks[5], (EMBED_DIM, 64), dtype=jnp.float32) * (1.0 / np.sqrt(64))
    b3 = jnp.zeros((EMBED_DIM,), dtype=jnp.float32)
    return {"movie_id": movie_id, "movie_features": movie_features, "table": table,
            "W1": W1, "b1": b1, "W2": W2, "b2": b2, "W3": W3, "b3": b3}


def reference(movie_id, movie_features, table, W1, b1, W2, b2, W3, b3):
    movie_embed = jnp.take(table, movie_id, axis=0)
    x = jnp.concatenate([movie_embed, movie_features], axis=1)
    h = jax.nn.relu(x @ W1.T + b1)
    h = jax.nn.relu(h @ W2.T + b2)
    out = h @ W3.T + b3
    return out

if __name__ == "__main__":
    import jax
    _d = setup_inputs()
    print(jax.jit(kernel)(*tuple(_d.values())))

</pallas_src>

<mosaic_0001>
#map = affine_map<(d0, d1) -> (0)>
#map1 = affine_map<(d0, d1) -> (0, 0)>
module attributes {stable_mosaic.version = 14 : i64} {
  func.func @_gather_body(%arg0: i32, %arg1: i32, %arg2: memref<2048xi32, #tpu.memory_space<hbm>>, %arg3: memref<32x1000000xf32, #tpu.memory_space<hbm>>, %arg4: memref<512x128xf32, #tpu.memory_space<hbm>>, %arg5: memref<64xi32, #tpu.memory_space<vmem>>, %arg6: memref<256x128xf32, #tpu.memory_space<vmem>>, %arg7: memref<256x128xf32, #tpu.memory_space<vmem>>, %arg8: memref<16x128xf32, #tpu.memory_space<vmem>>, %arg9: memref<!tpu.dma_semaphore, #tpu.memory_space<semaphore_mem>>, %arg10: memref<!tpu.dma_semaphore, #tpu.memory_space<semaphore_mem>>) attributes {dimension_semantics = [#tpu.dimension_semantics<core_parallel>, #tpu.dimension_semantics<subcore_parallel>], iteration_bounds = array<i64: 2, 16>, scalar_prefetch = 0 : i64, scratch_operands = 6 : i64, tpu.core_type = #tpu.core_type<sc_vector_subcore>, window_params = [{transform_indices = #map}, {transform_indices = #map1}, {transform_indices = #map1}]} {
    %mul3A = arith.constant 2 : i32
    %mul3A_0 = arith.muli %arg1, %mul3A : i32
    %add3A = arith.addi %mul3A_0, %arg0 : i32
    %mul3A_1 = arith.constant 64 : i32
    %mul3A_2 = arith.muli %add3A, %mul3A_1 : i32
    "tpu.region"() ({
      %run_scoped3A = tpu.sem_alloc : memref<!tpu.dma_semaphore, #tpu.memory_space<semaphore_mem>>
      %dma_start3A_247 = tpu.memref_slice %arg2[%mul3A_2] : memref<2048xi32, #tpu.memory_space<hbm>> -> memref<64xi32, #tpu.memory_space<hbm>>
      %dma_start3A_248 = tpu.memref_slice %arg2[%mul3A_2] : memref<2048xi32, #tpu.memory_space<hbm>> -> memref<64xi32, #tpu.memory_space<hbm>>
      tpu.enqueue_dma source(%dma_start3A_248 : memref<64xi32, #tpu.memory_space<hbm>>) target(%arg5 : memref<64xi32, #tpu.memory_space<vmem>>) target_semaphore(%run_scoped3A : memref<!tpu.dma_semaphore, #tpu.memory_space<semaphore_mem>>)
      %dma_wait3A = tpu.memref_slice %arg2[%mul3A_2] : memref<2048xi32, #tpu.memory_space<hbm>> -> memref<64xi32, #tpu.memory_space<hbm>>
      %dma_wait3A_249 = tpu.memref_slice %arg2[%mul3A_2] : memref<2048xi32, #tpu.memory_space<hbm>> -> memref<64xi32, #tpu.memory_space<hbm>>
      tpu.wait_dma2 semaphore(%run_scoped3A : memref<!tpu.dma_semaphore, #tpu.memory_space<semaphore_mem>>) src(%dma_wait3A_249 : memref<64xi32, #tpu.memory_space<hbm>>) dst(%arg5 : memref<64xi32, #tpu.memory_space<vmem>>)
      tpu.yield
    }) : () -> ()
    %iota3A = tpu.iota {dimensions = array<i32: 0>} : vector<16xi32>
    %get3A = arith.constant 0 : index
    %get3A_3 = tpu.vector_load %arg5[%get3A] {strides = array<i32>} : memref<64xi32, #tpu.memory_space<vmem>>, vector<16xi32>,
    %slice3A = vector.extract_strided_slice %get3A_3 {offsets = [0], sizes = [1], strides = [1]} : vector<16xi32> to vector<1xi32>
    %squeeze3A = vector.extract %slice3A[0] : i32 from vector<1xi32>
    %and3A = arith.constant -128 : i32
    %and3A_4 = arith.andi %squeeze3A, %and3A : i32
    %multiple_of3A = tpu.assume_multiple %and3A_4, 128 : i32
    %dma_start3A = arith.constant 0 : i32
    %dma_start3A_5 = arith.constant 0 : i32
    %dma_start3A_6 = tpu.memref_slice %arg6[%dma_start3A, %dma_start3A_5] : memref<256x128xf32, #tpu.memory_space<vmem>> -> memref<32x128xf32, #tpu.memory_space<vmem>>
    %dma_start3A_7 = arith.constant 0 : i32
    %dma_start3A_8 = tpu.memref_slice %arg3[%dma_start3A_7, %multiple_of3A] : memref<32x1000000xf32, #tpu.memory_space<hbm>> -> memref<32x128xf32, #tpu.memory_space<hbm>>
    %dma_start3A_9 = arith.constant 0 : i32
    %dma_start3A_10 = arith.constant 0 : i32
    %dma_start3A_11 = tpu.memref_slice %arg6[%dma_start3A_9, %dma_start3A_10] : memref<256x128xf32, #tpu.memory_space<vmem>> -> memref<32x128xf32, #tpu.memory_space<vmem>>
    %dma_start3A_12 = arith.constant 0 : i32
    %dma_start3A_13 = tpu.memref_slice %arg3[%dma_start3A_12, %multiple_of3A] : memref<32x1000000xf32, #tpu.memory_space<hbm>> -> memref<32x128xf32, #tpu.memory_space<hbm>>
    tpu.enqueue_dma source(%dma_start3A_13 : memref<32x128xf32, #tpu.memory_space<hbm>>) target(%dma_start3A_11 : memref<32x128xf32, #tpu.memory_space<vmem>>) target_semaphore(%arg9 : memref<!tpu.dma_semaphore, #tpu.memory_space<semaphore_mem>>)
    %slice3A_14 = vector.extract_strided_slice %get3A_3 {offsets = [1], sizes = [1], strides = [1]} : vector<16xi32> to vector<1xi32>
    %squeeze3A_15 = vector.extract %slice3A_14[0] : i32 from vector<1xi32>
    %and3A_16 = arith.constant -128 : i32
    %and3A_17 = arith.andi %squeeze3A_15, %and3A_16 : i32
    %multiple_of3A_18 = tpu.assume_multiple %and3A_17, 128 : i32
    %dma_start3A_19 = arith.constant 32 : i32
    %dma_start3A_20 = arith.constant 0 : i32
    %dma_start3A_21 = tpu.memref_slice %arg6[%dma_start3A_19, %dma_start3A_20] : memref<256x128xf32, #tpu.memory_space<vmem>> -> memref<32x128xf32, #tpu.memory_space<vmem>>
    %dma_start3A_22 = arith.constant 0 : i32
    %dma_start3A_23 = tpu.memref_slice %arg3[%dma_start3A_22, %multiple_of3A_18] : memref<32x1000000xf32, #tpu.memory_space<hbm>> -> memref<32x128xf32, #tpu.memory_space<hbm>>
    %dma_start3A_24 = arith.constant 32 : i32
    %dma_start3A_25 = arith.constant 0 : i32
    %dma_start3A_26 = tpu.memref_slice %arg6[%dma_start3A_24, %dma_start3A_25] : memref<256x128xf32, #tpu.memory_space<vmem>> -> memref<32x128xf32, #tpu.memory_space<vmem>>
    %dma_start3A_27 = arith.constant 0 : i32
    %dma_start3A_28 = tpu.memref_slice %arg3[%dma_start3A_27, %multiple_of3A_18] : memref<32x1000000xf32, #tpu.memory_space<hbm>> -> memref<32x128xf32, #tpu.memory_space<hbm>>
    tpu.enqueue_dma source(%dma_start3A_28 : memref<32x128xf32, #tpu.memory_space<hbm>>) target(%dma_start3A_26 : memref<32x128xf32, #tpu.memory_space<vmem>>) target_semaphore(%arg9 : memref<!tpu.dma_semaphore, #tpu.memory_space<semaphore_mem>>)
    %slice3A_29 = vector.extract_strided_slice %get3A_3 {offsets = [2], sizes = [1], strides = [1]} : vector<16xi32> to vector<1xi32>
    %squeeze3A_30 = vector.extract %slice3A_29[0] : i32 from vector<1xi32>
    %and3A_31 = arith.constant -128 : i32
    %and3A_32 = arith.andi %squeeze3A_30, %and3A_31 : i32
    %multiple_of3A_33 = tpu.assume_multiple %and3A_32, 128 : i32
    %dma_start3A_34 = arith.constant 64 : i32
    %dma_start3A_35 = arith.constant 0 : i32
    %dma_start3A_36 = tpu.memref_slice %arg6[%dma_start3A_34, %dma_start3A_35] : memref<256x128xf32, #tpu.memory_space<vmem>> -> memref<32x128xf32, #tpu.memory_space<vmem>>
    %dma_start3A_37 = arith.constant 0 : i32
    %dma_start3A_38 = tpu.memref_slice %arg3[%dma_start3A_37, %multiple_of3A_33] : memref<32x1000000xf32, #tpu.memory_space<hbm>> -> memref<32x128xf32, #tpu.memory_space<hbm>>
    %dma_start3A_39 = arith.constant 64 : i32
    %dma_start3A_40 = arith.constant 0 : i32
    %dma_start3A_41 = tpu.memref_slice %arg6[%dma_start3A_39, %dma_start3A_40] : memref<256x128xf32, #tpu.memory_space<vmem>> -> memref<32x128xf32, #tpu.memory_space<vmem>>
    %dma_start3A_42 = arith.constant 0 : i32
    %dma_start3A_43 = tpu.memref_slice %arg3[%dma_start3A_42, %multiple_of3A_33] : memref<32x1000000xf32, #tpu.memory_space<hbm>> -> memref<32x128xf32, #tpu.memory_space<hbm>>
    tpu.enqueue_dma source(%dma_start3A_43 : memref<32x128xf32, #tpu.memory_space<hbm>>) target(%dma_start3A_41 : memref<32x128xf32, #tpu.memory_space<vmem>>) target_semaphore(%arg9 : memref<!tpu.dma_semaphore, #tpu.memory_space<semaphore_mem>>)
    %slice3A_44 = vector.extract_strided_slice %get3A_3 {offsets = [3], sizes = [1], strides = [1]} : vector<16xi32> to vector<1xi32>
    %squeeze3A_45 = vector.extract %slice3A_44[0] : i32 from vector<1xi32>
    %and3A_46 = arith.constant -128 : i32
    %and3A_47 = arith.andi %squeeze3A_45, %and3A_46 : i32
    %multiple_of3A_48 = tpu.assume_multiple %and3A_47, 128 : i32
    %dma_start3A_49 = arith.constant 96 : i32
    %dma_start3A_50 = arith.constant 0 : i32
    %dma_start3A_51 = tpu.memref_slice %arg6[%dma_start3A_49, %dma_start3A_50] : memref<256x128xf32, #tpu.memory_space<vmem>> -> memref<32x128xf32, #tpu.memory_space<vmem>>
    %dma_start3A_52 = arith.constant 0 : i32
    %dma_start3A_53 = tpu.memref_slice %arg3[%dma_start3A_52, %multiple_of3A_48] : memref<32x1000000xf32, #tpu.memory_space<hbm>> -> memref<32x128xf32, #tpu.memory_space<hbm>>
    %dma_start3A_54 = arith.constant 96 : i32
    %dma_start3A_55 = arith.constant 0 : i32
    %dma_start3A_56 = tpu.memref_slice %arg6[%dma_start3A_54, %dma_start3A_55] : memref<256x128xf32, #tpu.memory_space<vmem>> -> memref<32x128xf32, #tpu.memory_space<vmem>>
    %dma_start3A_57 = arith.constant 0 : i32
    %dma_start3A_58 = tpu.memref_slice %arg3[%dma_start3A_57, %multiple_of3A_48] : memref<32x1000000xf32, #tpu.memory_space<hbm>> -> memref<32x128xf32, #tpu.memory_space<hbm>>
    tpu.enqueue_dma source(%dma_start3A_58 : memref<32x128xf32, #tpu.memory_space<hbm>>) target(%dma_start3A_56 : memref<32x128xf32, #tpu.memory_space<vmem>>) target_semaphore(%arg9 : memref<!tpu.dma_semaphore, #tpu.memory_space<semaphore_mem>>)
    %slice3A_59 = vector.extract_strided_slice %get3A_3 {offsets = [4], sizes = [1], strides = [1]} : vector<16xi32> to vector<1xi32>
    %squeeze3A_60 = vector.extract %slice3A_59[0] : i32 from vector<1xi32>
    %and3A_61 = arith.constant -128 : i32
    %and3A_62 = arith.andi %squeeze3A_60, %and3A_61 : i32
    %multiple_of3A_63 = tpu.assume_multiple %and3A_62, 128 : i32
    %dma_start3A_64 = arith.constant 128 : i32
    %dma_start3A_65 = arith.constant 0 : i32
    %dma_start3A_66 = tpu.memref_slice %arg6[%dma_start3A_64, %dma_start3A_65] : memref<256x128xf32, #tpu.memory_space<vmem>> -> memref<32x128xf32, #tpu.memory_space<vmem>>
    %dma_start3A_67 = arith.constant 0 : i32
    %dma_start3A_68 = tpu.memref_slice %arg3[%dma_start3A_67, %multiple_of3A_63] : memref<32x1000000xf32, #tpu.memory_space<hbm>> -> memref<32x128xf32, #tpu.memory_space<hbm>>
    %dma_start3A_69 = arith.constant 128 : i32
    %dma_start3A_70 = arith.constant 0 : i32
    %dma_start3A_71 = tpu.memref_slice %arg6[%dma_start3A_69, %dma_start3A_70] : memref<256x128xf32, #tpu.memory_space<vmem>> -> memref<32x128xf32, #tpu.memory_space<vmem>>
    %dma_start3A_72 = arith.constant 0 : i32
    %dma_start3A_73 = tpu.memref_slice %arg3[%dma_start3A_72, %multiple_of3A_63] : memref<32x1000000xf32, #tpu.memory_space<hbm>> -> memref<32x128xf32, #tpu.memory_space<hbm>>
    tpu.enqueue_dma source(%dma_start3A_73 : memref<32x128xf32, #tpu.memory_space<hbm>>) target(%dma_start3A_71 : memref<32x128xf32, #tpu.memory_space<vmem>>) target_semaphore(%arg9 : memref<!tpu.dma_semaphore, #tpu.memory_space<semaphore_mem>>)
    %slice3A_74 = vector.extract_strided_slice %get3A_3 {offsets = [5], sizes = [1], strides = [1]} : vector<16xi32> to vector<1xi32>
    %squeeze3A_75 = vector.extract %slice3A_74[0] : i32 from vector<1xi32>
    %and3A_76 = arith.constant -128 : i32
    %and3A_77 = arith.andi %squeeze3A_75, %and3A_76 : i32
    %multiple_of3A_78 = tpu.assume_multiple %and3A_77, 128 : i32
    %dma_start3A_79 = arith.constant 160 : i32
    %dma_start3A_80 = arith.constant 0 : i32
    %dma_start3A_81 = tpu.memref_slice %arg6[%dma_start3A_79, %dma_start3A_80] : memref<256x128xf32, #tpu.memory_space<vmem>> -> memref<32x128xf32, #tpu.memory_space<vmem>>
    %dma_start3A_82 = arith.constant 0 : i32
    %dma_start3A_83 = tpu.memref_slice %arg3[%dma_start3A_82, %multiple_of3A_78] : memref<32x1000000xf32, #tpu.memory_space<hbm>> -> memref<32x128xf32, #tpu.memory_space<hbm>>
    %dma_start3A_84 = arith.constant 160 : i32
    %dma_start3A_85 = arith.constant 0 : i32
    %dma_start3A_86 = tpu.memref_slice %arg6[%dma_start3A_84, %dma_start3A_85] : memref<256x128xf32, #tpu.memory_space<vmem>> -> memref<32x128xf32, #tpu.memory_space<vmem>>
    %dma_start3A_87 = arith.constant 0 : i32
    %dma_start3A_88 = tpu.memref_slice %arg3[%dma_start3A_87, %multiple_of3A_78] : memref<32x1000000xf32, #tpu.memory_space<hbm>> -> memref<32x128xf32, #tpu.memory_space<hbm>>
    tpu.enqueue_dma source(%dma_start3A_88 : memref<32x128xf32, #tpu.memory_space<hbm>>) target(%dma_start3A_86 : memref<32x128xf32, #tpu.memory_space<vmem>>) target_semaphore(%arg9 : memref<!tpu.dma_semaphore, #tpu.memory_space<semaphore_mem>>)
    %slice3A_89 = vector.extract_strided_slice %get3A_3 {offsets = [6], sizes = [1], strides = [1]} : vector<16xi32> to vector<1xi32>
    %squeeze3A_90 = vector.extract %slice3A_89[0] : i32 from vector<1xi32>
    %and3A_91 = arith.constant -128 : i32
    %and3A_92 = arith.andi %squeeze3A_90, %and3A_91 : i32
    %multiple_of3A_93 = tpu.assume_multiple %and3A_92, 128 : i32
    %dma_start3A_94 = arith.constant 192 : i32
    %dma_start3A_95 = arith.constant 0 : i32
    %dma_start3A_96 = tpu.memref_slice %arg6[%dma_start3A_94, %dma_start3A_95] : memref<256x128xf32, #tpu.memory_space<vmem>> -> memref<32x128xf32, #tpu.memory_space<vmem>>
    %dma_start3A_97 = arith.constant 0 : i32
    %dma_start3A_98 = tpu.memref_slice %arg3[%dma_start3A_97, %multiple_of3A_93] : memref<32x1000000xf32, #tpu.memory_space<hbm>> -> memref<32x128xf32, #tpu.memory_space<hbm>>
    %dma_start3A_99 = arith.constant 192 : i32
    %dma_start3A_100 = arith.constant 0 : i32
    %dma_start3A_101 = tpu.memref_slice %arg6[%dma_start3A_99, %dma_start3A_100] : memref<256x128xf32, #tpu.memory_space<vmem>> -> memref<32x128xf32, #tpu.memory_space<vmem>>
    %dma_start3A_102 = arith.constant 0 : i32
    %dma_start3A_103 = tpu.memref_slice %arg3[%dma_start3A_102, %multiple_of3A_93] : memref<32x1000000xf32, #tpu.memory_space<hbm>> -> memref<32x128xf32, #tpu.memory_space<hbm>>
    tpu.enqueue_dma source(%dma_start3A_103 : memref<32x128xf32, #tpu.memory_space<hbm>>) target(%dma_start3A_101 : memref<32x128xf32, #tpu.memory_space<vmem>>) target_semaphore(%arg9 : memref<!tpu.dma_semaphore, #tpu.memory_space<semaphore_mem>>)
    %slice3A_104 = vector.extract_strided_slice %get3A_3 {offsets = [7], sizes = [1], strides = [1]} : vector<16xi32> to vector<1xi32>
    %squeeze3A_105 = vector.extract %slice3A_104[0] : i32 from vector<1xi32>
    %and3A_106 = arith.constant -128 : i32
    %and3A_107 = arith.andi %squeeze3A_105, %and3A_106 : i32
    %multiple_of3A_108 = tpu.assume_multiple %and3A_107, 128 : i32
    %dma_start3A_109 = arith.constant 224 : i32
    %dma_start3A_110 = arith.constant 0 : i32
    %dma_start3A_111 = tpu.memref_slice %arg6[%dma_start3A_109, %dma_start3A_110] : memref<256x128xf32, #tpu.memory_space<vmem>> -> memref<32x128xf32, #tpu.memory_space<vmem>>
    %dma_start3A_112 = arith.constant 0 : i32
    %dma_start3A_113 = tpu.memref_slice %arg3[%dma_start3A_112, %multiple_of3A_108] : memref<32x1000000xf32, #tpu.memory_space<hbm>> -> memref<32x128xf32, #tpu.memory_space<hbm>>
    %dma_start3A_114 = arith.constant 224 : i32
    %dma_start3A_115 = arith.constant 0 : i32
    %dma_start3A_116 = tpu.memref_slice %arg6[%dma_start3A_114, %dma_start3A_115] : memref<256x128xf32, #tpu.memory_space<vmem>> -> memref<32x128xf32, #tpu.memory_space<vmem>>
    %dma_start3A_117 = arith.constant 0 : i32
    %dma_start3A_118 = tpu.memref_slice %arg3[%dma_start3A_117, %multiple_of3A_108] : memref<32x1000000xf32, #tpu.memory_space<hbm>> -> memref<32x128xf32, #tpu.memory_space<hbm>>
    tpu.enqueue_dma source(%dma_start3A_118 : memref<32x128xf32, #tpu.memory_space<hbm>>) target(%dma_start3A_116 : memref<32x128xf32, #tpu.memory_space<vmem>>) target_semaphore(%arg9 : memref<!tpu.dma_semaphore, #tpu.memory_space<semaphore_mem>>)
    %slice3A_119 = vector.extract_strided_slice %get3A_3 {offsets = [8], sizes = [1], strides = [1]} : vector<16xi32> to vector<1xi32>
    %squeeze3A_120 = vector.extract %slice3A_119[0] : i32 from vector<1xi32>
    %and3A_121 = arith.constant -128 : i32
    %and3A_122 = arith.andi %squeeze3A_120, %and3A_121 : i32
    %multiple_of3A_123 = tpu.assume_multiple %and3A_122, 128 : i32
    %dma_start3A_124 = arith.constant 0 : i32
    %dma_start3A_125 = arith.constant 0 : i32
    %dma_start3A_126 = tpu.memref_slice %arg7[%dma_start3A_124, %dma_start3A_125] : memref<256x128xf32, #tpu.memory_space<vmem>> -> memref<32x128xf32, #tpu.memory_space<vmem>>
    %dma_start3A_127 = arith.constant 0 : i32
    %dma_start3A_128 = tpu.memref_slice %arg3[%dma_start3A_127, %multiple_of3A_123] : memref<32x1000000xf32, #tpu.memory_space<hbm>> -> memref<32x128xf32, #tpu.memory_space<hbm>>
    %dma_start3A_129 = arith.constant 0 : i32
    %dma_start3A_130 = arith.constant 0 : i32
    %dma_start3A_131 = tpu.memref_slice %arg7[%dma_start3A_129, %dma_start3A_130] : memref<256x128xf32, #tpu.memory_space<vmem>> -> memref<32x128xf32, #tpu.memory_space<vmem>>
    %dma_start3A_132 = arith.constant 0 : i32
    %dma_start3A_133 = tpu.memref_slice %arg3[%dma_start3A_132, %multiple_of3A_123] : memref<32x1000000xf32, #tpu.memory_space<hbm>> -> memref<32x128xf32, #tpu.memory_space<hbm>>
    tpu.enqueue_dma source(%dma_start3A_133 : memref<32x128xf32, #tpu.memory_space<hbm>>) target(%dma_start3A_131 : memref<32x128xf32, #tpu.memory_space<vmem>>) target_semaphore(%arg10 : memref<!tpu.dma_semaphore, #tpu.memory_space<semaphore_mem>>)
    %slice3A_134 = vector.extract_strided_slice %get3A_3 {offsets = [9], sizes = [1], strides = [1]} : vector<16xi32> to vector<1xi32>
    %squeeze3A_135 = vector.extract %slice3A_134[0] : i32 from vector<1xi32>
    %and3A_136 = arith.constant -128 : i32
    %and3A_137 = arith.andi %squeeze3A_135, %and3A_136 : i32
    %multiple_of3A_138 = tpu.assume_multiple %and3A_137, 128 : i32
    %dma_start3A_139 = arith.constant 32 : i32
    %dma_start3A_140 = arith.constant 0 : i32
    %dma_start3A_141 = tpu.memref_slice %arg7[%dma_start3A_139, %dma_start3A_140] : memref<256x128xf32, #tpu.memory_space<vmem>> -> memref<32x128xf32, #tpu.memory_space<vmem>>
    %dma_start3A_142 = arith.constant 0 : i32
    %dma_start3A_143 = tpu.memref_slice %arg3[%dma_start3A_142, %multiple_of3A_138] : memref<32x1000000xf32, #tpu.memory_space<hbm>> -> memref<32x128xf32, #tpu.memory_space<hbm>>
    %dma_start3A_144 = arith.constant 32 : i32
    %dma_start3A_145 = arith.constant 0 : i32
    %dma_start3A_146 = tpu.memref_slice %arg7[%dma_start3A_144, %dma_start3A_145] : memref<256x128xf32, #tpu.memory_space<vmem>> -> memref<32x128xf32, #tpu.memory_space<vmem>>
    %dma_start3A_147 = arith.constant 0 : i32
    %dma_start3A_148 = tpu.memref_slice %arg3[%dma_start3A_147, %multiple_of3A_138] : memref<32x1000000xf32, #tpu.memory_space<hbm>> -> memref<32x128xf32, #tpu.memory_space<hbm>>
    tpu.enqueue_dma source(%dma_start3A_148 : memref<32x128xf32, #tpu.memory_space<hbm>>) target(%dma_start3A_146 : memref<32x128xf32, #tpu.memory_space<vmem>>) target_semaphore(%arg10 : memref<!tpu.dma_semaphore, #tpu.memory_space<semaphore_mem>>)
    %slice3A_149 = vector.extract_strided_slice %get3A_3 {offsets = [10], sizes = [1], strides = [1]} : vector<16xi32> to vector<1xi32>
    %squeeze3A_150 = vector.extract %slice3A_149[0] : i32 from vector<1xi32>
    %and3A_151 = arith.constant -128 : i32
    %and3A_152 = arith.andi %squeeze3A_150, %and3A_151 : i32
    %multiple_of3A_153 = tpu.assume_multiple %and3A_152, 128 : i32
    %dma_start3A_154 = arith.constant 64 : i32
    %dma_start3A_155 = arith.constant 0 : i32
    %dma_start3A_156 = tpu.memref_slice %arg7[%dma_start3A_154, %dma_start3A_155] : memref<256x128xf32, #tpu.memory_space<vmem>> -> memref<32x128xf32, #tpu.memory_space<vmem>>
    %dma_start3A_157 = arith.constant 0 : i32
    %dma_start3A_158 = tpu.memref_slice %arg3[%dma_start3A_157, %multiple_of3A_153] : memref<32x1000000xf32, #tpu.memory_space<hbm>> -> memref<32x128xf32, #tpu.memory_space<hbm>>
    %dma_start3A_159 = arith.constant 64 : i32
    %dma_start3A_160 = arith.constant 0 : i32
    %dma_start3A_161 = tpu.memref_slice %arg7[%dma_start3A_159, %dma_start3A_160] : memref<256x128xf32, #tpu.memory_space<vmem>> -> memref<32x128xf32, #tpu.memory_space<vmem>>
    %dma_start3A_162 = arith.constant 0 : i32
    %dma_start3A_163 = tpu.memref_slice %arg3[%dma_start3A_162, %multiple_of3A_153] : memref<32x1000000xf32, #tpu.memory_space<hbm>> -> memref<32x128xf32, #tpu.memory_space<hbm>>
    tpu.enqueue_dma source(%dma_start3A_163 : memref<32x128xf32, #tpu.memory_space<hbm>>) target(%dma_start3A_161 : memref<32x128xf32, #tpu.memory_space<vmem>>) target_semaphore(%arg10 : memref<!tpu.dma_semaphore, #tpu.memory_space<semaphore_mem>>)
    %slice3A_164 = vector.extract_strided_slice %get3A_3 {offsets = [11], sizes = [1], strides = [1]} : vector<16xi32> to vector<1xi32>
    %squeeze3A_165 = vector.extract %slice3A_164[0] : i32 from vector<1xi32>
    %and3A_166 = arith.constant -128 : i32
    %and3A_167 = arith.andi %squeeze3A_165, %and3A_166 : i32
    %multiple_of3A_168 = tpu.assume_multiple %and3A_167, 128 : i32
    %dma_start3A_169 = arith.constant 96 : i32
    %dma_start3A_170 = arith.constant 0 : i32
    %dma_start3A_171 = tpu.memref_slice %arg7[%dma_start3A_169, %dma_start3A_170] : memref<256x128xf32, #tpu.memory_space<vmem>> -> memref<32x128xf32, #tpu.memory_space<vmem>>
    %dma_start3A_172 = arith.constant 0 : i32
    %dma_start3A_173 = tpu.memref_slice %arg3[%dma_start3A_172, %multiple_of3A_168] : memref<32x1000000xf32, #tpu.memory_space<hbm>> -> memref<32x128xf32, #tpu.memory_space<hbm>>
    %dma_start3A_174 = arith.constant 96 : i32
    %dma_start3A_175 = arith.constant 0 : i32
    %dma_start3A_176 = tpu.memref_slice %arg7[%dma_start3A_174, %dma_start3A_175] : memref<256x128xf32, #tpu.memory_space<vmem>> -> memref<32x128xf32, #tpu.memory_space<vmem>>
    %dma_start3A_177 = arith.constant 0 : i32
    %dma_start3A_178 = tpu.memref_slice %arg3[%dma_start3A_177, %multiple_of3A_168] : memref<32x1000000xf32, #tpu.memory_space<hbm>> -> memref<32x128xf32, #tpu.memory_space<hbm>>
    tpu.enqueue_dma source(%dma_start3A_178 : memref<32x128xf32, #tpu.memory_space<hbm>>) target(%dma_start3A_176 : memref<32x128xf32, #tpu.memory_space<vmem>>) target_semaphore(%arg10 : memref<!tpu.dma_semaphore, #tpu.memory_space<semaphore_mem>>)
    %slice3A_179 = vector.extract_strided_slice %get3A_3 {offsets = [12], sizes = [1], strides = [1]} : vector<16xi32> to vector<1xi32>
    %squeeze3A_180 = vector.extract %slice3A_179[0] : i32 from vector<1xi32>
    %and3A_181 = arith.constant -128 : i32
    %and3A_182 = arith.andi %squeeze3A_180, %and3A_181 : i32
    %multiple_of3A_183 = tpu.assume_multiple %and3A_182, 128 : i32
    %dma_start3A_184 = arith.constant 128 : i32
    %dma_start3A_185 = arith.constant 0 : i32
    %dma_start3A_186 = tpu.memref_slice %arg7[%dma_start3A_184, %dma_start3A_185] : memref<256x128xf32, #tpu.memory_space<vmem>> -> memref<32x128xf32, #tpu.memory_space<vmem>>
    %dma_start3A_187 = arith.constant 0 : i32
    %dma_start3A_188 = tpu.memref_slice %arg3[%dma_start3A_187, %multiple_of3A_183] : memref<32x1000000xf32, #tpu.memory_space<hbm>> -> memref<32x128xf32, #tpu.memory_space<hbm>>
    %dma_start3A_189 = arith.constant 128 : i32
    %dma_start3A_190 = arith.constant 0 : i32
    %dma_start3A_191 = tpu.memref_slice %arg7[%dma_start3A_189, %dma_start3A_190] : memref<256x128xf32, #tpu.memory_space<vmem>> -> memref<32x128xf32, #tpu.memory_space<vmem>>
    %dma_start3A_192 = arith.constant 0 : i32
    %dma_start3A_193 = tpu.memref_slice %arg3[%dma_start3A_192, %multiple_of3A_183] : memref<32x1000000xf32, #tpu.memory_space<hbm>> -> memref<32x128xf32, #tpu.memory_space<hbm>>
    tpu.enqueue_dma source(%dma_start3A_193 : memref<32x128xf32, #tpu.memory_space<hbm>>) target(%dma_start3A_191 : memref<32x128xf32, #tpu.memory_space<vmem>>) target_semaphore(%arg10 : memref<!tpu.dma_semaphore, #tpu.memory_space<semaphore_mem>>)
    %slice3A_194 = vector.extract_strided_slice %get3A_3 {offsets = [13], sizes = [1], strides = [1]} : vector<16xi32> to vector<1xi32>
    %squeeze3A_195 = vector.extract %slice3A_194[0] : i32 from vector<1xi32>
    %and3A_196 = arith.constant -128 : i32
    %and3A_197 = arith.andi %squeeze3A_195, %and3A_196 : i32
    %multiple_of3A_198 = tpu.assume_multiple %and3A_197, 128 : i32
    %dma_start3A_199 = arith.constant 160 : i32
    %dma_start3A_200 = arith.constant 0 : i32
    %dma_start3A_201 = tpu.memref_slice %arg7[%dma_start3A_199, %dma_start3A_200] : memref<256x128xf32, #tpu.memory_space<vmem>> -> memref<32x128xf32, #tpu.memory_space<vmem>>
    %dma_start3A_202 = arith.constant 0 : i32
    %dma_start3A_203 = tpu.memref_slice %arg3[%dma_start3A_202, %multiple_of3A_198] : memref<32x1000000xf32, #tpu.memory_space<hbm>> -> memref<32x128xf32, #tpu.memory_space<hbm>>
    %dma_start3A_204 = arith.constant 160 : i32
    %dma_start3A_205 = arith.constant 0 : i32
    %dma_start3A_206 = tpu.memref_slice %arg7[%dma_start3A_204, %dma_start3A_205] : memref<256x128xf32, #tpu.memory_space<vmem>> -> memref<32x128xf32, #tpu.memory_space<vmem>>
    %dma_start3A_207 = arith.constant 0 : i32
    %dma_start3A_208 = tpu.memref_slice %arg3[%dma_start3A_207, %multiple_of3A_198] : memref<32x1000000xf32, #tpu.memory_space<hbm>> -> memref<32x128xf32, #tpu.memory_space<hbm>>
    tpu.enqueue_dma source(%dma_start3A_208 : memref<32x128xf32, #tpu.memory_space<hbm>>) target(%dma_start3A_206 : memref<32x128xf32, #tpu.memory_space<vmem>>) target_semaphore(%arg10 : memref<!tpu.dma_semaphore, #tpu.memory_space<semaphore_mem>>)
    %slice3A_209 = vector.extract_strided_slice %get3A_3 {offsets = [14], sizes = [1], strides = [1]} : vector<16xi32> to vector<1xi32>
    %squeeze3A_210 = vector.extract %slice3A_209[0] : i32 from vector<1xi32>
    %and3A_211 = arith.constant -128 : i32
    %and3A_212 = arith.andi %squeeze3A_210, %and3A_211 : i32
    %multiple_of3A_213 = tpu.assume_multiple %and3A_212, 128 : i32
    %dma_start3A_214 = arith.constant 192 : i32
    %dma_start3A_215 = arith.constant 0 : i32
    %dma_start3A_216 = tpu.memref_slice %arg7[%dma_start3A_214, %dma_start3A_215] : memref<256x128xf32, #tpu.memory_space<vmem>> -> memref<32x128xf32, #tpu.memory_space<vmem>>
    %dma_start3A_217 = arith.constant 0 : i32
    %dma_start3A_218 = tpu.memref_slice %arg3[%dma_start3A_217, %multiple_of3A_213] : memref<32x1000000xf32, #tpu.memory_space<hbm>> -> memref<32x128xf32, #tpu.memory_space<hbm>>
    %dma_start3A_219 = arith.constant 192 : i32
    %dma_start3A_220 = arith.constant 0 : i32
    %dma_start3A_221 = tpu.memref_slice %arg7[%dma_start3A_219, %dma_start3A_220] : memref<256x128xf32, #tpu.memory_space<vmem>> -> memref<32x128xf32, #tpu.memory_space<vmem>>
    %dma_start3A_222 = arith.constant 0 : i32
    %dma_start3A_223 = tpu.memref_slice %arg3[%dma_start3A_222, %multiple_of3A_213] : memref<32x1000000xf32, #tpu.memory_space<hbm>> -> memref<32x128xf32, #tpu.memory_space<hbm>>
    tpu.enqueue_dma source(%dma_start3A_223 : memref<32x128xf32, #tpu.memory_space<hbm>>) target(%dma_start3A_221 : memref<32x128xf32, #tpu.memory_space<vmem>>) target_semaphore(%arg10 : memref<!tpu.dma_semaphore, #tpu.memory_space<semaphore_mem>>)
    %slice3A_224 = vector.extract_strided_slice %get3A_3 {offsets = [15], sizes = [1], strides = [1]} : vector<16xi32> to vector<1xi32>
    %squeeze3A_225 = vector.extract %slice3A_224[0] : i32 from vector<1xi32>
    %and3A_226 = arith.constant -128 : i32
    %and3A_227 = arith.andi %squeeze3A_225, %and3A_226 : i32
    %multiple_of3A_228 = tpu.assume_multiple %and3A_227, 128 : i32
    %dma_start3A_229 = arith.constant 224 : i32
    %dma_start3A_230 = arith.constant 0 : i32
    %dma_start3A_231 = tpu.memref_slice %arg7[%dma_start3A_229, %dma_start3A_230] : memref<256x128xf32, #tpu.memory_space<vmem>> -> memref<32x128xf32, #tpu.memory_space<vmem>>
    %dma_start3A_232 = arith.constant 0 : i32
    %dma_start3A_233 = tpu.memref_slice %arg3[%dma_start3A_232, %multiple_of3A_228] : memref<32x1000000xf32, #tpu.memory_space<hbm>> -> memref<32x128xf32, #tpu.memory_space<hbm>>
    %dma_start3A_234 = arith.constant 224 : i32
    %dma_start3A_235 = arith.constant 0 : i32
    %dma_start3A_236 = tpu.memref_slice %arg7[%dma_start3A_234, %dma_start3A_235] : memref<256x128xf32, #tpu.memory_space<vmem>> -> memref<32x128xf32, #tpu.memory_space<vmem>>
    %dma_start3A_237 = arith.constant 0 : i32
    %dma_start3A_238 = tpu.memref_slice %arg3[%dma_start3A_237, %multiple_of3A_228] : memref<32x1000000xf32, #tpu.memory_space<hbm>> -> memref<32x128xf32, #tpu.memory_space<hbm>>
    tpu.enqueue_dma source(%dma_start3A_238 : memref<32x128xf32, #tpu.memory_space<hbm>>) target(%dma_start3A_236 : memref<32x128xf32, #tpu.memory_space<vmem>>) target_semaphore(%arg10 : memref<!tpu.dma_semaphore, #tpu.memory_space<semaphore_mem>>)
    %scan3A = arith.constant 0 : i32
    %scan3A_239 = arith.constant 0 : i32
    %scan3A_240 = arith.constant 4 : i32
    %scan3A_241 = arith.addi %scan3A_239, %scan3A_240 : i32
    %scan3A_242 = arith.constant 1 : i32
    %scan3A_243 = scf.for %scan3A_247 = %scan3A_239 to %scan3A_241 step %scan3A_242 iter_args(%scan3A_248 = %scan3A) -> (i32)  : i32 {
      %mul3A_249 = arith.constant 16 : i32
      %mul3A_250 = arith.muli %scan3A_247, %mul3A_249 : i32
      %get3A_251 = arith.index_cast %mul3A_250 : i32 to index
      %get3A_252 = tpu.vector_load %arg5[%get3A_251] {strides = array<i32>} : memref<64xi32, #tpu.memory_space<vmem>>, vector<16xi32>,
      %dma_wait3A = arith.constant 0 : i32
      %dma_wait3A_253 = arith.constant 0 : i32
      %dma_wait3A_254 = tpu.memref_slice %arg6[%dma_wait3A, %dma_wait3A_253] : memref<256x128xf32, #tpu.memory_space<vmem>> -> memref<32x128xf32, #tpu.memory_space<vmem>>
      %dma_wait3A_255 = arith.constant 0 : i32
      %dma_wait3A_256 = arith.constant 0 : i32
      %dma_wait3A_257 = tpu.memref_slice %arg3[%dma_wait3A_255, %dma_wait3A_256] : memref<32x1000000xf32, #tpu.memory_space<hbm>> -> memref<32x128xf32, #tpu.memory_space<hbm>>
      %dma_wait3A_258 = arith.constant 0 : i32
      %dma_wait3A_259 = arith.constant 0 : i32
      %dma_wait3A_260 = tpu.memref_slice %arg6[%dma_wait3A_258, %dma_wait3A_259] : memref<256x128xf32, #tpu.memory_space<vmem>> -> memref<32x128xf32, #tpu.memory_space<vmem>>
      %dma_wait3A_261 = arith.constant 0 : i32
      %dma_wait3A_262 = arith.constant 0 : i32
      %dma_wait3A_263 = tpu.memref_slice %arg3[%dma_wait3A_261, %dma_wait3A_262] : memref<32x1000000xf32, #tpu.memory_space<hbm>> -> memref<32x128xf32, #tpu.memory_space<hbm>>
      tpu.wait_dma2 semaphore(%arg9 : memref<!tpu.dma_semaphore, #tpu.memory_space<semaphore_mem>>) src(%dma_wait3A_263 : memref<32x128xf32, #tpu.memory_space<hbm>>) dst(%dma_wait3A_260 : memref<32x128xf32, #tpu.memory_space<vmem>>)
      %dma_wait3A_264 = arith.constant 32 : i32
      %dma_wait3A_265 = arith.constant 0 : i32
      %dma_wait3A_266 = tpu.memref_slice %arg6[%dma_wait3A_264, %dma_wait3A_265] : memref<256x128xf32, #tpu.memory_space<vmem>> -> memref<32x128xf32, #tpu.memory_space<vmem>>
      %dma_wait3A_267 = arith.constant 0 : i32
      %dma_wait3A_268 = arith.constant 0 : i32
      %dma_wait3A_269 = tpu.memref_slice %arg3[%dma_wait3A_267, %dma_wait3A_268] : memref<32x1000000xf32, #tpu.memory_space<hbm>> -> memref<32x128xf32, #tpu.memory_space<hbm>>
      %dma_wait3A_270 = arith.constant 32 : i32
      %dma_wait3A_271 = arith.constant 0 : i32
      %dma_wait3A_272 = tpu.memref_slice %arg6[%dma_wait3A_270, %dma_wait3A_271] : memref<256x128xf32, #tpu.memory_space<vmem>> -> memref<32x128xf32, #tpu.memory_space<vmem>>
      %dma_wait3A_273 = arith.constant 0 : i32
      %dma_wait3A_274 = arith.constant 0 : i32
      %dma_wait3A_275 = tpu.memref_slice %arg3[%dma_wait3A_273, %dma_wait3A_274] : memref<32x1000000xf32, #tpu.memory_space<hbm>> -> memref<32x128xf32, #tpu.memory_space<hbm>>
      tpu.wait_dma2 semaphore(%arg9 : memref<!tpu.dma_semaphore, #tpu.memory_space<semaphore_mem>>) src(%dma_wait3A_275 : memref<32x128xf32, #tpu.memory_space<hbm>>) dst(%dma_wait3A_272 : memref<32x128xf32, #tpu.memory_space<vmem>>)
      %dma_wait3A_276 = arith.constant 64 : i32
      %dma_wait3A_277 = arith.constant 0 : i32
      %dma_wait3A_278 = tpu.memref_slice %arg6[%dma_wait3A_276, %dma_wait3A_277] : memref<256x128xf32, #tpu.memory_space<vmem>> -> memref<32x128xf32, #tpu.memory_space<vmem>>
      %dma_wait3A_279 = arith.constant 0 : i32
      %dma_wait3A_280 = arith.constant 0 : i32
      %dma_wait3A_281 = tpu.memref_slice %arg3[%dma_wait3A_279, %dma_wait3A_280] : memref<32x1000000xf32, #tpu.memory_space<hbm>> -> memref<32x128xf32, #tpu.memory_space<hbm>>
      %dma_wait3A_282 = arith.constant 64 : i32
      %dma_wait3A_283 = arith.constant 0 : i32
      %dma_wait3A_284 = tpu.memref_slice %arg6[%dma_wait3A_282, %dma_wait3A_283] : memref<256x128xf32, #tpu.memory_space<vmem>> -> memref<32x128xf32, #tpu.memory_space<vmem>>
      %dma_wait3A_285 = arith.constant 0 : i32
      %dma_wait3A_286 = arith.constant 0 : i32
      %dma_wait3A_287 = tpu.memref_slice %arg3[%dma_wait3A_285, %dma_wait3A_286] : memref<32x1000000xf32, #tpu.memory_space<hbm>> -> memref<32x128xf32, #tpu.memory_space<hbm>>
      tpu.wait_dma2 semaphore(%arg9 : memref<!tpu.dma_semaphore, #tpu.memory_space<semaphore_mem>>) src(%dma_wait3A_287 : memref<32x128xf32, #tpu.memory_space<hbm>>) dst(%dma_wait3A_284 : memref<32x128xf32, #tpu.memory_space<vmem>>)
      %dma_wait3A_288 = arith.constant 96 : i32
      %dma_wait3A_289 = arith.constant 0 : i32
      %dma_wait3A_290 = tpu.memref_slice %arg6[%dma_wait3A_288, %dma_wait3A_289] : memref<256x128xf32, #tpu.memory_space<vmem>> -> memref<32x128xf32, #tpu.memory_space<vmem>>
      %dma_wait3A_291 = arith.constant 0 : i32
      %dma_wait3A_292 = arith.constant 0 : i32
      %dma_wait3A_293 = tpu.memref_slice %arg3[%dma_wait3A_291, %dma_wait3A_292] : memref<32x1000000xf32, #tpu.memory_space<hbm>> -> memref<32x128xf32, #tpu.memory_space<hbm>>
      %dma_wait3A_294 = arith.constant 96 : i32
      %dma_wait3A_295 = arith.constant 0 : i32
      %dma_wait3A_296 = tpu.memref_slice %arg6[%dma_wait3A_294, %dma_wait3A_295] : memref<256x128xf32, #tpu.memory_space<vmem>> -> memref<32x128xf32, #tpu.memory_space<vmem>>
      %dma_wait3A_297 = arith.constant 0 : i32
      %dma_wait3A_298 = arith.constant 0 : i32
      %dma_wait3A_299 = tpu.memref_slice %arg3[%dma_wait3A_297, %dma_wait3A_298] : memref<32x1000000xf32, #tpu.memory_space<hbm>> -> memref<32x128xf32, #tpu.memory_space<hbm>>
      tpu.wait_dma2 semaphore(%arg9 : memref<!tpu.dma_semaphore, #tpu.memory_space<semaphore_mem>>) src(%dma_wait3A_299 : memref<32x128xf32, #tpu.memory_space<hbm>>) dst(%dma_wait3A_296 : memref<32x128xf32, #tpu.memory_space<vmem>>)
      %dma_wait3A_300 = arith.constant 128 : i32
      %dma_wait3A_301 = arith.constant 0 : i32
      %dma_wait3A_302 = tpu.memref_slice %arg6[%dma_wait3A_300, %dma_wait3A_301] : memref<256x128xf32, #tpu.memory_space<vmem>> -> memref<32x128xf32, #tpu.memory_space<vmem>>
      %dma_wait3A_303 = arith.constant 0 : i32
      %dma_wait3A_304 = arith.constant 0 : i32
      %dma_wait3A_305 = tpu.memref_slice %arg3[%dma_wait3A_303, %dma_wait3A_304] : memref<32x1000000xf32, #tpu.memory_space<hbm>> -> memref<32x128xf32, #tpu.memory_space<hbm>>
      %dma_wait3A_306 = arith.constant 128 : i32
      %dma_wait3A_307 = arith.constant 0 : i32
      %dma_wait3A_308 = tpu.memref_slice %arg6[%dma_wait3A_306, %dma_wait3A_307] : memref<256x128xf32, #tpu.memory_space<vmem>> -> memref<32x128xf32, #tpu.memory_space<vmem>>
      %dma_wait3A_309 = arith.constant 0 : i32
      %dma_wait3A_310 = arith.constant 0 : i32
      %dma_wait3A_311 = tpu.memref_slice %arg3[%dma_wait3A_309, %dma_wait3A_310] : memref<32x1000000xf32, #tpu.memory_space<hbm>> -> memref<32x128xf32, #tpu.memory_space<hbm>>
      tpu.wait_dma2 semaphore(%arg9 : memref<!tpu.dma_semaphore, #tpu.memory_space<semaphore_mem>>) src(%dma_wait3A_311 : memref<32x128xf32, #tpu.memory_space<hbm>>) dst(%dma_wait3A_308 : memref<32x128xf32, #tpu.memory_space<vmem>>)
      %dma_wait3A_312 = arith.constant 160 : i32
      %dma_wait3A_313 = arith.constant 0 : i32
      %dma_wait3A_314 = tpu.memref_slice %arg6[%dma_wait3A_312, %dma_wait3A_313] : memref<256x128xf32, #tpu.memory_space<vmem>> -> memref<32x128xf32, #tpu.memory_space<vmem>>
      %dma_wait3A_315 = arith.constant 0 : i32
      %dma_wait3A_316 = arith.constant 0 : i32
      %dma_wait3A_317 = tpu.memref_slice %arg3[%dma_wait3A_315, %dma_wait3A_316] : memref<32x1000000xf32, #tpu.memory_space<hbm>> -> memref<32x128xf32, #tpu.memory_space<hbm>>
      %dma_wait3A_318 = arith.constant 160 : i32
      %dma_wait3A_319 = arith.constant 0 : i32
      %dma_wait3A_320 = tpu.memref_slice %arg6[%dma_wait3A_318, %dma_wait3A_319] : memref<256x128xf32, #tpu.memory_space<vmem>> -> memref<32x128xf32, #tpu.memory_space<vmem>>
      %dma_wait3A_321 = arith.constant 0 : i32
      %dma_wait3A_322 = arith.constant 0 : i32
      %dma_wait3A_323 = tpu.memref_slice %arg3[%dma_wait3A_321, %dma_wait3A_322] : memref<32x1000000xf32, #tpu.memory_space<hbm>> -> memref<32x128xf32, #tpu.memory_space<hbm>>
      tpu.wait_dma2 semaphore(%arg9 : memref<!tpu.dma_semaphore, #tpu.memory_space<semaphore_mem>>) src(%dma_wait3A_323 : memref<32x128xf32, #tpu.memory_space<hbm>>) dst(%dma_wait3A_320 : memref<32x128xf32, #tpu.memory_space<vmem>>)
      %dma_wait3A_324 = arith.constant 192 : i32
      %dma_wait3A_325 = arith.constant 0 : i32
      %dma_wait3A_326 = tpu.memref_slice %arg6[%dma_wait3A_324, %dma_wait3A_325] : memref<256x128xf32, #tpu.memory_space<vmem>> -> memref<32x128xf32, #tpu.memory_space<vmem>>
      %dma_wait3A_327 = arith.constant 0 : i32
      %dma_wait3A_328 = arith.constant 0 : i32
      %dma_wait3A_329 = tpu.memref_slice %arg3[%dma_wait3A_327, %dma_wait3A_328] : memref<32x1000000xf32, #tpu.memory_space<hbm>> -> memref<32x128xf32, #tpu.memory_space<hbm>>
      %dma_wait3A_330 = arith.constant 192 : i32
      %dma_wait3A_331 = arith.constant 0 : i32
      %dma_wait3A_332 = tpu.memref_slice %arg6[%dma_wait3A_330, %dma_wait3A_331] : memref<256x128xf32, #tpu.memory_space<vmem>> -> memref<32x128xf32, #tpu.memory_space<vmem>>
      %dma_wait3A_333 = arith.constant 0 : i32
      %dma_wait3A_334 = arith.constant 0 : i32
      %dma_wait3A_335 = tpu.memref_slice %arg3[%dma_wait3A_333, %dma_wait3A_334] : memref<32x1000000xf32, #tpu.memory_space<hbm>> -> memref<32x128xf32, #tpu.memory_space<hbm>>
      tpu.wait_dma2 semaphore(%arg9 : memref<!tpu.dma_semaphore, #tpu.memory_space<semaphore_mem>>) src(%dma_wait3A_335 : memref<32x128xf32, #tpu.memory_space<hbm>>) dst(%dma_wait3A_332 : memref<32x128xf32, #tpu.memory_space<vmem>>)
      %dma_wait3A_336 = arith.constant 224 : i32
      %dma_wait3A_337 = arith.constant 0 : i32
      %dma_wait3A_338 = tpu.memref_slice %arg6[%dma_wait3A_336, %dma_wait3A_337] : memref<256x128xf32, #tpu.memory_space<vmem>> -> memref<32x128xf32, #tpu.memory_space<vmem>>
      %dma_wait3A_339 = arith.constant 0 : i32
      %dma_wait3A_340 = arith.constant 0 : i32
      %dma_wait3A_341 = tpu.memref_slice %arg3[%dma_wait3A_339, %dma_wait3A_340] : memref<32x1000000xf32, #tpu.memory_space<hbm>> -> memref<32x128xf32, #tpu.memory_space<hbm>>
      %dma_wait3A_342 = arith.constant 224 : i32
      %dma_wait3A_343 = arith.constant 0 : i32
      %dma_wait3A_344 = tpu.memref_slice %arg6[%dma_wait3A_342, %dma_wait3A_343] : memref<256x128xf32, #tpu.memory_space<vmem>> -> memref<32x128xf32, #tpu.memory_space<vmem>>
      %dma_wait3A_345 = arith.constant 0 : i32
      %dma_wait3A_346 = arith.constant 0 : i32
      %dma_wait3A_347 = tpu.memref_slice %arg3[%dma_wait3A_345, %dma_wait3A_346] : memref<32x1000000xf32, #tpu.memory_space<hbm>> -> memref<32x128xf32, #tpu.memory_space<hbm>>
      tpu.wait_dma2 semaphore(%arg9 : memref<!tpu.dma_semaphore, #tpu.memory_space<semaphore_mem>>) src(%dma_wait3A_347 : memref<32x128xf32, #tpu.memory_space<hbm>>) dst(%dma_wait3A_344 : memref<32x128xf32, #tpu.memory_space<vmem>>)
      %slice3A_348 = vector.extract_strided_slice %get3A_252 {offsets = [0], sizes = [1], strides = [1]} : vector<16xi32> to vector<1xi32>
      %squeeze3A_349 = vector.extract %slice3A_348[0] : i32 from vector<1xi32>
      %and3A_350 = arith.constant 127 : i32
      %and3A_351 = arith.andi %squeeze3A_349, %and3A_350 : i32
      %broadcast_in_dim3A = vector.broadcast %and3A_351 : i32 to vector<16xi32>
      %add3A_352 = arith.constant 0 : i32
      %add3A_353 = vector.broadcast %add3A_352 : i32 to vector<16xi32>
      %add3A_354 = arith.addi %add3A_353, %iota3A : vector<16xi32>
      %gather3A = tpu.vector_load_idx %arg6[%add3A_354, %broadcast_in_dim3A] : memref<256x128xf32, #tpu.memory_space<vmem>>[vector<16xi32>, vector<16xi32>], vector<16xf32>,
      %add3A_355 = arith.constant 16 : i32
      %add3A_356 = vector.broadcast %add3A_355 : i32 to vector<16xi32>
      %add3A_357 = arith.addi %add3A_356, %iota3A : vector<16xi32>
      %gather3A_358 = tpu.vector_load_idx %arg6[%add3A_357, %broadcast_in_dim3A] : memref<256x128xf32, #tpu.memory_space<vmem>>[vector<16xi32>, vector<16xi32>], vector<16xf32>,
      %add3A_359 = arith.constant 0 : i32
      %add3A_360 = arith.addi %mul3A_250, %add3A_359 : i32
      %shift_right_logical3A = arith.constant 2 : i32
      %shift_right_logical3A_361 = arith.shrui %add3A_360, %shift_right_logical3A : i32
      %and3A_362 = arith.constant 3 : i32
      %and3A_363 = arith.andi %add3A_360, %and3A_362 : i32
      %mul3A_364 = arith.constant 32 : i32
      %mul3A_365 = arith.muli %and3A_363, %mul3A_364 : i32
      %swap3A = arith.index_cast %shift_right_logical3A_361 : i32 to index
      %swap3A_366 = arith.index_cast %mul3A_365 : i32 to index
      %swap3A_367 = tpu.vector_load %arg8[%swap3A, %swap3A_366] {strides = array<i32>} : memref<16x128xf32, #tpu.memory_space<vmem>>, vector<16xf32>,
      tpu.vector_store %arg8[%swap3A, %swap3A_366], %gather3A {strides = array<i32>} : memref<16x128xf32, #tpu.memory_space<vmem>>, vector<16xf32>,
      %add3A_368 = arith.constant 16 : i32
      %add3A_369 = arith.addi %mul3A_365, %add3A_368 : i32
      %swap3A_370 = arith.index_cast %shift_right_logical3A_361 : i32 to index
      %swap3A_371 = arith.index_cast %add3A_369 : i32 to index
      %swap3A_372 = tpu.vector_load %arg8[%swap3A_370, %swap3A_371] {strides = array<i32>} : memref<16x128xf32, #tpu.memory_space<vmem>>, vector<16xf32>,
      tpu.vector_store %arg8[%swap3A_370, %swap3A_371], %gather3A_358 {strides = array<i32>} : memref<16x128xf32, #tpu.memory_space<vmem>>, vector<16xf32>,
      %slice3A_373 = vector.extract_strided_slice %get3A_252 {offsets = [1], sizes = [1], strides = [1]} : vector<16xi32> to vector<1xi32>
      %squeeze3A_374 = vector.extract %slice3A_373[0] : i32 from vector<1xi32>
      %and3A_375 = arith.constant 127 : i32
      %and3A_376 = arith.andi %squeeze3A_374, %and3A_375 : i32
      %broadcast_in_dim3A_377 = vector.broadcast %and3A_376 : i32 to vector<16xi32>
      %add3A_378 = arith.constant 32 : i32
      %add3A_379 = vector.broadcast %add3A_378 : i32 to vector<16xi32>
      %add3A_380 = arith.addi %add3A_379, %iota3A : vector<16xi32>
      %gather3A_381 = tpu.vector_load_idx %arg6[%add3A_380, %broadcast_in_dim3A_377] : memref<256x128xf32, #tpu.memory_space<vmem>>[vector<16xi32>, vector<16xi32>], vector<16xf32>,
      %add3A_382 = arith.constant 48 : i32
      %add3A_383 = vector.broadcast %add3A_382 : i32 to vector<16xi32>
      %add3A_384 = arith.addi %add3A_383, %iota3A : vector<16xi32>
      %gather3A_385 = tpu.vector_load_idx %arg6[%add3A_384, %broadcast_in_dim3A_377] : memref<256x128xf32, #tpu.memory_space<vmem>>[vector<16xi32>, vector<16xi32>], vector<16xf32>,
      %add3A_386 = arith.constant 1 : i32
      %add3A_387 = arith.addi %mul3A_250, %add3A_386 : i32
      %shift_right_logical3A_388 = arith.constant 2 : i32
      %shift_right_logical3A_389 = arith.shrui %add3A_387, %shift_right_logical3A_388 : i32
      %and3A_390 = arith.constant 3 : i32
      %and3A_391 = arith.andi %add3A_387, %and3A_390 : i32
      %mul3A_392 = arith.constant 32 : i32
      %mul3A_393 = arith.muli %and3A_391, %mul3A_392 : i32
      %swap3A_394 = arith.index_cast %shift_right_logical3A_389 : i32 to index
      %swap3A_395 = arith.index_cast %mul3A_393 : i32 to index
      %swap3A_396 = tpu.vector_load %arg8[%swap3A_394, %swap3A_395] {strides = array<i32>} : memref<16x128xf32, #tpu.memory_space<vmem>>, vector<16xf32>,
      tpu.vector_store %arg8[%swap3A_394, %swap3A_395], %gather3A_381 {strides = array<i32>} : memref<16x128xf32, #tpu.memory_space<vmem>>, vector<16xf32>,
      %add3A_397 = arith.constant 16 : i32
      %add3A_398 = arith.addi %mul3A_393, %add3A_397 : i32
      %swap3A_399 = arith.index_cast %shift_right_logical3A_389 : i32 to index
      %swap3A_400 = arith.index_cast %add3A_398 : i32 to index
      %swap3A_401 = tpu.vector_load %arg8[%swap3A_399, %swap3A_400] {strides = array<i32>} : memref<16x128xf32, #tpu.memory_space<vmem>>, vector<16xf32>,
      tpu.vector_store %arg8[%swap3A_399, %swap3A_400], %gather3A_385 {strides = array<i32>} : memref<16x128xf32, #tpu.memory_space<vmem>>, vector<16xf32>,
      %slice3A_402 = vector.extract_strided_slice %get3A_252 {offsets = [2], sizes = [1], strides = [1]} : vector<16xi32> to vector<1xi32>
      %squeeze3A_403 = vector.extract %slice3A_402[0] : i32 from vector<1xi32>
      %and3A_404 = arith.constant 127 : i32
      %and3A_405 = arith.andi %squeeze3A_403, %and3A_404 : i32
      %broadcast_in_dim3A_406 = vector.broadcast %and3A_405 : i32 to vector<16xi32>
      %add3A_407 = arith.constant 64 : i32
      %add3A_408 = vector.broadcast %add3A_407 : i32 to vector<16xi32>
      %add3A_409 = arith.addi %add3A_408, %iota3A : vector<16xi32>
      %gather3A_410 = tpu.vector_load_idx %arg6[%add3A_409, %broadcast_in_dim3A_406] : memref<256x128xf32, #tpu.memory_space<vmem>>[vector<16xi32>, vector<16xi32>], vector<16xf32>,
      %add3A_411 = arith.constant 80 : i32
      %add3A_412 = vector.broadcast %add3A_411 : i32 to vector<16xi32>
      %add3A_413 = arith.addi %add3A_412, %iota3A : vector<16xi32>
      %gather3A_414 = tpu.vector_load_idx %arg6[%add3A_413, %broadcast_in_dim3A_406] : memref<256x128xf32, #tpu.memory_space<vmem>>[vector<16xi32>, vector<16xi32>], vector<16xf32>,
      %add3A_415 = arith.constant 2 : i32
      %add3A_416 = arith.addi %mul3A_250, %add3A_415 : i32
      %shift_right_logical3A_417 = arith.constant 2 : i32
      %shift_right_logical3A_418 = arith.shrui %add3A_416, %shift_right_logical3A_417 : i32
      %and3A_419 = arith.constant 3 : i32
      %and3A_420 = arith.andi %add3A_416, %and3A_419 : i32
      %mul3A_421 = arith.constant 32 : i32
      %mul3A_422 = arith.muli %and3A_420, %mul3A_421 : i32
      %swap3A_423 = arith.index_cast %shift_right_logical3A_418 : i32 to index
      %swap3A_424 = arith.index_cast %mul3A_422 : i32 to index
      %swap3A_425 = tpu.vector_load %arg8[%swap3A_423, %swap3A_424] {strides = array<i32>} : memref<16x128xf32, #tpu.memory_space<vmem>>, vector<16xf32>,
      tpu.vector_store %arg8[%swap3A_423, %swap3A_424], %gather3A_410 {strides = array<i32>} : memref<16x128xf32, #tpu.memory_space<vmem>>, vector<16xf32>,
      %add3A_426 = arith.constant 16 : i32
      %add3A_427 = arith.addi %mul3A_422, %add3A_426 : i32
      %swap3A_428 = arith.index_cast %shift_right_logical3A_418 : i32 to index
      %swap3A_429 = arith.index_cast %add3A_427 : i32 to index
      %swap3A_430 = tpu.vector_load %arg8[%swap3A_428, %swap3A_429] {strides = array<i32>} : memref<16x128xf32, #tpu.memory_space<vmem>>, vector<16xf32>,
      tpu.vector_store %arg8[%swap3A_428, %swap3A_429], %gather3A_414 {strides = array<i32>} : memref<16x128xf32, #tpu.memory_space<vmem>>, vector<16xf32>,
      %slice3A_431 = vector.extract_strided_slice %get3A_252 {offsets = [3], sizes = [1], strides = [1]} : vector<16xi32> to vector<1xi32>
      %squeeze3A_432 = vector.extract %slice3A_431[0] : i32 from vector<1xi32>
      %and3A_433 = arith.constant 127 : i32
      %and3A_434 = arith.andi %squeeze3A_432, %and3A_433 : i32
      %broadcast_in_dim3A_435 = vector.broadcast %and3A_434 : i32 to vector<16xi32>
      %add3A_436 = arith.constant 96 : i32
      %add3A_437 = vector.broadcast %add3A_436 : i32 to vector<16xi32>
      %add3A_438 = arith.addi %add3A_437, %iota3A : vector<16xi32>
      %gather3A_439 = tpu.vector_load_idx %arg6[%add3A_438, %broadcast_in_dim3A_435] : memref<256x128xf32, #tpu.memory_space<vmem>>[vector<16xi32>, vector<16xi32>], vector<16xf32>,
      %add3A_440 = arith.constant 112 : i32
      %add3A_441 = vector.broadcast %add3A_440 : i32 to vector<16xi32>
      %add3A_442 = arith.addi %add3A_441, %iota3A : vector<16xi32>
      %gather3A_443 = tpu.vector_load_idx %arg6[%add3A_442, %broadcast_in_dim3A_435] : memref<256x128xf32, #tpu.memory_space<vmem>>[vector<16xi32>, vector<16xi32>], vector<16xf32>,
      %add3A_444 = arith.constant 3 : i32
      %add3A_445 = arith.addi %mul3A_250, %add3A_444 : i32
      %shift_right_logical3A_446 = arith.constant 2 : i32
      %shift_right_logical3A_447 = arith.shrui %add3A_445, %shift_right_logical3A_446 : i32
      %and3A_448 = arith.constant 3 : i32
      %and3A_449 = arith.andi %add3A_445, %and3A_448 : i32
      %mul3A_450 = arith.constant 32 : i32
      %mul3A_451 = arith.muli %and3A_449, %mul3A_450 : i32
      %swap3A_452 = arith.index_cast %shift_right_logical3A_447 : i32 to index
      %swap3A_453 = arith.index_cast %mul3A_451 : i32 to index
      %swap3A_454 = tpu.vector_load %arg8[%swap3A_452, %swap3A_453] {strides = array<i32>} : memref<16x128xf32, #tpu.memory_space<vmem>>, vector<16xf32>,
      tpu.vector_store %arg8[%swap3A_452, %swap3A_453], %gather3A_439 {strides = array<i32>} : memref<16x128xf32, #tpu.memory_space<vmem>>, vector<16xf32>,
      %add3A_455 = arith.constant 16 : i32
      %add3A_456 = arith.addi %mul3A_451, %add3A_455 : i32
      %swap3A_457 = arith.index_cast %shift_right_logical3A_447 : i32 to index
      %swap3A_458 = arith.index_cast %add3A_456 : i32 to index
      %swap3A_459 = tpu.vector_load %arg8[%swap3A_457, %swap3A_458] {strides = array<i32>} : memref<16x128xf32, #tpu.memory_space<vmem>>, vector<16xf32>,
      tpu.vector_store %arg8[%swap3A_457, %swap3A_458], %gather3A_443 {strides = array<i32>} : memref<16x128xf32, #tpu.memory_space<vmem>>, vector<16xf32>,
      %slice3A_460 = vector.extract_strided_slice %get3A_252 {offsets = [4], sizes = [1], strides = [1]} : vector<16xi32> to vector<1xi32>
      %squeeze3A_461 = vector.extract %slice3A_460[0] : i32 from vector<1xi32>
      %and3A_462 = arith.constant 127 : i32
      %and3A_463 = arith.andi %squeeze3A_461, %and3A_462 : i32
      %broadcast_in_dim3A_464 = vector.broadcast %and3A_463 : i32 to vector<16xi32>
      %add3A_465 = arith.constant 128 : i32
      %add3A_466 = vector.broadcast %add3A_465 : i32 to vector<16xi32>
      %add3A_467 = arith.addi %add3A_466, %iota3A : vector<16xi32>
      %gather3A_468 = tpu.vector_load_idx %arg6[%add3A_467, %broadcast_in_dim3A_464] : memref<256x128xf32, #tpu.memory_space<vmem>>[vector<16xi32>, vector<16xi32>], vector<16xf32>,
      %add3A_469 = arith.constant 144 : i32
      %add3A_470 = vector.broadcast %add3A_469 : i32 to vector<16xi32>
      %add3A_471 = arith.addi %add3A_470, %iota3A : vector<16xi32>
      %gather3A_472 = tpu.vector_load_idx %arg6[%add3A_471, %broadcast_in_dim3A_464] : memref<256x128xf32, #tpu.memory_space<vmem>>[vector<16xi32>, vector<16xi32>], vector<16xf32>,
      %add3A_473 = arith.constant 4 : i32
      %add3A_474 = arith.addi %mul3A_250, %add3A_473 : i32
      %shift_right_logical3A_475 = arith.constant 2 : i32
      %shift_right_logical3A_476 = arith.shrui %add3A_474, %shift_right_logical3A_475 : i32
      %and3A_477 = arith.constant 3 : i32
      %and3A_478 = arith.andi %add3A_474, %and3A_477 : i32
      %mul3A_479 = arith.constant 32 : i32
      %mul3A_480 = arith.muli %and3A_478, %mul3A_479 : i32
      %swap3A_481 = arith.index_cast %shift_right_logical3A_476 : i32 to index
      %swap3A_482 = arith.index_cast %mul3A_480 : i32 to index
      %swap3A_483 = tpu.vector_load %arg8[%swap3A_481, %swap3A_482] {strides = array<i32>} : memref<16x128xf32, #tpu.memory_space<vmem>>, vector<16xf32>,
      tpu.vector_store %arg8[%swap3A_481, %swap3A_482], %gather3A_468 {strides = array<i32>} : memref<16x128xf32, #tpu.memory_space<vmem>>, vector<16xf32>,
      %add3A_484 = arith.constant 16 : i32
      %add3A_485 = arith.addi %mul3A_480, %add3A_484 : i32
      %swap3A_486 = arith.index_cast %shift_right_logical3A_476 : i32 to index
      %swap3A_487 = arith.index_cast %add3A_485 : i32 to index
      %swap3A_488 = tpu.vector_load %arg8[%swap3A_486, %swap3A_487] {strides = array<i32>} : memref<16x128xf32, #tpu.memory_space<vmem>>, vector<16xf32>,
      tpu.vector_store %arg8[%swap3A_486, %swap3A_487], %gather3A_472 {strides = array<i32>} : memref<16x128xf32, #tpu.memory_space<vmem>>, vector<16xf32>,
      %slice3A_489 = vector.extract_strided_slice %get3A_252 {offsets = [5], sizes = [1], strides = [1]} : vector<16xi32> to vector<1xi32>
      %squeeze3A_490 = vector.extract %slice3A_489[0] : i32 from vector<1xi32>
      %and3A_491 = arith.constant 127 : i32
      %and3A_492 = arith.andi %squeeze3A_490, %and3A_491 : i32
      %broadcast_in_dim3A_493 = vector.broadcast %and3A_492 : i32 to vector<16xi32>
      %add3A_494 = arith.constant 160 : i32
      %add3A_495 = vector.broadcast %add3A_494 : i32 to vector<16xi32>
      %add3A_496 = arith.addi %add3A_495, %iota3A : vector<16xi32>
      %gather3A_497 = tpu.vector_load_idx %arg6[%add3A_496, %broadcast_in_dim3A_493] : memref<256x128xf32, #tpu.memory_space<vmem>>[vector<16xi32>, vector<16xi32>], vector<16xf32>,
      %add3A_498 = arith.constant 176 : i32
      %add3A_499 = vector.broadcast %add3A_498 : i32 to vector<16xi32>
      %add3A_500 = arith.addi %add3A_499, %iota3A : vector<16xi32>
      %gather3A_501 = tpu.vector_load_idx %arg6[%add3A_500, %broadcast_in_dim3A_493] : memref<256x128xf32, #tpu.memory_space<vmem>>[vector<16xi32>, vector<16xi32>], vector<16xf32>,
      %add3A_502 = arith.constant 5 : i32
      %add3A_503 = arith.addi %mul3A_250, %add3A_502 : i32
      %shift_right_logical3A_504 = arith.constant 2 : i32
      %shift_right_logical3A_505 = arith.shrui %add3A_503, %shift_right_logical3A_504 : i32
      %and3A_506 = arith.constant 3 : i32
      %and3A_507 = arith.andi %add3A_503, %and3A_506 : i32
      %mul3A_508 = arith.constant 32 : i32
      %mul3A_509 = arith.muli %and3A_507, %mul3A_508 : i32
      %swap3A_510 = arith.index_cast %shift_right_logical3A_505 : i32 to index
      %swap3A_511 = arith.index_cast %mul3A_509 : i32 to index
      %swap3A_512 = tpu.vector_load %arg8[%swap3A_510, %swap3A_511] {strides = array<i32>} : memref<16x128xf32, #tpu.memory_space<vmem>>, vector<16xf32>,
      tpu.vector_store %arg8[%swap3A_510, %swap3A_511], %gather3A_497 {strides = array<i32>} : memref<16x128xf32, #tpu.memory_space<vmem>>, vector<16xf32>,
      %add3A_513 = arith.constant 16 : i32
      %add3A_514 = arith.addi %mul3A_509, %add3A_513 : i32
      %swap3A_515 = arith.index_cast %shift_right_logical3A_505 : i32 to index
      %swap3A_516 = arith.index_cast %add3A_514 : i32 to index
      %swap3A_517 = tpu.vector_load %arg8[%swap3A_515, %swap3A_516] {strides = array<i32>} : memref<16x128xf32, #tpu.memory_space<vmem>>, vector<16xf32>,
      tpu.vector_store %arg8[%swap3A_515, %swap3A_516], %gather3A_501 {strides = array<i32>} : memref<16x128xf32, #tpu.memory_space<vmem>>, vector<16xf32>,
      %slice3A_518 = vector.extract_strided_slice %get3A_252 {offsets = [6], sizes = [1], strides = [1]} : vector<16xi32> to vector<1xi32>
      %squeeze3A_519 = vector.extract %slice3A_518[0] : i32 from vector<1xi32>
      %and3A_520 = arith.constant 127 : i32
      %and3A_521 = arith.andi %squeeze3A_519, %and3A_520 : i32
      %broadcast_in_dim3A_522 = vector.broadcast %and3A_521 : i32 to vector<16xi32>
      %add3A_523 = arith.constant 192 : i32
      %add3A_524 = vector.broadcast %add3A_523 : i32 to vector<16xi32>
      %add3A_525 = arith.addi %add3A_524, %iota3A : vector<16xi32>
      %gather3A_526 = tpu.vector_load_idx %arg6[%add3A_525, %broadcast_in_dim3A_522] : memref<256x128xf32, #tpu.memory_space<vmem>>[vector<16xi32>, vector<16xi32>], vector<16xf32>,
      %add3A_527 = arith.constant 208 : i32
      %add3A_528 = vector.broadcast %add3A_527 : i32 to vector<16xi32>
      %add3A_529 = arith.addi %add3A_528, %iota3A : vector<16xi32>
      %gather3A_530 = tpu.vector_load_idx %arg6[%add3A_529, %broadcast_in_dim3A_522] : memref<256x128xf32, #tpu.memory_space<vmem>>[vector<16xi32>, vector<16xi32>], vector<16xf32>,
      %add3A_531 = arith.constant 6 : i32
      %add3A_532 = arith.addi %mul3A_250, %add3A_531 : i32
      %shift_right_logical3A_533 = arith.constant 2 : i32
      %shift_right_logical3A_534 = arith.shrui %add3A_532, %shift_right_logical3A_533 : i32
      %and3A_535 = arith.constant 3 : i32
      %and3A_536 = arith.andi %add3A_532, %and3A_535 : i32
      %mul3A_537 = arith.constant 32 : i32
      %mul3A_538 = arith.muli %and3A_536, %mul3A_537 : i32
      %swap3A_539 = arith.index_cast %shift_right_logical3A_534 : i32 to index
      %swap3A_540 = arith.index_cast %mul3A_538 : i32 to index
      %swap3A_541 = tpu.vector_load %arg8[%swap3A_539, %swap3A_540] {strides = array<i32>} : memref<16x128xf32, #tpu.memory_space<vmem>>, vector<16xf32>,
      tpu.vector_store %arg8[%swap3A_539, %swap3A_540], %gather3A_526 {strides = array<i32>} : memref<16x128xf32, #tpu.memory_space<vmem>>, vector<16xf32>,
      %add3A_542 = arith.constant 16 : i32
      %add3A_543 = arith.addi %mul3A_538, %add3A_542 : i32
      %swap3A_544 = arith.index_cast %shift_right_logical3A_534 : i32 to index
      %swap3A_545 = arith.index_cast %add3A_543 : i32 to index
      %swap3A_546 = tpu.vector_load %arg8[%swap3A_544, %swap3A_545] {strides = array<i32>} : memref<16x128xf32, #tpu.memory_space<vmem>>, vector<16xf32>,
      tpu.vector_store %arg8[%swap3A_544, %swap3A_545], %gather3A_530 {strides = array<i32>} : memref<16x128xf32, #tpu.memory_space<vmem>>, vector<16xf32>,
      %slice3A_547 = vector.extract_strided_slice %get3A_252 {offsets = [7], sizes = [1], strides = [1]} : vector<16xi32> to vector<1xi32>
      %squeeze3A_548 = vector.extract %slice3A_547[0] : i32 from vector<1xi32>
      %and3A_549 = arith.constant 127 : i32
      %and3A_550 = arith.andi %squeeze3A_548, %and3A_549 : i32
      %broadcast_in_dim3A_551 = vector.broadcast %and3A_550 : i32 to vector<16xi32>
      %add3A_552 = arith.constant 224 : i32
      %add3A_553 = vector.broadcast %add3A_552 : i32 to vector<16xi32>
      %add3A_554 = arith.addi %add3A_553, %iota3A : vector<16xi32>
      %gather3A_555 = tpu.vector_load_idx %arg6[%add3A_554, %broadcast_in_dim3A_551] : memref<256x128xf32, #tpu.memory_space<vmem>>[vector<16xi32>, vector<16xi32>], vector<16xf32>,
      %add3A_556 = arith.constant 240 : i32
      %add3A_557 = vector.broadcast %add3A_556 : i32 to vector<16xi32>
      %add3A_558 = arith.addi %add3A_557, %iota3A : vector<16xi32>
      %gather3A_559 = tpu.vector_load_idx %arg6[%add3A_558, %broadcast_in_dim3A_551] : memref<256x128xf32, #tpu.memory_space<vmem>>[vector<16xi32>, vector<16xi32>], vector<16xf32>,
      %add3A_560 = arith.constant 7 : i32
      %add3A_561 = arith.addi %mul3A_250, %add3A_560 : i32
      %shift_right_logical3A_562 = arith.constant 2 : i32
      %shift_right_logical3A_563 = arith.shrui %add3A_561, %shift_right_logical3A_562 : i32
      %and3A_564 = arith.constant 3 : i32
      %and3A_565 = arith.andi %add3A_561, %and3A_564 : i32
      %mul3A_566 = arith.constant 32 : i32
      %mul3A_567 = arith.muli %and3A_565, %mul3A_566 : i32
      %swap3A_568 = arith.index_cast %shift_right_logical3A_563 : i32 to index
      %swap3A_569 = arith.index_cast %mul3A_567 : i32 to index
      %swap3A_570 = tpu.vector_load %arg8[%swap3A_568, %swap3A_569] {strides = array<i32>} : memref<16x128xf32, #tpu.memory_space<vmem>>, vector<16xf32>,
      tpu.vector_store %arg8[%swap3A_568, %swap3A_569], %gather3A_555 {strides = array<i32>} : memref<16x128xf32, #tpu.memory_space<vmem>>, vector<16xf32>,
      %add3A_571 = arith.constant 16 : i32
      %add3A_572 = arith.addi %mul3A_567, %add3A_571 : i32
      %swap3A_573 = arith.index_cast %shift_right_logical3A_563 : i32 to index
      %swap3A_574 = arith.index_cast %add3A_572 : i32 to index
      %swap3A_575 = tpu.vector_load %arg8[%swap3A_573, %swap3A_574] {strides = array<i32>} : memref<16x128xf32, #tpu.memory_space<vmem>>, vector<16xf32>,
      tpu.vector_store %arg8[%swap3A_573, %swap3A_574], %gather3A_559 {strides = array<i32>} : memref<16x128xf32, #tpu.memory_space<vmem>>, vector<16xf32>,
      %lt3A = arith.constant 3 : i32
      %lt3A_576 = arith.cmpi slt, %scan3A_247, %lt3A : i32
      %convert_element_type3A = arith.extui %lt3A_576 : i1 to i32
      %cond3A = arith.constant 0 : i32
      %cond3A_577 = arith.cmpi ne, %convert_element_type3A, %cond3A : i32
      scf.if %cond3A_577 {
        %add3A_914 = arith.constant 16 : i32
        %add3A_915 = arith.addi %mul3A_250, %add3A_914 : i32
        %get3A_916 = arith.index_cast %add3A_915 : i32 to index
        %get3A_917 = tpu.vector_load %arg5[%get3A_916] {strides = array<i32>} : memref<64xi32, #tpu.memory_space<vmem>>, vector<16xi32>,
        %slice3A_918 = vector.extract_strided_slice %get3A_917 {offsets = [0], sizes = [1], strides = [1]} : vector<16xi32> to vector<1xi32>
        %squeeze3A_919 = vector.extract %slice3A_918[0] : i32 from vector<1xi32>
        %and3A_920 = arith.constant -128 : i32
        %and3A_921 = arith.andi %squeeze3A_919, %and3A_920 : i32
        %multiple_of3A_922 = tpu.assume_multiple %and3A_921, 128 : i32
        %dma_start3A_923 = arith.constant 0 : i32
        %dma_start3A_924 = arith.constant 0 : i32
        %dma_start3A_925 = tpu.memref_slice %arg6[%dma_start3A_923, %dma_start3A_924] : memref<256x128xf32, #tpu.memory_space<vmem>> -> memref<32x128xf32, #tpu.memory_space<vmem>>
        %dma_start3A_926 = arith.constant 0 : i32
        %dma_start3A_927 = tpu.memref_slice %arg3[%dma_start3A_926, %multiple_of3A_922] : memref<32x1000000xf32, #tpu.memory_space<hbm>> -> memref<32x128xf32, #tpu.memory_space<hbm>>
        %dma_start3A_928 = arith.constant 0 : i32
        %dma_start3A_929 = arith.constant 0 : i32
        %dma_start3A_930 = tpu.memref_slice %arg6[%dma_start3A_928, %dma_start3A_929] : memref<256x128xf32, #tpu.memory_space<vmem>> -> memref<32x128xf32, #tpu.memory_space<vmem>>
        %dma_start3A_931 = arith.constant 0 : i32
        %dma_start3A_932 = tpu.memref_slice %arg3[%dma_start3A_931, %multiple_of3A_922] : memref<32x1000000xf32, #tpu.memory_space<hbm>> -> memref<32x128xf32, #tpu.memory_space<hbm>>
        tpu.enqueue_dma source(%dma_start3A_932 : memref<32x128xf32, #tpu.memory_space<hbm>>) target(%dma_start3A_930 : memref<32x128xf32, #tpu.memory_space<vmem>>) target_semaphore(%arg9 : memref<!tpu.dma_semaphore, #tpu.memory_space<semaphore_mem>>)
        %slice3A_933 = vector.extract_strided_slice %get3A_917 {offsets = [1], sizes = [1], strides = [1]} : vector<16xi32> to vector<1xi32>
        %squeeze3A_934 = vector.extract %slice3A_933[0] : i32 from vector<1xi32>
        %and3A_935 = arith.constant -128 : i32
        %and3A_936 = arith.andi %squeeze3A_934, %and3A_935 : i32
        %multiple_of3A_937 = tpu.assume_multiple %and3A_936, 128 : i32
        %dma_start3A_938 = arith.constant 32 : i32
        %dma_start3A_939 = arith.constant 0 : i32
        %dma_start3A_940 = tpu.memref_slice %arg6[%dma_start3A_938, %dma_start3A_939] : memref<256x128xf32, #tpu.memory_space<vmem>> -> memref<32x128xf32, #tpu.memory_space<vmem>>
        %dma_start3A_941 = arith.constant 0 : i32
        %dma_start3A_942 = tpu.memref_slice %arg3[%dma_start3A_941, %multiple_of3A_937] : memref<32x1000000xf32, #tpu.memory_space<hbm>> -> memref<32x128xf32, #tpu.memory_space<hbm>>
        %dma_start3A_943 = arith.constant 32 : i32
        %dma_start3A_944 = arith.constant 0 : i32
        %dma_start3A_945 = tpu.memref_slice %arg6[%dma_start3A_943, %dma_start3A_944] : memref<256x128xf32, #tpu.memory_space<vmem>> -> memref<32x128xf32, #tpu.memory_space<vmem>>
        %dma_start3A_946 = arith.constant 0 : i32
        %dma_start3A_947 = tpu.memref_slice %arg3[%dma_start3A_946, %multiple_of3A_937] : memref<32x1000000xf32, #tpu.memory_space<hbm>> -> memref<32x128xf32, #tpu.memory_space<hbm>>
        tpu.enqueue_dma source(%dma_start3A_947 : memref<32x128xf32, #tpu.memory_space<hbm>>) target(%dma_start3A_945 : memref<32x128xf32, #tpu.memory_space<vmem>>) target_semaphore(%arg9 : memref<!tpu.dma_semaphore, #tpu.memory_space<semaphore_mem>>)
        %slice3A_948 = vector.extract_strided_slice %get3A_917 {offsets = [2], sizes = [1], strides = [1]} : vector<16xi32> to vector<1xi32>
        %squeeze3A_949 = vector.extract %slice3A_948[0] : i32 from vector<1xi32>
        %and3A_950 = arith.constant -128 : i32
        %and3A_951 = arith.andi %squeeze3A_949, %and3A_950 : i32
        %multiple_of3A_952 = tpu.assume_multiple %and3A_951, 128 : i32
        %dma_start3A_953 = arith.constant 64 : i32
        %dma_start3A_954 = arith.constant 0 : i32
        %dma_start3A_955 = tpu.memref_slice %arg6[%dma_start3A_953, %dma_start3A_954] : memref<256x128xf32, #tpu.memory_space<vmem>> -> memref<32x128xf32, #tpu.memory_space<vmem>>
        %dma_start3A_956 = arith.constant 0 : i32
        %dma_start3A_957 = tpu.memref_slice %arg3[%dma_start3A_956, %multiple_of3A_952] : memref<32x1000000xf32, #tpu.memory_space<hbm>> -> memref<32x128xf32, #tpu.memory_space<hbm>>
        %dma_start3A_958 = arith.constant 64 : i32
        %dma_start3A_959 = arith.constant 0 : i32
        %dma_start3A_960 = tpu.memref_slice %arg6[%dma_start3A_958, %dma_start3A_959] : memref<256x128xf32, #tpu.memory_space<vmem>> -> memref<32x128xf32, #tpu.memory_space<vmem>>
        %dma_start3A_961 = arith.constant 0 : i32
        %dma_start3A_962 = tpu.memref_slice %arg3[%dma_start3A_961, %multiple_of3A_952] : memref<32x1000000xf32, #tpu.memory_space<hbm>> -> memref<32x128xf32, #tpu.memory_space<hbm>>
        tpu.enqueue_dma source(%dma_start3A_962 : memref<32x128xf32, #tpu.memory_space<hbm>>) target(%dma_start3A_960 : memref<32x128xf32, #tpu.memory_space<vmem>>) target_semaphore(%arg9 : memref<!tpu.dma_semaphore, #tpu.memory_space<semaphore_mem>>)
        %slice3A_963 = vector.extract_strided_slice %get3A_917 {offsets = [3], sizes = [1], strides = [1]} : vector<16xi32> to vector<1xi32>
        %squeeze3A_964 = vector.extract %slice3A_963[0] : i32 from vector<1xi32>
        %and3A_965 = arith.constant -128 : i32
        %and3A_966 = arith.andi %squeeze3A_964, %and3A_965 : i32
        %multiple_of3A_967 = tpu.assume_multiple %and3A_966, 128 : i32
        %dma_start3A_968 = arith.constant 96 : i32
        %dma_start3A_969 = arith.constant 0 : i32
        %dma_start3A_970 = tpu.memref_slice %arg6[%dma_start3A_968, %dma_start3A_969] : memref<256x128xf32, #tpu.memory_space<vmem>> -> memref<32x128xf32, #tpu.memory_space<vmem>>
        %dma_start3A_971 = arith.constant 0 : i32
        %dma_start3A_972 = tpu.memref_slice %arg3[%dma_start3A_971, %multiple_of3A_967] : memref<32x1000000xf32, #tpu.memory_space<hbm>> -> memref<32x128xf32, #tpu.memory_space<hbm>>
        %dma_start3A_973 = arith.constant 96 : i32
        %dma_start3A_974 = arith.constant 0 : i32
        %dma_start3A_975 = tpu.memref_slice %arg6[%dma_start3A_973, %dma_start3A_974] : memref<256x128xf32, #tpu.memory_space<vmem>> -> memref<32x128xf32, #tpu.memory_space<vmem>>
        %dma_start3A_976 = arith.constant 0 : i32
        %dma_start3A_977 = tpu.memref_slice %arg3[%dma_start3A_976, %multiple_of3A_967] : memref<32x1000000xf32, #tpu.memory_space<hbm>> -> memref<32x128xf32, #tpu.memory_space<hbm>>
        tpu.enqueue_dma source(%dma_start3A_977 : memref<32x128xf32, #tpu.memory_space<hbm>>) target(%dma_start3A_975 : memref<32x128xf32, #tpu.memory_space<vmem>>) target_semaphore(%arg9 : memref<!tpu.dma_semaphore, #tpu.memory_space<semaphore_mem>>)
        %slice3A_978 = vector.extract_strided_slice %get3A_917 {offsets = [4], sizes = [1], strides = [1]} : vector<16xi32> to vector<1xi32>
        %squeeze3A_979 = vector.extract %slice3A_978[0] : i32 from vector<1xi32>
        %and3A_980 = arith.constant -128 : i32
        %and3A_981 = arith.andi %squeeze3A_979, %and3A_980 : i32
        %multiple_of3A_982 = tpu.assume_multiple %and3A_981, 128 : i32
        %dma_start3A_983 = arith.constant 128 : i32
        %dma_start3A_984 = arith.constant 0 : i32
        %dma_start3A_985 = tpu.memref_slice %arg6[%dma_start3A_983, %dma_start3A_984] : memref<256x128xf32, #tpu.memory_space<vmem>> -> memref<32x128xf32, #tpu.memory_space<vmem>>
        %dma_start3A_986 = arith.constant 0 : i32
        %dma_start3A_987 = tpu.memref_slice %arg3[%dma_start3A_986, %multiple_of3A_982] : memref<32x1000000xf32, #tpu.memory_space<hbm>> -> memref<32x128xf32, #tpu.memory_space<hbm>>
        %dma_start3A_988 = arith.constant 128 : i32
        %dma_start3A_989 = arith.constant 0 : i32
        %dma_start3A_990 = tpu.memref_slice %arg6[%dma_start3A_988, %dma_start3A_989] : memref<256x128xf32, #tpu.memory_space<vmem>> -> memref<32x128xf32, #tpu.memory_space<vmem>>
        %dma_start3A_991 = arith.constant 0 : i32
        %dma_start3A_992 = tpu.memref_slice %arg3[%dma_start3A_991, %multiple_of3A_982] : memref<32x1000000xf32, #tpu.memory_space<hbm>> -> memref<32x128xf32, #tpu.memory_space<hbm>>
        tpu.enqueue_dma source(%dma_start3A_992 : memref<32x128xf32, #tpu.memory_space<hbm>>) target(%dma_start3A_990 : memref<32x128xf32, #tpu.memory_space<vmem>>) target_semaphore(%arg9 : memref<!tpu.dma_semaphore, #tpu.memory_space<semaphore_mem>>)
        %slice3A_993 = vector.extract_strided_slice %get3A_917 {offsets = [5], sizes = [1], strides = [1]} : vector<16xi32> to vector<1xi32>
        %squeeze3A_994 = vector.extract %slice3A_993[0] : i32 from vector<1xi32>
        %and3A_995 = arith.constant -128 : i32
        %and3A_996 = arith.andi %squeeze3A_994, %and3A_995 : i32
        %multiple_of3A_997 = tpu.assume_multiple %and3A_996, 128 : i32
        %dma_start3A_998 = arith.constant 160 : i32
        %dma_start3A_999 = arith.constant 0 : i32
        %dma_start3A_1000 = tpu.memref_slice %arg6[%dma_start3A_998, %dma_start3A_999] : memref<256x128xf32, #tpu.memory_space<vmem>> -> memref<32x128xf32, #tpu.memory_space<vmem>>
        %dma_start3A_1001 = arith.constant 0 : i32
        %dma_start3A_1002 = tpu.memref_slice %arg3[%dma_start3A_1001, %multiple_of3A_997] : memref<32x1000000xf32, #tpu.memory_space<hbm>> -> memref<32x128xf32, #tpu.memory_space<hbm>>
        %dma_start3A_1003 = arith.constant 160 : i32
        %dma_start3A_1004 = arith.constant 0 : i32
        %dma_start3A_1005 = tpu.memref_slice %arg6[%dma_start3A_1003, %dma_start3A_1004] : memref<256x128xf32, #tpu.memory_space<vmem>> -> memref<32x128xf32, #tpu.memory_space<vmem>>
        %dma_start3A_1006 = arith.constant 0 : i32
        %dma_start3A_1007 = tpu.memref_slice %arg3[%dma_start3A_1006, %multiple_of3A_997] : memref<32x1000000xf32, #tpu.memory_space<hbm>> -> memref<32x128xf32, #tpu.memory_space<hbm>>
        tpu.enqueue_dma source(%dma_start3A_1007 : memref<32x128xf32, #tpu.memory_space<hbm>>) target(%dma_start3A_1005 : memref<32x128xf32, #tpu.memory_space<vmem>>) target_semaphore(%arg9 : memref<!tpu.dma_semaphore, #tpu.memory_space<semaphore_mem>>)
        %slice3A_1008 = vector.extract_strided_slice %get3A_917 {offsets = [6], sizes = [1], strides = [1]} : vector<16xi32> to vector<1xi32>
        %squeeze3A_1009 = vector.extract %slice3A_1008[0] : i32 from vector<1xi32>
        %and3A_1010 = arith.constant -128 : i32
        %and3A_1011 = arith.andi %squeeze3A_1009, %and3A_1010 : i32
        %multiple_of3A_1012 = tpu.assume_multiple %and3A_1011, 128 : i32
        %dma_start3A_1013 = arith.constant 192 : i32
        %dma_start3A_1014 = arith.constant 0 : i32
        %dma_start3A_1015 = tpu.memref_slice %arg6[%dma_start3A_1013, %dma_start3A_1014] : memref<256x128xf32, #tpu.memory_space<vmem>> -> memref<32x128xf32, #tpu.memory_space<vmem>>
        %dma_start3A_1016 = arith.constant 0 : i32
        %dma_start3A_1017 = tpu.memref_slice %arg3[%dma_start3A_1016, %multiple_of3A_1012] : memref<32x1000000xf32, #tpu.memory_space<hbm>> -> memref<32x128xf32, #tpu.memory_space<hbm>>
        %dma_start3A_1018 = arith.constant 192 : i32
        %dma_start3A_1019 = arith.constant 0 : i32
        %dma_start3A_1020 = tpu.memref_slice %arg6[%dma_start3A_1018, %dma_start3A_1019] : memref<256x128xf32, #tpu.memory_space<vmem>> -> memref<32x128xf32, #tpu.memory_space<vmem>>
        %dma_start3A_1021 = arith.constant 0 : i32
        %dma_start3A_1022 = tpu.memref_slice %arg3[%dma_start3A_1021, %multiple_of3A_1012] : memref<32x1000000xf32, #tpu.memory_space<hbm>> -> memref<32x128xf32, #tpu.memory_space<hbm>>
        tpu.enqueue_dma source(%dma_start3A_1022 : memref<32x128xf32, #tpu.memory_space<hbm>>) target(%dma_start3A_1020 : memref<32x128xf32, #tpu.memory_space<vmem>>) target_semaphore(%arg9 : memref<!tpu.dma_semaphore, #tpu.memory_space<semaphore_mem>>)
        %slice3A_1023 = vector.extract_strided_slice %get3A_917 {offsets = [7], sizes = [1], strides = [1]} : vector<16xi32> to vector<1xi32>
        %squeeze3A_1024 = vector.extract %slice3A_1023[0] : i32 from vector<1xi32>
        %and3A_1025 = arith.constant -128 : i32
        %and3A_1026 = arith.andi %squeeze3A_1024, %and3A_1025 : i32
        %multiple_of3A_1027 = tpu.assume_multiple %and3A_1026, 128 : i32
        %dma_start3A_1028 = arith.constant 224 : i32
        %dma_start3A_1029 = arith.constant 0 : i32
        %dma_start3A_1030 = tpu.memref_slice %arg6[%dma_start3A_1028, %dma_start3A_1029] : memref<256x128xf32, #tpu.memory_space<vmem>> -> memref<32x128xf32, #tpu.memory_space<vmem>>
        %dma_start3A_1031 = arith.constant 0 : i32
        %dma_start3A_1032 = tpu.memref_slice %arg3[%dma_start3A_1031, %multiple_of3A_1027] : memref<32x1000000xf32, #tpu.memory_space<hbm>> -> memref<32x128xf32, #tpu.memory_space<hbm>>
        %dma_start3A_1033 = arith.constant 224 : i32
        %dma_start3A_1034 = arith.constant 0 : i32
        %dma_start3A_1035 = tpu.memref_slice %arg6[%dma_start3A_1033, %dma_start3A_1034] : memref<256x128xf32, #tpu.memory_space<vmem>> -> memref<32x128xf32, #tpu.memory_space<vmem>>
        %dma_start3A_1036 = arith.constant 0 : i32
        %dma_start3A_1037 = tpu.memref_slice %arg3[%dma_start3A_1036, %multiple_of3A_1027] : memref<32x1000000xf32, #tpu.memory_space<hbm>> -> memref<32x128xf32, #tpu.memory_space<hbm>>
        tpu.enqueue_dma source(%dma_start3A_1037 : memref<32x128xf32, #tpu.memory_space<hbm>>) target(%dma_start3A_1035 : memref<32x128xf32, #tpu.memory_space<vmem>>) target_semaphore(%arg9 : memref<!tpu.dma_semaphore, #tpu.memory_space<semaphore_mem>>)
      } else {
      }
      %dma_wait3A_578 = arith.constant 0 : i32
      %dma_wait3A_579 = arith.constant 0 : i32
      %dma_wait3A_580 = tpu.memref_slice %arg7[%dma_wait3A_578, %dma_wait3A_579] : memref<256x128xf32, #tpu.memory_space<vmem>> -> memref<32x128xf32, #tpu.memory_space<vmem>>
      %dma_wait3A_581 = arith.constant 0 : i32
      %dma_wait3A_582 = arith.constant 0 : i32
      %dma_wait3A_583 = tpu.memref_slice %arg3[%dma_wait3A_581, %dma_wait3A_582] : memref<32x1000000xf32, #tpu.memory_space<hbm>> -> memref<32x128xf32, #tpu.memory_space<hbm>>
      %dma_wait3A_584 = arith.constant 0 : i32
      %dma_wait3A_585 = arith.constant 0 : i32
      %dma_wait3A_586 = tpu.memref_slice %arg7[%dma_wait3A_584, %dma_wait3A_585] : memref<256x128xf32, #tpu.memory_space<vmem>> -> memref<32x128xf32, #tpu.memory_space<vmem>>
      %dma_wait3A_587 = arith.constant 0 : i32
      %dma_wait3A_588 = arith.constant 0 : i32
      %dma_wait3A_589 = tpu.memref_slice %arg3[%dma_wait3A_587, %dma_wait3A_588] : memref<32x1000000xf32, #tpu.memory_space<hbm>> -> memref<32x128xf32, #tpu.memory_space<hbm>>
      tpu.wait_dma2 semaphore(%arg10 : memref<!tpu.dma_semaphore, #tpu.memory_space<semaphore_mem>>) src(%dma_wait3A_589 : memref<32x128xf32, #tpu.memory_space<hbm>>) dst(%dma_wait3A_586 : memref<32x128xf32, #tpu.memory_space<vmem>>)
      %dma_wait3A_590 = arith.constant 32 : i32
      %dma_wait3A_591 = arith.constant 0 : i32
      %dma_wait3A_592 = tpu.memref_slice %arg7[%dma_wait3A_590, %dma_wait3A_591] : memref<256x128xf32, #tpu.memory_space<vmem>> -> memref<32x128xf32, #tpu.memory_space<vmem>>
      %dma_wait3A_593 = arith.constant 0 : i32
      %dma_wait3A_594 = arith.constant 0 : i32
      %dma_wait3A_595 = tpu.memref_slice %arg3[%dma_wait3A_593, %dma_wait3A_594] : memref<32x1000000xf32, #tpu.memory_space<hbm>> -> memref<32x128xf32, #tpu.memory_space<hbm>>
      %dma_wait3A_596 = arith.constant 32 : i32
      %dma_wait3A_597 = arith.constant 0 : i32
      %dma_wait3A_598 = tpu.memref_slice %arg7[%dma_wait3A_596, %dma_wait3A_597] : memref<256x128xf32, #tpu.memory_space<vmem>> -> memref<32x128xf32, #tpu.memory_space<vmem>>
      %dma_wait3A_599 = arith.constant 0 : i32
      %dma_wait3A_600 = arith.constant 0 : i32
      %dma_wait3A_601 = tpu.memref_slice %arg3[%dma_wait3A_599, %dma_wait3A_600] : memref<32x1000000xf32, #tpu.memory_space<hbm>> -> memref<32x128xf32, #tpu.memory_space<hbm>>
      tpu.wait_dma2 semaphore(%arg10 : memref<!tpu.dma_semaphore, #tpu.memory_space<semaphore_mem>>) src(%dma_wait3A_601 : memref<32x128xf32, #tpu.memory_space<hbm>>) dst(%dma_wait3A_598 : memref<32x128xf32, #tpu.memory_space<vmem>>)
      %dma_wait3A_602 = arith.constant 64 : i32
      %dma_wait3A_603 = arith.constant 0 : i32
      %dma_wait3A_604 = tpu.memref_slice %arg7[%dma_wait3A_602, %dma_wait3A_603] : memref<256x128xf32, #tpu.memory_space<vmem>> -> memref<32x128xf32, #tpu.memory_space<vmem>>
      %dma_wait3A_605 = arith.constant 0 : i32
      %dma_wait3A_606 = arith.constant 0 : i32
      %dma_wait3A_607 = tpu.memref_slice %arg3[%dma_wait3A_605, %dma_wait3A_606] : memref<32x1000000xf32, #tpu.memory_space<hbm>> -> memref<32x128xf32, #tpu.memory_space<hbm>>
      %dma_wait3A_608 = arith.constant 64 : i32
      %dma_wait3A_609 = arith.constant 0 : i32
      %dma_wait3A_610 = tpu.memref_slice %arg7[%dma_wait3A_608, %dma_wait3A_609] : memref<256x128xf32, #tpu.memory_space<vmem>> -> memref<32x128xf32, #tpu.memory_space<vmem>>
      %dma_wait3A_611 = arith.constant 0 : i32
      %dma_wait3A_612 = arith.constant 0 : i32
      %dma_wait3A_613 = tpu.memref_slice %arg3[%dma_wait3A_611, %dma_wait3A_612] : memref<32x1000000xf32, #tpu.memory_space<hbm>> -> memref<32x128xf32, #tpu.memory_space<hbm>>
      tpu.wait_dma2 semaphore(%arg10 : memref<!tpu.dma_semaphore, #tpu.memory_space<semaphore_mem>>) src(%dma_wait3A_613 : memref<32x128xf32, #tpu.memory_space<hbm>>) dst(%dma_wait3A_610 : memref<32x128xf32, #tpu.memory_space<vmem>>)
      %dma_wait3A_614 = arith.constant 96 : i32
      %dma_wait3A_615 = arith.constant 0 : i32
      %dma_wait3A_616 = tpu.memref_slice %arg7[%dma_wait3A_614, %dma_wait3A_615] : memref<256x128xf32, #tpu.memory_space<vmem>> -> memref<32x128xf32, #tpu.memory_space<vmem>>
      %dma_wait3A_617 = arith.constant 0 : i32
      %dma_wait3A_618 = arith.constant 0 : i32
      %dma_wait3A_619 = tpu.memref_slice %arg3[%dma_wait3A_617, %dma_wait3A_618] : memref<32x1000000xf32, #tpu.memory_space<hbm>> -> memref<32x128xf32, #tpu.memory_space<hbm>>
      %dma_wait3A_620 = arith.constant 96 : i32
      %dma_wait3A_621 = arith.constant 0 : i32
      %dma_wait3A_622 = tpu.memref_slice %arg7[%dma_wait3A_620, %dma_wait3A_621] : memref<256x128xf32, #tpu.memory_space<vmem>> -> memref<32x128xf32, #tpu.memory_space<vmem>>
      %dma_wait3A_623 = arith.constant 0 : i32
      %dma_wait3A_624 = arith.constant 0 : i32
      %dma_wait3A_625 = tpu.memref_slice %arg3[%dma_wait3A_623, %dma_wait3A_624] : memref<32x1000000xf32, #tpu.memory_space<hbm>> -> memref<32x128xf32, #tpu.memory_space<hbm>>
      tpu.wait_dma2 semaphore(%arg10 : memref<!tpu.dma_semaphore, #tpu.memory_space<semaphore_mem>>) src(%dma_wait3A_625 : memref<32x128xf32, #tpu.memory_space<hbm>>) dst(%dma_wait3A_622 : memref<32x128xf32, #tpu.memory_space<vmem>>)
      %dma_wait3A_626 = arith.constant 128 : i32
      %dma_wait3A_627 = arith.constant 0 : i32
      %dma_wait3A_628 = tpu.memref_slice %arg7[%dma_wait3A_626, %dma_wait3A_627] : memref<256x128xf32, #tpu.memory_space<vmem>> -> memref<32x128xf32, #tpu.memory_space<vmem>>
      %dma_wait3A_629 = arith.constant 0 : i32
      %dma_wait3A_630 = arith.constant 0 : i32
      %dma_wait3A_631 = tpu.memref_slice %arg3[%dma_wait3A_629, %dma_wait3A_630] : memref<32x1000000xf32, #tpu.memory_space<hbm>> -> memref<32x128xf32, #tpu.memory_space<hbm>>
      %dma_wait3A_632 = arith.constant 128 : i32
      %dma_wait3A_633 = arith.constant 0 : i32
      %dma_wait3A_634 = tpu.memref_slice %arg7[%dma_wait3A_632, %dma_wait3A_633] : memref<256x128xf32, #tpu.memory_space<vmem>> -> memref<32x128xf32, #tpu.memory_space<vmem>>
      %dma_wait3A_635 = arith.constant 0 : i32
      %dma_wait3A_636 = arith.constant 0 : i32
      %dma_wait3A_637 = tpu.memref_slice %arg3[%dma_wait3A_635, %dma_wait3A_636] : memref<32x1000000xf32, #tpu.memory_space<hbm>> -> memref<32x128xf32, #tpu.memory_space<hbm>>
      tpu.wait_dma2 semaphore(%arg10 : memref<!tpu.dma_semaphore, #tpu.memory_space<semaphore_mem>>) src(%dma_wait3A_637 : memref<32x128xf32, #tpu.memory_space<hbm>>) dst(%dma_wait3A_634 : memref<32x128xf32, #tpu.memory_space<vmem>>)
      %dma_wait3A_638 = arith.constant 160 : i32
      %dma_wait3A_639 = arith.constant 0 : i32
      %dma_wait3A_640 = tpu.memref_slice %arg7[%dma_wait3A_638, %dma_wait3A_639] : memref<256x128xf32, #tpu.memory_space<vmem>> -> memref<32x128xf32, #tpu.memory_space<vmem>>
      %dma_wait3A_641 = arith.constant 0 : i32
      %dma_wait3A_642 = arith.constant 0 : i32
      %dma_wait3A_643 = tpu.memref_slice %arg3[%dma_wait3A_641, %dma_wait3A_642] : memref<32x1000000xf32, #tpu.memory_space<hbm>> -> memref<32x128xf32, #tpu.memory_space<hbm>>
      %dma_wait3A_644 = arith.constant 160 : i32
      %dma_wait3A_645 = arith.constant 0 : i32
      %dma_wait3A_646 = tpu.memref_slice %arg7[%dma_wait3A_644, %dma_wait3A_645] : memref<256x128xf32, #tpu.memory_space<vmem>> -> memref<32x128xf32, #tpu.memory_space<vmem>>
      %dma_wait3A_647 = arith.constant 0 : i32
      %dma_wait3A_648 = arith.constant 0 : i32
      %dma_wait3A_649 = tpu.memref_slice %arg3[%dma_wait3A_647, %dma_wait3A_648] : memref<32x1000000xf32, #tpu.memory_space<hbm>> -> memref<32x128xf32, #tpu.memory_space<hbm>>
      tpu.wait_dma2 semaphore(%arg10 : memref<!tpu.dma_semaphore, #tpu.memory_space<semaphore_mem>>) src(%dma_wait3A_649 : memref<32x128xf32, #tpu.memory_space<hbm>>) dst(%dma_wait3A_646 : memref<32x128xf32, #tpu.memory_space<vmem>>)
      %dma_wait3A_650 = arith.constant 192 : i32
      %dma_wait3A_651 = arith.constant 0 : i32
      %dma_wait3A_652 = tpu.memref_slice %arg7[%dma_wait3A_650, %dma_wait3A_651] : memref<256x128xf32, #tpu.memory_space<vmem>> -> memref<32x128xf32, #tpu.memory_space<vmem>>
      %dma_wait3A_653 = arith.constant 0 : i32
      %dma_wait3A_654 = arith.constant 0 : i32
      %dma_wait3A_655 = tpu.memref_slice %arg3[%dma_wait3A_653, %dma_wait3A_654] : memref<32x1000000xf32, #tpu.memory_space<hbm>> -> memref<32x128xf32, #tpu.memory_space<hbm>>
      %dma_wait3A_656 = arith.constant 192 : i32
      %dma_wait3A_657 = arith.constant 0 : i32
      %dma_wait3A_658 = tpu.memref_slice %arg7[%dma_wait3A_656, %dma_wait3A_657] : memref<256x128xf32, #tpu.memory_space<vmem>> -> memref<32x128xf32, #tpu.memory_space<vmem>>
      %dma_wait3A_659 = arith.constant 0 : i32
      %dma_wait3A_660 = arith.constant 0 : i32
      %dma_wait3A_661 = tpu.memref_slice %arg3[%dma_wait3A_659, %dma_wait3A_660] : memref<32x1000000xf32, #tpu.memory_space<hbm>> -> memref<32x128xf32, #tpu.memory_space<hbm>>
      tpu.wait_dma2 semaphore(%arg10 : memref<!tpu.dma_semaphore, #tpu.memory_space<semaphore_mem>>) src(%dma_wait3A_661 : memref<32x128xf32, #tpu.memory_space<hbm>>) dst(%dma_wait3A_658 : memref<32x128xf32, #tpu.memory_space<vmem>>)
      %dma_wait3A_662 = arith.constant 224 : i32
      %dma_wait3A_663 = arith.constant 0 : i32
      %dma_wait3A_664 = tpu.memref_slice %arg7[%dma_wait3A_662, %dma_wait3A_663] : memref<256x128xf32, #tpu.memory_space<vmem>> -> memref<32x128xf32, #tpu.memory_space<vmem>>
      %dma_wait3A_665 = arith.constant 0 : i32
      %dma_wait3A_666 = arith.constant 0 : i32
      %dma_wait3A_667 = tpu.memref_slice %arg3[%dma_wait3A_665, %dma_wait3A_666] : memref<32x1000000xf32, #tpu.memory_space<hbm>> -> memref<32x128xf32, #tpu.memory_space<hbm>>
      %dma_wait3A_668 = arith.constant 224 : i32
      %dma_wait3A_669 = arith.constant 0 : i32
      %dma_wait3A_670 = tpu.memref_slice %arg7[%dma_wait3A_668, %dma_wait3A_669] : memref<256x128xf32, #tpu.memory_space<vmem>> -> memref<32x128xf32, #tpu.memory_space<vmem>>
      %dma_wait3A_671 = arith.constant 0 : i32
      %dma_wait3A_672 = arith.constant 0 : i32
      %dma_wait3A_673 = tpu.memref_slice %arg3[%dma_wait3A_671, %dma_wait3A_672] : memref<32x1000000xf32, #tpu.memory_space<hbm>> -> memref<32x128xf32, #tpu.memory_space<hbm>>
      tpu.wait_dma2 semaphore(%arg10 : memref<!tpu.dma_semaphore, #tpu.memory_space<semaphore_mem>>) src(%dma_wait3A_673 : memref<32x128xf32, #tpu.memory_space<hbm>>) dst(%dma_wait3A_670 : memref<32x128xf32, #tpu.memory_space<vmem>>)
      %add3A_674 = arith.constant 8 : i32
      %add3A_675 = arith.addi %mul3A_250, %add3A_674 : i32
      %slice3A_676 = vector.extract_strided_slice %get3A_252 {offsets = [8], sizes = [1], strides = [1]} : vector<16xi32> to vector<1xi32>
      %squeeze3A_677 = vector.extract %slice3A_676[0] : i32 from vector<1xi32>
      %and3A_678 = arith.constant 127 : i32
      %and3A_679 = arith.andi %squeeze3A_677, %and3A_678 : i32
      %broadcast_in_dim3A_680 = vector.broadcast %and3A_679 : i32 to vector<16xi32>
      %add3A_681 = arith.constant 0 : i32
      %add3A_682 = vector.broadcast %add3A_681 : i32 to vector<16xi32>
      %add3A_683 = arith.addi %add3A_682, %iota3A : vector<16xi32>
      %gather3A_684 = tpu.vector_load_idx %arg7[%add3A_683, %broadcast_in_dim3A_680] : memref<256x128xf32, #tpu.memory_space<vmem>>[vector<16xi32>, vector<16xi32>], vector<16xf32>,
      %add3A_685 = arith.constant 16 : i32
      %add3A_686 = vector.broadcast %add3A_685 : i32 to vector<16xi32>
      %add3A_687 = arith.addi %add3A_686, %iota3A : vector<16xi32>
      %gather3A_688 = tpu.vector_load_idx %arg7[%add3A_687, %broadcast_in_dim3A_680] : memref<256x128xf32, #tpu.memory_space<vmem>>[vector<16xi32>, vector<16xi32>], vector<16xf32>,
      %add3A_689 = arith.constant 0 : i32
      %add3A_690 = arith.addi %add3A_675, %add3A_689 : i32
      %shift_right_logical3A_691 = arith.constant 2 : i32
      %shift_right_logical3A_692 = arith.shrui %add3A_690, %shift_right_logical3A_691 : i32
      %and3A_693 = arith.constant 3 : i32
      %and3A_694 = arith.andi %add3A_690, %and3A_693 : i32
      %mul3A_695 = arith.constant 32 : i32
      %mul3A_696 = arith.muli %and3A_694, %mul3A_695 : i32
      %swap3A_697 = arith.index_cast %shift_right_logical3A_692 : i32 to index
      %swap3A_698 = arith.index_cast %mul3A_696 : i32 to index
      %swap3A_699 = tpu.vector_load %arg8[%swap3A_697, %swap3A_698] {strides = array<i32>} : memref<16x128xf32, #tpu.memory_space<vmem>>, vector<16xf32>,
      tpu.vector_store %arg8[%swap3A_697, %swap3A_698], %gather3A_684 {strides = array<i32>} : memref<16x128xf32, #tpu.memory_space<vmem>>, vector<16xf32>,
      %add3A_700 = arith.constant 16 : i32
      %add3A_701 = arith.addi %mul3A_696, %add3A_700 : i32
      %swap3A_702 = arith.index_cast %shift_right_logical3A_692 : i32 to index
      %swap3A_703 = arith.index_cast %add3A_701 : i32 to index
      %swap3A_704 = tpu.vector_load %arg8[%swap3A_702, %swap3A_703] {strides = array<i32>} : memref<16x128xf32, #tpu.memory_space<vmem>>, vector<16xf32>,
      tpu.vector_store %arg8[%swap3A_702, %swap3A_703], %gather3A_688 {strides = array<i32>} : memref<16x128xf32, #tpu.memory_space<vmem>>, vector<16xf32>,
      %slice3A_705 = vector.extract_strided_slice %get3A_252 {offsets = [9], sizes = [1], strides = [1]} : vector<16xi32> to vector<1xi32>
      %squeeze3A_706 = vector.extract %slice3A_705[0] : i32 from vector<1xi32>
      %and3A_707 = arith.constant 127 : i32
      %and3A_708 = arith.andi %squeeze3A_706, %and3A_707 : i32
      %broadcast_in_dim3A_709 = vector.broadcast %and3A_708 : i32 to vector<16xi32>
      %add3A_710 = arith.constant 32 : i32
      %add3A_711 = vector.broadcast %add3A_710 : i32 to vector<16xi32>
      %add3A_712 = arith.addi %add3A_711, %iota3A : vector<16xi32>
      %gather3A_713 = tpu.vector_load_idx %arg7[%add3A_712, %broadcast_in_dim3A_709] : memref<256x128xf32, #tpu.memory_space<vmem>>[vector<16xi32>, vector<16xi32>], vector<16xf32>,
      %add3A_714 = arith.constant 48 : i32
      %add3A_715 = vector.broadcast %add3A_714 : i32 to vector<16xi32>
      %add3A_716 = arith.addi %add3A_715, %iota3A : vector<16xi32>
      %gather3A_717 = tpu.vector_load_idx %arg7[%add3A_716, %broadcast_in_dim3A_709] : memref<256x128xf32, #tpu.memory_space<vmem>>[vector<16xi32>, vector<16xi32>], vector<16xf32>,
      %add3A_718 = arith.constant 1 : i32
      %add3A_719 = arith.addi %add3A_675, %add3A_718 : i32
      %shift_right_logical3A_720 = arith.constant 2 : i32
      %shift_right_logical3A_721 = arith.shrui %add3A_719, %shift_right_logical3A_720 : i32
      %and3A_722 = arith.constant 3 : i32
      %and3A_723 = arith.andi %add3A_719, %and3A_722 : i32
      %mul3A_724 = arith.constant 32 : i32
      %mul3A_725 = arith.muli %and3A_723, %mul3A_724 : i32
      %swap3A_726 = arith.index_cast %shift_right_logical3A_721 : i32 to index
      %swap3A_727 = arith.index_cast %mul3A_725 : i32 to index
      %swap3A_728 = tpu.vector_load %arg8[%swap3A_726, %swap3A_727] {strides = array<i32>} : memref<16x128xf32, #tpu.memory_space<vmem>>, vector<16xf32>,
      tpu.vector_store %arg8[%swap3A_726, %swap3A_727], %gather3A_713 {strides = array<i32>} : memref<16x128xf32, #tpu.memory_space<vmem>>, vector<16xf32>,
      %add3A_729 = arith.constant 16 : i32
      %add3A_730 = arith.addi %mul3A_725, %add3A_729 : i32
      %swap3A_731 = arith.index_cast %shift_right_logical3A_721 : i32 to index
      %swap3A_732 = arith.index_cast %add3A_730 : i32 to index
      %swap3A_733 = tpu.vector_load %arg8[%swap3A_731, %swap3A_732] {strides = array<i32>} : memref<16x128xf32, #tpu.memory_space<vmem>>, vector<16xf32>,
      tpu.vector_store %arg8[%swap3A_731, %swap3A_732], %gather3A_717 {strides = array<i32>} : memref<16x128xf32, #tpu.memory_space<vmem>>, vector<16xf32>,
      %slice3A_734 = vector.extract_strided_slice %get3A_252 {offsets = [10], sizes = [1], strides = [1]} : vector<16xi32> to vector<1xi32>
      %squeeze3A_735 = vector.extract %slice3A_734[0] : i32 from vector<1xi32>
      %and3A_736 = arith.constant 127 : i32
      %and3A_737 = arith.andi %squeeze3A_735, %and3A_736 : i32
      %broadcast_in_dim3A_738 = vector.broadcast %and3A_737 : i32 to vector<16xi32>
      %add3A_739 = arith.constant 64 : i32
      %add3A_740 = vector.broadcast %add3A_739 : i32 to vector<16xi32>
      %add3A_741 = arith.addi %add3A_740, %iota3A : vector<16xi32>
      %gather3A_742 = tpu.vector_load_idx %arg7[%add3A_741, %broadcast_in_dim3A_738] : memref<256x128xf32, #tpu.memory_space<vmem>>[vector<16xi32>, vector<16xi32>], vector<16xf32>,
      %add3A_743 = arith.constant 80 : i32
      %add3A_744 = vector.broadcast %add3A_743 : i32 to vector<16xi32>
      %add3A_745 = arith.addi %add3A_744, %iota3A : vector<16xi32>
      %gather3A_746 = tpu.vector_load_idx %arg7[%add3A_745, %broadcast_in_dim3A_738] : memref<256x128xf32, #tpu.memory_space<vmem>>[vector<16xi32>, vector<16xi32>], vector<16xf32>,
      %add3A_747 = arith.constant 2 : i32
      %add3A_748 = arith.addi %add3A_675, %add3A_747 : i32
      %shift_right_logical3A_749 = arith.constant 2 : i32
      %shift_right_logical3A_750 = arith.shrui %add3A_748, %shift_right_logical3A_749 : i32
      %and3A_751 = arith.constant 3 : i32
      %and3A_752 = arith.andi %add3A_748, %and3A_751 : i32
      %mul3A_753 = arith.constant 32 : i32
      %mul3A_754 = arith.muli %and3A_752, %mul3A_753 : i32
      %swap3A_755 = arith.index_cast %shift_right_logical3A_750 : i32 to index
      %swap3A_756 = arith.index_cast %mul3A_754 : i32 to index
      %swap3A_757 = tpu.vector_load %arg8[%swap3A_755, %swap3A_756] {strides = array<i32>} : memref<16x128xf32, #tpu.memory_space<vmem>>, vector<16xf32>,
      tpu.vector_store %arg8[%swap3A_755, %swap3A_756], %gather3A_742 {strides = array<i32>} : memref<16x128xf32, #tpu.memory_space<vmem>>, vector<16xf32>,
      %add3A_758 = arith.constant 16 : i32
      %add3A_759 = arith.addi %mul3A_754, %add3A_758 : i32
      %swap3A_760 = arith.index_cast %shift_right_logical3A_750 : i32 to index
      %swap3A_761 = arith.index_cast %add3A_759 : i32 to index
      %swap3A_762 = tpu.vector_load %arg8[%swap3A_760, %swap3A_761] {strides = array<i32>} : memref<16x128xf32, #tpu.memory_space<vmem>>, vector<16xf32>,
      tpu.vector_store %arg8[%swap3A_760, %swap3A_761], %gather3A_746 {strides = array<i32>} : memref<16x128xf32, #tpu.memory_space<vmem>>, vector<16xf32>,
      %slice3A_763 = vector.extract_strided_slice %get3A_252 {offsets = [11], sizes = [1], strides = [1]} : vector<16xi32> to vector<1xi32>
      %squeeze3A_764 = vector.extract %slice3A_763[0] : i32 from vector<1xi32>
      %and3A_765 = arith.constant 127 : i32
      %and3A_766 = arith.andi %squeeze3A_764, %and3A_765 : i32
      %broadcast_in_dim3A_767 = vector.broadcast %and3A_766 : i32 to vector<16xi32>
      %add3A_768 = arith.constant 96 : i32
      %add3A_769 = vector.broadcast %add3A_768 : i32 to vector<16xi32>
      %add3A_770 = arith.addi %add3A_769, %iota3A : vector<16xi32>
      %gather3A_771 = tpu.vector_load_idx %arg7[%add3A_770, %broadcast_in_dim3A_767] : memref<256x128xf32, #tpu.memory_space<vmem>>[vector<16xi32>, vector<16xi32>], vector<16xf32>,
      %add3A_772 = arith.constant 112 : i32
      %add3A_773 = vector.broadcast %add3A_772 : i32 to vector<16xi32>
      %add3A_774 = arith.addi %add3A_773, %iota3A : vector<16xi32>
      %gather3A_775 = tpu.vector_load_idx %arg7[%add3A_774, %broadcast_in_dim3A_767] : memref<256x128xf32, #tpu.memory_space<vmem>>[vector<16xi32>, vector<16xi32>], vector<16xf32>,
      %add3A_776 = arith.constant 3 : i32
      %add3A_777 = arith.addi %add3A_675, %add3A_776 : i32
      %shift_right_logical3A_778 = arith.constant 2 : i32
      %shift_right_logical3A_779 = arith.shrui %add3A_777, %shift_right_logical3A_778 : i32
      %and3A_780 = arith.constant 3 : i32
      %and3A_781 = arith.andi %add3A_777, %and3A_780 : i32
      %mul3A_782 = arith.constant 32 : i32
      %mul3A_783 = arith.muli %and3A_781, %mul3A_782 : i32
      %swap3A_784 = arith.index_cast %shift_right_logical3A_779 : i32 to index
      %swap3A_785 = arith.index_cast %mul3A_783 : i32 to index
      %swap3A_786 = tpu.vector_load %arg8[%swap3A_784, %swap3A_785] {strides = array<i32>} : memref<16x128xf32, #tpu.memory_space<vmem>>, vector<16xf32>,
      tpu.vector_store %arg8[%swap3A_784, %swap3A_785], %gather3A_771 {strides = array<i32>} : memref<16x128xf32, #tpu.memory_space<vmem>>, vector<16xf32>,
      %add3A_787 = arith.constant 16 : i32
      %add3A_788 = arith.addi %mul3A_783, %add3A_787 : i32
      %swap3A_789 = arith.index_cast %shift_right_logical3A_779 : i32 to index
      %swap3A_790 = arith.index_cast %add3A_788 : i32 to index
      %swap3A_791 = tpu.vector_load %arg8[%swap3A_789, %swap3A_790] {strides = array<i32>} : memref<16x128xf32, #tpu.memory_space<vmem>>, vector<16xf32>,
      tpu.vector_store %arg8[%swap3A_789, %swap3A_790], %gather3A_775 {strides = array<i32>} : memref<16x128xf32, #tpu.memory_space<vmem>>, vector<16xf32>,
      %slice3A_792 = vector.extract_strided_slice %get3A_252 {offsets = [12], sizes = [1], strides = [1]} : vector<16xi32> to vector<1xi32>
      %squeeze3A_793 = vector.extract %slice3A_792[0] : i32 from vector<1xi32>
      %and3A_794 = arith.constant 127 : i32
      %and3A_795 = arith.andi %squeeze3A_793, %and3A_794 : i32
      %broadcast_in_dim3A_796 = vector.broadcast %and3A_795 : i32 to vector<16xi32>
      %add3A_797 = arith.constant 128 : i32
      %add3A_798 = vector.broadcast %add3A_797 : i32 to vector<16xi32>
      %add3A_799 = arith.addi %add3A_798, %iota3A : vector<16xi32>
      %gather3A_800 = tpu.vector_load_idx %arg7[%add3A_799, %broadcast_in_dim3A_796] : memref<256x128xf32, #tpu.memory_space<vmem>>[vector<16xi32>, vector<16xi32>], vector<16xf32>,
      %add3A_801 = arith.constant 144 : i32
      %add3A_802 = vector.broadcast %add3A_801 : i32 to vector<16xi32>
      %add3A_803 = arith.addi %add3A_802, %iota3A : vector<16xi32>
      %gather3A_804 = tpu.vector_load_idx %arg7[%add3A_803, %broadcast_in_dim3A_796] : memref<256x128xf32, #tpu.memory_space<vmem>>[vector<16xi32>, vector<16xi32>], vector<16xf32>,
      %add3A_805 = arith.constant 4 : i32
      %add3A_806 = arith.addi %add3A_675, %add3A_805 : i32
      %shift_right_logical3A_807 = arith.constant 2 : i32
      %shift_right_logical3A_808 = arith.shrui %add3A_806, %shift_right_logical3A_807 : i32
      %and3A_809 = arith.constant 3 : i32
      %and3A_810 = arith.andi %add3A_806, %and3A_809 : i32
      %mul3A_811 = arith.constant 32 : i32
      %mul3A_812 = arith.muli %and3A_810, %mul3A_811 : i32
      %swap3A_813 = arith.index_cast %shift_right_logical3A_808 : i32 to index
      %swap3A_814 = arith.index_cast %mul3A_812 : i32 to index
      %swap3A_815 = tpu.vector_load %arg8[%swap3A_813, %swap3A_814] {strides = array<i32>} : memref<16x128xf32, #tpu.memory_space<vmem>>, vector<16xf32>,
      tpu.vector_store %arg8[%swap3A_813, %swap3A_814], %gather3A_800 {strides = array<i32>} : memref<16x128xf32, #tpu.memory_space<vmem>>, vector<16xf32>,
      %add3A_816 = arith.constant 16 : i32
      %add3A_817 = arith.addi %mul3A_812, %add3A_816 : i32
      %swap3A_818 = arith.index_cast %shift_right_logical3A_808 : i32 to index
      %swap3A_819 = arith.index_cast %add3A_817 : i32 to index
      %swap3A_820 = tpu.vector_load %arg8[%swap3A_818, %swap3A_819] {strides = array<i32>} : memref<16x128xf32, #tpu.memory_space<vmem>>, vector<16xf32>,
      tpu.vector_store %arg8[%swap3A_818, %swap3A_819], %gather3A_804 {strides = array<i32>} : memref<16x128xf32, #tpu.memory_space<vmem>>, vector<16xf32>,
      %slice3A_821 = vector.extract_strided_slice %get3A_252 {offsets = [13], sizes = [1], strides = [1]} : vector<16xi32> to vector<1xi32>
      %squeeze3A_822 = vector.extract %slice3A_821[0] : i32 from vector<1xi32>
      %and3A_823 = arith.constant 127 : i32
      %and3A_824 = arith.andi %squeeze3A_822, %and3A_823 : i32
      %broadcast_in_dim3A_825 = vector.broadcast %and3A_824 : i32 to vector<16xi32>
      %add3A_826 = arith.constant 160 : i32
      %add3A_827 = vector.broadcast %add3A_826 : i32 to vector<16xi32>
      %add3A_828 = arith.addi %add3A_827, %iota3A : vector<16xi32>
      %gather3A_829 = tpu.vector_load_idx %arg7[%add3A_828, %broadcast_in_dim3A_825] : memref<256x128xf32, #tpu.memory_space<vmem>>[vector<16xi32>, vector<16xi32>], vector<16xf32>,
      %add3A_830 = arith.constant 176 : i32
      %add3A_831 = vector.broadcast %add3A_830 : i32 to vector<16xi32>
      %add3A_832 = arith.addi %add3A_831, %iota3A : vector<16xi32>
      %gather3A_833 = tpu.vector_load_idx %arg7[%add3A_832, %broadcast_in_dim3A_825] : memref<256x128xf32, #tpu.memory_space<vmem>>[vector<16xi32>, vector<16xi32>], vector<16xf32>,
      %add3A_834 = arith.constant 5 : i32
      %add3A_835 = arith.addi %add3A_675, %add3A_834 : i32
      %shift_right_logical3A_836 = arith.constant 2 : i32
      %shift_right_logical3A_837 = arith.shrui %add3A_835, %shift_right_logical3A_836 : i32
      %and3A_838 = arith.constant 3 : i32
      %and3A_839 = arith.andi %add3A_835, %and3A_838 : i32
      %mul3A_840 = arith.constant 32 : i32
      %mul3A_841 = arith.muli %and3A_839, %mul3A_840 : i32
      %swap3A_842 = arith.index_cast %shift_right_logical3A_837 : i32 to index
      %swap3A_843 = arith.index_cast %mul3A_841 : i32 to index
      %swap3A_844 = tpu.vector_load %arg8[%swap3A_842, %swap3A_843] {strides = array<i32>} : memref<16x128xf32, #tpu.memory_space<vmem>>, vector<16xf32>,
      tpu.vector_store %arg8[%swap3A_842, %swap3A_843], %gather3A_829 {strides = array<i32>} : memref<16x128xf32, #tpu.memory_space<vmem>>, vector<16xf32>,
      %add3A_845 = arith.constant 16 : i32
      %add3A_846 = arith.addi %mul3A_841, %add3A_845 : i32
      %swap3A_847 = arith.index_cast %shift_right_logical3A_837 : i32 to index
      %swap3A_848 = arith.index_cast %add3A_846 : i32 to index
      %swap3A_849 = tpu.vector_load %arg8[%swap3A_847, %swap3A_848] {strides = array<i32>} : memref<16x128xf32, #tpu.memory_space<vmem>>, vector<16xf32>,
      tpu.vector_store %arg8[%swap3A_847, %swap3A_848], %gather3A_833 {strides = array<i32>} : memref<16x128xf32, #tpu.memory_space<vmem>>, vector<16xf32>,
      %slice3A_850 = vector.extract_strided_slice %get3A_252 {offsets = [14], sizes = [1], strides = [1]} : vector<16xi32> to vector<1xi32>
      %squeeze3A_851 = vector.extract %slice3A_850[0] : i32 from vector<1xi32>
      %and3A_852 = arith.constant 127 : i32
      %and3A_853 = arith.andi %squeeze3A_851, %and3A_852 : i32
      %broadcast_in_dim3A_854 = vector.broadcast %and3A_853 : i32 to vector<16xi32>
      %add3A_855 = arith.constant 192 : i32
      %add3A_856 = vector.broadcast %add3A_855 : i32 to vector<16xi32>
      %add3A_857 = arith.addi %add3A_856, %iota3A : vector<16xi32>
      %gather3A_858 = tpu.vector_load_idx %arg7[%add3A_857, %broadcast_in_dim3A_854] : memref<256x128xf32, #tpu.memory_space<vmem>>[vector<16xi32>, vector<16xi32>], vector<16xf32>,
      %add3A_859 = arith.constant 208 : i32
      %add3A_860 = vector.broadcast %add3A_859 : i32 to vector<16xi32>
      %add3A_861 = arith.addi %add3A_860, %iota3A : vector<16xi32>
      %gather3A_862 = tpu.vector_load_idx %arg7[%add3A_861, %broadcast_in_dim3A_854] : memref<256x128xf32, #tpu.memory_space<vmem>>[vector<16xi32>, vector<16xi32>], vector<16xf32>,
      %add3A_863 = arith.constant 6 : i32
      %add3A_864 = arith.addi %add3A_675, %add3A_863 : i32
      %shift_right_logical3A_865 = arith.constant 2 : i32
      %shift_right_logical3A_866 = arith.shrui %add3A_864, %shift_right_logical3A_865 : i32
      %and3A_867 = arith.constant 3 : i32
      %and3A_868 = arith.andi %add3A_864, %and3A_867 : i32
      %mul3A_869 = arith.constant 32 : i32
      %mul3A_870 = arith.muli %and3A_868, %mul3A_869 : i32
      %swap3A_871 = arith.index_cast %shift_right_logical3A_866 : i32 to index
      %swap3A_872 = arith.index_cast %mul3A_870 : i32 to index
      %swap3A_873 = tpu.vector_load %arg8[%swap3A_871, %swap3A_872] {strides = array<i32>} : memref<16x128xf32, #tpu.memory_space<vmem>>, vector<16xf32>,
      tpu.vector_store %arg8[%swap3A_871, %swap3A_872], %gather3A_858 {strides = array<i32>} : memref<16x128xf32, #tpu.memory_space<vmem>>, vector<16xf32>,
      %add3A_874 = arith.constant 16 : i32
      %add3A_875 = arith.addi %mul3A_870, %add3A_874 : i32
      %swap3A_876 = arith.index_cast %shift_right_logical3A_866 : i32 to index
      %swap3A_877 = arith.index_cast %add3A_875 : i32 to index
      %swap3A_878 = tpu.vector_load %arg8[%swap3A_876, %swap3A_877] {strides = array<i32>} : memref<16x128xf32, #tpu.memory_space<vmem>>, vector<16xf32>,
      tpu.vector_store %arg8[%swap3A_876, %swap3A_877], %gather3A_862 {strides = array<i32>} : memref<16x128xf32, #tpu.memory_space<vmem>>, vector<16xf32>,
      %slice3A_879 = vector.extract_strided_slice %get3A_252 {offsets = [15], sizes = [1], strides = [1]} : vector<16xi32> to vector<1xi32>
      %squeeze3A_880 = vector.extract %slice3A_879[0] : i32 from vector<1xi32>
      %and3A_881 = arith.constant 127 : i32
      %and3A_882 = arith.andi %squeeze3A_880, %and3A_881 : i32
      %broadcast_in_dim3A_883 = vector.broadcast %and3A_882 : i32 to vector<16xi32>
      %add3A_884 = arith.constant 224 : i32
      %add3A_885 = vector.broadcast %add3A_884 : i32 to vector<16xi32>
      %add3A_886 = arith.addi %add3A_885, %iota3A : vector<16xi32>
      %gather3A_887 = tpu.vector_load_idx %arg7[%add3A_886, %broadcast_in_dim3A_883] : memref<256x128xf32, #tpu.memory_space<vmem>>[vector<16xi32>, vector<16xi32>], vector<16xf32>,
      %add3A_888 = arith.constant 240 : i32
      %add3A_889 = vector.broadcast %add3A_888 : i32 to vector<16xi32>
      %add3A_890 = arith.addi %add3A_889, %iota3A : vector<16xi32>
      %gather3A_891 = tpu.vector_load_idx %arg7[%add3A_890, %broadcast_in_dim3A_883] : memref<256x128xf32, #tpu.memory_space<vmem>>[vector<16xi32>, vector<16xi32>], vector<16xf32>,
      %add3A_892 = arith.constant 7 : i32
      %add3A_893 = arith.addi %add3A_675, %add3A_892 : i32
      %shift_right_logical3A_894 = arith.constant 2 : i32
      %shift_right_logical3A_895 = arith.shrui %add3A_893, %shift_right_logical3A_894 : i32
      %and3A_896 = arith.constant 3 : i32
      %and3A_897 = arith.andi %add3A_893, %and3A_896 : i32
      %mul3A_898 = arith.constant 32 : i32
      %mul3A_899 = arith.muli %and3A_897, %mul3A_898 : i32
      %swap3A_900 = arith.index_cast %shift_right_logical3A_895 : i32 to index
      %swap3A_901 = arith.index_cast %mul3A_899 : i32 to index
      %swap3A_902 = tpu.vector_load %arg8[%swap3A_900, %swap3A_901] {strides = array<i32>} : memref<16x128xf32, #tpu.memory_space<vmem>>, vector<16xf32>,
      tpu.vector_store %arg8[%swap3A_900, %swap3A_901], %gather3A_887 {strides = array<i32>} : memref<16x128xf32, #tpu.memory_space<vmem>>, vector<16xf32>,
      %add3A_903 = arith.constant 16 : i32
      %add3A_904 = arith.addi %mul3A_899, %add3A_903 : i32
      %swap3A_905 = arith.index_cast %shift_right_logical3A_895 : i32 to index
      %swap3A_906 = arith.index_cast %add3A_904 : i32 to index
      %swap3A_907 = tpu.vector_load %arg8[%swap3A_905, %swap3A_906] {strides = array<i32>} : memref<16x128xf32, #tpu.memory_space<vmem>>, vector<16xf32>,
      tpu.vector_store %arg8[%swap3A_905, %swap3A_906], %gather3A_891 {strides = array<i32>} : memref<16x128xf32, #tpu.memory_space<vmem>>, vector<16xf32>,
      %lt3A_908 = arith.constant 3 : i32
      %lt3A_909 = arith.cmpi slt, %scan3A_247, %lt3A_908 : i32
      %convert_element_type3A_910 = arith.extui %lt3A_909 : i1 to i32
      %cond3A_911 = arith.constant 0 : i32
      %cond3A_912 = arith.cmpi ne, %convert_element_type3A_910, %cond3A_911 : i32
      scf.if %cond3A_912 {
        %add3A_914 = arith.constant 16 : i32
        %add3A_915 = arith.addi %mul3A_250, %add3A_914 : i32
        %get3A_916 = arith.index_cast %add3A_915 : i32 to index
        %get3A_917 = tpu.vector_load %arg5[%get3A_916] {strides = array<i32>} : memref<64xi32, #tpu.memory_space<vmem>>, vector<16xi32>,
        %slice3A_918 = vector.extract_strided_slice %get3A_917 {offsets = [8], sizes = [1], strides = [1]} : vector<16xi32> to vector<1xi32>
        %squeeze3A_919 = vector.extract %slice3A_918[0] : i32 from vector<1xi32>
        %and3A_920 = arith.constant -128 : i32
        %and3A_921 = arith.andi %squeeze3A_919, %and3A_920 : i32
        %multiple_of3A_922 = tpu.assume_multiple %and3A_921, 128 : i32
        %dma_start3A_923 = arith.constant 0 : i32
        %dma_start3A_924 = arith.constant 0 : i32
        %dma_start3A_925 = tpu.memref_slice %arg7[%dma_start3A_923, %dma_start3A_924] : memref<256x128xf32, #tpu.memory_space<vmem>> -> memref<32x128xf32, #tpu.memory_space<vmem>>
        %dma_start3A_926 = arith.constant 0 : i32
        %dma_start3A_927 = tpu.memref_slice %arg3[%dma_start3A_926, %multiple_of3A_922] : memref<32x1000000xf32, #tpu.memory_space<hbm>> -> memref<32x128xf32, #tpu.memory_space<hbm>>
        %dma_start3A_928 = arith.constant 0 : i32
        %dma_start3A_929 = arith.constant 0 : i32
        %dma_start3A_930 = tpu.memref_slice %arg7[%dma_start3A_928, %dma_start3A_929] : memref<256x128xf32, #tpu.memory_space<vmem>> -> memref<32x128xf32, #tpu.memory_space<vmem>>
        %dma_start3A_931 = arith.constant 0 : i32
        %dma_start3A_932 = tpu.memref_slice %arg3[%dma_start3A_931, %multiple_of3A_922] : memref<32x1000000xf32, #tpu.memory_space<hbm>> -> memref<32x128xf32, #tpu.memory_space<hbm>>
        tpu.enqueue_dma source(%dma_start3A_932 : memref<32x128xf32, #tpu.memory_space<hbm>>) target(%dma_start3A_930 : memref<32x128xf32, #tpu.memory_space<vmem>>) target_semaphore(%arg10 : memref<!tpu.dma_semaphore, #tpu.memory_space<semaphore_mem>>)
        %slice3A_933 = vector.extract_strided_slice %get3A_917 {offsets = [9], sizes = [1], strides = [1]} : vector<16xi32> to vector<1xi32>
        %squeeze3A_934 = vector.extract %slice3A_933[0] : i32 from vector<1xi32>
        %and3A_935 = arith.constant -128 : i32
        %and3A_936 = arith.andi %squeeze3A_934, %and3A_935 : i32
        %multiple_of3A_937 = tpu.assume_multiple %and3A_936, 128 : i32
        %dma_start3A_938 = arith.constant 32 : i32
        %dma_start3A_939 = arith.constant 0 : i32
        %dma_start3A_940 = tpu.memref_slice %arg7[%dma_start3A_938, %dma_start3A_939] : memref<256x128xf32, #tpu.memory_space<vmem>> -> memref<32x128xf32, #tpu.memory_space<vmem>>
        %dma_start3A_941 = arith.constant 0 : i32
        %dma_start3A_942 = tpu.memref_slice %arg3[%dma_start3A_941, %multiple_of3A_937] : memref<32x1000000xf32, #tpu.memory_space<hbm>> -> memref<32x128xf32, #tpu.memory_space<hbm>>
        %dma_start3A_943 = arith.constant 32 : i32
        %dma_start3A_944 = arith.constant 0 : i32
        %dma_start3A_945 = tpu.memref_slice %arg7[%dma_start3A_943, %dma_start3A_944] : memref<256x128xf32, #tpu.memory_space<vmem>> -> memref<32x128xf32, #tpu.memory_space<vmem>>
        %dma_start3A_946 = arith.constant 0 : i32
        %dma_start3A_947 = tpu.memref_slice %arg3[%dma_start3A_946, %multiple_of3A_937] : memref<32x1000000xf32, #tpu.memory_space<hbm>> -> memref<32x128xf32, #tpu.memory_space<hbm>>
        tpu.enqueue_dma source(%dma_start3A_947 : memref<32x128xf32, #tpu.memory_space<hbm>>) target(%dma_start3A_945 : memref<32x128xf32, #tpu.memory_space<vmem>>) target_semaphore(%arg10 : memref<!tpu.dma_semaphore, #tpu.memory_space<semaphore_mem>>)
        %slice3A_948 = vector.extract_strided_slice %get3A_917 {offsets = [10], sizes = [1], strides = [1]} : vector<16xi32> to vector<1xi32>
        %squeeze3A_949 = vector.extract %slice3A_948[0] : i32 from vector<1xi32>
        %and3A_950 = arith.constant -128 : i32
        %and3A_951 = arith.andi %squeeze3A_949, %and3A_950 : i32
        %multiple_of3A_952 = tpu.assume_multiple %and3A_951, 128 : i32
        %dma_start3A_953 = arith.constant 64 : i32
        %dma_start3A_954 = arith.constant 0 : i32
        %dma_start3A_955 = tpu.memref_slice %arg7[%dma_start3A_953, %dma_start3A_954] : memref<256x128xf32, #tpu.memory_space<vmem>> -> memref<32x128xf32, #tpu.memory_space<vmem>>
        %dma_start3A_956 = arith.constant 0 : i32
        %dma_start3A_957 = tpu.memref_slice %arg3[%dma_start3A_956, %multiple_of3A_952] : memref<32x1000000xf32, #tpu.memory_space<hbm>> -> memref<32x128xf32, #tpu.memory_space<hbm>>
        %dma_start3A_958 = arith.constant 64 : i32
        %dma_start3A_959 = arith.constant 0 : i32
        %dma_start3A_960 = tpu.memref_slice %arg7[%dma_start3A_958, %dma_start3A_959] : memref<256x128xf32, #tpu.memory_space<vmem>> -> memref<32x128xf32, #tpu.memory_space<vmem>>
        %dma_start3A_961 = arith.constant 0 : i32
        %dma_start3A_962 = tpu.memref_slice %arg3[%dma_start3A_961, %multiple_of3A_952] : memref<32x1000000xf32, #tpu.memory_space<hbm>> -> memref<32x128xf32, #tpu.memory_space<hbm>>
        tpu.enqueue_dma source(%dma_start3A_962 : memref<32x128xf32, #tpu.memory_space<hbm>>) target(%dma_start3A_960 : memref<32x128xf32, #tpu.memory_space<vmem>>) target_semaphore(%arg10 : memref<!tpu.dma_semaphore, #tpu.memory_space<semaphore_mem>>)
        %slice3A_963 = vector.extract_strided_slice %get3A_917 {offsets = [11], sizes = [1], strides = [1]} : vector<16xi32> to vector<1xi32>
        %squeeze3A_964 = vector.extract %slice3A_963[0] : i32 from vector<1xi32>
        %and3A_965 = arith.constant -128 : i32
        %and3A_966 = arith.andi %squeeze3A_964, %and3A_965 : i32
        %multiple_of3A_967 = tpu.assume_multiple %and3A_966, 128 : i32
        %dma_start3A_968 = arith.constant 96 : i32
        %dma_start3A_969 = arith.constant 0 : i32
        %dma_start3A_970 = tpu.memref_slice %arg7[%dma_start3A_968, %dma_start3A_969] : memref<256x128xf32, #tpu.memory_space<vmem>> -> memref<32x128xf32, #tpu.memory_space<vmem>>
        %dma_start3A_971 = arith.constant 0 : i32
        %dma_start3A_972 = tpu.memref_slice %arg3[%dma_start3A_971, %multiple_of3A_967] : memref<32x1000000xf32, #tpu.memory_space<hbm>> -> memref<32x128xf32, #tpu.memory_space<hbm>>
        %dma_start3A_973 = arith.constant 96 : i32
        %dma_start3A_974 = arith.constant 0 : i32
        %dma_start3A_975 = tpu.memref_slice %arg7[%dma_start3A_973, %dma_start3A_974] : memref<256x128xf32, #tpu.memory_space<vmem>> -> memref<32x128xf32, #tpu.memory_space<vmem>>
        %dma_start3A_976 = arith.constant 0 : i32
        %dma_start3A_977 = tpu.memref_slice %arg3[%dma_start3A_976, %multiple_of3A_967] : memref<32x1000000xf32, #tpu.memory_space<hbm>> -> memref<32x128xf32, #tpu.memory_space<hbm>>
        tpu.enqueue_dma source(%dma_start3A_977 : memref<32x128xf32, #tpu.memory_space<hbm>>) target(%dma_start3A_975 : memref<32x128xf32, #tpu.memory_space<vmem>>) target_semaphore(%arg10 : memref<!tpu.dma_semaphore, #tpu.memory_space<semaphore_mem>>)
        %slice3A_978 = vector.extract_strided_slice %get3A_917 {offsets = [12], sizes = [1], strides = [1]} : vector<16xi32> to vector<1xi32>
        %squeeze3A_979 = vector.extract %slice3A_978[0] : i32 from vector<1xi32>
        %and3A_980 = arith.constant -128 : i32
        %and3A_981 = arith.andi %squeeze3A_979, %and3A_980 : i32
        %multiple_of3A_982 = tpu.assume_multiple %and3A_981, 128 : i32
        %dma_start3A_983 = arith.constant 128 : i32
        %dma_start3A_984 = arith.constant 0 : i32
        %dma_start3A_985 = tpu.memref_slice %arg7[%dma_start3A_983, %dma_start3A_984] : memref<256x128xf32, #tpu.memory_space<vmem>> -> memref<32x128xf32, #tpu.memory_space<vmem>>
        %dma_start3A_986 = arith.constant 0 : i32
        %dma_start3A_987 = tpu.memref_slice %arg3[%dma_start3A_986, %multiple_of3A_982] : memref<32x1000000xf32, #tpu.memory_space<hbm>> -> memref<32x128xf32, #tpu.memory_space<hbm>>
        %dma_start3A_988 = arith.constant 128 : i32
        %dma_start3A_989 = arith.constant 0 : i32
        %dma_start3A_990 = tpu.memref_slice %arg7[%dma_start3A_988, %dma_start3A_989] : memref<256x128xf32, #tpu.memory_space<vmem>> -> memref<32x128xf32, #tpu.memory_space<vmem>>
        %dma_start3A_991 = arith.constant 0 : i32
        %dma_start3A_992 = tpu.memref_slice %arg3[%dma_start3A_991, %multiple_of3A_982] : memref<32x1000000xf32, #tpu.memory_space<hbm>> -> memref<32x128xf32, #tpu.memory_space<hbm>>
        tpu.enqueue_dma source(%dma_start3A_992 : memref<32x128xf32, #tpu.memory_space<hbm>>) target(%dma_start3A_990 : memref<32x128xf32, #tpu.memory_space<vmem>>) target_semaphore(%arg10 : memref<!tpu.dma_semaphore, #tpu.memory_space<semaphore_mem>>)
        %slice3A_993 = vector.extract_strided_slice %get3A_917 {offsets = [13], sizes = [1], strides = [1]} : vector<16xi32> to vector<1xi32>
        %squeeze3A_994 = vector.extract %slice3A_993[0] : i32 from vector<1xi32>
        %and3A_995 = arith.constant -128 : i32
        %and3A_996 = arith.andi %squeeze3A_994, %and3A_995 : i32
        %multiple_of3A_997 = tpu.assume_multiple %and3A_996, 128 : i32
        %dma_start3A_998 = arith.constant 160 : i32
        %dma_start3A_999 = arith.constant 0 : i32
        %dma_start3A_1000 = tpu.memref_slice %arg7[%dma_start3A_998, %dma_start3A_999] : memref<256x128xf32, #tpu.memory_space<vmem>> -> memref<32x128xf32, #tpu.memory_space<vmem>>
        %dma_start3A_1001 = arith.constant 0 : i32
        %dma_start3A_1002 = tpu.memref_slice %arg3[%dma_start3A_1001, %multiple_of3A_997] : memref<32x1000000xf32, #tpu.memory_space<hbm>> -> memref<32x128xf32, #tpu.memory_space<hbm>>
        %dma_start3A_1003 = arith.constant 160 : i32
        %dma_start3A_1004 = arith.constant 0 : i32
        %dma_start3A_1005 = tpu.memref_slice %arg7[%dma_start3A_1003, %dma_start3A_1004] : memref<256x128xf32, #tpu.memory_space<vmem>> -> memref<32x128xf32, #tpu.memory_space<vmem>>
        %dma_start3A_1006 = arith.constant 0 : i32
        %dma_start3A_1007 = tpu.memref_slice %arg3[%dma_start3A_1006, %multiple_of3A_997] : memref<32x1000000xf32, #tpu.memory_space<hbm>> -> memref<32x128xf32, #tpu.memory_space<hbm>>
        tpu.enqueue_dma source(%dma_start3A_1007 : memref<32x128xf32, #tpu.memory_space<hbm>>) target(%dma_start3A_1005 : memref<32x128xf32, #tpu.memory_space<vmem>>) target_semaphore(%arg10 : memref<!tpu.dma_semaphore, #tpu.memory_space<semaphore_mem>>)
        %slice3A_1008 = vector.extract_strided_slice %get3A_917 {offsets = [14], sizes = [1], strides = [1]} : vector<16xi32> to vector<1xi32>
        %squeeze3A_1009 = vector.extract %slice3A_1008[0] : i32 from vector<1xi32>
        %and3A_1010 = arith.constant -128 : i32
        %and3A_1011 = arith.andi %squeeze3A_1009, %and3A_1010 : i32
        %multiple_of3A_1012 = tpu.assume_multiple %and3A_1011, 128 : i32
        %dma_start3A_1013 = arith.constant 192 : i32
        %dma_start3A_1014 = arith.constant 0 : i32
        %dma_start3A_1015 = tpu.memref_slice %arg7[%dma_start3A_1013, %dma_start3A_1014] : memref<256x128xf32, #tpu.memory_space<vmem>> -> memref<32x128xf32, #tpu.memory_space<vmem>>
        %dma_start3A_1016 = arith.constant 0 : i32
        %dma_start3A_1017 = tpu.memref_slice %arg3[%dma_start3A_1016, %multiple_of3A_1012] : memref<32x1000000xf32, #tpu.memory_space<hbm>> -> memref<32x128xf32, #tpu.memory_space<hbm>>
        %dma_start3A_1018 = arith.constant 192 : i32
        %dma_start3A_1019 = arith.constant 0 : i32
        %dma_start3A_1020 = tpu.memref_slice %arg7[%dma_start3A_1018, %dma_start3A_1019] : memref<256x128xf32, #tpu.memory_space<vmem>> -> memref<32x128xf32, #tpu.memory_space<vmem>>
        %dma_start3A_1021 = arith.constant 0 : i32
        %dma_start3A_1022 = tpu.memref_slice %arg3[%dma_start3A_1021, %multiple_of3A_1012] : memref<32x1000000xf32, #tpu.memory_space<hbm>> -> memref<32x128xf32, #tpu.memory_space<hbm>>
        tpu.enqueue_dma source(%dma_start3A_1022 : memref<32x128xf32, #tpu.memory_space<hbm>>) target(%dma_start3A_1020 : memref<32x128xf32, #tpu.memory_space<vmem>>) target_semaphore(%arg10 : memref<!tpu.dma_semaphore, #tpu.memory_space<semaphore_mem>>)
        %slice3A_1023 = vector.extract_strided_slice %get3A_917 {offsets = [15], sizes = [1], strides = [1]} : vector<16xi32> to vector<1xi32>
        %squeeze3A_1024 = vector.extract %slice3A_1023[0] : i32 from vector<1xi32>
        %and3A_1025 = arith.constant -128 : i32
        %and3A_1026 = arith.andi %squeeze3A_1024, %and3A_1025 : i32
        %multiple_of3A_1027 = tpu.assume_multiple %and3A_1026, 128 : i32
        %dma_start3A_1028 = arith.constant 224 : i32
        %dma_start3A_1029 = arith.constant 0 : i32
        %dma_start3A_1030 = tpu.memref_slice %arg7[%dma_start3A_1028, %dma_start3A_1029] : memref<256x128xf32, #tpu.memory_space<vmem>> -> memref<32x128xf32, #tpu.memory_space<vmem>>
        %dma_start3A_1031 = arith.constant 0 : i32
        %dma_start3A_1032 = tpu.memref_slice %arg3[%dma_start3A_1031, %multiple_of3A_1027] : memref<32x1000000xf32, #tpu.memory_space<hbm>> -> memref<32x128xf32, #tpu.memory_space<hbm>>
        %dma_start3A_1033 = arith.constant 224 : i32
        %dma_start3A_1034 = arith.constant 0 : i32
        %dma_start3A_1035 = tpu.memref_slice %arg7[%dma_start3A_1033, %dma_start3A_1034] : memref<256x128xf32, #tpu.memory_space<vmem>> -> memref<32x128xf32, #tpu.memory_space<vmem>>
        %dma_start3A_1036 = arith.constant 0 : i32
        %dma_start3A_1037 = tpu.memref_slice %arg3[%dma_start3A_1036, %multiple_of3A_1027] : memref<32x1000000xf32, #tpu.memory_space<hbm>> -> memref<32x128xf32, #tpu.memory_space<hbm>>
        tpu.enqueue_dma source(%dma_start3A_1037 : memref<32x128xf32, #tpu.memory_space<hbm>>) target(%dma_start3A_1035 : memref<32x128xf32, #tpu.memory_space<vmem>>) target_semaphore(%arg10 : memref<!tpu.dma_semaphore, #tpu.memory_space<semaphore_mem>>)
      } else {
      }
      %scan3A_913 = arith.constant 0 : i32
      scf.yield %scan3A_913 : i32
    }
    %scan3A_244 = arith.constant 4 : i32
    %mul3A_245 = arith.constant 16 : i32
    %mul3A_246 = arith.muli %add3A, %mul3A_245 : i32
    "tpu.region"() ({
      %run_scoped3A = tpu.sem_alloc : memref<!tpu.dma_semaphore, #tpu.memory_space<semaphore_mem>>
      %dma_start3A_247 = arith.constant 0 : i32
      %dma_start3A_248 = tpu.memref_slice %arg4[%mul3A_246, %dma_start3A_247] : memref<512x128xf32, #tpu.memory_space<hbm>> -> memref<16x128xf32, #tpu.memory_space<hbm>>
      %dma_start3A_249 = arith.constant 0 : i32
      %dma_start3A_250 = tpu.memref_slice %arg4[%mul3A_246, %dma_start3A_249] : memref<512x128xf32, #tpu.memory_space<hbm>> -> memref<16x128xf32, #tpu.memory_space<hbm>>
      tpu.enqueue_dma source(%arg8 : memref<16x128xf32, #tpu.memory_space<vmem>>) target(%dma_start3A_250 : memref<16x128xf32, #tpu.memory_space<hbm>>) target_semaphore(%run_scoped3A : memref<!tpu.dma_semaphore, #tpu.memory_space<semaphore_mem>>)
      %dma_wait3A = arith.constant 0 : i32
      %dma_wait3A_251 = tpu.memref_slice %arg4[%mul3A_246, %dma_wait3A] : memref<512x128xf32, #tpu.memory_space<hbm>> -> memref<16x128xf32, #tpu.memory_space<hbm>>
      %dma_wait3A_252 = arith.constant 0 : i32
      %dma_wait3A_253 = tpu.memref_slice %arg4[%mul3A_246, %dma_wait3A_252] : memref<512x128xf32, #tpu.memory_space<hbm>> -> memref<16x128xf32, #tpu.memory_space<hbm>>
      tpu.wait_dma2 semaphore(%run_scoped3A : memref<!tpu.dma_semaphore, #tpu.memory_space<semaphore_mem>>) src(%arg8 : memref<16x128xf32, #tpu.memory_space<vmem>>) dst(%dma_wait3A_253 : memref<16x128xf32, #tpu.memory_space<hbm>>)
      tpu.yield
    }) : () -> ()
    return
  }
}

#map = affine_map<(d0, d1) -> (0)>
#map1 = affine_map<(d0, d1) -> (0, 0)>
module attributes {stable_mosaic.version = 14 : i64} {
  func.func @_gather_body(%arg0: i32, %arg1: i32, %arg2: memref<14336xi32, #tpu.memory_space<hbm>>, %arg3: memref<32x1000000xf32, #tpu.memory_space<hbm>>, %arg4: memref<3584x128xf32, #tpu.memory_space<hbm>>, %arg5: memref<448xi32, #tpu.memory_space<vmem>>, %arg6: memref<256x128xf32, #tpu.memory_space<vmem>>, %arg7: memref<256x128xf32, #tpu.memory_space<vmem>>, %arg8: memref<112x128xf32, #tpu.memory_space<vmem>>, %arg9: memref<!tpu.dma_semaphore, #tpu.memory_space<semaphore_mem>>, %arg10: memref<!tpu.dma_semaphore, #tpu.memory_space<semaphore_mem>>) attributes {dimension_semantics = [#tpu.dimension_semantics<core_parallel>, #tpu.dimension_semantics<subcore_parallel>], iteration_bounds = array<i64: 2, 16>, scalar_prefetch = 0 : i64, scratch_operands = 6 : i64, tpu.core_type = #tpu.core_type<sc_vector_subcore>, window_params = [{transform_indices = #map}, {transform_indices = #map1}, {transform_indices = #map1}]} {
    %mul3A = arith.constant 2 : i32
    %mul3A_0 = arith.muli %arg1, %mul3A : i32
    %add3A = arith.addi %mul3A_0, %arg0 : i32
    %mul3A_1 = arith.constant 448 : i32
    %mul3A_2 = arith.muli %add3A, %mul3A_1 : i32
    "tpu.region"() ({
      %run_scoped3A = tpu.sem_alloc : memref<!tpu.dma_semaphore, #tpu.memory_space<semaphore_mem>>
      %dma_start3A_247 = tpu.memref_slice %arg2[%mul3A_2] : memref<14336xi32, #tpu.memory_space<hbm>> -> memref<448xi32, #tpu.memory_space<hbm>>
      %dma_start3A_248 = tpu.memref_slice %arg2[%mul3A_2] : memref<14336xi32, #tpu.memory_space<hbm>> -> memref<448xi32, #tpu.memory_space<hbm>>
      tpu.enqueue_dma source(%dma_start3A_248 : memref<448xi32, #tpu.memory_space<hbm>>) target(%arg5 : memref<448xi32, #tpu.memory_space<vmem>>) target_semaphore(%run_scoped3A : memref<!tpu.dma_semaphore, #tpu.memory_space<semaphore_mem>>)
      %dma_wait3A = tpu.memref_slice %arg2[%mul3A_2] : memref<14336xi32, #tpu.memory_space<hbm>> -> memref<448xi32, #tpu.memory_space<hbm>>
      %dma_wait3A_249 = tpu.memref_slice %arg2[%mul3A_2] : memref<14336xi32, #tpu.memory_space<hbm>> -> memref<448xi32, #tpu.memory_space<hbm>>
      tpu.wait_dma2 semaphore(%run_scoped3A : memref<!tpu.dma_semaphore, #tpu.memory_space<semaphore_mem>>) src(%dma_wait3A_249 : memref<448xi32, #tpu.memory_space<hbm>>) dst(%arg5 : memref<448xi32, #tpu.memory_space<vmem>>)
      tpu.yield
    }) : () -> ()
    %iota3A = tpu.iota {dimensions = array<i32: 0>} : vector<16xi32>
    %get3A = arith.constant 0 : index
    %get3A_3 = tpu.vector_load %arg5[%get3A] {strides = array<i32>} : memref<448xi32, #tpu.memory_space<vmem>>, vector<16xi32>,
    %slice3A = vector.extract_strided_slice %get3A_3 {offsets = [0], sizes = [1], strides = [1]} : vector<16xi32> to vector<1xi32>
    %squeeze3A = vector.extract %slice3A[0] : i32 from vector<1xi32>
    %and3A = arith.constant -128 : i32
    %and3A_4 = arith.andi %squeeze3A, %and3A : i32
    %multiple_of3A = tpu.assume_multiple %and3A_4, 128 : i32
    %dma_start3A = arith.constant 0 : i32
    %dma_start3A_5 = arith.constant 0 : i32
    %dma_start3A_6 = tpu.memref_slice %arg6[%dma_start3A, %dma_start3A_5] : memref<256x128xf32, #tpu.memory_space<vmem>> -> memref<32x128xf32, #tpu.memory_space<vmem>>
    %dma_start3A_7 = arith.constant 0 : i32
    %dma_start3A_8 = tpu.memref_slice %arg3[%dma_start3A_7, %multiple_of3A] : memref<32x1000000xf32, #tpu.memory_space<hbm>> -> memref<32x128xf32, #tpu.memory_space<hbm>>
    %dma_start3A_9 = arith.constant 0 : i32
    %dma_start3A_10 = arith.constant 0 : i32
    %dma_start3A_11 = tpu.memref_slice %arg6[%dma_start3A_9, %dma_start3A_10] : memref<256x128xf32, #tpu.memory_space<vmem>> -> memref<32x128xf32, #tpu.memory_space<vmem>>
    %dma_start3A_12 = arith.constant 0 : i32
    %dma_start3A_13 = tpu.memref_slice %arg3[%dma_start3A_12, %multiple_of3A] : memref<32x1000000xf32, #tpu.memory_space<hbm>> -> memref<32x128xf32, #tpu.memory_space<hbm>>
    tpu.enqueue_dma source(%dma_start3A_13 : memref<32x128xf32, #tpu.memory_space<hbm>>) target(%dma_start3A_11 : memref<32x128xf32, #tpu.memory_space<vmem>>) target_semaphore(%arg9 : memref<!tpu.dma_semaphore, #tpu.memory_space<semaphore_mem>>)
    %slice3A_14 = vector.extract_strided_slice %get3A_3 {offsets = [1], sizes = [1], strides = [1]} : vector<16xi32> to vector<1xi32>
    %squeeze3A_15 = vector.extract %slice3A_14[0] : i32 from vector<1xi32>
    %and3A_16 = arith.constant -128 : i32
    %and3A_17 = arith.andi %squeeze3A_15, %and3A_16 : i32
    %multiple_of3A_18 = tpu.assume_multiple %and3A_17, 128 : i32
    %dma_start3A_19 = arith.constant 32 : i32
    %dma_start3A_20 = arith.constant 0 : i32
    %dma_start3A_21 = tpu.memref_slice %arg6[%dma_start3A_19, %dma_start3A_20] : memref<256x128xf32, #tpu.memory_space<vmem>> -> memref<32x128xf32, #tpu.memory_space<vmem>>
    %dma_start3A_22 = arith.constant 0 : i32
    %dma_start3A_23 = tpu.memref_slice %arg3[%dma_start3A_22, %multiple_of3A_18] : memref<32x1000000xf32, #tpu.memory_space<hbm>> -> memref<32x128xf32, #tpu.memory_space<hbm>>
    %dma_start3A_24 = arith.constant 32 : i32
    %dma_start3A_25 = arith.constant 0 : i32
    %dma_start3A_26 = tpu.memref_slice %arg6[%dma_start3A_24, %dma_start3A_25] : memref<256x128xf32, #tpu.memory_space<vmem>> -> memref<32x128xf32, #tpu.memory_space<vmem>>
    %dma_start3A_27 = arith.constant 0 : i32
    %dma_start3A_28 = tpu.memref_slice %arg3[%dma_start3A_27, %multiple_of3A_18] : memref<32x1000000xf32, #tpu.memory_space<hbm>> -> memref<32x128xf32, #tpu.memory_space<hbm>>
    tpu.enqueue_dma source(%dma_start3A_28 : memref<32x128xf32, #tpu.memory_space<hbm>>) target(%dma_start3A_26 : memref<32x128xf32, #tpu.memory_space<vmem>>) target_semaphore(%arg9 : memref<!tpu.dma_semaphore, #tpu.memory_space<semaphore_mem>>)
    %slice3A_29 = vector.extract_strided_slice %get3A_3 {offsets = [2], sizes = [1], strides = [1]} : vector<16xi32> to vector<1xi32>
    %squeeze3A_30 = vector.extract %slice3A_29[0] : i32 from vector<1xi32>
    %and3A_31 = arith.constant -128 : i32
    %and3A_32 = arith.andi %squeeze3A_30, %and3A_31 : i32
    %multiple_of3A_33 = tpu.assume_multiple %and3A_32, 128 : i32
    %dma_start3A_34 = arith.constant 64 : i32
    %dma_start3A_35 = arith.constant 0 : i32
    %dma_start3A_36 = tpu.memref_slice %arg6[%dma_start3A_34, %dma_start3A_35] : memref<256x128xf32, #tpu.memory_space<vmem>> -> memref<32x128xf32, #tpu.memory_space<vmem>>
    %dma_start3A_37 = arith.constant 0 : i32
    %dma_start3A_38 = tpu.memref_slice %arg3[%dma_start3A_37, %multiple_of3A_33] : memref<32x1000000xf32, #tpu.memory_space<hbm>> -> memref<32x128xf32, #tpu.memory_space<hbm>>
    %dma_start3A_39 = arith.constant 64 : i32
    %dma_start3A_40 = arith.constant 0 : i32
    %dma_start3A_41 = tpu.memref_slice %arg6[%dma_start3A_39, %dma_start3A_40] : memref<256x128xf32, #tpu.memory_space<vmem>> -> memref<32x128xf32, #tpu.memory_space<vmem>>
    %dma_start3A_42 = arith.constant 0 : i32
    %dma_start3A_43 = tpu.memref_slice %arg3[%dma_start3A_42, %multiple_of3A_33] : memref<32x1000000xf32, #tpu.memory_space<hbm>> -> memref<32x128xf32, #tpu.memory_space<hbm>>
    tpu.enqueue_dma source(%dma_start3A_43 : memref<32x128xf32, #tpu.memory_space<hbm>>) target(%dma_start3A_41 : memref<32x128xf32, #tpu.memory_space<vmem>>) target_semaphore(%arg9 : memref<!tpu.dma_semaphore, #tpu.memory_space<semaphore_mem>>)
    %slice3A_44 = vector.extract_strided_slice %get3A_3 {offsets = [3], sizes = [1], strides = [1]} : vector<16xi32> to vector<1xi32>
    %squeeze3A_45 = vector.extract %slice3A_44[0] : i32 from vector<1xi32>
    %and3A_46 = arith.constant -128 : i32
    %and3A_47 = arith.andi %squeeze3A_45, %and3A_46 : i32
    %multiple_of3A_48 = tpu.assume_multiple %and3A_47, 128 : i32
    %dma_start3A_49 = arith.constant 96 : i32
    %dma_start3A_50 = arith.constant 0 : i32
    %dma_start3A_51 = tpu.memref_slice %arg6[%dma_start3A_49, %dma_start3A_50] : memref<256x128xf32, #tpu.memory_space<vmem>> -> memref<32x128xf32, #tpu.memory_space<vmem>>
    %dma_start3A_52 = arith.constant 0 : i32
    %dma_start3A_53 = tpu.memref_slice %arg3[%dma_start3A_52, %multiple_of3A_48] : memref<32x1000000xf32, #tpu.memory_space<hbm>> -> memref<32x128xf32, #tpu.memory_space<hbm>>
    %dma_start3A_54 = arith.constant 96 : i32
    %dma_start3A_55 = arith.constant 0 : i32
    %dma_start3A_56 = tpu.memref_slice %arg6[%dma_start3A_54, %dma_start3A_55] : memref<256x128xf32, #tpu.memory_space<vmem>> -> memref<32x128xf32, #tpu.memory_space<vmem>>
    %dma_start3A_57 = arith.constant 0 : i32
    %dma_start3A_58 = tpu.memref_slice %arg3[%dma_start3A_57, %multiple_of3A_48] : memref<32x1000000xf32, #tpu.memory_space<hbm>> -> memref<32x128xf32, #tpu.memory_space<hbm>>
    tpu.enqueue_dma source(%dma_start3A_58 : memref<32x128xf32, #tpu.memory_space<hbm>>) target(%dma_start3A_56 : memref<32x128xf32, #tpu.memory_space<vmem>>) target_semaphore(%arg9 : memref<!tpu.dma_semaphore, #tpu.memory_space<semaphore_mem>>)
    %slice3A_59 = vector.extract_strided_slice %get3A_3 {offsets = [4], sizes = [1], strides = [1]} : vector<16xi32> to vector<1xi32>
    %squeeze3A_60 = vector.extract %slice3A_59[0] : i32 from vector<1xi32>
    %and3A_61 = arith.constant -128 : i32
    %and3A_62 = arith.andi %squeeze3A_60, %and3A_61 : i32
    %multiple_of3A_63 = tpu.assume_multiple %and3A_62, 128 : i32
    %dma_start3A_64 = arith.constant 128 : i32
    %dma_start3A_65 = arith.constant 0 : i32
    %dma_start3A_66 = tpu.memref_slice %arg6[%dma_start3A_64, %dma_start3A_65] : memref<256x128xf32, #tpu.memory_space<vmem>> -> memref<32x128xf32, #tpu.memory_space<vmem>>
    %dma_start3A_67 = arith.constant 0 : i32
    %dma_start3A_68 = tpu.memref_slice %arg3[%dma_start3A_67, %multiple_of3A_63] : memref<32x1000000xf32, #tpu.memory_space<hbm>> -> memref<32x128xf32, #tpu.memory_space<hbm>>
    %dma_start3A_69 = arith.constant 128 : i32
    %dma_start3A_70 = arith.constant 0 : i32
    %dma_start3A_71 = tpu.memref_slice %arg6[%dma_start3A_69, %dma_start3A_70] : memref<256x128xf32, #tpu.memory_space<vmem>> -> memref<32x128xf32, #tpu.memory_space<vmem>>
    %dma_start3A_72 = arith.constant 0 : i32
    %dma_start3A_73 = tpu.memref_slice %arg3[%dma_start3A_72, %multiple_of3A_63] : memref<32x1000000xf32, #tpu.memory_space<hbm>> -> memref<32x128xf32, #tpu.memory_space<hbm>>
    tpu.enqueue_dma source(%dma_start3A_73 : memref<32x128xf32, #tpu.memory_space<hbm>>) target(%dma_start3A_71 : memref<32x128xf32, #tpu.memory_space<vmem>>) target_semaphore(%arg9 : memref<!tpu.dma_semaphore, #tpu.memory_space<semaphore_mem>>)
    %slice3A_74 = vector.extract_strided_slice %get3A_3 {offsets = [5], sizes = [1], strides = [1]} : vector<16xi32> to vector<1xi32>
    %squeeze3A_75 = vector.extract %slice3A_74[0] : i32 from vector<1xi32>
    %and3A_76 = arith.constant -128 : i32
    %and3A_77 = arith.andi %squeeze3A_75, %and3A_76 : i32
    %multiple_of3A_78 = tpu.assume_multiple %and3A_77, 128 : i32
    %dma_start3A_79 = arith.constant 160 : i32
    %dma_start3A_80 = arith.constant 0 : i32
    %dma_start3A_81 = tpu.memref_slice %arg6[%dma_start3A_79, %dma_start3A_80] : memref<256x128xf32, #tpu.memory_space<vmem>> -> memref<32x128xf32, #tpu.memory_space<vmem>>
    %dma_start3A_82 = arith.constant 0 : i32
    %dma_start3A_83 = tpu.memref_slice %arg3[%dma_start3A_82, %multiple_of3A_78] : memref<32x1000000xf32, #tpu.memory_space<hbm>> -> memref<32x128xf32, #tpu.memory_space<hbm>>
    %dma_start3A_84 = arith.constant 160 : i32
    %dma_start3A_85 = arith.constant 0 : i32
    %dma_start3A_86 = tpu.memref_slice %arg6[%dma_start3A_84, %dma_start3A_85] : memref<256x128xf32, #tpu.memory_space<vmem>> -> memref<32x128xf32, #tpu.memory_space<vmem>>
    %dma_start3A_87 = arith.constant 0 : i32
    %dma_start3A_88 = tpu.memref_slice %arg3[%dma_start3A_87, %multiple_of3A_78] : memref<32x1000000xf32, #tpu.memory_space<hbm>> -> memref<32x128xf32, #tpu.memory_space<hbm>>
    tpu.enqueue_dma source(%dma_start3A_88 : memref<32x128xf32, #tpu.memory_space<hbm>>) target(%dma_start3A_86 : memref<32x128xf32, #tpu.memory_space<vmem>>) target_semaphore(%arg9 : memref<!tpu.dma_semaphore, #tpu.memory_space<semaphore_mem>>)
    %slice3A_89 = vector.extract_strided_slice %get3A_3 {offsets = [6], sizes = [1], strides = [1]} : vector<16xi32> to vector<1xi32>
    %squeeze3A_90 = vector.extract %slice3A_89[0] : i32 from vector<1xi32>
    %and3A_91 = arith.constant -128 : i32
    %and3A_92 = arith.andi %squeeze3A_90, %and3A_91 : i32
    %multiple_of3A_93 = tpu.assume_multiple %and3A_92, 128 : i32
    %dma_start3A_94 = arith.constant 192 : i32
    %dma_start3A_95 = arith.constant 0 : i32
    %dma_start3A_96 = tpu.memref_slice %arg6[%dma_start3A_94, %dma_start3A_95] : memref<256x128xf32, #tpu.memory_space<vmem>> -> memref<32x128xf32, #tpu.memory_space<vmem>>
    %dma_start3A_97 = arith.constant 0 : i32
    %dma_start3A_98 = tpu.memref_slice %arg3[%dma_start3A_97, %multiple_of3A_93] : memref<32x1000000xf32, #tpu.memory_space<hbm>> -> memref<32x128xf32, #tpu.memory_space<hbm>>
    %dma_start3A_99 = arith.constant 192 : i32
    %dma_start3A_100 = arith.constant 0 : i32
    %dma_start3A_101 = tpu.memref_slice %arg6[%dma_start3A_99, %dma_start3A_100] : memref<256x128xf32, #tpu.memory_space<vmem>> -> memref<32x128xf32, #tpu.memory_space<vmem>>
    %dma_start3A_102 = arith.constant 0 : i32
    %dma_start3A_103 = tpu.memref_slice %arg3[%dma_start3A_102, %multiple_of3A_93] : memref<32x1000000xf32, #tpu.memory_space<hbm>> -> memref<32x128xf32, #tpu.memory_space<hbm>>
    tpu.enqueue_dma source(%dma_start3A_103 : memref<32x128xf32, #tpu.memory_space<hbm>>) target(%dma_start3A_101 : memref<32x128xf32, #tpu.memory_space<vmem>>) target_semaphore(%arg9 : memref<!tpu.dma_semaphore, #tpu.memory_space<semaphore_mem>>)
    %slice3A_104 = vector.extract_strided_slice %get3A_3 {offsets = [7], sizes = [1], strides = [1]} : vector<16xi32> to vector<1xi32>
    %squeeze3A_105 = vector.extract %slice3A_104[0] : i32 from vector<1xi32>
    %and3A_106 = arith.constant -128 : i32
    %and3A_107 = arith.andi %squeeze3A_105, %and3A_106 : i32
    %multiple_of3A_108 = tpu.assume_multiple %and3A_107, 128 : i32
    %dma_start3A_109 = arith.constant 224 : i32
    %dma_start3A_110 = arith.constant 0 : i32
    %dma_start3A_111 = tpu.memref_slice %arg6[%dma_start3A_109, %dma_start3A_110] : memref<256x128xf32, #tpu.memory_space<vmem>> -> memref<32x128xf32, #tpu.memory_space<vmem>>
    %dma_start3A_112 = arith.constant 0 : i32
    %dma_start3A_113 = tpu.memref_slice %arg3[%dma_start3A_112, %multiple_of3A_108] : memref<32x1000000xf32, #tpu.memory_space<hbm>> -> memref<32x128xf32, #tpu.memory_space<hbm>>
    %dma_start3A_114 = arith.constant 224 : i32
    %dma_start3A_115 = arith.constant 0 : i32
    %dma_start3A_116 = tpu.memref_slice %arg6[%dma_start3A_114, %dma_start3A_115] : memref<256x128xf32, #tpu.memory_space<vmem>> -> memref<32x128xf32, #tpu.memory_space<vmem>>
    %dma_start3A_117 = arith.constant 0 : i32
    %dma_start3A_118 = tpu.memref_slice %arg3[%dma_start3A_117, %multiple_of3A_108] : memref<32x1000000xf32, #tpu.memory_space<hbm>> -> memref<32x128xf32, #tpu.memory_space<hbm>>
    tpu.enqueue_dma source(%dma_start3A_118 : memref<32x128xf32, #tpu.memory_space<hbm>>) target(%dma_start3A_116 : memref<32x128xf32, #tpu.memory_space<vmem>>) target_semaphore(%arg9 : memref<!tpu.dma_semaphore, #tpu.memory_space<semaphore_mem>>)
    %slice3A_119 = vector.extract_strided_slice %get3A_3 {offsets = [8], sizes = [1], strides = [1]} : vector<16xi32> to vector<1xi32>
    %squeeze3A_120 = vector.extract %slice3A_119[0] : i32 from vector<1xi32>
    %and3A_121 = arith.constant -128 : i32
    %and3A_122 = arith.andi %squeeze3A_120, %and3A_121 : i32
    %multiple_of3A_123 = tpu.assume_multiple %and3A_122, 128 : i32
    %dma_start3A_124 = arith.constant 0 : i32
    %dma_start3A_125 = arith.constant 0 : i32
    %dma_start3A_126 = tpu.memref_slice %arg7[%dma_start3A_124, %dma_start3A_125] : memref<256x128xf32, #tpu.memory_space<vmem>> -> memref<32x128xf32, #tpu.memory_space<vmem>>
    %dma_start3A_127 = arith.constant 0 : i32
    %dma_start3A_128 = tpu.memref_slice %arg3[%dma_start3A_127, %multiple_of3A_123] : memref<32x1000000xf32, #tpu.memory_space<hbm>> -> memref<32x128xf32, #tpu.memory_space<hbm>>
    %dma_start3A_129 = arith.constant 0 : i32
    %dma_start3A_130 = arith.constant 0 : i32
    %dma_start3A_131 = tpu.memref_slice %arg7[%dma_start3A_129, %dma_start3A_130] : memref<256x128xf32, #tpu.memory_space<vmem>> -> memref<32x128xf32, #tpu.memory_space<vmem>>
    %dma_start3A_132 = arith.constant 0 : i32
    %dma_start3A_133 = tpu.memref_slice %arg3[%dma_start3A_132, %multiple_of3A_123] : memref<32x1000000xf32, #tpu.memory_space<hbm>> -> memref<32x128xf32, #tpu.memory_space<hbm>>
    tpu.enqueue_dma source(%dma_start3A_133 : memref<32x128xf32, #tpu.memory_space<hbm>>) target(%dma_start3A_131 : memref<32x128xf32, #tpu.memory_space<vmem>>) target_semaphore(%arg10 : memref<!tpu.dma_semaphore, #tpu.memory_space<semaphore_mem>>)
    %slice3A_134 = vector.extract_strided_slice %get3A_3 {offsets = [9], sizes = [1], strides = [1]} : vector<16xi32> to vector<1xi32>
    %squeeze3A_135 = vector.extract %slice3A_134[0] : i32 from vector<1xi32>
    %and3A_136 = arith.constant -128 : i32
    %and3A_137 = arith.andi %squeeze3A_135, %and3A_136 : i32
    %multiple_of3A_138 = tpu.assume_multiple %and3A_137, 128 : i32
    %dma_start3A_139 = arith.constant 32 : i32
    %dma_start3A_140 = arith.constant 0 : i32
    %dma_start3A_141 = tpu.memref_slice %arg7[%dma_start3A_139, %dma_start3A_140] : memref<256x128xf32, #tpu.memory_space<vmem>> -> memref<32x128xf32, #tpu.memory_space<vmem>>
    %dma_start3A_142 = arith.constant 0 : i32
    %dma_start3A_143 = tpu.memref_slice %arg3[%dma_start3A_142, %multiple_of3A_138] : memref<32x1000000xf32, #tpu.memory_space<hbm>> -> memref<32x128xf32, #tpu.memory_space<hbm>>
    %dma_start3A_144 = arith.constant 32 : i32
    %dma_start3A_145 = arith.constant 0 : i32
    %dma_start3A_146 = tpu.memref_slice %arg7[%dma_start3A_144, %dma_start3A_145] : memref<256x128xf32, #tpu.memory_space<vmem>> -> memref<32x128xf32, #tpu.memory_space<vmem>>
    %dma_start3A_147 = arith.constant 0 : i32
    %dma_start3A_148 = tpu.memref_slice %arg3[%dma_start3A_147, %multiple_of3A_138] : memref<32x1000000xf32, #tpu.memory_space<hbm>> -> memref<32x128xf32, #tpu.memory_space<hbm>>
    tpu.enqueue_dma source(%dma_start3A_148 : memref<32x128xf32, #tpu.memory_space<hbm>>) target(%dma_start3A_146 : memref<32x128xf32, #tpu.memory_space<vmem>>) target_semaphore(%arg10 : memref<!tpu.dma_semaphore, #tpu.memory_space<semaphore_mem>>)
    %slice3A_149 = vector.extract_strided_slice %get3A_3 {offsets = [10], sizes = [1], strides = [1]} : vector<16xi32> to vector<1xi32>
    %squeeze3A_150 = vector.extract %slice3A_149[0] : i32 from vector<1xi32>
    %and3A_151 = arith.constant -128 : i32
    %and3A_152 = arith.andi %squeeze3A_150, %and3A_151 : i32
    %multiple_of3A_153 = tpu.assume_multiple %and3A_152, 128 : i32
    %dma_start3A_154 = arith.constant 64 : i32
    %dma_start3A_155 = arith.constant 0 : i32
    %dma_start3A_156 = tpu.memref_slice %arg7[%dma_start3A_154, %dma_start3A_155] : memref<256x128xf32, #tpu.memory_space<vmem>> -> memref<32x128xf32, #tpu.memory_space<vmem>>
    %dma_start3A_157 = arith.constant 0 : i32
    %dma_start3A_158 = tpu.memref_slice %arg3[%dma_start3A_157, %multiple_of3A_153] : memref<32x1000000xf32, #tpu.memory_space<hbm>> -> memref<32x128xf32, #tpu.memory_space<hbm>>
    %dma_start3A_159 = arith.constant 64 : i32
    %dma_start3A_160 = arith.constant 0 : i32
    %dma_start3A_161 = tpu.memref_slice %arg7[%dma_start3A_159, %dma_start3A_160] : memref<256x128xf32, #tpu.memory_space<vmem>> -> memref<32x128xf32, #tpu.memory_space<vmem>>
    %dma_start3A_162 = arith.constant 0 : i32
    %dma_start3A_163 = tpu.memref_slice %arg3[%dma_start3A_162, %multiple_of3A_153] : memref<32x1000000xf32, #tpu.memory_space<hbm>> -> memref<32x128xf32, #tpu.memory_space<hbm>>
    tpu.enqueue_dma source(%dma_start3A_163 : memref<32x128xf32, #tpu.memory_space<hbm>>) target(%dma_start3A_161 : memref<32x128xf32, #tpu.memory_space<vmem>>) target_semaphore(%arg10 : memref<!tpu.dma_semaphore, #tpu.memory_space<semaphore_mem>>)
    %slice3A_164 = vector.extract_strided_slice %get3A_3 {offsets = [11], sizes = [1], strides = [1]} : vector<16xi32> to vector<1xi32>
    %squeeze3A_165 = vector.extract %slice3A_164[0] : i32 from vector<1xi32>
    %and3A_166 = arith.constant -128 : i32
    %and3A_167 = arith.andi %squeeze3A_165, %and3A_166 : i32
    %multiple_of3A_168 = tpu.assume_multiple %and3A_167, 128 : i32
    %dma_start3A_169 = arith.constant 96 : i32
    %dma_start3A_170 = arith.constant 0 : i32
    %dma_start3A_171 = tpu.memref_slice %arg7[%dma_start3A_169, %dma_start3A_170] : memref<256x128xf32, #tpu.memory_space<vmem>> -> memref<32x128xf32, #tpu.memory_space<vmem>>
    %dma_start3A_172 = arith.constant 0 : i32
    %dma_start3A_173 = tpu.memref_slice %arg3[%dma_start3A_172, %multiple_of3A_168] : memref<32x1000000xf32, #tpu.memory_space<hbm>> -> memref<32x128xf32, #tpu.memory_space<hbm>>
    %dma_start3A_174 = arith.constant 96 : i32
    %dma_start3A_175 = arith.constant 0 : i32
    %dma_start3A_176 = tpu.memref_slice %arg7[%dma_start3A_174, %dma_start3A_175] : memref<256x128xf32, #tpu.memory_space<vmem>> -> memref<32x128xf32, #tpu.memory_space<vmem>>
    %dma_start3A_177 = arith.constant 0 : i32
    %dma_start3A_178 = tpu.memref_slice %arg3[%dma_start3A_177, %multiple_of3A_168] : memref<32x1000000xf32, #tpu.memory_space<hbm>> -> memref<32x128xf32, #tpu.memory_space<hbm>>
    tpu.enqueue_dma source(%dma_start3A_178 : memref<32x128xf32, #tpu.memory_space<hbm>>) target(%dma_start3A_176 : memref<32x128xf32, #tpu.memory_space<vmem>>) target_semaphore(%arg10 : memref<!tpu.dma_semaphore, #tpu.memory_space<semaphore_mem>>)
    %slice3A_179 = vector.extract_strided_slice %get3A_3 {offsets = [12], sizes = [1], strides = [1]} : vector<16xi32> to vector<1xi32>
    %squeeze3A_180 = vector.extract %slice3A_179[0] : i32 from vector<1xi32>
    %and3A_181 = arith.constant -128 : i32
    %and3A_182 = arith.andi %squeeze3A_180, %and3A_181 : i32
    %multiple_of3A_183 = tpu.assume_multiple %and3A_182, 128 : i32
    %dma_start3A_184 = arith.constant 128 : i32
    %dma_start3A_185 = arith.constant 0 : i32
    %dma_start3A_186 = tpu.memref_slice %arg7[%dma_start3A_184, %dma_start3A_185] : memref<256x128xf32, #tpu.memory_space<vmem>> -> memref<32x128xf32, #tpu.memory_space<vmem>>
    %dma_start3A_187 = arith.constant 0 : i32
    %dma_start3A_188 = tpu.memref_slice %arg3[%dma_start3A_187, %multiple_of3A_183] : memref<32x1000000xf32, #tpu.memory_space<hbm>> -> memref<32x128xf32, #tpu.memory_space<hbm>>
    %dma_start3A_189 = arith.constant 128 : i32
    %dma_start3A_190 = arith.constant 0 : i32
    %dma_start3A_191 = tpu.memref_slice %arg7[%dma_start3A_189, %dma_start3A_190] : memref<256x128xf32, #tpu.memory_space<vmem>> -> memref<32x128xf32, #tpu.memory_space<vmem>>
    %dma_start3A_192 = arith.constant 0 : i32
    %dma_start3A_193 = tpu.memref_slice %arg3[%dma_start3A_192, %multiple_of3A_183] : memref<32x1000000xf32, #tpu.memory_space<hbm>> -> memref<32x128xf32, #tpu.memory_space<hbm>>
    tpu.enqueue_dma source(%dma_start3A_193 : memref<32x128xf32, #tpu.memory_space<hbm>>) target(%dma_start3A_191 : memref<32x128xf32, #tpu.memory_space<vmem>>) target_semaphore(%arg10 : memref<!tpu.dma_semaphore, #tpu.memory_space<semaphore_mem>>)
    %slice3A_194 = vector.extract_strided_slice %get3A_3 {offsets = [13], sizes = [1], strides = [1]} : vector<16xi32> to vector<1xi32>
    %squeeze3A_195 = vector.extract %slice3A_194[0] : i32 from vector<1xi32>
    %and3A_196 = arith.constant -128 : i32
    %and3A_197 = arith.andi %squeeze3A_195, %and3A_196 : i32
    %multiple_of3A_198 = tpu.assume_multiple %and3A_197, 128 : i32
    %dma_start3A_199 = arith.constant 160 : i32
    %dma_start3A_200 = arith.constant 0 : i32
    %dma_start3A_201 = tpu.memref_slice %arg7[%dma_start3A_199, %dma_start3A_200] : memref<256x128xf32, #tpu.memory_space<vmem>> -> memref<32x128xf32, #tpu.memory_space<vmem>>
    %dma_start3A_202 = arith.constant 0 : i32
    %dma_start3A_203 = tpu.memref_slice %arg3[%dma_start3A_202, %multiple_of3A_198] : memref<32x1000000xf32, #tpu.memory_space<hbm>> -> memref<32x128xf32, #tpu.memory_space<hbm>>
    %dma_start3A_204 = arith.constant 160 : i32
    %dma_start3A_205 = arith.constant 0 : i32
    %dma_start3A_206 = tpu.memref_slice %arg7[%dma_start3A_204, %dma_start3A_205] : memref<256x128xf32, #tpu.memory_space<vmem>> -> memref<32x128xf32, #tpu.memory_space<vmem>>
    %dma_start3A_207 = arith.constant 0 : i32
    %dma_start3A_208 = tpu.memref_slice %arg3[%dma_start3A_207, %multiple_of3A_198] : memref<32x1000000xf32, #tpu.memory_space<hbm>> -> memref<32x128xf32, #tpu.memory_space<hbm>>
    tpu.enqueue_dma source(%dma_start3A_208 : memref<32x128xf32, #tpu.memory_space<hbm>>) target(%dma_start3A_206 : memref<32x128xf32, #tpu.memory_space<vmem>>) target_semaphore(%arg10 : memref<!tpu.dma_semaphore, #tpu.memory_space<semaphore_mem>>)
    %slice3A_209 = vector.extract_strided_slice %get3A_3 {offsets = [14], sizes = [1], strides = [1]} : vector<16xi32> to vector<1xi32>
    %squeeze3A_210 = vector.extract %slice3A_209[0] : i32 from vector<1xi32>
    %and3A_211 = arith.constant -128 : i32
    %and3A_212 = arith.andi %squeeze3A_210, %and3A_211 : i32
    %multiple_of3A_213 = tpu.assume_multiple %and3A_212, 128 : i32
    %dma_start3A_214 = arith.constant 192 : i32
    %dma_start3A_215 = arith.constant 0 : i32
    %dma_start3A_216 = tpu.memref_slice %arg7[%dma_start3A_214, %dma_start3A_215] : memref<256x128xf32, #tpu.memory_space<vmem>> -> memref<32x128xf32, #tpu.memory_space<vmem>>
    %dma_start3A_217 = arith.constant 0 : i32
    %dma_start3A_218 = tpu.memref_slice %arg3[%dma_start3A_217, %multiple_of3A_213] : memref<32x1000000xf32, #tpu.memory_space<hbm>> -> memref<32x128xf32, #tpu.memory_space<hbm>>
    %dma_start3A_219 = arith.constant 192 : i32
    %dma_start3A_220 = arith.constant 0 : i32
    %dma_start3A_221 = tpu.memref_slice %arg7[%dma_start3A_219, %dma_start3A_220] : memref<256x128xf32, #tpu.memory_space<vmem>> -> memref<32x128xf32, #tpu.memory_space<vmem>>
    %dma_start3A_222 = arith.constant 0 : i32
    %dma_start3A_223 = tpu.memref_slice %arg3[%dma_start3A_222, %multiple_of3A_213] : memref<32x1000000xf32, #tpu.memory_space<hbm>> -> memref<32x128xf32, #tpu.memory_space<hbm>>
    tpu.enqueue_dma source(%dma_start3A_223 : memref<32x128xf32, #tpu.memory_space<hbm>>) target(%dma_start3A_221 : memref<32x128xf32, #tpu.memory_space<vmem>>) target_semaphore(%arg10 : memref<!tpu.dma_semaphore, #tpu.memory_space<semaphore_mem>>)
    %slice3A_224 = vector.extract_strided_slice %get3A_3 {offsets = [15], sizes = [1], strides = [1]} : vector<16xi32> to vector<1xi32>
    %squeeze3A_225 = vector.extract %slice3A_224[0] : i32 from vector<1xi32>
    %and3A_226 = arith.constant -128 : i32
    %and3A_227 = arith.andi %squeeze3A_225, %and3A_226 : i32
    %multiple_of3A_228 = tpu.assume_multiple %and3A_227, 128 : i32
    %dma_start3A_229 = arith.constant 224 : i32
    %dma_start3A_230 = arith.constant 0 : i32
    %dma_start3A_231 = tpu.memref_slice %arg7[%dma_start3A_229, %dma_start3A_230] : memref<256x128xf32, #tpu.memory_space<vmem>> -> memref<32x128xf32, #tpu.memory_space<vmem>>
    %dma_start3A_232 = arith.constant 0 : i32
    %dma_start3A_233 = tpu.memref_slice %arg3[%dma_start3A_232, %multiple_of3A_228] : memref<32x1000000xf32, #tpu.memory_space<hbm>> -> memref<32x128xf32, #tpu.memory_space<hbm>>
    %dma_start3A_234 = arith.constant 224 : i32
    %dma_start3A_235 = arith.constant 0 : i32
    %dma_start3A_236 = tpu.memref_slice %arg7[%dma_start3A_234, %dma_start3A_235] : memref<256x128xf32, #tpu.memory_space<vmem>> -> memref<32x128xf32, #tpu.memory_space<vmem>>
    %dma_start3A_237 = arith.constant 0 : i32
    %dma_start3A_238 = tpu.memref_slice %arg3[%dma_start3A_237, %multiple_of3A_228] : memref<32x1000000xf32, #tpu.memory_space<hbm>> -> memref<32x128xf32, #tpu.memory_space<hbm>>
    tpu.enqueue_dma source(%dma_start3A_238 : memref<32x128xf32, #tpu.memory_space<hbm>>) target(%dma_start3A_236 : memref<32x128xf32, #tpu.memory_space<vmem>>) target_semaphore(%arg10 : memref<!tpu.dma_semaphore, #tpu.memory_space<semaphore_mem>>)
    %scan3A = arith.constant 0 : i32
    %scan3A_239 = arith.constant 0 : i32
    %scan3A_240 = arith.constant 28 : i32
    %scan3A_241 = arith.addi %scan3A_239, %scan3A_240 : i32
    %scan3A_242 = arith.constant 1 : i32
    %scan3A_243 = scf.for %scan3A_247 = %scan3A_239 to %scan3A_241 step %scan3A_242 iter_args(%scan3A_248 = %scan3A) -> (i32)  : i32 {
      %mul3A_249 = arith.constant 16 : i32
      %mul3A_250 = arith.muli %scan3A_247, %mul3A_249 : i32
      %get3A_251 = arith.index_cast %mul3A_250 : i32 to index
      %get3A_252 = tpu.vector_load %arg5[%get3A_251] {strides = array<i32>} : memref<448xi32, #tpu.memory_space<vmem>>, vector<16xi32>,
      %dma_wait3A = arith.constant 0 : i32
      %dma_wait3A_253 = arith.constant 0 : i32
      %dma_wait3A_254 = tpu.memref_slice %arg6[%dma_wait3A, %dma_wait3A_253] : memref<256x128xf32, #tpu.memory_space<vmem>> -> memref<32x128xf32, #tpu.memory_space<vmem>>
      %dma_wait3A_255 = arith.constant 0 : i32
      %dma_wait3A_256 = arith.constant 0 : i32
      %dma_wait3A_257 = tpu.memref_slice %arg3[%dma_wait3A_255, %dma_wait3A_256] : memref<32x1000000xf32, #tpu.memory_space<hbm>> -> memref<32x128xf32, #tpu.memory_space<hbm>>
      %dma_wait3A_258 = arith.constant 0 : i32
      %dma_wait3A_259 = arith.constant 0 : i32
      %dma_wait3A_260 = tpu.memref_slice %arg6[%dma_wait3A_258, %dma_wait3A_259] : memref<256x128xf32, #tpu.memory_space<vmem>> -> memref<32x128xf32, #tpu.memory_space<vmem>>
      %dma_wait3A_261 = arith.constant 0 : i32
      %dma_wait3A_262 = arith.constant 0 : i32
      %dma_wait3A_263 = tpu.memref_slice %arg3[%dma_wait3A_261, %dma_wait3A_262] : memref<32x1000000xf32, #tpu.memory_space<hbm>> -> memref<32x128xf32, #tpu.memory_space<hbm>>
      tpu.wait_dma2 semaphore(%arg9 : memref<!tpu.dma_semaphore, #tpu.memory_space<semaphore_mem>>) src(%dma_wait3A_263 : memref<32x128xf32, #tpu.memory_space<hbm>>) dst(%dma_wait3A_260 : memref<32x128xf32, #tpu.memory_space<vmem>>)
      %dma_wait3A_264 = arith.constant 32 : i32
      %dma_wait3A_265 = arith.constant 0 : i32
      %dma_wait3A_266 = tpu.memref_slice %arg6[%dma_wait3A_264, %dma_wait3A_265] : memref<256x128xf32, #tpu.memory_space<vmem>> -> memref<32x128xf32, #tpu.memory_space<vmem>>
      %dma_wait3A_267 = arith.constant 0 : i32
      %dma_wait3A_268 = arith.constant 0 : i32
      %dma_wait3A_269 = tpu.memref_slice %arg3[%dma_wait3A_267, %dma_wait3A_268] : memref<32x1000000xf32, #tpu.memory_space<hbm>> -> memref<32x128xf32, #tpu.memory_space<hbm>>
      %dma_wait3A_270 = arith.constant 32 : i32
      %dma_wait3A_271 = arith.constant 0 : i32
      %dma_wait3A_272 = tpu.memref_slice %arg6[%dma_wait3A_270, %dma_wait3A_271] : memref<256x128xf32, #tpu.memory_space<vmem>> -> memref<32x128xf32, #tpu.memory_space<vmem>>
      %dma_wait3A_273 = arith.constant 0 : i32
      %dma_wait3A_274 = arith.constant 0 : i32
      %dma_wait3A_275 = tpu.memref_slice %arg3[%dma_wait3A_273, %dma_wait3A_274] : memref<32x1000000xf32, #tpu.memory_space<hbm>> -> memref<32x128xf32, #tpu.memory_space<hbm>>
      tpu.wait_dma2 semaphore(%arg9 : memref<!tpu.dma_semaphore, #tpu.memory_space<semaphore_mem>>) src(%dma_wait3A_275 : memref<32x128xf32, #tpu.memory_space<hbm>>) dst(%dma_wait3A_272 : memref<32x128xf32, #tpu.memory_space<vmem>>)
      %dma_wait3A_276 = arith.constant 64 : i32
      %dma_wait3A_277 = arith.constant 0 : i32
      %dma_wait3A_278 = tpu.memref_slice %arg6[%dma_wait3A_276, %dma_wait3A_277] : memref<256x128xf32, #tpu.memory_space<vmem>> -> memref<32x128xf32, #tpu.memory_space<vmem>>
      %dma_wait3A_279 = arith.constant 0 : i32
      %dma_wait3A_280 = arith.constant 0 : i32
      %dma_wait3A_281 = tpu.memref_slice %arg3[%dma_wait3A_279, %dma_wait3A_280] : memref<32x1000000xf32, #tpu.memory_space<hbm>> -> memref<32x128xf32, #tpu.memory_space<hbm>>
      %dma_wait3A_282 = arith.constant 64 : i32
      %dma_wait3A_283 = arith.constant 0 : i32
      %dma_wait3A_284 = tpu.memref_slice %arg6[%dma_wait3A_282, %dma_wait3A_283] : memref<256x128xf32, #tpu.memory_space<vmem>> -> memref<32x128xf32, #tpu.memory_space<vmem>>
      %dma_wait3A_285 = arith.constant 0 : i32
      %dma_wait3A_286 = arith.constant 0 : i32
      %dma_wait3A_287 = tpu.memref_slice %arg3[%dma_wait3A_285, %dma_wait3A_286] : memref<32x1000000xf32, #tpu.memory_space<hbm>> -> memref<32x128xf32, #tpu.memory_space<hbm>>
      tpu.wait_dma2 semaphore(%arg9 : memref<!tpu.dma_semaphore, #tpu.memory_space<semaphore_mem>>) src(%dma_wait3A_287 : memref<32x128xf32, #tpu.memory_space<hbm>>) dst(%dma_wait3A_284 : memref<32x128xf32, #tpu.memory_space<vmem>>)
      %dma_wait3A_288 = arith.constant 96 : i32
      %dma_wait3A_289 = arith.constant 0 : i32
      %dma_wait3A_290 = tpu.memref_slice %arg6[%dma_wait3A_288, %dma_wait3A_289] : memref<256x128xf32, #tpu.memory_space<vmem>> -> memref<32x128xf32, #tpu.memory_space<vmem>>
      %dma_wait3A_291 = arith.constant 0 : i32
      %dma_wait3A_292 = arith.constant 0 : i32
      %dma_wait3A_293 = tpu.memref_slice %arg3[%dma_wait3A_291, %dma_wait3A_292] : memref<32x1000000xf32, #tpu.memory_space<hbm>> -> memref<32x128xf32, #tpu.memory_space<hbm>>
      %dma_wait3A_294 = arith.constant 96 : i32
      %dma_wait3A_295 = arith.constant 0 : i32
      %dma_wait3A_296 = tpu.memref_slice %arg6[%dma_wait3A_294, %dma_wait3A_295] : memref<256x128xf32, #tpu.memory_space<vmem>> -> memref<32x128xf32, #tpu.memory_space<vmem>>
      %dma_wait3A_297 = arith.constant 0 : i32
      %dma_wait3A_298 = arith.constant 0 : i32
      %dma_wait3A_299 = tpu.memref_slice %arg3[%dma_wait3A_297, %dma_wait3A_298] : memref<32x1000000xf32, #tpu.memory_space<hbm>> -> memref<32x128xf32, #tpu.memory_space<hbm>>
      tpu.wait_dma2 semaphore(%arg9 : memref<!tpu.dma_semaphore, #tpu.memory_space<semaphore_mem>>) src(%dma_wait3A_299 : memref<32x128xf32, #tpu.memory_space<hbm>>) dst(%dma_wait3A_296 : memref<32x128xf32, #tpu.memory_space<vmem>>)
      %dma_wait3A_300 = arith.constant 128 : i32
      %dma_wait3A_301 = arith.constant 0 : i32
      %dma_wait3A_302 = tpu.memref_slice %arg6[%dma_wait3A_300, %dma_wait3A_301] : memref<256x128xf32, #tpu.memory_space<vmem>> -> memref<32x128xf32, #tpu.memory_space<vmem>>
      %dma_wait3A_303 = arith.constant 0 : i32
      %dma_wait3A_304 = arith.constant 0 : i32
      %dma_wait3A_305 = tpu.memref_slice %arg3[%dma_wait3A_303, %dma_wait3A_304] : memref<32x1000000xf32, #tpu.memory_space<hbm>> -> memref<32x128xf32, #tpu.memory_space<hbm>>
      %dma_wait3A_306 = arith.constant 128 : i32
      %dma_wait3A_307 = arith.constant 0 : i32
      %dma_wait3A_308 = tpu.memref_slice %arg6[%dma_wait3A_306, %dma_wait3A_307] : memref<256x128xf32, #tpu.memory_space<vmem>> -> memref<32x128xf32, #tpu.memory_space<vmem>>
      %dma_wait3A_309 = arith.constant 0 : i32
      %dma_wait3A_310 = arith.constant 0 : i32
      %dma_wait3A_311 = tpu.memref_slice %arg3[%dma_wait3A_309, %dma_wait3A_310] : memref<32x1000000xf32, #tpu.memory_space<hbm>> -> memref<32x128xf32, #tpu.memory_space<hbm>>
      tpu.wait_dma2 semaphore(%arg9 : memref<!tpu.dma_semaphore, #tpu.memory_space<semaphore_mem>>) src(%dma_wait3A_311 : memref<32x128xf32, #tpu.memory_space<hbm>>) dst(%dma_wait3A_308 : memref<32x128xf32, #tpu.memory_space<vmem>>)
      %dma_wait3A_312 = arith.constant 160 : i32
      %dma_wait3A_313 = arith.constant 0 : i32
      %dma_wait3A_314 = tpu.memref_slice %arg6[%dma_wait3A_312, %dma_wait3A_313] : memref<256x128xf32, #tpu.memory_space<vmem>> -> memref<32x128xf32, #tpu.memory_space<vmem>>
      %dma_wait3A_315 = arith.constant 0 : i32
      %dma_wait3A_316 = arith.constant 0 : i32
      %dma_wait3A_317 = tpu.memref_slice %arg3[%dma_wait3A_315, %dma_wait3A_316] : memref<32x1000000xf32, #tpu.memory_space<hbm>> -> memref<32x128xf32, #tpu.memory_space<hbm>>
      %dma_wait3A_318 = arith.constant 160 : i32
      %dma_wait3A_319 = arith.constant 0 : i32
      %dma_wait3A_320 = tpu.memref_slice %arg6[%dma_wait3A_318, %dma_wait3A_319] : memref<256x128xf32, #tpu.memory_space<vmem>> -> memref<32x128xf32, #tpu.memory_space<vmem>>
      %dma_wait3A_321 = arith.constant 0 : i32
      %dma_wait3A_322 = arith.constant 0 : i32
      %dma_wait3A_323 = tpu.memref_slice %arg3[%dma_wait3A_321, %dma_wait3A_322] : memref<32x1000000xf32, #tpu.memory_space<hbm>> -> memref<32x128xf32, #tpu.memory_space<hbm>>
      tpu.wait_dma2 semaphore(%arg9 : memref<!tpu.dma_semaphore, #tpu.memory_space<semaphore_mem>>) src(%dma_wait3A_323 : memref<32x128xf32, #tpu.memory_space<hbm>>) dst(%dma_wait3A_320 : memref<32x128xf32, #tpu.memory_space<vmem>>)
      %dma_wait3A_324 = arith.constant 192 : i32
      %dma_wait3A_325 = arith.constant 0 : i32
      %dma_wait3A_326 = tpu.memref_slice %arg6[%dma_wait3A_324, %dma_wait3A_325] : memref<256x128xf32, #tpu.memory_space<vmem>> -> memref<32x128xf32, #tpu.memory_space<vmem>>
      %dma_wait3A_327 = arith.constant 0 : i32
      %dma_wait3A_328 = arith.constant 0 : i32
      %dma_wait3A_329 = tpu.memref_slice %arg3[%dma_wait3A_327, %dma_wait3A_328] : memref<32x1000000xf32, #tpu.memory_space<hbm>> -> memref<32x128xf32, #tpu.memory_space<hbm>>
      %dma_wait3A_330 = arith.constant 192 : i32
      %dma_wait3A_331 = arith.constant 0 : i32
      %dma_wait3A_332 = tpu.memref_slice %arg6[%dma_wait3A_330, %dma_wait3A_331] : memref<256x128xf32, #tpu.memory_space<vmem>> -> memref<32x128xf32, #tpu.memory_space<vmem>>
      %dma_wait3A_333 = arith.constant 0 : i32
      %dma_wait3A_334 = arith.constant 0 : i32
      %dma_wait3A_335 = tpu.memref_slice %arg3[%dma_wait3A_333, %dma_wait3A_334] : memref<32x1000000xf32, #tpu.memory_space<hbm>> -> memref<32x128xf32, #tpu.memory_space<hbm>>
      tpu.wait_dma2 semaphore(%arg9 : memref<!tpu.dma_semaphore, #tpu.memory_space<semaphore_mem>>) src(%dma_wait3A_335 : memref<32x128xf32, #tpu.memory_space<hbm>>) dst(%dma_wait3A_332 : memref<32x128xf32, #tpu.memory_space<vmem>>)
      %dma_wait3A_336 = arith.constant 224 : i32
      %dma_wait3A_337 = arith.constant 0 : i32
      %dma_wait3A_338 = tpu.memref_slice %arg6[%dma_wait3A_336, %dma_wait3A_337] : memref<256x128xf32, #tpu.memory_space<vmem>> -> memref<32x128xf32, #tpu.memory_space<vmem>>
      %dma_wait3A_339 = arith.constant 0 : i32
      %dma_wait3A_340 = arith.constant 0 : i32
      %dma_wait3A_341 = tpu.memref_slice %arg3[%dma_wait3A_339, %dma_wait3A_340] : memref<32x1000000xf32, #tpu.memory_space<hbm>> -> memref<32x128xf32, #tpu.memory_space<hbm>>
      %dma_wait3A_342 = arith.constant 224 : i32
      %dma_wait3A_343 = arith.constant 0 : i32
      %dma_wait3A_344 = tpu.memref_slice %arg6[%dma_wait3A_342, %dma_wait3A_343] : memref<256x128xf32, #tpu.memory_space<vmem>> -> memref<32x128xf32, #tpu.memory_space<vmem>>
      %dma_wait3A_345 = arith.constant 0 : i32
      %dma_wait3A_346 = arith.constant 0 : i32
      %dma_wait3A_347 = tpu.memref_slice %arg3[%dma_wait3A_345, %dma_wait3A_346] : memref<32x1000000xf32, #tpu.memory_space<hbm>> -> memref<32x128xf32, #tpu.memory_space<hbm>>
      tpu.wait_dma2 semaphore(%arg9 : memref<!tpu.dma_semaphore, #tpu.memory_space<semaphore_mem>>) src(%dma_wait3A_347 : memref<32x128xf32, #tpu.memory_space<hbm>>) dst(%dma_wait3A_344 : memref<32x128xf32, #tpu.memory_space<vmem>>)
      %slice3A_348 = vector.extract_strided_slice %get3A_252 {offsets = [0], sizes = [1], strides = [1]} : vector<16xi32> to vector<1xi32>
      %squeeze3A_349 = vector.extract %slice3A_348[0] : i32 from vector<1xi32>
      %and3A_350 = arith.constant 127 : i32
      %and3A_351 = arith.andi %squeeze3A_349, %and3A_350 : i32
      %broadcast_in_dim3A = vector.broadcast %and3A_351 : i32 to vector<16xi32>
      %add3A_352 = arith.constant 0 : i32
      %add3A_353 = vector.broadcast %add3A_352 : i32 to vector<16xi32>
      %add3A_354 = arith.addi %add3A_353, %iota3A : vector<16xi32>
      %gather3A = tpu.vector_load_idx %arg6[%add3A_354, %broadcast_in_dim3A] : memref<256x128xf32, #tpu.memory_space<vmem>>[vector<16xi32>, vector<16xi32>], vector<16xf32>,
      %add3A_355 = arith.constant 16 : i32
      %add3A_356 = vector.broadcast %add3A_355 : i32 to vector<16xi32>
      %add3A_357 = arith.addi %add3A_356, %iota3A : vector<16xi32>
      %gather3A_358 = tpu.vector_load_idx %arg6[%add3A_357, %broadcast_in_dim3A] : memref<256x128xf32, #tpu.memory_space<vmem>>[vector<16xi32>, vector<16xi32>], vector<16xf32>,
      %add3A_359 = arith.constant 0 : i32
      %add3A_360 = arith.addi %mul3A_250, %add3A_359 : i32
      %shift_right_logical3A = arith.constant 2 : i32
      %shift_right_logical3A_361 = arith.shrui %add3A_360, %shift_right_logical3A : i32
      %and3A_362 = arith.constant 3 : i32
      %and3A_363 = arith.andi %add3A_360, %and3A_362 : i32
      %mul3A_364 = arith.constant 32 : i32
      %mul3A_365 = arith.muli %and3A_363, %mul3A_364 : i32
      %swap3A = arith.index_cast %shift_right_logical3A_361 : i32 to index
      %swap3A_366 = arith.index_cast %mul3A_365 : i32 to index
      %swap3A_367 = tpu.vector_load %arg8[%swap3A, %swap3A_366] {strides = array<i32>} : memref<112x128xf32, #tpu.memory_space<vmem>>, vector<16xf32>,
      tpu.vector_store %arg8[%swap3A, %swap3A_366], %gather3A {strides = array<i32>} : memref<112x128xf32, #tpu.memory_space<vmem>>, vector<16xf32>,
      %add3A_368 = arith.constant 16 : i32
      %add3A_369 = arith.addi %mul3A_365, %add3A_368 : i32
      %swap3A_370 = arith.index_cast %shift_right_logical3A_361 : i32 to index
      %swap3A_371 = arith.index_cast %add3A_369 : i32 to index
      %swap3A_372 = tpu.vector_load %arg8[%swap3A_370, %swap3A_371] {strides = array<i32>} : memref<112x128xf32, #tpu.memory_space<vmem>>, vector<16xf32>,
      tpu.vector_store %arg8[%swap3A_370, %swap3A_371], %gather3A_358 {strides = array<i32>} : memref<112x128xf32, #tpu.memory_space<vmem>>, vector<16xf32>,
      %slice3A_373 = vector.extract_strided_slice %get3A_252 {offsets = [1], sizes = [1], strides = [1]} : vector<16xi32> to vector<1xi32>
      %squeeze3A_374 = vector.extract %slice3A_373[0] : i32 from vector<1xi32>
      %and3A_375 = arith.constant 127 : i32
      %and3A_376 = arith.andi %squeeze3A_374, %and3A_375 : i32
      %broadcast_in_dim3A_377 = vector.broadcast %and3A_376 : i32 to vector<16xi32>
      %add3A_378 = arith.constant 32 : i32
      %add3A_379 = vector.broadcast %add3A_378 : i32 to vector<16xi32>
      %add3A_380 = arith.addi %add3A_379, %iota3A : vector<16xi32>
      %gather3A_381 = tpu.vector_load_idx %arg6[%add3A_380, %broadcast_in_dim3A_377] : memref<256x128xf32, #tpu.memory_space<vmem>>[vector<16xi32>, vector<16xi32>], vector<16xf32>,
      %add3A_382 = arith.constant 48 : i32
      %add3A_383 = vector.broadcast %add3A_382 : i32 to vector<16xi32>
      %add3A_384 = arith.addi %add3A_383, %iota3A : vector<16xi32>
      %gather3A_385 = tpu.vector_load_idx %arg6[%add3A_384, %broadcast_in_dim3A_377] : memref<256x128xf32, #tpu.memory_space<vmem>>[vector<16xi32>, vector<16xi32>], vector<16xf32>,
      %add3A_386 = arith.constant 1 : i32
      %add3A_387 = arith.addi %mul3A_250, %add3A_386 : i32
      %shift_right_logical3A_388 = arith.constant 2 : i32
      %shift_right_logical3A_389 = arith.shrui %add3A_387, %shift_right_logical3A_388 : i32
      %and3A_390 = arith.constant 3 : i32
      %and3A_391 = arith.andi %add3A_387, %and3A_390 : i32
      %mul3A_392 = arith.constant 32 : i32
      %mul3A_393 = arith.muli %and3A_391, %mul3A_392 : i32
      %swap3A_394 = arith.index_cast %shift_right_logical3A_389 : i32 to index
      %swap3A_395 = arith.index_cast %mul3A_393 : i32 to index
      %swap3A_396 = tpu.vector_load %arg8[%swap3A_394, %swap3A_395] {strides = array<i32>} : memref<112x128xf32, #tpu.memory_space<vmem>>, vector<16xf32>,
      tpu.vector_store %arg8[%swap3A_394, %swap3A_395], %gather3A_381 {strides = array<i32>} : memref<112x128xf32, #tpu.memory_space<vmem>>, vector<16xf32>,
      %add3A_397 = arith.constant 16 : i32
      %add3A_398 = arith.addi %mul3A_393, %add3A_397 : i32
      %swap3A_399 = arith.index_cast %shift_right_logical3A_389 : i32 to index
      %swap3A_400 = arith.index_cast %add3A_398 : i32 to index
      %swap3A_401 = tpu.vector_load %arg8[%swap3A_399, %swap3A_400] {strides = array<i32>} : memref<112x128xf32, #tpu.memory_space<vmem>>, vector<16xf32>,
      tpu.vector_store %arg8[%swap3A_399, %swap3A_400], %gather3A_385 {strides = array<i32>} : memref<112x128xf32, #tpu.memory_space<vmem>>, vector<16xf32>,
      %slice3A_402 = vector.extract_strided_slice %get3A_252 {offsets = [2], sizes = [1], strides = [1]} : vector<16xi32> to vector<1xi32>
      %squeeze3A_403 = vector.extract %slice3A_402[0] : i32 from vector<1xi32>
      %and3A_404 = arith.constant 127 : i32
      %and3A_405 = arith.andi %squeeze3A_403, %and3A_404 : i32
      %broadcast_in_dim3A_406 = vector.broadcast %and3A_405 : i32 to vector<16xi32>
      %add3A_407 = arith.constant 64 : i32
      %add3A_408 = vector.broadcast %add3A_407 : i32 to vector<16xi32>
      %add3A_409 = arith.addi %add3A_408, %iota3A : vector<16xi32>
      %gather3A_410 = tpu.vector_load_idx %arg6[%add3A_409, %broadcast_in_dim3A_406] : memref<256x128xf32, #tpu.memory_space<vmem>>[vector<16xi32>, vector<16xi32>], vector<16xf32>,
      %add3A_411 = arith.constant 80 : i32
      %add3A_412 = vector.broadcast %add3A_411 : i32 to vector<16xi32>
      %add3A_413 = arith.addi %add3A_412, %iota3A : vector<16xi32>
      %gather3A_414 = tpu.vector_load_idx %arg6[%add3A_413, %broadcast_in_dim3A_406] : memref<256x128xf32, #tpu.memory_space<vmem>>[vector<16xi32>, vector<16xi32>], vector<16xf32>,
      %add3A_415 = arith.constant 2 : i32
      %add3A_416 = arith.addi %mul3A_250, %add3A_415 : i32
      %shift_right_logical3A_417 = arith.constant 2 : i32
      %shift_right_logical3A_418 = arith.shrui %add3A_416, %shift_right_logical3A_417 : i32
      %and3A_419 = arith.constant 3 : i32
      %and3A_420 = arith.andi %add3A_416, %and3A_419 : i32
      %mul3A_421 = arith.constant 32 : i32
      %mul3A_422 = arith.muli %and3A_420, %mul3A_421 : i32
      %swap3A_423 = arith.index_cast %shift_right_logical3A_418 : i32 to index
      %swap3A_424 = arith.index_cast %mul3A_422 : i32 to index
      %swap3A_425 = tpu.vector_load %arg8[%swap3A_423, %swap3A_424] {strides = array<i32>} : memref<112x128xf32, #tpu.memory_space<vmem>>, vector<16xf32>,
      tpu.vector_store %arg8[%swap3A_423, %swap3A_424], %gather3A_410 {strides = array<i32>} : memref<112x128xf32, #tpu.memory_space<vmem>>, vector<16xf32>,
      %add3A_426 = arith.constant 16 : i32
      %add3A_427 = arith.addi %mul3A_422, %add3A_426 : i32
      %swap3A_428 = arith.index_cast %shift_right_logical3A_418 : i32 to index
      %swap3A_429 = arith.index_cast %add3A_427 : i32 to index
      %swap3A_430 = tpu.vector_load %arg8[%swap3A_428, %swap3A_429] {strides = array<i32>} : memref<112x128xf32, #tpu.memory_space<vmem>>, vector<16xf32>,
      tpu.vector_store %arg8[%swap3A_428, %swap3A_429], %gather3A_414 {strides = array<i32>} : memref<112x128xf32, #tpu.memory_space<vmem>>, vector<16xf32>,
      %slice3A_431 = vector.extract_strided_slice %get3A_252 {offsets = [3], sizes = [1], strides = [1]} : vector<16xi32> to vector<1xi32>
      %squeeze3A_432 = vector.extract %slice3A_431[0] : i32 from vector<1xi32>
      %and3A_433 = arith.constant 127 : i32
      %and3A_434 = arith.andi %squeeze3A_432, %and3A_433 : i32
      %broadcast_in_dim3A_435 = vector.broadcast %and3A_434 : i32 to vector<16xi32>
      %add3A_436 = arith.constant 96 : i32
      %add3A_437 = vector.broadcast %add3A_436 : i32 to vector<16xi32>
      %add3A_438 = arith.addi %add3A_437, %iota3A : vector<16xi32>
      %gather3A_439 = tpu.vector_load_idx %arg6[%add3A_438, %broadcast_in_dim3A_435] : memref<256x128xf32, #tpu.memory_space<vmem>>[vector<16xi32>, vector<16xi32>], vector<16xf32>,
      %add3A_440 = arith.constant 112 : i32
      %add3A_441 = vector.broadcast %add3A_440 : i32 to vector<16xi32>
      %add3A_442 = arith.addi %add3A_441, %iota3A : vector<16xi32>
      %gather3A_443 = tpu.vector_load_idx %arg6[%add3A_442, %broadcast_in_dim3A_435] : memref<256x128xf32, #tpu.memory_space<vmem>>[vector<16xi32>, vector<16xi32>], vector<16xf32>,
      %add3A_444 = arith.constant 3 : i32
      %add3A_445 = arith.addi %mul3A_250, %add3A_444 : i32
      %shift_right_logical3A_446 = arith.constant 2 : i32
      %shift_right_logical3A_447 = arith.shrui %add3A_445, %shift_right_logical3A_446 : i32
      %and3A_448 = arith.constant 3 : i32
      %and3A_449 = arith.andi %add3A_445, %and3A_448 : i32
      %mul3A_450 = arith.constant 32 : i32
      %mul3A_451 = arith.muli %and3A_449, %mul3A_450 : i32
      %swap3A_452 = arith.index_cast %shift_right_logical3A_447 : i32 to index
      %swap3A_453 = arith.index_cast %mul3A_451 : i32 to index
      %swap3A_454 = tpu.vector_load %arg8[%swap3A_452, %swap3A_453] {strides = array<i32>} : memref<112x128xf32, #tpu.memory_space<vmem>>, vector<16xf32>,
      tpu.vector_store %arg8[%swap3A_452, %swap3A_453], %gather3A_439 {strides = array<i32>} : memref<112x128xf32, #tpu.memory_space<vmem>>, vector<16xf32>,
      %add3A_455 = arith.constant 16 : i32
      %add3A_456 = arith.addi %mul3A_451, %add3A_455 : i32
      %swap3A_457 = arith.index_cast %shift_right_logical3A_447 : i32 to index
      %swap3A_458 = arith.index_cast %add3A_456 : i32 to index
      %swap3A_459 = tpu.vector_load %arg8[%swap3A_457, %swap3A_458] {strides = array<i32>} : memref<112x128xf32, #tpu.memory_space<vmem>>, vector<16xf32>,
      tpu.vector_store %arg8[%swap3A_457, %swap3A_458], %gather3A_443 {strides = array<i32>} : memref<112x128xf32, #tpu.memory_space<vmem>>, vector<16xf32>,
      %slice3A_460 = vector.extract_strided_slice %get3A_252 {offsets = [4], sizes = [1], strides = [1]} : vector<16xi32> to vector<1xi32>
      %squeeze3A_461 = vector.extract %slice3A_460[0] : i32 from vector<1xi32>
      %and3A_462 = arith.constant 127 : i32
      %and3A_463 = arith.andi %squeeze3A_461, %and3A_462 : i32
      %broadcast_in_dim3A_464 = vector.broadcast %and3A_463 : i32 to vector<16xi32>
      %add3A_465 = arith.constant 128 : i32
      %add3A_466 = vector.broadcast %add3A_465 : i32 to vector<16xi32>
      %add3A_467 = arith.addi %add3A_466, %iota3A : vector<16xi32>
      %gather3A_468 = tpu.vector_load_idx %arg6[%add3A_467, %broadcast_in_dim3A_464] : memref<256x128xf32, #tpu.memory_space<vmem>>[vector<16xi32>, vector<16xi32>], vector<16xf32>,
      %add3A_469 = arith.constant 144 : i32
      %add3A_470 = vector.broadcast %add3A_469 : i32 to vector<16xi32>
      %add3A_471 = arith.addi %add3A_470, %iota3A : vector<16xi32>
      %gather3A_472 = tpu.vector_load_idx %arg6[%add3A_471, %broadcast_in_dim3A_464] : memref<256x128xf32, #tpu.memory_space<vmem>>[vector<16xi32>, vector<16xi32>], vector<16xf32>,
      %add3A_473 = arith.constant 4 : i32
      %add3A_474 = arith.addi %mul3A_250, %add3A_473 : i32
      %shift_right_logical3A_475 = arith.constant 2 : i32
      %shift_right_logical3A_476 = arith.shrui %add3A_474, %shift_right_logical3A_475 : i32
      %and3A_477 = arith.constant 3 : i32
      %and3A_478 = arith.andi %add3A_474, %and3A_477 : i32
      %mul3A_479 = arith.constant 32 : i32
      %mul3A_480 = arith.muli %and3A_478, %mul3A_479 : i32
      %swap3A_481 = arith.index_cast %shift_right_logical3A_476 : i32 to index
      %swap3A_482 = arith.index_cast %mul3A_480 : i32 to index
      %swap3A_483 = tpu.vector_load %arg8[%swap3A_481, %swap3A_482] {strides = array<i32>} : memref<112x128xf32, #tpu.memory_space<vmem>>, vector<16xf32>,
      tpu.vector_store %arg8[%swap3A_481, %swap3A_482], %gather3A_468 {strides = array<i32>} : memref<112x128xf32, #tpu.memory_space<vmem>>, vector<16xf32>,
      %add3A_484 = arith.constant 16 : i32
      %add3A_485 = arith.addi %mul3A_480, %add3A_484 : i32
      %swap3A_486 = arith.index_cast %shift_right_logical3A_476 : i32 to index
      %swap3A_487 = arith.index_cast %add3A_485 : i32 to index
      %swap3A_488 = tpu.vector_load %arg8[%swap3A_486, %swap3A_487] {strides = array<i32>} : memref<112x128xf32, #tpu.memory_space<vmem>>, vector<16xf32>,
      tpu.vector_store %arg8[%swap3A_486, %swap3A_487], %gather3A_472 {strides = array<i32>} : memref<112x128xf32, #tpu.memory_space<vmem>>, vector<16xf32>,
      %slice3A_489 = vector.extract_strided_slice %get3A_252 {offsets = [5], sizes = [1], strides = [1]} : vector<16xi32> to vector<1xi32>
      %squeeze3A_490 = vector.extract %slice3A_489[0] : i32 from vector<1xi32>
      %and3A_491 = arith.constant 127 : i32
      %and3A_492 = arith.andi %squeeze3A_490, %and3A_491 : i32
      %broadcast_in_dim3A_493 = vector.broadcast %and3A_492 : i32 to vector<16xi32>
      %add3A_494 = arith.constant 160 : i32
      %add3A_495 = vector.broadcast %add3A_494 : i32 to vector<16xi32>
      %add3A_496 = arith.addi %add3A_495, %iota3A : vector<16xi32>
      %gather3A_497 = tpu.vector_load_idx %arg6[%add3A_496, %broadcast_in_dim3A_493] : memref<256x128xf32, #tpu.memory_space<vmem>>[vector<16xi32>, vector<16xi32>], vector<16xf32>,
      %add3A_498 = arith.constant 176 : i32
      %add3A_499 = vector.broadcast %add3A_498 : i32 to vector<16xi32>
      %add3A_500 = arith.addi %add3A_499, %iota3A : vector<16xi32>
      %gather3A_501 = tpu.vector_load_idx %arg6[%add3A_500, %broadcast_in_dim3A_493] : memref<256x128xf32, #tpu.memory_space<vmem>>[vector<16xi32>, vector<16xi32>], vector<16xf32>,
      %add3A_502 = arith.constant 5 : i32
      %add3A_503 = arith.addi %mul3A_250, %add3A_502 : i32
      %shift_right_logical3A_504 = arith.constant 2 : i32
      %shift_right_logical3A_505 = arith.shrui %add3A_503, %shift_right_logical3A_504 : i32
      %and3A_506 = arith.constant 3 : i32
      %and3A_507 = arith.andi %add3A_503, %and3A_506 : i32
      %mul3A_508 = arith.constant 32 : i32
      %mul3A_509 = arith.muli %and3A_507, %mul3A_508 : i32
      %swap3A_510 = arith.index_cast %shift_right_logical3A_505 : i32 to index
      %swap3A_511 = arith.index_cast %mul3A_509 : i32 to index
      %swap3A_512 = tpu.vector_load %arg8[%swap3A_510, %swap3A_511] {strides = array<i32>} : memref<112x128xf32, #tpu.memory_space<vmem>>, vector<16xf32>,
      tpu.vector_store %arg8[%swap3A_510, %swap3A_511], %gather3A_497 {strides = array<i32>} : memref<112x128xf32, #tpu.memory_space<vmem>>, vector<16xf32>,
      %add3A_513 = arith.constant 16 : i32
      %add3A_514 = arith.addi %mul3A_509, %add3A_513 : i32
      %swap3A_515 = arith.index_cast %shift_right_logical3A_505 : i32 to index
      %swap3A_516 = arith.index_cast %add3A_514 : i32 to index
      %swap3A_517 = tpu.vector_load %arg8[%swap3A_515, %swap3A_516] {strides = array<i32>} : memref<112x128xf32, #tpu.memory_space<vmem>>, vector<16xf32>,
      tpu.vector_store %arg8[%swap3A_515, %swap3A_516], %gather3A_501 {strides = array<i32>} : memref<112x128xf32, #tpu.memory_space<vmem>>, vector<16xf32>,
      %slice3A_518 = vector.extract_strided_slice %get3A_252 {offsets = [6], sizes = [1], strides = [1]} : vector<16xi32> to vector<1xi32>
      %squeeze3A_519 = vector.extract %slice3A_518[0] : i32 from vector<1xi32>
      %and3A_520 = arith.constant 127 : i32
      %and3A_521 = arith.andi %squeeze3A_519, %and3A_520 : i32
      %broadcast_in_dim3A_522 = vector.broadcast %and3A_521 : i32 to vector<16xi32>
      %add3A_523 = arith.constant 192 : i32
      %add3A_524 = vector.broadcast %add3A_523 : i32 to vector<16xi32>
      %add3A_525 = arith.addi %add3A_524, %iota3A : vector<16xi32>
      %gather3A_526 = tpu.vector_load_idx %arg6[%add3A_525, %broadcast_in_dim3A_522] : memref<256x128xf32, #tpu.memory_space<vmem>>[vector<16xi32>, vector<16xi32>], vector<16xf32>,
      %add3A_527 = arith.constant 208 : i32
      %add3A_528 = vector.broadcast %add3A_527 : i32 to vector<16xi32>
      %add3A_529 = arith.addi %add3A_528, %iota3A : vector<16xi32>
      %gather3A_530 = tpu.vector_load_idx %arg6[%add3A_529, %broadcast_in_dim3A_522] : memref<256x128xf32, #tpu.memory_space<vmem>>[vector<16xi32>, vector<16xi32>], vector<16xf32>,
      %add3A_531 = arith.constant 6 : i32
      %add3A_532 = arith.addi %mul3A_250, %add3A_531 : i32
      %shift_right_logical3A_533 = arith.constant 2 : i32
      %shift_right_logical3A_534 = arith.shrui %add3A_532, %shift_right_logical3A_533 : i32
      %and3A_535 = arith.constant 3 : i32
      %and3A_536 = arith.andi %add3A_532, %and3A_535 : i32
      %mul3A_537 = arith.constant 32 : i32
      %mul3A_538 = arith.muli %and3A_536, %mul3A_537 : i32
      %swap3A_539 = arith.index_cast %shift_right_logical3A_534 : i32 to index
      %swap3A_540 = arith.index_cast %mul3A_538 : i32 to index
      %swap3A_541 = tpu.vector_load %arg8[%swap3A_539, %swap3A_540] {strides = array<i32>} : memref<112x128xf32, #tpu.memory_space<vmem>>, vector<16xf32>,
      tpu.vector_store %arg8[%swap3A_539, %swap3A_540], %gather3A_526 {strides = array<i32>} : memref<112x128xf32, #tpu.memory_space<vmem>>, vector<16xf32>,
      %add3A_542 = arith.constant 16 : i32
      %add3A_543 = arith.addi %mul3A_538, %add3A_542 : i32
      %swap3A_544 = arith.index_cast %shift_right_logical3A_534 : i32 to index
      %swap3A_545 = arith.index_cast %add3A_543 : i32 to index
      %swap3A_546 = tpu.vector_load %arg8[%swap3A_544, %swap3A_545] {strides = array<i32>} : memref<112x128xf32, #tpu.memory_space<vmem>>, vector<16xf32>,
      tpu.vector_store %arg8[%swap3A_544, %swap3A_545], %gather3A_530 {strides = array<i32>} : memref<112x128xf32, #tpu.memory_space<vmem>>, vector<16xf32>,
      %slice3A_547 = vector.extract_strided_slice %get3A_252 {offsets = [7], sizes = [1], strides = [1]} : vector<16xi32> to vector<1xi32>
      %squeeze3A_548 = vector.extract %slice3A_547[0] : i32 from vector<1xi32>
      %and3A_549 = arith.constant 127 : i32
      %and3A_550 = arith.andi %squeeze3A_548, %and3A_549 : i32
      %broadcast_in_dim3A_551 = vector.broadcast %and3A_550 : i32 to vector<16xi32>
      %add3A_552 = arith.constant 224 : i32
      %add3A_553 = vector.broadcast %add3A_552 : i32 to vector<16xi32>
      %add3A_554 = arith.addi %add3A_553, %iota3A : vector<16xi32>
      %gather3A_555 = tpu.vector_load_idx %arg6[%add3A_554, %broadcast_in_dim3A_551] : memref<256x128xf32, #tpu.memory_space<vmem>>[vector<16xi32>, vector<16xi32>], vector<16xf32>,
      %add3A_556 = arith.constant 240 : i32
      %add3A_557 = vector.broadcast %add3A_556 : i32 to vector<16xi32>
      %add3A_558 = arith.addi %add3A_557, %iota3A : vector<16xi32>
      %gather3A_559 = tpu.vector_load_idx %arg6[%add3A_558, %broadcast_in_dim3A_551] : memref<256x128xf32, #tpu.memory_space<vmem>>[vector<16xi32>, vector<16xi32>], vector<16xf32>,
      %add3A_560 = arith.constant 7 : i32
      %add3A_561 = arith.addi %mul3A_250, %add3A_560 : i32
      %shift_right_logical3A_562 = arith.constant 2 : i32
      %shift_right_logical3A_563 = arith.shrui %add3A_561, %shift_right_logical3A_562 : i32
      %and3A_564 = arith.constant 3 : i32
      %and3A_565 = arith.andi %add3A_561, %and3A_564 : i32
      %mul3A_566 = arith.constant 32 : i32
      %mul3A_567 = arith.muli %and3A_565, %mul3A_566 : i32
      %swap3A_568 = arith.index_cast %shift_right_logical3A_563 : i32 to index
      %swap3A_569 = arith.index_cast %mul3A_567 : i32 to index
      %swap3A_570 = tpu.vector_load %arg8[%swap3A_568, %swap3A_569] {strides = array<i32>} : memref<112x128xf32, #tpu.memory_space<vmem>>, vector<16xf32>,
      tpu.vector_store %arg8[%swap3A_568, %swap3A_569], %gather3A_555 {strides = array<i32>} : memref<112x128xf32, #tpu.memory_space<vmem>>, vector<16xf32>,
      %add3A_571 = arith.constant 16 : i32
      %add3A_572 = arith.addi %mul3A_567, %add3A_571 : i32
      %swap3A_573 = arith.index_cast %shift_right_logical3A_563 : i32 to index
      %swap3A_574 = arith.index_cast %add3A_572 : i32 to index
      %swap3A_575 = tpu.vector_load %arg8[%swap3A_573, %swap3A_574] {strides = array<i32>} : memref<112x128xf32, #tpu.memory_space<vmem>>, vector<16xf32>,
      tpu.vector_store %arg8[%swap3A_573, %swap3A_574], %gather3A_559 {strides = array<i32>} : memref<112x128xf32, #tpu.memory_space<vmem>>, vector<16xf32>,
      %lt3A = arith.constant 27 : i32
      %lt3A_576 = arith.cmpi slt, %scan3A_247, %lt3A : i32
      %convert_element_type3A = arith.extui %lt3A_576 : i1 to i32
      %cond3A = arith.constant 0 : i32
      %cond3A_577 = arith.cmpi ne, %convert_element_type3A, %cond3A : i32
      scf.if %cond3A_577 {
        %add3A_914 = arith.constant 16 : i32
        %add3A_915 = arith.addi %mul3A_250, %add3A_914 : i32
        %get3A_916 = arith.index_cast %add3A_915 : i32 to index
        %get3A_917 = tpu.vector_load %arg5[%get3A_916] {strides = array<i32>} : memref<448xi32, #tpu.memory_space<vmem>>, vector<16xi32>,
        %slice3A_918 = vector.extract_strided_slice %get3A_917 {offsets = [0], sizes = [1], strides = [1]} : vector<16xi32> to vector<1xi32>
        %squeeze3A_919 = vector.extract %slice3A_918[0] : i32 from vector<1xi32>
        %and3A_920 = arith.constant -128 : i32
        %and3A_921 = arith.andi %squeeze3A_919, %and3A_920 : i32
        %multiple_of3A_922 = tpu.assume_multiple %and3A_921, 128 : i32
        %dma_start3A_923 = arith.constant 0 : i32
        %dma_start3A_924 = arith.constant 0 : i32
        %dma_start3A_925 = tpu.memref_slice %arg6[%dma_start3A_923, %dma_start3A_924] : memref<256x128xf32, #tpu.memory_space<vmem>> -> memref<32x128xf32, #tpu.memory_space<vmem>>
        %dma_start3A_926 = arith.constant 0 : i32
        %dma_start3A_927 = tpu.memref_slice %arg3[%dma_start3A_926, %multiple_of3A_922] : memref<32x1000000xf32, #tpu.memory_space<hbm>> -> memref<32x128xf32, #tpu.memory_space<hbm>>
        %dma_start3A_928 = arith.constant 0 : i32
        %dma_start3A_929 = arith.constant 0 : i32
        %dma_start3A_930 = tpu.memref_slice %arg6[%dma_start3A_928, %dma_start3A_929] : memref<256x128xf32, #tpu.memory_space<vmem>> -> memref<32x128xf32, #tpu.memory_space<vmem>>
        %dma_start3A_931 = arith.constant 0 : i32
        %dma_start3A_932 = tpu.memref_slice %arg3[%dma_start3A_931, %multiple_of3A_922] : memref<32x1000000xf32, #tpu.memory_space<hbm>> -> memref<32x128xf32, #tpu.memory_space<hbm>>
        tpu.enqueue_dma source(%dma_start3A_932 : memref<32x128xf32, #tpu.memory_space<hbm>>) target(%dma_start3A_930 : memref<32x128xf32, #tpu.memory_space<vmem>>) target_semaphore(%arg9 : memref<!tpu.dma_semaphore, #tpu.memory_space<semaphore_mem>>)
        %slice3A_933 = vector.extract_strided_slice %get3A_917 {offsets = [1], sizes = [1], strides = [1]} : vector<16xi32> to vector<1xi32>
        %squeeze3A_934 = vector.extract %slice3A_933[0] : i32 from vector<1xi32>
        %and3A_935 = arith.constant -128 : i32
        %and3A_936 = arith.andi %squeeze3A_934, %and3A_935 : i32
        %multiple_of3A_937 = tpu.assume_multiple %and3A_936, 128 : i32
        %dma_start3A_938 = arith.constant 32 : i32
        %dma_start3A_939 = arith.constant 0 : i32
        %dma_start3A_940 = tpu.memref_slice %arg6[%dma_start3A_938, %dma_start3A_939] : memref<256x128xf32, #tpu.memory_space<vmem>> -> memref<32x128xf32, #tpu.memory_space<vmem>>
        %dma_start3A_941 = arith.constant 0 : i32
        %dma_start3A_942 = tpu.memref_slice %arg3[%dma_start3A_941, %multiple_of3A_937] : memref<32x1000000xf32, #tpu.memory_space<hbm>> -> memref<32x128xf32, #tpu.memory_space<hbm>>
        %dma_start3A_943 = arith.constant 32 : i32
        %dma_start3A_944 = arith.constant 0 : i32
        %dma_start3A_945 = tpu.memref_slice %arg6[%dma_start3A_943, %dma_start3A_944] : memref<256x128xf32, #tpu.memory_space<vmem>> -> memref<32x128xf32, #tpu.memory_space<vmem>>
        %dma_start3A_946 = arith.constant 0 : i32
        %dma_start3A_947 = tpu.memref_slice %arg3[%dma_start3A_946, %multiple_of3A_937] : memref<32x1000000xf32, #tpu.memory_space<hbm>> -> memref<32x128xf32, #tpu.memory_space<hbm>>
        tpu.enqueue_dma source(%dma_start3A_947 : memref<32x128xf32, #tpu.memory_space<hbm>>) target(%dma_start3A_945 : memref<32x128xf32, #tpu.memory_space<vmem>>) target_semaphore(%arg9 : memref<!tpu.dma_semaphore, #tpu.memory_space<semaphore_mem>>)
        %slice3A_948 = vector.extract_strided_slice %get3A_917 {offsets = [2], sizes = [1], strides = [1]} : vector<16xi32> to vector<1xi32>
        %squeeze3A_949 = vector.extract %slice3A_948[0] : i32 from vector<1xi32>
        %and3A_950 = arith.constant -128 : i32
        %and3A_951 = arith.andi %squeeze3A_949, %and3A_950 : i32
        %multiple_of3A_952 = tpu.assume_multiple %and3A_951, 128 : i32
        %dma_start3A_953 = arith.constant 64 : i32
        %dma_start3A_954 = arith.constant 0 : i32
        %dma_start3A_955 = tpu.memref_slice %arg6[%dma_start3A_953, %dma_start3A_954] : memref<256x128xf32, #tpu.memory_space<vmem>> -> memref<32x128xf32, #tpu.memory_space<vmem>>
        %dma_start3A_956 = arith.constant 0 : i32
        %dma_start3A_957 = tpu.memref_slice %arg3[%dma_start3A_956, %multiple_of3A_952] : memref<32x1000000xf32, #tpu.memory_space<hbm>> -> memref<32x128xf32, #tpu.memory_space<hbm>>
        %dma_start3A_958 = arith.constant 64 : i32
        %dma_start3A_959 = arith.constant 0 : i32
        %dma_start3A_960 = tpu.memref_slice %arg6[%dma_start3A_958, %dma_start3A_959] : memref<256x128xf32, #tpu.memory_space<vmem>> -> memref<32x128xf32, #tpu.memory_space<vmem>>
        %dma_start3A_961 = arith.constant 0 : i32
        %dma_start3A_962 = tpu.memref_slice %arg3[%dma_start3A_961, %multiple_of3A_952] : memref<32x1000000xf32, #tpu.memory_space<hbm>> -> memref<32x128xf32, #tpu.memory_space<hbm>>
        tpu.enqueue_dma source(%dma_start3A_962 : memref<32x128xf32, #tpu.memory_space<hbm>>) target(%dma_start3A_960 : memref<32x128xf32, #tpu.memory_space<vmem>>) target_semaphore(%arg9 : memref<!tpu.dma_semaphore, #tpu.memory_space<semaphore_mem>>)
        %slice3A_963 = vector.extract_strided_slice %get3A_917 {offsets = [3], sizes = [1], strides = [1]} : vector<16xi32> to vector<1xi32>
        %squeeze3A_964 = vector.extract %slice3A_963[0] : i32 from vector<1xi32>
        %and3A_965 = arith.constant -128 : i32
        %and3A_966 = arith.andi %squeeze3A_964, %and3A_965 : i32
        %multiple_of3A_967 = tpu.assume_multiple %and3A_966, 128 : i32
        %dma_start3A_968 = arith.constant 96 : i32
        %dma_start3A_969 = arith.constant 0 : i32
        %dma_start3A_970 = tpu.memref_slice %arg6[%dma_start3A_968, %dma_start3A_969] : memref<256x128xf32, #tpu.memory_space<vmem>> -> memref<32x128xf32, #tpu.memory_space<vmem>>
        %dma_start3A_971 = arith.constant 0 : i32
        %dma_start3A_972 = tpu.memref_slice %arg3[%dma_start3A_971, %multiple_of3A_967] : memref<32x1000000xf32, #tpu.memory_space<hbm>> -> memref<32x128xf32, #tpu.memory_space<hbm>>
        %dma_start3A_973 = arith.constant 96 : i32
        %dma_start3A_974 = arith.constant 0 : i32
        %dma_start3A_975 = tpu.memref_slice %arg6[%dma_start3A_973, %dma_start3A_974] : memref<256x128xf32, #tpu.memory_space<vmem>> -> memref<32x128xf32, #tpu.memory_space<vmem>>
        %dma_start3A_976 = arith.constant 0 : i32
        %dma_start3A_977 = tpu.memref_slice %arg3[%dma_start3A_976, %multiple_of3A_967] : memref<32x1000000xf32, #tpu.memory_space<hbm>> -> memref<32x128xf32, #tpu.memory_space<hbm>>
        tpu.enqueue_dma source(%dma_start3A_977 : memref<32x128xf32, #tpu.memory_space<hbm>>) target(%dma_start3A_975 : memref<32x128xf32, #tpu.memory_space<vmem>>) target_semaphore(%arg9 : memref<!tpu.dma_semaphore, #tpu.memory_space<semaphore_mem>>)
        %slice3A_978 = vector.extract_strided_slice %get3A_917 {offsets = [4], sizes = [1], strides = [1]} : vector<16xi32> to vector<1xi32>
        %squeeze3A_979 = vector.extract %slice3A_978[0] : i32 from vector<1xi32>
        %and3A_980 = arith.constant -128 : i32
        %and3A_981 = arith.andi %squeeze3A_979, %and3A_980 : i32
        %multiple_of3A_982 = tpu.assume_multiple %and3A_981, 128 : i32
        %dma_start3A_983 = arith.constant 128 : i32
        %dma_start3A_984 = arith.constant 0 : i32
        %dma_start3A_985 = tpu.memref_slice %arg6[%dma_start3A_983, %dma_start3A_984] : memref<256x128xf32, #tpu.memory_space<vmem>> -> memref<32x128xf32, #tpu.memory_space<vmem>>
        %dma_start3A_986 = arith.constant 0 : i32
        %dma_start3A_987 = tpu.memref_slice %arg3[%dma_start3A_986, %multiple_of3A_982] : memref<32x1000000xf32, #tpu.memory_space<hbm>> -> memref<32x128xf32, #tpu.memory_space<hbm>>
        %dma_start3A_988 = arith.constant 128 : i32
        %dma_start3A_989 = arith.constant 0 : i32
        %dma_start3A_990 = tpu.memref_slice %arg6[%dma_start3A_988, %dma_start3A_989] : memref<256x128xf32, #tpu.memory_space<vmem>> -> memref<32x128xf32, #tpu.memory_space<vmem>>
        %dma_start3A_991 = arith.constant 0 : i32
        %dma_start3A_992 = tpu.memref_slice %arg3[%dma_start3A_991, %multiple_of3A_982] : memref<32x1000000xf32, #tpu.memory_space<hbm>> -> memref<32x128xf32, #tpu.memory_space<hbm>>
        tpu.enqueue_dma source(%dma_start3A_992 : memref<32x128xf32, #tpu.memory_space<hbm>>) target(%dma_start3A_990 : memref<32x128xf32, #tpu.memory_space<vmem>>) target_semaphore(%arg9 : memref<!tpu.dma_semaphore, #tpu.memory_space<semaphore_mem>>)
        %slice3A_993 = vector.extract_strided_slice %get3A_917 {offsets = [5], sizes = [1], strides = [1]} : vector<16xi32> to vector<1xi32>
        %squeeze3A_994 = vector.extract %slice3A_993[0] : i32 from vector<1xi32>
        %and3A_995 = arith.constant -128 : i32
        %and3A_996 = arith.andi %squeeze3A_994, %and3A_995 : i32
        %multiple_of3A_997 = tpu.assume_multiple %and3A_996, 128 : i32
        %dma_start3A_998 = arith.constant 160 : i32
        %dma_start3A_999 = arith.constant 0 : i32
        %dma_start3A_1000 = tpu.memref_slice %arg6[%dma_start3A_998, %dma_start3A_999] : memref<256x128xf32, #tpu.memory_space<vmem>> -> memref<32x128xf32, #tpu.memory_space<vmem>>
        %dma_start3A_1001 = arith.constant 0 : i32
        %dma_start3A_1002 = tpu.memref_slice %arg3[%dma_start3A_1001, %multiple_of3A_997] : memref<32x1000000xf32, #tpu.memory_space<hbm>> -> memref<32x128xf32, #tpu.memory_space<hbm>>
        %dma_start3A_1003 = arith.constant 160 : i32
        %dma_start3A_1004 = arith.constant 0 : i32
        %dma_start3A_1005 = tpu.memref_slice %arg6[%dma_start3A_1003, %dma_start3A_1004] : memref<256x128xf32, #tpu.memory_space<vmem>> -> memref<32x128xf32, #tpu.memory_space<vmem>>
        %dma_start3A_1006 = arith.constant 0 : i32
        %dma_start3A_1007 = tpu.memref_slice %arg3[%dma_start3A_1006, %multiple_of3A_997] : memref<32x1000000xf32, #tpu.memory_space<hbm>> -> memref<32x128xf32, #tpu.memory_space<hbm>>
        tpu.enqueue_dma source(%dma_start3A_1007 : memref<32x128xf32, #tpu.memory_space<hbm>>) target(%dma_start3A_1005 : memref<32x128xf32, #tpu.memory_space<vmem>>) target_semaphore(%arg9 : memref<!tpu.dma_semaphore, #tpu.memory_space<semaphore_mem>>)
        %slice3A_1008 = vector.extract_strided_slice %get3A_917 {offsets = [6], sizes = [1], strides = [1]} : vector<16xi32> to vector<1xi32>
        %squeeze3A_1009 = vector.extract %slice3A_1008[0] : i32 from vector<1xi32>
        %and3A_1010 = arith.constant -128 : i32
        %and3A_1011 = arith.andi %squeeze3A_1009, %and3A_1010 : i32
        %multiple_of3A_1012 = tpu.assume_multiple %and3A_1011, 128 : i32
        %dma_start3A_1013 = arith.constant 192 : i32
        %dma_start3A_1014 = arith.constant 0 : i32
        %dma_start3A_1015 = tpu.memref_slice %arg6[%dma_start3A_1013, %dma_start3A_1014] : memref<256x128xf32, #tpu.memory_space<vmem>> -> memref<32x128xf32, #tpu.memory_space<vmem>>
        %dma_start3A_1016 = arith.constant 0 : i32
        %dma_start3A_1017 = tpu.memref_slice %arg3[%dma_start3A_1016, %multiple_of3A_1012] : memref<32x1000000xf32, #tpu.memory_space<hbm>> -> memref<32x128xf32, #tpu.memory_space<hbm>>
        %dma_start3A_1018 = arith.constant 192 : i32
        %dma_start3A_1019 = arith.constant 0 : i32
        %dma_start3A_1020 = tpu.memref_slice %arg6[%dma_start3A_1018, %dma_start3A_1019] : memref<256x128xf32, #tpu.memory_space<vmem>> -> memref<32x128xf32, #tpu.memory_space<vmem>>
        %dma_start3A_1021 = arith.constant 0 : i32
        %dma_start3A_1022 = tpu.memref_slice %arg3[%dma_start3A_1021, %multiple_of3A_1012] : memref<32x1000000xf32, #tpu.memory_space<hbm>> -> memref<32x128xf32, #tpu.memory_space<hbm>>
        tpu.enqueue_dma source(%dma_start3A_1022 : memref<32x128xf32, #tpu.memory_space<hbm>>) target(%dma_start3A_1020 : memref<32x128xf32, #tpu.memory_space<vmem>>) target_semaphore(%arg9 : memref<!tpu.dma_semaphore, #tpu.memory_space<semaphore_mem>>)
        %slice3A_1023 = vector.extract_strided_slice %get3A_917 {offsets = [7], sizes = [1], strides = [1]} : vector<16xi32> to vector<1xi32>
        %squeeze3A_1024 = vector.extract %slice3A_1023[0] : i32 from vector<1xi32>
        %and3A_1025 = arith.constant -128 : i32
        %and3A_1026 = arith.andi %squeeze3A_1024, %and3A_1025 : i32
        %multiple_of3A_1027 = tpu.assume_multiple %and3A_1026, 128 : i32
        %dma_start3A_1028 = arith.constant 224 : i32
        %dma_start3A_1029 = arith.constant 0 : i32
        %dma_start3A_1030 = tpu.memref_slice %arg6[%dma_start3A_1028, %dma_start3A_1029] : memref<256x128xf32, #tpu.memory_space<vmem>> -> memref<32x128xf32, #tpu.memory_space<vmem>>
        %dma_start3A_1031 = arith.constant 0 : i32
        %dma_start3A_1032 = tpu.memref_slice %arg3[%dma_start3A_1031, %multiple_of3A_1027] : memref<32x1000000xf32, #tpu.memory_space<hbm>> -> memref<32x128xf32, #tpu.memory_space<hbm>>
        %dma_start3A_1033 = arith.constant 224 : i32
        %dma_start3A_1034 = arith.constant 0 : i32
        %dma_start3A_1035 = tpu.memref_slice %arg6[%dma_start3A_1033, %dma_start3A_1034] : memref<256x128xf32, #tpu.memory_space<vmem>> -> memref<32x128xf32, #tpu.memory_space<vmem>>
        %dma_start3A_1036 = arith.constant 0 : i32
        %dma_start3A_1037 = tpu.memref_slice %arg3[%dma_start3A_1036, %multiple_of3A_1027] : memref<32x1000000xf32, #tpu.memory_space<hbm>> -> memref<32x128xf32, #tpu.memory_space<hbm>>
        tpu.enqueue_dma source(%dma_start3A_1037 : memref<32x128xf32, #tpu.memory_space<hbm>>) target(%dma_start3A_1035 : memref<32x128xf32, #tpu.memory_space<vmem>>) target_semaphore(%arg9 : memref<!tpu.dma_semaphore, #tpu.memory_space<semaphore_mem>>)
      } else {
      }
      %dma_wait3A_578 = arith.constant 0 : i32
      %dma_wait3A_579 = arith.constant 0 : i32
      %dma_wait3A_580 = tpu.memref_slice %arg7[%dma_wait3A_578, %dma_wait3A_579] : memref<256x128xf32, #tpu.memory_space<vmem>> -> memref<32x128xf32, #tpu.memory_space<vmem>>
      %dma_wait3A_581 = arith.constant 0 : i32
      %dma_wait3A_582 = arith.constant 0 : i32
      %dma_wait3A_583 = tpu.memref_slice %arg3[%dma_wait3A_581, %dma_wait3A_582] : memref<32x1000000xf32, #tpu.memory_space<hbm>> -> memref<32x128xf32, #tpu.memory_space<hbm>>
      %dma_wait3A_584 = arith.constant 0 : i32
      %dma_wait3A_585 = arith.constant 0 : i32
      %dma_wait3A_586 = tpu.memref_slice %arg7[%dma_wait3A_584, %dma_wait3A_585] : memref<256x128xf32, #tpu.memory_space<vmem>> -> memref<32x128xf32, #tpu.memory_space<vmem>>
      %dma_wait3A_587 = arith.constant 0 : i32
      %dma_wait3A_588 = arith.constant 0 : i32
      %dma_wait3A_589 = tpu.memref_slice %arg3[%dma_wait3A_587, %dma_wait3A_588] : memref<32x1000000xf32, #tpu.memory_space<hbm>> -> memref<32x128xf32, #tpu.memory_space<hbm>>
      tpu.wait_dma2 semaphore(%arg10 : memref<!tpu.dma_semaphore, #tpu.memory_space<semaphore_mem>>) src(%dma_wait3A_589 : memref<32x128xf32, #tpu.memory_space<hbm>>) dst(%dma_wait3A_586 : memref<32x128xf32, #tpu.memory_space<vmem>>)
      %dma_wait3A_590 = arith.constant 32 : i32
      %dma_wait3A_591 = arith.constant 0 : i32
      %dma_wait3A_592 = tpu.memref_slice %arg7[%dma_wait3A_590, %dma_wait3A_591] : memref<256x128xf32, #tpu.memory_space<vmem>> -> memref<32x128xf32, #tpu.memory_space<vmem>>
      %dma_wait3A_593 = arith.constant 0 : i32
      %dma_wait3A_594 = arith.constant 0 : i32
      %dma_wait3A_595 = tpu.memref_slice %arg3[%dma_wait3A_593, %dma_wait3A_594] : memref<32x1000000xf32, #tpu.memory_space<hbm>> -> memref<32x128xf32, #tpu.memory_space<hbm>>
      %dma_wait3A_596 = arith.constant 32 : i32
      %dma_wait3A_597 = arith.constant 0 : i32
      %dma_wait3A_598 = tpu.memref_slice %arg7[%dma_wait3A_596, %dma_wait3A_597] : memref<256x128xf32, #tpu.memory_space<vmem>> -> memref<32x128xf32, #tpu.memory_space<vmem>>
      %dma_wait3A_599 = arith.constant 0 : i32
      %dma_wait3A_600 = arith.constant 0 : i32
      %dma_wait3A_601 = tpu.memref_slice %arg3[%dma_wait3A_599, %dma_wait3A_600] : memref<32x1000000xf32, #tpu.memory_space<hbm>> -> memref<32x128xf32, #tpu.memory_space<hbm>>
      tpu.wait_dma2 semaphore(%arg10 : memref<!tpu.dma_semaphore, #tpu.memory_space<semaphore_mem>>) src(%dma_wait3A_601 : memref<32x128xf32, #tpu.memory_space<hbm>>) dst(%dma_wait3A_598 : memref<32x128xf32, #tpu.memory_space<vmem>>)
      %dma_wait3A_602 = arith.constant 64 : i32
      %dma_wait3A_603 = arith.constant 0 : i32
      %dma_wait3A_604 = tpu.memref_slice %arg7[%dma_wait3A_602, %dma_wait3A_603] : memref<256x128xf32, #tpu.memory_space<vmem>> -> memref<32x128xf32, #tpu.memory_space<vmem>>
      %dma_wait3A_605 = arith.constant 0 : i32
      %dma_wait3A_606 = arith.constant 0 : i32
      %dma_wait3A_607 = tpu.memref_slice %arg3[%dma_wait3A_605, %dma_wait3A_606] : memref<32x1000000xf32, #tpu.memory_space<hbm>> -> memref<32x128xf32, #tpu.memory_space<hbm>>
      %dma_wait3A_608 = arith.constant 64 : i32
      %dma_wait3A_609 = arith.constant 0 : i32
      %dma_wait3A_610 = tpu.memref_slice %arg7[%dma_wait3A_608, %dma_wait3A_609] : memref<256x128xf32, #tpu.memory_space<vmem>> -> memref<32x128xf32, #tpu.memory_space<vmem>>
      %dma_wait3A_611 = arith.constant 0 : i32
      %dma_wait3A_612 = arith.constant 0 : i32
      %dma_wait3A_613 = tpu.memref_slice %arg3[%dma_wait3A_611, %dma_wait3A_612] : memref<32x1000000xf32, #tpu.memory_space<hbm>> -> memref<32x128xf32, #tpu.memory_space<hbm>>
      tpu.wait_dma2 semaphore(%arg10 : memref<!tpu.dma_semaphore, #tpu.memory_space<semaphore_mem>>) src(%dma_wait3A_613 : memref<32x128xf32, #tpu.memory_space<hbm>>) dst(%dma_wait3A_610 : memref<32x128xf32, #tpu.memory_space<vmem>>)
      %dma_wait3A_614 = arith.constant 96 : i32
      %dma_wait3A_615 = arith.constant 0 : i32
      %dma_wait3A_616 = tpu.memref_slice %arg7[%dma_wait3A_614, %dma_wait3A_615] : memref<256x128xf32, #tpu.memory_space<vmem>> -> memref<32x128xf32, #tpu.memory_space<vmem>>
      %dma_wait3A_617 = arith.constant 0 : i32
      %dma_wait3A_618 = arith.constant 0 : i32
      %dma_wait3A_619 = tpu.memref_slice %arg3[%dma_wait3A_617, %dma_wait3A_618] : memref<32x1000000xf32, #tpu.memory_space<hbm>> -> memref<32x128xf32, #tpu.memory_space<hbm>>
      %dma_wait3A_620 = arith.constant 96 : i32
      %dma_wait3A_621 = arith.constant 0 : i32
      %dma_wait3A_622 = tpu.memref_slice %arg7[%dma_wait3A_620, %dma_wait3A_621] : memref<256x128xf32, #tpu.memory_space<vmem>> -> memref<32x128xf32, #tpu.memory_space<vmem>>
      %dma_wait3A_623 = arith.constant 0 : i32
      %dma_wait3A_624 = arith.constant 0 : i32
      %dma_wait3A_625 = tpu.memref_slice %arg3[%dma_wait3A_623, %dma_wait3A_624] : memref<32x1000000xf32, #tpu.memory_space<hbm>> -> memref<32x128xf32, #tpu.memory_space<hbm>>
      tpu.wait_dma2 semaphore(%arg10 : memref<!tpu.dma_semaphore, #tpu.memory_space<semaphore_mem>>) src(%dma_wait3A_625 : memref<32x128xf32, #tpu.memory_space<hbm>>) dst(%dma_wait3A_622 : memref<32x128xf32, #tpu.memory_space<vmem>>)
      %dma_wait3A_626 = arith.constant 128 : i32
      %dma_wait3A_627 = arith.constant 0 : i32
      %dma_wait3A_628 = tpu.memref_slice %arg7[%dma_wait3A_626, %dma_wait3A_627] : memref<256x128xf32, #tpu.memory_space<vmem>> -> memref<32x128xf32, #tpu.memory_space<vmem>>
      %dma_wait3A_629 = arith.constant 0 : i32
      %dma_wait3A_630 = arith.constant 0 : i32
      %dma_wait3A_631 = tpu.memref_slice %arg3[%dma_wait3A_629, %dma_wait3A_630] : memref<32x1000000xf32, #tpu.memory_space<hbm>> -> memref<32x128xf32, #tpu.memory_space<hbm>>
      %dma_wait3A_632 = arith.constant 128 : i32
      %dma_wait3A_633 = arith.constant 0 : i32
      %dma_wait3A_634 = tpu.memref_slice %arg7[%dma_wait3A_632, %dma_wait3A_633] : memref<256x128xf32, #tpu.memory_space<vmem>> -> memref<32x128xf32, #tpu.memory_space<vmem>>
      %dma_wait3A_635 = arith.constant 0 : i32
      %dma_wait3A_636 = arith.constant 0 : i32
      %dma_wait3A_637 = tpu.memref_slice %arg3[%dma_wait3A_635, %dma_wait3A_636] : memref<32x1000000xf32, #tpu.memory_space<hbm>> -> memref<32x128xf32, #tpu.memory_space<hbm>>
      tpu.wait_dma2 semaphore(%arg10 : memref<!tpu.dma_semaphore, #tpu.memory_space<semaphore_mem>>) src(%dma_wait3A_637 : memref<32x128xf32, #tpu.memory_space<hbm>>) dst(%dma_wait3A_634 : memref<32x128xf32, #tpu.memory_space<vmem>>)
      %dma_wait3A_638 = arith.constant 160 : i32
      %dma_wait3A_639 = arith.constant 0 : i32
      %dma_wait3A_640 = tpu.memref_slice %arg7[%dma_wait3A_638, %dma_wait3A_639] : memref<256x128xf32, #tpu.memory_space<vmem>> -> memref<32x128xf32, #tpu.memory_space<vmem>>
      %dma_wait3A_641 = arith.constant 0 : i32
      %dma_wait3A_642 = arith.constant 0 : i32
      %dma_wait3A_643 = tpu.memref_slice %arg3[%dma_wait3A_641, %dma_wait3A_642] : memref<32x1000000xf32, #tpu.memory_space<hbm>> -> memref<32x128xf32, #tpu.memory_space<hbm>>
      %dma_wait3A_644 = arith.constant 160 : i32
      %dma_wait3A_645 = arith.constant 0 : i32
      %dma_wait3A_646 = tpu.memref_slice %arg7[%dma_wait3A_644, %dma_wait3A_645] : memref<256x128xf32, #tpu.memory_space<vmem>> -> memref<32x128xf32, #tpu.memory_space<vmem>>
      %dma_wait3A_647 = arith.constant 0 : i32
      %dma_wait3A_648 = arith.constant 0 : i32
      %dma_wait3A_649 = tpu.memref_slice %arg3[%dma_wait3A_647, %dma_wait3A_648] : memref<32x1000000xf32, #tpu.memory_space<hbm>> -> memref<32x128xf32, #tpu.memory_space<hbm>>
      tpu.wait_dma2 semaphore(%arg10 : memref<!tpu.dma_semaphore, #tpu.memory_space<semaphore_mem>>) src(%dma_wait3A_649 : memref<32x128xf32, #tpu.memory_space<hbm>>) dst(%dma_wait3A_646 : memref<32x128xf32, #tpu.memory_space<vmem>>)
      %dma_wait3A_650 = arith.constant 192 : i32
      %dma_wait3A_651 = arith.constant 0 : i32
      %dma_wait3A_652 = tpu.memref_slice %arg7[%dma_wait3A_650, %dma_wait3A_651] : memref<256x128xf32, #tpu.memory_space<vmem>> -> memref<32x128xf32, #tpu.memory_space<vmem>>
      %dma_wait3A_653 = arith.constant 0 : i32
      %dma_wait3A_654 = arith.constant 0 : i32
      %dma_wait3A_655 = tpu.memref_slice %arg3[%dma_wait3A_653, %dma_wait3A_654] : memref<32x1000000xf32, #tpu.memory_space<hbm>> -> memref<32x128xf32, #tpu.memory_space<hbm>>
      %dma_wait3A_656 = arith.constant 192 : i32
      %dma_wait3A_657 = arith.constant 0 : i32
      %dma_wait3A_658 = tpu.memref_slice %arg7[%dma_wait3A_656, %dma_wait3A_657] : memref<256x128xf32, #tpu.memory_space<vmem>> -> memref<32x128xf32, #tpu.memory_space<vmem>>
      %dma_wait3A_659 = arith.constant 0 : i32
      %dma_wait3A_660 = arith.constant 0 : i32
      %dma_wait3A_661 = tpu.memref_slice %arg3[%dma_wait3A_659, %dma_wait3A_660] : memref<32x1000000xf32, #tpu.memory_space<hbm>> -> memref<32x128xf32, #tpu.memory_space<hbm>>
      tpu.wait_dma2 semaphore(%arg10 : memref<!tpu.dma_semaphore, #tpu.memory_space<semaphore_mem>>) src(%dma_wait3A_661 : memref<32x128xf32, #tpu.memory_space<hbm>>) dst(%dma_wait3A_658 : memref<32x128xf32, #tpu.memory_space<vmem>>)
      %dma_wait3A_662 = arith.constant 224 : i32
      %dma_wait3A_663 = arith.constant 0 : i32
      %dma_wait3A_664 = tpu.memref_slice %arg7[%dma_wait3A_662, %dma_wait3A_663] : memref<256x128xf32, #tpu.memory_space<vmem>> -> memref<32x128xf32, #tpu.memory_space<vmem>>
      %dma_wait3A_665 = arith.constant 0 : i32
      %dma_wait3A_666 = arith.constant 0 : i32
      %dma_wait3A_667 = tpu.memref_slice %arg3[%dma_wait3A_665, %dma_wait3A_666] : memref<32x1000000xf32, #tpu.memory_space<hbm>> -> memref<32x128xf32, #tpu.memory_space<hbm>>
      %dma_wait3A_668 = arith.constant 224 : i32
      %dma_wait3A_669 = arith.constant 0 : i32
      %dma_wait3A_670 = tpu.memref_slice %arg7[%dma_wait3A_668, %dma_wait3A_669] : memref<256x128xf32, #tpu.memory_space<vmem>> -> memref<32x128xf32, #tpu.memory_space<vmem>>
      %dma_wait3A_671 = arith.constant 0 : i32
      %dma_wait3A_672 = arith.constant 0 : i32
      %dma_wait3A_673 = tpu.memref_slice %arg3[%dma_wait3A_671, %dma_wait3A_672] : memref<32x1000000xf32, #tpu.memory_space<hbm>> -> memref<32x128xf32, #tpu.memory_space<hbm>>
      tpu.wait_dma2 semaphore(%arg10 : memref<!tpu.dma_semaphore, #tpu.memory_space<semaphore_mem>>) src(%dma_wait3A_673 : memref<32x128xf32, #tpu.memory_space<hbm>>) dst(%dma_wait3A_670 : memref<32x128xf32, #tpu.memory_space<vmem>>)
      %add3A_674 = arith.constant 8 : i32
      %add3A_675 = arith.addi %mul3A_250, %add3A_674 : i32
      %slice3A_676 = vector.extract_strided_slice %get3A_252 {offsets = [8], sizes = [1], strides = [1]} : vector<16xi32> to vector<1xi32>
      %squeeze3A_677 = vector.extract %slice3A_676[0] : i32 from vector<1xi32>
      %and3A_678 = arith.constant 127 : i32
      %and3A_679 = arith.andi %squeeze3A_677, %and3A_678 : i32
      %broadcast_in_dim3A_680 = vector.broadcast %and3A_679 : i32 to vector<16xi32>
      %add3A_681 = arith.constant 0 : i32
      %add3A_682 = vector.broadcast %add3A_681 : i32 to vector<16xi32>
      %add3A_683 = arith.addi %add3A_682, %iota3A : vector<16xi32>
      %gather3A_684 = tpu.vector_load_idx %arg7[%add3A_683, %broadcast_in_dim3A_680] : memref<256x128xf32, #tpu.memory_space<vmem>>[vector<16xi32>, vector<16xi32>], vector<16xf32>,
      %add3A_685 = arith.constant 16 : i32
      %add3A_686 = vector.broadcast %add3A_685 : i32 to vector<16xi32>
      %add3A_687 = arith.addi %add3A_686, %iota3A : vector<16xi32>
      %gather3A_688 = tpu.vector_load_idx %arg7[%add3A_687, %broadcast_in_dim3A_680] : memref<256x128xf32, #tpu.memory_space<vmem>>[vector<16xi32>, vector<16xi32>], vector<16xf32>,
      %add3A_689 = arith.constant 0 : i32
      %add3A_690 = arith.addi %add3A_675, %add3A_689 : i32
      %shift_right_logical3A_691 = arith.constant 2 : i32
      %shift_right_logical3A_692 = arith.shrui %add3A_690, %shift_right_logical3A_691 : i32
      %and3A_693 = arith.constant 3 : i32
      %and3A_694 = arith.andi %add3A_690, %and3A_693 : i32
      %mul3A_695 = arith.constant 32 : i32
      %mul3A_696 = arith.muli %and3A_694, %mul3A_695 : i32
      %swap3A_697 = arith.index_cast %shift_right_logical3A_692 : i32 to index
      %swap3A_698 = arith.index_cast %mul3A_696 : i32 to index
      %swap3A_699 = tpu.vector_load %arg8[%swap3A_697, %swap3A_698] {strides = array<i32>} : memref<112x128xf32, #tpu.memory_space<vmem>>, vector<16xf32>,
      tpu.vector_store %arg8[%swap3A_697, %swap3A_698], %gather3A_684 {strides = array<i32>} : memref<112x128xf32, #tpu.memory_space<vmem>>, vector<16xf32>,
      %add3A_700 = arith.constant 16 : i32
      %add3A_701 = arith.addi %mul3A_696, %add3A_700 : i32
      %swap3A_702 = arith.index_cast %shift_right_logical3A_692 : i32 to index
      %swap3A_703 = arith.index_cast %add3A_701 : i32 to index
      %swap3A_704 = tpu.vector_load %arg8[%swap3A_702, %swap3A_703] {strides = array<i32>} : memref<112x128xf32, #tpu.memory_space<vmem>>, vector<16xf32>,
      tpu.vector_store %arg8[%swap3A_702, %swap3A_703], %gather3A_688 {strides = array<i32>} : memref<112x128xf32, #tpu.memory_space<vmem>>, vector<16xf32>,
      %slice3A_705 = vector.extract_strided_slice %get3A_252 {offsets = [9], sizes = [1], strides = [1]} : vector<16xi32> to vector<1xi32>
      %squeeze3A_706 = vector.extract %slice3A_705[0] : i32 from vector<1xi32>
      %and3A_707 = arith.constant 127 : i32
      %and3A_708 = arith.andi %squeeze3A_706, %and3A_707 : i32
      %broadcast_in_dim3A_709 = vector.broadcast %and3A_708 : i32 to vector<16xi32>
      %add3A_710 = arith.constant 32 : i32
      %add3A_711 = vector.broadcast %add3A_710 : i32 to vector<16xi32>
      %add3A_712 = arith.addi %add3A_711, %iota3A : vector<16xi32>
      %gather3A_713 = tpu.vector_load_idx %arg7[%add3A_712, %broadcast_in_dim3A_709] : memref<256x128xf32, #tpu.memory_space<vmem>>[vector<16xi32>, vector<16xi32>], vector<16xf32>,
      %add3A_714 = arith.constant 48 : i32
      %add3A_715 = vector.broadcast %add3A_714 : i32 to vector<16xi32>
      %add3A_716 = arith.addi %add3A_715, %iota3A : vector<16xi32>
      %gather3A_717 = tpu.vector_load_idx %arg7[%add3A_716, %broadcast_in_dim3A_709] : memref<256x128xf32, #tpu.memory_space<vmem>>[vector<16xi32>, vector<16xi32>], vector<16xf32>,
      %add3A_718 = arith.constant 1 : i32
      %add3A_719 = arith.addi %add3A_675, %add3A_718 : i32
      %shift_right_logical3A_720 = arith.constant 2 : i32
      %shift_right_logical3A_721 = arith.shrui %add3A_719, %shift_right_logical3A_720 : i32
      %and3A_722 = arith.constant 3 : i32
      %and3A_723 = arith.andi %add3A_719, %and3A_722 : i32
      %mul3A_724 = arith.constant 32 : i32
      %mul3A_725 = arith.muli %and3A_723, %mul3A_724 : i32
      %swap3A_726 = arith.index_cast %shift_right_logical3A_721 : i32 to index
      %swap3A_727 = arith.index_cast %mul3A_725 : i32 to index
      %swap3A_728 = tpu.vector_load %arg8[%swap3A_726, %swap3A_727] {strides = array<i32>} : memref<112x128xf32, #tpu.memory_space<vmem>>, vector<16xf32>,
      tpu.vector_store %arg8[%swap3A_726, %swap3A_727], %gather3A_713 {strides = array<i32>} : memref<112x128xf32, #tpu.memory_space<vmem>>, vector<16xf32>,
      %add3A_729 = arith.constant 16 : i32
      %add3A_730 = arith.addi %mul3A_725, %add3A_729 : i32
      %swap3A_731 = arith.index_cast %shift_right_logical3A_721 : i32 to index
      %swap3A_732 = arith.index_cast %add3A_730 : i32 to index
      %swap3A_733 = tpu.vector_load %arg8[%swap3A_731, %swap3A_732] {strides = array<i32>} : memref<112x128xf32, #tpu.memory_space<vmem>>, vector<16xf32>,
      tpu.vector_store %arg8[%swap3A_731, %swap3A_732], %gather3A_717 {strides = array<i32>} : memref<112x128xf32, #tpu.memory_space<vmem>>, vector<16xf32>,
      %slice3A_734 = vector.extract_strided_slice %get3A_252 {offsets = [10], sizes = [1], strides = [1]} : vector<16xi32> to vector<1xi32>
      %squeeze3A_735 = vector.extract %slice3A_734[0] : i32 from vector<1xi32>
      %and3A_736 = arith.constant 127 : i32
      %and3A_737 = arith.andi %squeeze3A_735, %and3A_736 : i32
      %broadcast_in_dim3A_738 = vector.broadcast %and3A_737 : i32 to vector<16xi32>
      %add3A_739 = arith.constant 64 : i32
      %add3A_740 = vector.broadcast %add3A_739 : i32 to vector<16xi32>
      %add3A_741 = arith.addi %add3A_740, %iota3A : vector<16xi32>
      %gather3A_742 = tpu.vector_load_idx %arg7[%add3A_741, %broadcast_in_dim3A_738] : memref<256x128xf32, #tpu.memory_space<vmem>>[vector<16xi32>, vector<16xi32>], vector<16xf32>,
      %add3A_743 = arith.constant 80 : i32
      %add3A_744 = vector.broadcast %add3A_743 : i32 to vector<16xi32>
      %add3A_745 = arith.addi %add3A_744, %iota3A : vector<16xi32>
      %gather3A_746 = tpu.vector_load_idx %arg7[%add3A_745, %broadcast_in_dim3A_738] : memref<256x128xf32, #tpu.memory_space<vmem>>[vector<16xi32>, vector<16xi32>], vector<16xf32>,
      %add3A_747 = arith.constant 2 : i32
      %add3A_748 = arith.addi %add3A_675, %add3A_747 : i32
      %shift_right_logical3A_749 = arith.constant 2 : i32
      %shift_right_logical3A_750 = arith.shrui %add3A_748, %shift_right_logical3A_749 : i32
      %and3A_751 = arith.constant 3 : i32
      %and3A_752 = arith.andi %add3A_748, %and3A_751 : i32
      %mul3A_753 = arith.constant 32 : i32
      %mul3A_754 = arith.muli %and3A_752, %mul3A_753 : i32
      %swap3A_755 = arith.index_cast %shift_right_logical3A_750 : i32 to index
      %swap3A_756 = arith.index_cast %mul3A_754 : i32 to index
      %swap3A_757 = tpu.vector_load %arg8[%swap3A_755, %swap3A_756] {strides = array<i32>} : memref<112x128xf32, #tpu.memory_space<vmem>>, vector<16xf32>,
      tpu.vector_store %arg8[%swap3A_755, %swap3A_756], %gather3A_742 {strides = array<i32>} : memref<112x128xf32, #tpu.memory_space<vmem>>, vector<16xf32>,
      %add3A_758 = arith.constant 16 : i32
      %add3A_759 = arith.addi %mul3A_754, %add3A_758 : i32
      %swap3A_760 = arith.index_cast %shift_right_logical3A_750 : i32 to index
      %swap3A_761 = arith.index_cast %add3A_759 : i32 to index
      %swap3A_762 = tpu.vector_load %arg8[%swap3A_760, %swap3A_761] {strides = array<i32>} : memref<112x128xf32, #tpu.memory_space<vmem>>, vector<16xf32>,
      tpu.vector_store %arg8[%swap3A_760, %swap3A_761], %gather3A_746 {strides = array<i32>} : memref<112x128xf32, #tpu.memory_space<vmem>>, vector<16xf32>,
      %slice3A_763 = vector.extract_strided_slice %get3A_252 {offsets = [11], sizes = [1], strides = [1]} : vector<16xi32> to vector<1xi32>
      %squeeze3A_764 = vector.extract %slice3A_763[0] : i32 from vector<1xi32>
      %and3A_765 = arith.constant 127 : i32
      %and3A_766 = arith.andi %squeeze3A_764, %and3A_765 : i32
      %broadcast_in_dim3A_767 = vector.broadcast %and3A_766 : i32 to vector<16xi32>
      %add3A_768 = arith.constant 96 : i32
      %add3A_769 = vector.broadcast %add3A_768 : i32 to vector<16xi32>
      %add3A_770 = arith.addi %add3A_769, %iota3A : vector<16xi32>
      %gather3A_771 = tpu.vector_load_idx %arg7[%add3A_770, %broadcast_in_dim3A_767] : memref<256x128xf32, #tpu.memory_space<vmem>>[vector<16xi32>, vector<16xi32>], vector<16xf32>,
      %add3A_772 = arith.constant 112 : i32
      %add3A_773 = vector.broadcast %add3A_772 : i32 to vector<16xi32>
      %add3A_774 = arith.addi %add3A_773, %iota3A : vector<16xi32>
      %gather3A_775 = tpu.vector_load_idx %arg7[%add3A_774, %broadcast_in_dim3A_767] : memref<256x128xf32, #tpu.memory_space<vmem>>[vector<16xi32>, vector<16xi32>], vector<16xf32>,
      %add3A_776 = arith.constant 3 : i32
      %add3A_777 = arith.addi %add3A_675, %add3A_776 : i32
      %shift_right_logical3A_778 = arith.constant 2 : i32
      %shift_right_logical3A_779 = arith.shrui %add3A_777, %shift_right_logical3A_778 : i32
      %and3A_780 = arith.constant 3 : i32
      %and3A_781 = arith.andi %add3A_777, %and3A_780 : i32
      %mul3A_782 = arith.constant 32 : i32
      %mul3A_783 = arith.muli %and3A_781, %mul3A_782 : i32
      %swap3A_784 = arith.index_cast %shift_right_logical3A_779 : i32 to index
      %swap3A_785 = arith.index_cast %mul3A_783 : i32 to index
      %swap3A_786 = tpu.vector_load %arg8[%swap3A_784, %swap3A_785] {strides = array<i32>} : memref<112x128xf32, #tpu.memory_space<vmem>>, vector<16xf32>,
      tpu.vector_store %arg8[%swap3A_784, %swap3A_785], %gather3A_771 {strides = array<i32>} : memref<112x128xf32, #tpu.memory_space<vmem>>, vector<16xf32>,
      %add3A_787 = arith.constant 16 : i32
      %add3A_788 = arith.addi %mul3A_783, %add3A_787 : i32
      %swap3A_789 = arith.index_cast %shift_right_logical3A_779 : i32 to index
      %swap3A_790 = arith.index_cast %add3A_788 : i32 to index
      %swap3A_791 = tpu.vector_load %arg8[%swap3A_789, %swap3A_790] {strides = array<i32>} : memref<112x128xf32, #tpu.memory_space<vmem>>, vector<16xf32>,
      tpu.vector_store %arg8[%swap3A_789, %swap3A_790], %gather3A_775 {strides = array<i32>} : memref<112x128xf32, #tpu.memory_space<vmem>>, vector<16xf32>,
      %slice3A_792 = vector.extract_strided_slice %get3A_252 {offsets = [12], sizes = [1], strides = [1]} : vector<16xi32> to vector<1xi32>
      %squeeze3A_793 = vector.extract %slice3A_792[0] : i32 from vector<1xi32>
      %and3A_794 = arith.constant 127 : i32
      %and3A_795 = arith.andi %squeeze3A_793, %and3A_794 : i32
      %broadcast_in_dim3A_796 = vector.broadcast %and3A_795 : i32 to vector<16xi32>
      %add3A_797 = arith.constant 128 : i32
      %add3A_798 = vector.broadcast %add3A_797 : i32 to vector<16xi32>
      %add3A_799 = arith.addi %add3A_798, %iota3A : vector<16xi32>
      %gather3A_800 = tpu.vector_load_idx %arg7[%add3A_799, %broadcast_in_dim3A_796] : memref<256x128xf32, #tpu.memory_space<vmem>>[vector<16xi32>, vector<16xi32>], vector<16xf32>,
      %add3A_801 = arith.constant 144 : i32
      %add3A_802 = vector.broadcast %add3A_801 : i32 to vector<16xi32>
      %add3A_803 = arith.addi %add3A_802, %iota3A : vector<16xi32>
      %gather3A_804 = tpu.vector_load_idx %arg7[%add3A_803, %broadcast_in_dim3A_796] : memref<256x128xf32, #tpu.memory_space<vmem>>[vector<16xi32>, vector<16xi32>], vector<16xf32>,
      %add3A_805 = arith.constant 4 : i32
      %add3A_806 = arith.addi %add3A_675, %add3A_805 : i32
      %shift_right_logical3A_807 = arith.constant 2 : i32
      %shift_right_logical3A_808 = arith.shrui %add3A_806, %shift_right_logical3A_807 : i32
      %and3A_809 = arith.constant 3 : i32
      %and3A_810 = arith.andi %add3A_806, %and3A_809 : i32
      %mul3A_811 = arith.constant 32 : i32
      %mul3A_812 = arith.muli %and3A_810, %mul3A_811 : i32
      %swap3A_813 = arith.index_cast %shift_right_logical3A_808 : i32 to index
      %swap3A_814 = arith.index_cast %mul3A_812 : i32 to index
      %swap3A_815 = tpu.vector_load %arg8[%swap3A_813, %swap3A_814] {strides = array<i32>} : memref<112x128xf32, #tpu.memory_space<vmem>>, vector<16xf32>,
      tpu.vector_store %arg8[%swap3A_813, %swap3A_814], %gather3A_800 {strides = array<i32>} : memref<112x128xf32, #tpu.memory_space<vmem>>, vector<16xf32>,
      %add3A_816 = arith.constant 16 : i32
      %add3A_817 = arith.addi %mul3A_812, %add3A_816 : i32
      %swap3A_818 = arith.index_cast %shift_right_logical3A_808 : i32 to index
      %swap3A_819 = arith.index_cast %add3A_817 : i32 to index
      %swap3A_820 = tpu.vector_load %arg8[%swap3A_818, %swap3A_819] {strides = array<i32>} : memref<112x128xf32, #tpu.memory_space<vmem>>, vector<16xf32>,
      tpu.vector_store %arg8[%swap3A_818, %swap3A_819], %gather3A_804 {strides = array<i32>} : memref<112x128xf32, #tpu.memory_space<vmem>>, vector<16xf32>,
      %slice3A_821 = vector.extract_strided_slice %get3A_252 {offsets = [13], sizes = [1], strides = [1]} : vector<16xi32> to vector<1xi32>
      %squeeze3A_822 = vector.extract %slice3A_821[0] : i32 from vector<1xi32>
      %and3A_823 = arith.constant 127 : i32
      %and3A_824 = arith.andi %squeeze3A_822, %and3A_823 : i32
      %broadcast_in_dim3A_825 = vector.broadcast %and3A_824 : i32 to vector<16xi32>
      %add3A_826 = arith.constant 160 : i32
      %add3A_827 = vector.broadcast %add3A_826 : i32 to vector<16xi32>
      %add3A_828 = arith.addi %add3A_827, %iota3A : vector<16xi32>
      %gather3A_829 = tpu.vector_load_idx %arg7[%add3A_828, %broadcast_in_dim3A_825] : memref<256x128xf32, #tpu.memory_space<vmem>>[vector<16xi32>, vector<16xi32>], vector<16xf32>,
      %add3A_830 = arith.constant 176 : i32
      %add3A_831 = vector.broadcast %add3A_830 : i32 to vector<16xi32>
      %add3A_832 = arith.addi %add3A_831, %iota3A : vector<16xi32>
      %gather3A_833 = tpu.vector_load_idx %arg7[%add3A_832, %broadcast_in_dim3A_825] : memref<256x128xf32, #tpu.memory_space<vmem>>[vector<16xi32>, vector<16xi32>], vector<16xf32>,
      %add3A_834 = arith.constant 5 : i32
      %add3A_835 = arith.addi %add3A_675, %add3A_834 : i32
      %shift_right_logical3A_836 = arith.constant 2 : i32
      %shift_right_logical3A_837 = arith.shrui %add3A_835, %shift_right_logical3A_836 : i32
      %and3A_838 = arith.constant 3 : i32
      %and3A_839 = arith.andi %add3A_835, %and3A_838 : i32
      %mul3A_840 = arith.constant 32 : i32
      %mul3A_841 = arith.muli %and3A_839, %mul3A_840 : i32
      %swap3A_842 = arith.index_cast %shift_right_logical3A_837 : i32 to index
      %swap3A_843 = arith.index_cast %mul3A_841 : i32 to index
      %swap3A_844 = tpu.vector_load %arg8[%swap3A_842, %swap3A_843] {strides = array<i32>} : memref<112x128xf32, #tpu.memory_space<vmem>>, vector<16xf32>,
      tpu.vector_store %arg8[%swap3A_842, %swap3A_843], %gather3A_829 {strides = array<i32>} : memref<112x128xf32, #tpu.memory_space<vmem>>, vector<16xf32>,
      %add3A_845 = arith.constant 16 : i32
      %add3A_846 = arith.addi %mul3A_841, %add3A_845 : i32
      %swap3A_847 = arith.index_cast %shift_right_logical3A_837 : i32 to index
      %swap3A_848 = arith.index_cast %add3A_846 : i32 to index
      %swap3A_849 = tpu.vector_load %arg8[%swap3A_847, %swap3A_848] {strides = array<i32>} : memref<112x128xf32, #tpu.memory_space<vmem>>, vector<16xf32>,
      tpu.vector_store %arg8[%swap3A_847, %swap3A_848], %gather3A_833 {strides = array<i32>} : memref<112x128xf32, #tpu.memory_space<vmem>>, vector<16xf32>,
      %slice3A_850 = vector.extract_strided_slice %get3A_252 {offsets = [14], sizes = [1], strides = [1]} : vector<16xi32> to vector<1xi32>
      %squeeze3A_851 = vector.extract %slice3A_850[0] : i32 from vector<1xi32>
      %and3A_852 = arith.constant 127 : i32
      %and3A_853 = arith.andi %squeeze3A_851, %and3A_852 : i32
      %broadcast_in_dim3A_854 = vector.broadcast %and3A_853 : i32 to vector<16xi32>
      %add3A_855 = arith.constant 192 : i32
      %add3A_856 = vector.broadcast %add3A_855 : i32 to vector<16xi32>
      %add3A_857 = arith.addi %add3A_856, %iota3A : vector<16xi32>
      %gather3A_858 = tpu.vector_load_idx %arg7[%add3A_857, %broadcast_in_dim3A_854] : memref<256x128xf32, #tpu.memory_space<vmem>>[vector<16xi32>, vector<16xi32>], vector<16xf32>,
      %add3A_859 = arith.constant 208 : i32
      %add3A_860 = vector.broadcast %add3A_859 : i32 to vector<16xi32>
      %add3A_861 = arith.addi %add3A_860, %iota3A : vector<16xi32>
      %gather3A_862 = tpu.vector_load_idx %arg7[%add3A_861, %broadcast_in_dim3A_854] : memref<256x128xf32, #tpu.memory_space<vmem>>[vector<16xi32>, vector<16xi32>], vector<16xf32>,
      %add3A_863 = arith.constant 6 : i32
      %add3A_864 = arith.addi %add3A_675, %add3A_863 : i32
      %shift_right_logical3A_865 = arith.constant 2 : i32
      %shift_right_logical3A_866 = arith.shrui %add3A_864, %shift_right_logical3A_865 : i32
      %and3A_867 = arith.constant 3 : i32
      %and3A_868 = arith.andi %add3A_864, %and3A_867 : i32
      %mul3A_869 = arith.constant 32 : i32
      %mul3A_870 = arith.muli %and3A_868, %mul3A_869 : i32
      %swap3A_871 = arith.index_cast %shift_right_logical3A_866 : i32 to index
      %swap3A_872 = arith.index_cast %mul3A_870 : i32 to index
      %swap3A_873 = tpu.vector_load %arg8[%swap3A_871, %swap3A_872] {strides = array<i32>} : memref<112x128xf32, #tpu.memory_space<vmem>>, vector<16xf32>,
      tpu.vector_store %arg8[%swap3A_871, %swap3A_872], %gather3A_858 {strides = array<i32>} : memref<112x128xf32, #tpu.memory_space<vmem>>, vector<16xf32>,
      %add3A_874 = arith.constant 16 : i32
      %add3A_875 = arith.addi %mul3A_870, %add3A_874 : i32
      %swap3A_876 = arith.index_cast %shift_right_logical3A_866 : i32 to index
      %swap3A_877 = arith.index_cast %add3A_875 : i32 to index
      %swap3A_878 = tpu.vector_load %arg8[%swap3A_876, %swap3A_877] {strides = array<i32>} : memref<112x128xf32, #tpu.memory_space<vmem>>, vector<16xf32>,
      tpu.vector_store %arg8[%swap3A_876, %swap3A_877], %gather3A_862 {strides = array<i32>} : memref<112x128xf32, #tpu.memory_space<vmem>>, vector<16xf32>,
      %slice3A_879 = vector.extract_strided_slice %get3A_252 {offsets = [15], sizes = [1], strides = [1]} : vector<16xi32> to vector<1xi32>
      %squeeze3A_880 = vector.extract %slice3A_879[0] : i32 from vector<1xi32>
      %and3A_881 = arith.constant 127 : i32
      %and3A_882 = arith.andi %squeeze3A_880, %and3A_881 : i32
      %broadcast_in_dim3A_883 = vector.broadcast %and3A_882 : i32 to vector<16xi32>
      %add3A_884 = arith.constant 224 : i32
      %add3A_885 = vector.broadcast %add3A_884 : i32 to vector<16xi32>
      %add3A_886 = arith.addi %add3A_885, %iota3A : vector<16xi32>
      %gather3A_887 = tpu.vector_load_idx %arg7[%add3A_886, %broadcast_in_dim3A_883] : memref<256x128xf32, #tpu.memory_space<vmem>>[vector<16xi32>, vector<16xi32>], vector<16xf32>,
      %add3A_888 = arith.constant 240 : i32
      %add3A_889 = vector.broadcast %add3A_888 : i32 to vector<16xi32>
      %add3A_890 = arith.addi %add3A_889, %iota3A : vector<16xi32>
      %gather3A_891 = tpu.vector_load_idx %arg7[%add3A_890, %broadcast_in_dim3A_883] : memref<256x128xf32, #tpu.memory_space<vmem>>[vector<16xi32>, vector<16xi32>], vector<16xf32>,
      %add3A_892 = arith.constant 7 : i32
      %add3A_893 = arith.addi %add3A_675, %add3A_892 : i32
      %shift_right_logical3A_894 = arith.constant 2 : i32
      %shift_right_logical3A_895 = arith.shrui %add3A_893, %shift_right_logical3A_894 : i32
      %and3A_896 = arith.constant 3 : i32
      %and3A_897 = arith.andi %add3A_893, %and3A_896 : i32
      %mul3A_898 = arith.constant 32 : i32
      %mul3A_899 = arith.muli %and3A_897, %mul3A_898 : i32
      %swap3A_900 = arith.index_cast %shift_right_logical3A_895 : i32 to index
      %swap3A_901 = arith.index_cast %mul3A_899 : i32 to index
      %swap3A_902 = tpu.vector_load %arg8[%swap3A_900, %swap3A_901] {strides = array<i32>} : memref<112x128xf32, #tpu.memory_space<vmem>>, vector<16xf32>,
      tpu.vector_store %arg8[%swap3A_900, %swap3A_901], %gather3A_887 {strides = array<i32>} : memref<112x128xf32, #tpu.memory_space<vmem>>, vector<16xf32>,
      %add3A_903 = arith.constant 16 : i32
      %add3A_904 = arith.addi %mul3A_899, %add3A_903 : i32
      %swap3A_905 = arith.index_cast %shift_right_logical3A_895 : i32 to index
      %swap3A_906 = arith.index_cast %add3A_904 : i32 to index
      %swap3A_907 = tpu.vector_load %arg8[%swap3A_905, %swap3A_906] {strides = array<i32>} : memref<112x128xf32, #tpu.memory_space<vmem>>, vector<16xf32>,
      tpu.vector_store %arg8[%swap3A_905, %swap3A_906], %gather3A_891 {strides = array<i32>} : memref<112x128xf32, #tpu.memory_space<vmem>>, vector<16xf32>,
      %lt3A_908 = arith.constant 27 : i32
      %lt3A_909 = arith.cmpi slt, %scan3A_247, %lt3A_908 : i32
      %convert_element_type3A_910 = arith.extui %lt3A_909 : i1 to i32
      %cond3A_911 = arith.constant 0 : i32
      %cond3A_912 = arith.cmpi ne, %convert_element_type3A_910, %cond3A_911 : i32
      scf.if %cond3A_912 {
        %add3A_914 = arith.constant 16 : i32
        %add3A_915 = arith.addi %mul3A_250, %add3A_914 : i32
        %get3A_916 = arith.index_cast %add3A_915 : i32 to index
        %get3A_917 = tpu.vector_load %arg5[%get3A_916] {strides = array<i32>} : memref<448xi32, #tpu.memory_space<vmem>>, vector<16xi32>,
        %slice3A_918 = vector.extract_strided_slice %get3A_917 {offsets = [8], sizes = [1], strides = [1]} : vector<16xi32> to vector<1xi32>
        %squeeze3A_919 = vector.extract %slice3A_918[0] : i32 from vector<1xi32>
        %and3A_920 = arith.constant -128 : i32
        %and3A_921 = arith.andi %squeeze3A_919, %and3A_920 : i32
        %multiple_of3A_922 = tpu.assume_multiple %and3A_921, 128 : i32
        %dma_start3A_923 = arith.constant 0 : i32
        %dma_start3A_924 = arith.constant 0 : i32
        %dma_start3A_925 = tpu.memref_slice %arg7[%dma_start3A_923, %dma_start3A_924] : memref<256x128xf32, #tpu.memory_space<vmem>> -> memref<32x128xf32, #tpu.memory_space<vmem>>
        %dma_start3A_926 = arith.constant 0 : i32
        %dma_start3A_927 = tpu.memref_slice %arg3[%dma_start3A_926, %multiple_of3A_922] : memref<32x1000000xf32, #tpu.memory_space<hbm>> -> memref<32x128xf32, #tpu.memory_space<hbm>>
        %dma_start3A_928 = arith.constant 0 : i32
        %dma_start3A_929 = arith.constant 0 : i32
        %dma_start3A_930 = tpu.memref_slice %arg7[%dma_start3A_928, %dma_start3A_929] : memref<256x128xf32, #tpu.memory_space<vmem>> -> memref<32x128xf32, #tpu.memory_space<vmem>>
        %dma_start3A_931 = arith.constant 0 : i32
        %dma_start3A_932 = tpu.memref_slice %arg3[%dma_start3A_931, %multiple_of3A_922] : memref<32x1000000xf32, #tpu.memory_space<hbm>> -> memref<32x128xf32, #tpu.memory_space<hbm>>
        tpu.enqueue_dma source(%dma_start3A_932 : memref<32x128xf32, #tpu.memory_space<hbm>>) target(%dma_start3A_930 : memref<32x128xf32, #tpu.memory_space<vmem>>) target_semaphore(%arg10 : memref<!tpu.dma_semaphore, #tpu.memory_space<semaphore_mem>>)
        %slice3A_933 = vector.extract_strided_slice %get3A_917 {offsets = [9], sizes = [1], strides = [1]} : vector<16xi32> to vector<1xi32>
        %squeeze3A_934 = vector.extract %slice3A_933[0] : i32 from vector<1xi32>
        %and3A_935 = arith.constant -128 : i32
        %and3A_936 = arith.andi %squeeze3A_934, %and3A_935 : i32
        %multiple_of3A_937 = tpu.assume_multiple %and3A_936, 128 : i32
        %dma_start3A_938 = arith.constant 32 : i32
        %dma_start3A_939 = arith.constant 0 : i32
        %dma_start3A_940 = tpu.memref_slice %arg7[%dma_start3A_938, %dma_start3A_939] : memref<256x128xf32, #tpu.memory_space<vmem>> -> memref<32x128xf32, #tpu.memory_space<vmem>>
        %dma_start3A_941 = arith.constant 0 : i32
        %dma_start3A_942 = tpu.memref_slice %arg3[%dma_start3A_941, %multiple_of3A_937] : memref<32x1000000xf32, #tpu.memory_space<hbm>> -> memref<32x128xf32, #tpu.memory_space<hbm>>
        %dma_start3A_943 = arith.constant 32 : i32
        %dma_start3A_944 = arith.constant 0 : i32
        %dma_start3A_945 = tpu.memref_slice %arg7[%dma_start3A_943, %dma_start3A_944] : memref<256x128xf32, #tpu.memory_space<vmem>> -> memref<32x128xf32, #tpu.memory_space<vmem>>
        %dma_start3A_946 = arith.constant 0 : i32
        %dma_start3A_947 = tpu.memref_slice %arg3[%dma_start3A_946, %multiple_of3A_937] : memref<32x1000000xf32, #tpu.memory_space<hbm>> -> memref<32x128xf32, #tpu.memory_space<hbm>>
        tpu.enqueue_dma source(%dma_start3A_947 : memref<32x128xf32, #tpu.memory_space<hbm>>) target(%dma_start3A_945 : memref<32x128xf32, #tpu.memory_space<vmem>>) target_semaphore(%arg10 : memref<!tpu.dma_semaphore, #tpu.memory_space<semaphore_mem>>)
        %slice3A_948 = vector.extract_strided_slice %get3A_917 {offsets = [10], sizes = [1], strides = [1]} : vector<16xi32> to vector<1xi32>
        %squeeze3A_949 = vector.extract %slice3A_948[0] : i32 from vector<1xi32>
        %and3A_950 = arith.constant -128 : i32
        %and3A_951 = arith.andi %squeeze3A_949, %and3A_950 : i32
        %multiple_of3A_952 = tpu.assume_multiple %and3A_951, 128 : i32
        %dma_start3A_953 = arith.constant 64 : i32
        %dma_start3A_954 = arith.constant 0 : i32
        %dma_start3A_955 = tpu.memref_slice %arg7[%dma_start3A_953, %dma_start3A_954] : memref<256x128xf32, #tpu.memory_space<vmem>> -> memref<32x128xf32, #tpu.memory_space<vmem>>
        %dma_start3A_956 = arith.constant 0 : i32
        %dma_start3A_957 = tpu.memref_slice %arg3[%dma_start3A_956, %multiple_of3A_952] : memref<32x1000000xf32, #tpu.memory_space<hbm>> -> memref<32x128xf32, #tpu.memory_space<hbm>>
        %dma_start3A_958 = arith.constant 64 : i32
        %dma_start3A_959 = arith.constant 0 : i32
        %dma_start3A_960 = tpu.memref_slice %arg7[%dma_start3A_958, %dma_start3A_959] : memref<256x128xf32, #tpu.memory_space<vmem>> -> memref<32x128xf32, #tpu.memory_space<vmem>>
        %dma_start3A_961 = arith.constant 0 : i32
        %dma_start3A_962 = tpu.memref_slice %arg3[%dma_start3A_961, %multiple_of3A_952] : memref<32x1000000xf32, #tpu.memory_space<hbm>> -> memref<32x128xf32, #tpu.memory_space<hbm>>
        tpu.enqueue_dma source(%dma_start3A_962 : memref<32x128xf32, #tpu.memory_space<hbm>>) target(%dma_start3A_960 : memref<32x128xf32, #tpu.memory_space<vmem>>) target_semaphore(%arg10 : memref<!tpu.dma_semaphore, #tpu.memory_space<semaphore_mem>>)
        %slice3A_963 = vector.extract_strided_slice %get3A_917 {offsets = [11], sizes = [1], strides = [1]} : vector<16xi32> to vector<1xi32>
        %squeeze3A_964 = vector.extract %slice3A_963[0] : i32 from vector<1xi32>
        %and3A_965 = arith.constant -128 : i32
        %and3A_966 = arith.andi %squeeze3A_964, %and3A_965 : i32
        %multiple_of3A_967 = tpu.assume_multiple %and3A_966, 128 : i32
        %dma_start3A_968 = arith.constant 96 : i32
        %dma_start3A_969 = arith.constant 0 : i32
        %dma_start3A_970 = tpu.memref_slice %arg7[%dma_start3A_968, %dma_start3A_969] : memref<256x128xf32, #tpu.memory_space<vmem>> -> memref<32x128xf32, #tpu.memory_space<vmem>>
        %dma_start3A_971 = arith.constant 0 : i32
        %dma_start3A_972 = tpu.memref_slice %arg3[%dma_start3A_971, %multiple_of3A_967] : memref<32x1000000xf32, #tpu.memory_space<hbm>> -> memref<32x128xf32, #tpu.memory_space<hbm>>
        %dma_start3A_973 = arith.constant 96 : i32
        %dma_start3A_974 = arith.constant 0 : i32
        %dma_start3A_975 = tpu.memref_slice %arg7[%dma_start3A_973, %dma_start3A_974] : memref<256x128xf32, #tpu.memory_space<vmem>> -> memref<32x128xf32, #tpu.memory_space<vmem>>
        %dma_start3A_976 = arith.constant 0 : i32
        %dma_start3A_977 = tpu.memref_slice %arg3[%dma_start3A_976, %multiple_of3A_967] : memref<32x1000000xf32, #tpu.memory_space<hbm>> -> memref<32x128xf32, #tpu.memory_space<hbm>>
        tpu.enqueue_dma source(%dma_start3A_977 : memref<32x128xf32, #tpu.memory_space<hbm>>) target(%dma_start3A_975 : memref<32x128xf32, #tpu.memory_space<vmem>>) target_semaphore(%arg10 : memref<!tpu.dma_semaphore, #tpu.memory_space<semaphore_mem>>)
        %slice3A_978 = vector.extract_strided_slice %get3A_917 {offsets = [12], sizes = [1], strides = [1]} : vector<16xi32> to vector<1xi32>
        %squeeze3A_979 = vector.extract %slice3A_978[0] : i32 from vector<1xi32>
        %and3A_980 = arith.constant -128 : i32
        %and3A_981 = arith.andi %squeeze3A_979, %and3A_980 : i32
        %multiple_of3A_982 = tpu.assume_multiple %and3A_981, 128 : i32
        %dma_start3A_983 = arith.constant 128 : i32
        %dma_start3A_984 = arith.constant 0 : i32
        %dma_start3A_985 = tpu.memref_slice %arg7[%dma_start3A_983, %dma_start3A_984] : memref<256x128xf32, #tpu.memory_space<vmem>> -> memref<32x128xf32, #tpu.memory_space<vmem>>
        %dma_start3A_986 = arith.constant 0 : i32
        %dma_start3A_987 = tpu.memref_slice %arg3[%dma_start3A_986, %multiple_of3A_982] : memref<32x1000000xf32, #tpu.memory_space<hbm>> -> memref<32x128xf32, #tpu.memory_space<hbm>>
        %dma_start3A_988 = arith.constant 128 : i32
        %dma_start3A_989 = arith.constant 0 : i32
        %dma_start3A_990 = tpu.memref_slice %arg7[%dma_start3A_988, %dma_start3A_989] : memref<256x128xf32, #tpu.memory_space<vmem>> -> memref<32x128xf32, #tpu.memory_space<vmem>>
        %dma_start3A_991 = arith.constant 0 : i32
        %dma_start3A_992 = tpu.memref_slice %arg3[%dma_start3A_991, %multiple_of3A_982] : memref<32x1000000xf32, #tpu.memory_space<hbm>> -> memref<32x128xf32, #tpu.memory_space<hbm>>
        tpu.enqueue_dma source(%dma_start3A_992 : memref<32x128xf32, #tpu.memory_space<hbm>>) target(%dma_start3A_990 : memref<32x128xf32, #tpu.memory_space<vmem>>) target_semaphore(%arg10 : memref<!tpu.dma_semaphore, #tpu.memory_space<semaphore_mem>>)
        %slice3A_993 = vector.extract_strided_slice %get3A_917 {offsets = [13], sizes = [1], strides = [1]} : vector<16xi32> to vector<1xi32>
        %squeeze3A_994 = vector.extract %slice3A_993[0] : i32 from vector<1xi32>
        %and3A_995 = arith.constant -128 : i32
        %and3A_996 = arith.andi %squeeze3A_994, %and3A_995 : i32
        %multiple_of3A_997 = tpu.assume_multiple %and3A_996, 128 : i32
        %dma_start3A_998 = arith.constant 160 : i32
        %dma_start3A_999 = arith.constant 0 : i32
        %dma_start3A_1000 = tpu.memref_slice %arg7[%dma_start3A_998, %dma_start3A_999] : memref<256x128xf32, #tpu.memory_space<vmem>> -> memref<32x128xf32, #tpu.memory_space<vmem>>
        %dma_start3A_1001 = arith.constant 0 : i32
        %dma_start3A_1002 = tpu.memref_slice %arg3[%dma_start3A_1001, %multiple_of3A_997] : memref<32x1000000xf32, #tpu.memory_space<hbm>> -> memref<32x128xf32, #tpu.memory_space<hbm>>
        %dma_start3A_1003 = arith.constant 160 : i32
        %dma_start3A_1004 = arith.constant 0 : i32
        %dma_start3A_1005 = tpu.memref_slice %arg7[%dma_start3A_1003, %dma_start3A_1004] : memref<256x128xf32, #tpu.memory_space<vmem>> -> memref<32x128xf32, #tpu.memory_space<vmem>>
        %dma_start3A_1006 = arith.constant 0 : i32
        %dma_start3A_1007 = tpu.memref_slice %arg3[%dma_start3A_1006, %multiple_of3A_997] : memref<32x1000000xf32, #tpu.memory_space<hbm>> -> memref<32x128xf32, #tpu.memory_space<hbm>>
        tpu.enqueue_dma source(%dma_start3A_1007 : memref<32x128xf32, #tpu.memory_space<hbm>>) target(%dma_start3A_1005 : memref<32x128xf32, #tpu.memory_space<vmem>>) target_semaphore(%arg10 : memref<!tpu.dma_semaphore, #tpu.memory_space<semaphore_mem>>)
        %slice3A_1008 = vector.extract_strided_slice %get3A_917 {offsets = [14], sizes = [1], strides = [1]} : vector<16xi32> to vector<1xi32>
        %squeeze3A_1009 = vector.extract %slice3A_1008[0] : i32 from vector<1xi32>
        %and3A_1010 = arith.constant -128 : i32
        %and3A_1011 = arith.andi %squeeze3A_1009, %and3A_1010 : i32
        %multiple_of3A_1012 = tpu.assume_multiple %and3A_1011, 128 : i32
        %dma_start3A_1013 = arith.constant 192 : i32
        %dma_start3A_1014 = arith.constant 0 : i32
        %dma_start3A_1015 = tpu.memref_slice %arg7[%dma_start3A_1013, %dma_start3A_1014] : memref<256x128xf32, #tpu.memory_space<vmem>> -> memref<32x128xf32, #tpu.memory_space<vmem>>
        %dma_start3A_1016 = arith.constant 0 : i32
        %dma_start3A_1017 = tpu.memref_slice %arg3[%dma_start3A_1016, %multiple_of3A_1012] : memref<32x1000000xf32, #tpu.memory_space<hbm>> -> memref<32x128xf32, #tpu.memory_space<hbm>>
        %dma_start3A_1018 = arith.constant 192 : i32
        %dma_start3A_1019 = arith.constant 0 : i32
        %dma_start3A_1020 = tpu.memref_slice %arg7[%dma_start3A_1018, %dma_start3A_1019] : memref<256x128xf32, #tpu.memory_space<vmem>> -> memref<32x128xf32, #tpu.memory_space<vmem>>
        %dma_start3A_1021 = arith.constant 0 : i32
        %dma_start3A_1022 = tpu.memref_slice %arg3[%dma_start3A_1021, %multiple_of3A_1012] : memref<32x1000000xf32, #tpu.memory_space<hbm>> -> memref<32x128xf32, #tpu.memory_space<hbm>>
        tpu.enqueue_dma source(%dma_start3A_1022 : memref<32x128xf32, #tpu.memory_space<hbm>>) target(%dma_start3A_1020 : memref<32x128xf32, #tpu.memory_space<vmem>>) target_semaphore(%arg10 : memref<!tpu.dma_semaphore, #tpu.memory_space<semaphore_mem>>)
        %slice3A_1023 = vector.extract_strided_slice %get3A_917 {offsets = [15], sizes = [1], strides = [1]} : vector<16xi32> to vector<1xi32>
        %squeeze3A_1024 = vector.extract %slice3A_1023[0] : i32 from vector<1xi32>
        %and3A_1025 = arith.constant -128 : i32
        %and3A_1026 = arith.andi %squeeze3A_1024, %and3A_1025 : i32
        %multiple_of3A_1027 = tpu.assume_multiple %and3A_1026, 128 : i32
        %dma_start3A_1028 = arith.constant 224 : i32
        %dma_start3A_1029 = arith.constant 0 : i32
        %dma_start3A_1030 = tpu.memref_slice %arg7[%dma_start3A_1028, %dma_start3A_1029] : memref<256x128xf32, #tpu.memory_space<vmem>> -> memref<32x128xf32, #tpu.memory_space<vmem>>
        %dma_start3A_1031 = arith.constant 0 : i32
        %dma_start3A_1032 = tpu.memref_slice %arg3[%dma_start3A_1031, %multiple_of3A_1027] : memref<32x1000000xf32, #tpu.memory_space<hbm>> -> memref<32x128xf32, #tpu.memory_space<hbm>>
        %dma_start3A_1033 = arith.constant 224 : i32
        %dma_start3A_1034 = arith.constant 0 : i32
        %dma_start3A_1035 = tpu.memref_slice %arg7[%dma_start3A_1033, %dma_start3A_1034] : memref<256x128xf32, #tpu.memory_space<vmem>> -> memref<32x128xf32, #tpu.memory_space<vmem>>
        %dma_start3A_1036 = arith.constant 0 : i32
        %dma_start3A_1037 = tpu.memref_slice %arg3[%dma_start3A_1036, %multiple_of3A_1027] : memref<32x1000000xf32, #tpu.memory_space<hbm>> -> memref<32x128xf32, #tpu.memory_space<hbm>>
        tpu.enqueue_dma source(%dma_start3A_1037 : memref<32x128xf32, #tpu.memory_space<hbm>>) target(%dma_start3A_1035 : memref<32x128xf32, #tpu.memory_space<vmem>>) target_semaphore(%arg10 : memref<!tpu.dma_semaphore, #tpu.memory_space<semaphore_mem>>)
      } else {
      }
      %scan3A_913 = arith.constant 0 : i32
      scf.yield %scan3A_913 : i32
    }
    %scan3A_244 = arith.constant 28 : i32
    %mul3A_245 = arith.constant 112 : i32
    %mul3A_246 = arith.muli %add3A, %mul3A_245 : i32
    "tpu.region"() ({
      %run_scoped3A = tpu.sem_alloc : memref<!tpu.dma_semaphore, #tpu.memory_space<semaphore_mem>>
      %dma_start3A_247 = arith.constant 0 : i32
      %dma_start3A_248 = tpu.memref_slice %arg4[%mul3A_246, %dma_start3A_247] : memref<3584x128xf32, #tpu.memory_space<hbm>> -> memref<112x128xf32, #tpu.memory_space<hbm>>
      %dma_start3A_249 = arith.constant 0 : i32
      %dma_start3A_250 = tpu.memref_slice %arg4[%mul3A_246, %dma_start3A_249] : memref<3584x128xf32, #tpu.memory_space<hbm>> -> memref<112x128xf32, #tpu.memory_space<hbm>>
      tpu.enqueue_dma source(%arg8 : memref<112x128xf32, #tpu.memory_space<vmem>>) target(%dma_start3A_250 : memref<112x128xf32, #tpu.memory_space<hbm>>) target_semaphore(%run_scoped3A : memref<!tpu.dma_semaphore, #tpu.memory_space<semaphore_mem>>)
      %dma_wait3A = arith.constant 0 : i32
      %dma_wait3A_251 = tpu.memref_slice %arg4[%mul3A_246, %dma_wait3A] : memref<3584x128xf32, #tpu.memory_space<hbm>> -> memref<112x128xf32, #tpu.memory_space<hbm>>
      %dma_wait3A_252 = arith.constant 0 : i32
      %dma_wait3A_253 = tpu.memref_slice %arg4[%mul3A_246, %dma_wait3A_252] : memref<3584x128xf32, #tpu.memory_space<hbm>> -> memref<112x128xf32, #tpu.memory_space<hbm>>
      tpu.wait_dma2 semaphore(%run_scoped3A : memref<!tpu.dma_semaphore, #tpu.memory_space<semaphore_mem>>) src(%arg8 : memref<112x128xf32, #tpu.memory_space<vmem>>) dst(%dma_wait3A_253 : memref<112x128xf32, #tpu.memory_space<hbm>>)
      tpu.yield
    }) : () -> ()
    return
  }
}

module attributes {stable_mosaic.version = 14 : i64} {
  func.func @_mlp_body(%arg0: i32, %arg1: memref<2048x32xf32, #tpu.memory_space<vmem>>, %arg2: memref<2048x64xf32, #tpu.memory_space<vmem>>, %arg3: memref<32x128xf32, #tpu.memory_space<vmem>>, %arg4: memref<64x128xf32, #tpu.memory_space<vmem>>, %arg5: memref<1x128xf32, #tpu.memory_space<vmem>>, %arg6: memref<128x64xf32, #tpu.memory_space<vmem>>, %arg7: memref<1x64xf32, #tpu.memory_space<vmem>>, %arg8: memref<64x32xf32, #tpu.memory_space<vmem>>, %arg9: memref<1x32xf32, #tpu.memory_space<vmem>>, %arg10: memref<2048x32xf32, #tpu.memory_space<vmem>>) attributes {dimension_semantics = [#tpu.dimension_semantics<arbitrary>], iteration_bounds = array<i64: 7>, scalar_prefetch = 0 : i64, scratch_operands = 0 : i64, tpu.core_type = #tpu.core_type<tc>, window_params = [{transform_indices = @transform_0, window_bounds = array<i64: 2048, 32>}, {transform_indices = @transform_1, window_bounds = array<i64: 2048, 64>}, {pipeline_mode = #tpu.pipeline_mode<synchronous>, transform_indices = @transform_2, window_bounds = array<i64: 32, 128>}, {pipeline_mode = #tpu.pipeline_mode<synchronous>, transform_indices = @transform_3, window_bounds = array<i64: 64, 128>}, {pipeline_mode = #tpu.pipeline_mode<synchronous>, transform_indices = @transform_4, window_bounds = array<i64: 1, 128>}, {pipeline_mode = #tpu.pipeline_mode<synchronous>, transform_indices = @transform_5, window_bounds = array<i64: 128, 64>}, {pipeline_mode = #tpu.pipeline_mode<synchronous>, transform_indices = @transform_6, window_bounds = array<i64: 1, 64>}, {pipeline_mode = #tpu.pipeline_mode<synchronous>, transform_indices = @transform_7, window_bounds = array<i64: 64, 32>}, {pipeline_mode = #tpu.pipeline_mode<synchronous>, transform_indices = @transform_8, window_bounds = array<i64: 1, 32>}, {transform_indices = @transform_9, window_bounds = array<i64: 2048, 32>}]} {
    %get3A = arith.constant 0 : index
    %get3A_0 = arith.constant 0 : index
    %get3A_1 = vector.load %arg1[%get3A, %get3A_0] : memref<2048x32xf32, #tpu.memory_space<vmem>>, vector<2048x32xf32>
    %get3A_2 = arith.constant 0 : index
    %get3A_3 = arith.constant 0 : index
    %get3A_4 = vector.load %arg3[%get3A_2, %get3A_3] : memref<32x128xf32, #tpu.memory_space<vmem>>, vector<32x128xf32>
    %dot_general3A = arith.constant dense<0.000000e+00> : vector<2048x128xf32>
    %dot_general3A_5 = tpu.matmul %get3A_1, %get3A_4, %dot_general3A {dimension_numbers = #tpu.dot_dimension_numbers<[1], [0], [0], [1], [0, 0, 1, 1], [], []>, transpose_lhs_hint = false} : vector<2048x32xf32>, vector<32x128xf32>, vector<2048x128xf32> -> vector<2048x128xf32>
    %get3A_6 = arith.constant 0 : index
    %get3A_7 = arith.constant 0 : index
    %get3A_8 = vector.load %arg2[%get3A_6, %get3A_7] : memref<2048x64xf32, #tpu.memory_space<vmem>>, vector<2048x64xf32>
    %get3A_9 = arith.constant 0 : index
    %get3A_10 = arith.constant 0 : index
    %get3A_11 = vector.load %arg4[%get3A_9, %get3A_10] : memref<64x128xf32, #tpu.memory_space<vmem>>, vector<64x128xf32>
    %dot_general3A_12 = arith.constant dense<0.000000e+00> : vector<2048x128xf32>
    %dot_general3A_13 = tpu.matmul %get3A_8, %get3A_11, %dot_general3A_12 {dimension_numbers = #tpu.dot_dimension_numbers<[1], [0], [0], [1], [0, 0, 1, 1], [], []>, transpose_lhs_hint = false} : vector<2048x64xf32>, vector<64x128xf32>, vector<2048x128xf32> -> vector<2048x128xf32>
    %add3A = arith.addf %dot_general3A_5, %dot_general3A_13 : vector<2048x128xf32>
    %get3A_14 = arith.constant 0 : index
    %get3A_15 = arith.constant 0 : index
    %get3A_16 = vector.load %arg5[%get3A_14, %get3A_15] : memref<1x128xf32, #tpu.memory_space<vmem>>, vector<1x128xf32>
    %add3A_17 = vector.broadcast %get3A_16 : vector<1x128xf32> to vector<2048x128xf32>
    %add3A_18 = arith.addf %add3A, %add3A_17 : vector<2048x128xf32>
    %max3A = arith.constant 0.000000e+00 : f32
    %max3A_19 = vector.broadcast %max3A : f32 to vector<2048x128xf32>
    %max3A_20 = arith.maximumf %add3A_18, %max3A_19 : vector<2048x128xf32>
    %get3A_21 = arith.constant 0 : index
    %get3A_22 = arith.constant 0 : index
    %get3A_23 = vector.load %arg6[%get3A_21, %get3A_22] : memref<128x64xf32, #tpu.memory_space<vmem>>, vector<128x64xf32>
    %dot_general3A_24 = arith.constant dense<0.000000e+00> : vector<2048x64xf32>
    %dot_general3A_25 = tpu.matmul %max3A_20, %get3A_23, %dot_general3A_24 {dimension_numbers = #tpu.dot_dimension_numbers<[1], [0], [0], [1], [0, 0, 1, 1], [], []>, transpose_lhs_hint = false} : vector<2048x128xf32>, vector<128x64xf32>, vector<2048x64xf32> -> vector<2048x64xf32>
    %get3A_26 = arith.constant 0 : index
    %get3A_27 = arith.constant 0 : index
    %get3A_28 = vector.load %arg7[%get3A_26, %get3A_27] : memref<1x64xf32, #tpu.memory_space<vmem>>, vector<1x64xf32>
    %add3A_29 = vector.broadcast %get3A_28 : vector<1x64xf32> to vector<2048x64xf32>
    %add3A_30 = arith.addf %dot_general3A_25, %add3A_29 : vector<2048x64xf32>
    %max3A_31 = arith.constant 0.000000e+00 : f32
    %max3A_32 = vector.broadcast %max3A_31 : f32 to vector<2048x64xf32>
    %max3A_33 = arith.maximumf %add3A_30, %max3A_32 : vector<2048x64xf32>
    %get3A_34 = arith.constant 0 : index
    %get3A_35 = arith.constant 0 : index
    %get3A_36 = vector.load %arg8[%get3A_34, %get3A_35] : memref<64x32xf32, #tpu.memory_space<vmem>>, vector<64x32xf32>
    %dot_general3A_37 = arith.constant dense<0.000000e+00> : vector<2048x32xf32>
    %dot_general3A_38 = tpu.matmul %max3A_33, %get3A_36, %dot_general3A_37 {dimension_numbers = #tpu.dot_dimension_numbers<[1], [0], [0], [1], [0, 0, 1, 1], [], []>, transpose_lhs_hint = false} : vector<2048x64xf32>, vector<64x32xf32>, vector<2048x32xf32> -> vector<2048x32xf32>
    %get3A_39 = arith.constant 0 : index
    %get3A_40 = arith.constant 0 : index
    %get3A_41 = vector.load %arg9[%get3A_39, %get3A_40] : memref<1x32xf32, #tpu.memory_space<vmem>>, vector<1x32xf32>
    %add3A_42 = vector.broadcast %get3A_41 : vector<1x32xf32> to vector<2048x32xf32>
    %add3A_43 = arith.addf %dot_general3A_38, %add3A_42 : vector<2048x32xf32>
    %swap3A = arith.constant 0 : index
    %swap3A_44 = arith.constant 0 : index
    %swap3A_45 = vector.load %arg10[%swap3A, %swap3A_44] : memref<2048x32xf32, #tpu.memory_space<vmem>>, vector<2048x32xf32>
    tpu.vector_store %arg10[%swap3A, %swap3A_44], %add3A_43 {strides = array<i32>} : memref<2048x32xf32, #tpu.memory_space<vmem>>, vector<2048x32xf32>,
    return
  }
  func.func @transform_0(%arg0: i32) -> (i32, i32) {
    %c0_i32 = arith.constant 0 : i32
    %c0_i32_0 = arith.constant 0 : i32
    return %arg0, %c0_i32 : i32, i32
  }
  func.func @transform_1(%arg0: i32) -> (i32, i32) {
    %c0_i32 = arith.constant 0 : i32
    %c0_i32_0 = arith.constant 0 : i32
    return %arg0, %c0_i32 : i32, i32
  }
  func.func @transform_2(%arg0: i32) -> (i32, i32) {
    %c0_i32 = arith.constant 0 : i32
    %c0_i32_0 = arith.constant 0 : i32
    %c0_i32_1 = arith.constant 0 : i32
    return %c0_i32, %c0_i32_0 : i32, i32
  }
  func.func @transform_3(%arg0: i32) -> (i32, i32) {
    %c0_i32 = arith.constant 0 : i32
    %c0_i32_0 = arith.constant 0 : i32
    %c0_i32_1 = arith.constant 0 : i32
    return %c0_i32, %c0_i32_0 : i32, i32
  }
  func.func @transform_4(%arg0: i32) -> (i32, i32) {
    %c0_i32 = arith.constant 0 : i32
    %c0_i32_0 = arith.constant 0 : i32
    %c0_i32_1 = arith.constant 0 : i32
    return %c0_i32, %c0_i32_0 : i32, i32
  }
  func.func @transform_5(%arg0: i32) -> (i32, i32) {
    %c0_i32 = arith.constant 0 : i32
    %c0_i32_0 = arith.constant 0 : i32
    %c0_i32_1 = arith.constant 0 : i32
    return %c0_i32, %c0_i32_0 : i32, i32
  }
  func.func @transform_6(%arg0: i32) -> (i32, i32) {
    %c0_i32 = arith.constant 0 : i32
    %c0_i32_0 = arith.constant 0 : i32
    %c0_i32_1 = arith.constant 0 : i32
    return %c0_i32, %c0_i32_0 : i32, i32
  }
  func.func @transform_7(%arg0: i32) -> (i32, i32) {
    %c0_i32 = arith.constant 0 : i32
    %c0_i32_0 = arith.constant 0 : i32
    %c0_i32_1 = arith.constant 0 : i32
    return %c0_i32, %c0_i32_0 : i32, i32
  }
  func.func @transform_8(%arg0: i32) -> (i32, i32) {
    %c0_i32 = arith.constant 0 : i32
    %c0_i32_0 = arith.constant 0 : i32
    %c0_i32_1 = arith.constant 0 : i32
    return %c0_i32, %c0_i32_0 : i32, i32
  }
  func.func @transform_9(%arg0: i32) -> (i32, i32) {
    %c0_i32 = arith.constant 0 : i32
    %c0_i32_0 = arith.constant 0 : i32
    return %arg0, %c0_i32 : i32, i32
  }
}

module attributes {stable_mosaic.version = 14 : i64} {
  func.func @_mlp_body(%arg0: i32, %arg1: memref<2048x32xf32, #tpu.memory_space<vmem>>, %arg2: memref<2048x64xf32, #tpu.memory_space<vmem>>, %arg3: memref<32x128xf32, #tpu.memory_space<vmem>>, %arg4: memref<64x128xf32, #tpu.memory_space<vmem>>, %arg5: memref<1x128xf32, #tpu.memory_space<vmem>>, %arg6: memref<128x64xf32, #tpu.memory_space<vmem>>, %arg7: memref<1x64xf32, #tpu.memory_space<vmem>>, %arg8: memref<64x32xf32, #tpu.memory_space<vmem>>, %arg9: memref<1x32xf32, #tpu.memory_space<vmem>>, %arg10: memref<2048x32xf32, #tpu.memory_space<vmem>>) attributes {dimension_semantics = [#tpu.dimension_semantics<arbitrary>], iteration_bounds = array<i64: 1>, scalar_prefetch = 0 : i64, scratch_operands = 0 : i64, tpu.core_type = #tpu.core_type<tc>, window_params = [{transform_indices = @transform_0, window_bounds = array<i64: 2048, 32>}, {transform_indices = @transform_1, window_bounds = array<i64: 2048, 64>}, {pipeline_mode = #tpu.pipeline_mode<synchronous>, transform_indices = @transform_2, window_bounds = array<i64: 32, 128>}, {pipeline_mode = #tpu.pipeline_mode<synchronous>, transform_indices = @transform_3, window_bounds = array<i64: 64, 128>}, {pipeline_mode = #tpu.pipeline_mode<synchronous>, transform_indices = @transform_4, window_bounds = array<i64: 1, 128>}, {pipeline_mode = #tpu.pipeline_mode<synchronous>, transform_indices = @transform_5, window_bounds = array<i64: 128, 64>}, {pipeline_mode = #tpu.pipeline_mode<synchronous>, transform_indices = @transform_6, window_bounds = array<i64: 1, 64>}, {pipeline_mode = #tpu.pipeline_mode<synchronous>, transform_indices = @transform_7, window_bounds = array<i64: 64, 32>}, {pipeline_mode = #tpu.pipeline_mode<synchronous>, transform_indices = @transform_8, window_bounds = array<i64: 1, 32>}, {transform_indices = @transform_9, window_bounds = array<i64: 2048, 32>}]} {
    %get3A = arith.constant 0 : index
    %get3A_0 = arith.constant 0 : index
    %get3A_1 = vector.load %arg1[%get3A, %get3A_0] : memref<2048x32xf32, #tpu.memory_space<vmem>>, vector<2048x32xf32>
    %get3A_2 = arith.constant 0 : index
    %get3A_3 = arith.constant 0 : index
    %get3A_4 = vector.load %arg3[%get3A_2, %get3A_3] : memref<32x128xf32, #tpu.memory_space<vmem>>, vector<32x128xf32>
    %dot_general3A = arith.constant dense<0.000000e+00> : vector<2048x128xf32>
    %dot_general3A_5 = tpu.matmul %get3A_1, %get3A_4, %dot_general3A {dimension_numbers = #tpu.dot_dimension_numbers<[1], [0], [0], [1], [0, 0, 1, 1], [], []>, transpose_lhs_hint = false} : vector<2048x32xf32>, vector<32x128xf32>, vector<2048x128xf32> -> vector<2048x128xf32>
    %get3A_6 = arith.constant 0 : index
    %get3A_7 = arith.constant 0 : index
    %get3A_8 = vector.load %arg2[%get3A_6, %get3A_7] : memref<2048x64xf32, #tpu.memory_space<vmem>>, vector<2048x64xf32>
    %get3A_9 = arith.constant 0 : index
    %get3A_10 = arith.constant 0 : index
    %get3A_11 = vector.load %arg4[%get3A_9, %get3A_10] : memref<64x128xf32, #tpu.memory_space<vmem>>, vector<64x128xf32>
    %dot_general3A_12 = arith.constant dense<0.000000e+00> : vector<2048x128xf32>
    %dot_general3A_13 = tpu.matmul %get3A_8, %get3A_11, %dot_general3A_12 {dimension_numbers = #tpu.dot_dimension_numbers<[1], [0], [0], [1], [0, 0, 1, 1], [], []>, transpose_lhs_hint = false} : vector<2048x64xf32>, vector<64x128xf32>, vector<2048x128xf32> -> vector<2048x128xf32>
    %add3A = arith.addf %dot_general3A_5, %dot_general3A_13 : vector<2048x128xf32>
    %get3A_14 = arith.constant 0 : index
    %get3A_15 = arith.constant 0 : index
    %get3A_16 = vector.load %arg5[%get3A_14, %get3A_15] : memref<1x128xf32, #tpu.memory_space<vmem>>, vector<1x128xf32>
    %add3A_17 = vector.broadcast %get3A_16 : vector<1x128xf32> to vector<2048x128xf32>
    %add3A_18 = arith.addf %add3A, %add3A_17 : vector<2048x128xf32>
    %max3A = arith.constant 0.000000e+00 : f32
    %max3A_19 = vector.broadcast %max3A : f32 to vector<2048x128xf32>
    %max3A_20 = arith.maximumf %add3A_18, %max3A_19 : vector<2048x128xf32>
    %get3A_21 = arith.constant 0 : index
    %get3A_22 = arith.constant 0 : index
    %get3A_23 = vector.load %arg6[%get3A_21, %get3A_22] : memref<128x64xf32, #tpu.memory_space<vmem>>, vector<128x64xf32>
    %dot_general3A_24 = arith.constant dense<0.000000e+00> : vector<2048x64xf32>
    %dot_general3A_25 = tpu.matmul %max3A_20, %get3A_23, %dot_general3A_24 {dimension_numbers = #tpu.dot_dimension_numbers<[1], [0], [0], [1], [0, 0, 1, 1], [], []>, transpose_lhs_hint = false} : vector<2048x128xf32>, vector<128x64xf32>, vector<2048x64xf32> -> vector<2048x64xf32>
    %get3A_26 = arith.constant 0 : index
    %get3A_27 = arith.constant 0 : index
    %get3A_28 = vector.load %arg7[%get3A_26, %get3A_27] : memref<1x64xf32, #tpu.memory_space<vmem>>, vector<1x64xf32>
    %add3A_29 = vector.broadcast %get3A_28 : vector<1x64xf32> to vector<2048x64xf32>
    %add3A_30 = arith.addf %dot_general3A_25, %add3A_29 : vector<2048x64xf32>
    %max3A_31 = arith.constant 0.000000e+00 : f32
    %max3A_32 = vector.broadcast %max3A_31 : f32 to vector<2048x64xf32>
    %max3A_33 = arith.maximumf %add3A_30, %max3A_32 : vector<2048x64xf32>
    %get3A_34 = arith.constant 0 : index
    %get3A_35 = arith.constant 0 : index
    %get3A_36 = vector.load %arg8[%get3A_34, %get3A_35] : memref<64x32xf32, #tpu.memory_space<vmem>>, vector<64x32xf32>
    %dot_general3A_37 = arith.constant dense<0.000000e+00> : vector<2048x32xf32>
    %dot_general3A_38 = tpu.matmul %max3A_33, %get3A_36, %dot_general3A_37 {dimension_numbers = #tpu.dot_dimension_numbers<[1], [0], [0], [1], [0, 0, 1, 1], [], []>, transpose_lhs_hint = false} : vector<2048x64xf32>, vector<64x32xf32>, vector<2048x32xf32> -> vector<2048x32xf32>
    %get3A_39 = arith.constant 0 : index
    %get3A_40 = arith.constant 0 : index
    %get3A_41 = vector.load %arg9[%get3A_39, %get3A_40] : memref<1x32xf32, #tpu.memory_space<vmem>>, vector<1x32xf32>
    %add3A_42 = vector.broadcast %get3A_41 : vector<1x32xf32> to vector<2048x32xf32>
    %add3A_43 = arith.addf %dot_general3A_38, %add3A_42 : vector<2048x32xf32>
    %swap3A = arith.constant 0 : index
    %swap3A_44 = arith.constant 0 : index
    %swap3A_45 = vector.load %arg10[%swap3A, %swap3A_44] : memref<2048x32xf32, #tpu.memory_space<vmem>>, vector<2048x32xf32>
    tpu.vector_store %arg10[%swap3A, %swap3A_44], %add3A_43 {strides = array<i32>} : memref<2048x32xf32, #tpu.memory_space<vmem>>, vector<2048x32xf32>,
    return
  }
  func.func @transform_0(%arg0: i32) -> (i32, i32) {
    %c0_i32 = arith.constant 0 : i32
    %c0_i32_0 = arith.constant 0 : i32
    return %arg0, %c0_i32 : i32, i32
  }
  func.func @transform_1(%arg0: i32) -> (i32, i32) {
    %c0_i32 = arith.constant 0 : i32
    %c0_i32_0 = arith.constant 0 : i32
    return %arg0, %c0_i32 : i32, i32
  }
  func.func @transform_2(%arg0: i32) -> (i32, i32) {
    %c0_i32 = arith.constant 0 : i32
    %c0_i32_0 = arith.constant 0 : i32
    %c0_i32_1 = arith.constant 0 : i32
    return %c0_i32, %c0_i32_0 : i32, i32
  }
  func.func @transform_3(%arg0: i32) -> (i32, i32) {
    %c0_i32 = arith.constant 0 : i32
    %c0_i32_0 = arith.constant 0 : i32
    %c0_i32_1 = arith.constant 0 : i32
    return %c0_i32, %c0_i32_0 : i32, i32
  }
  func.func @transform_4(%arg0: i32) -> (i32, i32) {
    %c0_i32 = arith.constant 0 : i32
    %c0_i32_0 = arith.constant 0 : i32
    %c0_i32_1 = arith.constant 0 : i32
    return %c0_i32, %c0_i32_0 : i32, i32
  }
  func.func @transform_5(%arg0: i32) -> (i32, i32) {
    %c0_i32 = arith.constant 0 : i32
    %c0_i32_0 = arith.constant 0 : i32
    %c0_i32_1 = arith.constant 0 : i32
    return %c0_i32, %c0_i32_0 : i32, i32
  }
  func.func @transform_6(%arg0: i32) -> (i32, i32) {
    %c0_i32 = arith.constant 0 : i32
    %c0_i32_0 = arith.constant 0 : i32
    %c0_i32_1 = arith.constant 0 : i32
    return %c0_i32, %c0_i32_0 : i32, i32
  }
  func.func @transform_7(%arg0: i32) -> (i32, i32) {
    %c0_i32 = arith.constant 0 : i32
    %c0_i32_0 = arith.constant 0 : i32
    %c0_i32_1 = arith.constant 0 : i32
    return %c0_i32, %c0_i32_0 : i32, i32
  }
  func.func @transform_8(%arg0: i32) -> (i32, i32) {
    %c0_i32 = arith.constant 0 : i32
    %c0_i32_0 = arith.constant 0 : i32
    %c0_i32_1 = arith.constant 0 : i32
    return %c0_i32, %c0_i32_0 : i32, i32
  }
  func.func @transform_9(%arg0: i32) -> (i32, i32) {
    %c0_i32 = arith.constant 0 : i32
    %c0_i32_0 = arith.constant 0 : i32
    return %arg0, %c0_i32 : i32, i32
  }
}

</mosaic_0001>

<sc_bundles>
// kernel: kernel.6.cloned.1.call-start
scs
__scs_entry_jumppad:
0x0: {  	(pc) =	sbr.rel $0x88, $3  }
0x1: {  	(tag) =	ssettag $0x0;
	lr =	simm.s32 $0x1  }
0x2: {  	[smem:$0x3F98] =	sst lr;
	_ =	strace $0xD0000000  }
0x3: {  	_ = 	snop  }
0x4: {  	_ = 	snop  }
0x5: {  	_ = 	snop  }
0x6: {  	_ = 	snop  }
0x7: {  	_ = 	snop  }
__scs_overlays_trampoline_lowered:
0x8: {  	[smem:$0x3FA7] =	sst s0  }
0x9: {  	[smem:$0x3FA8] =	sst s1  }
0xa: {  	[smem:$0x3FA9] =	sst s2  }
0xb: {  	[smem:$0x3FAA] =	sst s3  }
0xc: {  	[smem:$0x3FAB] =	sst s4  }
0xd: {  	[smem:$0x3FAC] =	sst s5  }
0xe: {  	[smem:$0x3FAD] =	sst s6  }
0xf: {  	[smem:$0x3FAE] =	sst s7  }
0x10: {  	[smem:$0x3FAF] =	sst s8  }
0x11: {  	[smem:$0x3FB0] =	sst s9;
	s0 =	simm.s32 @!p0 $0x0  }
0x12: {  	s1 =	sld [smem:$0x3F96];
	s0 =	simm.s32 @p0 $0x1  }
0x13: {  	[smem:$0x3FB1] =	sst s0;
	s0 =	simm.s32 @!p1 $0x0  }
0x14: {  	s2 =	sld [smem:$0x3F95];
	s0 =	simm.s32 @p1 $0x1  }
0x15: {  	[smem:$0x3FB2] =	sst s0;
	s0 =	simm.s32 @!p2 $0x0  }
0x16: {  	s3 =	sld [smem:$0x3FDB];
	s0 =	simm.s32 @p2 $0x1  }
0x17: {  	s4 =	simm.s32 $0x1BF5;
	[smem:$0x3FB4] =	sst s0  }
0x18: {  	s0 =	sld [smem:$0x3F97];
	_ =	swait.ge [sflag:s4], $0x0  }
0x19: {  	s7 =	sld [smem:$0x3F98]  }
0x1a: {  	s8 =	sadd.s32 $0xFFFFE003, lr  }
0x1b: {  	s9 =	sadd.s32 $0xFFFFFEF7, lr;
	s5 =	simm.s32 $0xFFFFFFFF;
	p2 =	slt.u32 s8, $0xFFFFF086  }
0x1c: {  	p1 =	slt.u32 s9, $0xF7A;
	s5 =	simm.s32 @!p2 $0x0  }
0x1d: {  	s5 =	simm.s32 @p1 $0x1;
	p0 =	seq.s32 s7, s2  }
0x1e: {  	s7 =	smul.u32 @!p0 $0xF7A, s2;
	p2 =	seq.s32 @!p0 s5, $0x0  }
0x1f: {  	s9 =	smul.u32 $0xF7A, s1;
	s8 =	simm.s32 @!p0 $0x1BF5;
	p2 =	por !p2, p0  }
0x20: {  	[sflag:s8] =	ssyncset.s32 @!p0 $0xFFFFF086;
	s6 =	sadd.s32 @!p0 s3, s7;
	s7 =	simm.s32 @!p0 $0x108  }
0x21: {  	s3 =	sadd.s32 s3, s9;
	s6 =	sadd.s32 @!p0 $0x88, s6;
	s7 =	simm.s32 @p2 $0x1082  }
0x22: {  	[simem:s7], [sflag:s8] =	dma.local @!p0 [hbm:s6], $0xF7A  }
0x23: {  	s9 =	sor.u32 $0xD0000000, s2;
	s6 =	simm.s32 $0x108;
	_ =	swait.ge @!p0 [sflag:s8], $0x0  }
0x24: {  	s3 =	sadd.s32 $0x88, s3;
	s6 =	simm.s32 @!p1 $0x1082;
	[sflag:s4] =	ssyncset.s32 $0xFFFFF086  }
0x25: {  	[simem:s6], [sflag:s4] =	dma.local [hbm:s3], $0xF7A  }
0x26: {  	[smem:$0x3F98] =	sst s1;
	(tag) =	ssettag s2;
	_ =	strace s9  }
0x27: {  	s1 =	sld [smem:$0x3FA8]  }
0x28: {  	s2 =	sld [smem:$0x3FA9]  }
0x29: {  	s4 =	sld [smem:$0x3FAB]  }
0x2a: {  	p0 =	seq.s32 s5, $0x0;
	s5 =	sld [smem:$0x3FAC]  }
0x2b: {  	s6 =	sld [smem:$0x3FAD]  }
0x2c: {  	s7 =	sld [smem:$0x3FAE]  }
0x2d: {  	s3 =	simm.s32 $0x108;
	s8 =	sld [smem:$0x3FAF]  }
0x2e: {  	s3 =	simm.s32 @!p0 $0x1082;
	s9 =	sld [smem:$0x3FB0]  }
0x2f: {  	lr =	sadd.s32 s0, s3;
	s0 =	sld [smem:$0x3FA7]  }
0x30: {  	s3 =	sld [smem:$0x3FAA]  }
0x31: {  	[smem:$0x3FB3] =	sst s10  }
0x32: {  	s10 =	sld [smem:$0x3FB1];
	_ =	sdelay $0x3  }
0x33: {  	p0 =	seq.s32 s10, $0x1;
	s10 =	sld [smem:$0x3FB3];
	_ =	sdelay $0x3  }
0x34: {  	[smem:$0x3FB3] =	sst s10  }
0x35: {  	s10 =	sld [smem:$0x3FB2];
	_ =	sdelay $0x3  }
0x36: {  	p1 =	seq.s32 s10, $0x1;
	s10 =	sld [smem:$0x3FB3];
	_ =	sdelay $0x3  }
0x37: {  	[smem:$0x3FB3] =	sst s10  }
0x38: {  	s10 =	sld [smem:$0x3FB4]  }
0x39: {  	_ = 	snop;
	(pc) =	sbr.ind lr, $3  }
0x3a: {  	_ = 	snop  }
0x3b: {  	_ = 	snop  }
0x3c: {  	p2 =	seq.s32 s10, $0x1;
	s10 =	sld [smem:$0x3FB3]  }
0x3d: {  	_ =	shalt  }
0x3e: {  	_ =	shalt  }
0x3f: {  	_ =	shalt  }
0x40: {  	_ =	shalt  }
0x41: {  	_ =	shalt  }
0x42: {  	_ =	shalt  }
0x43: {  	_ =	shalt  }
0x44: {  	_ =	shalt  }
0x45: {  	_ =	shalt  }
0x46: {  	_ =	shalt  }
0x47: {  	_ =	shalt  }
0x48: {  	_ =	shalt  }
0x49: {  	_ =	shalt  }
0x4a: {  	_ =	shalt  }
0x4b: {  	_ =	shalt  }
0x4c: {  	_ =	shalt  }
0x4d: {  	_ =	shalt  }
0x4e: {  	_ =	shalt  }
0x4f: {  	_ =	shalt  }
0x50: {  	_ =	shalt  }
0x51: {  	_ =	shalt  }
0x52: {  	_ =	shalt  }
0x53: {  	_ =	shalt  }
0x54: {  	_ =	shalt  }
0x55: {  	_ =	shalt  }
0x56: {  	_ =	shalt  }
0x57: {  	_ =	shalt  }
0x58: {  	_ =	shalt  }
0x59: {  	_ =	shalt  }
0x5a: {  	_ =	shalt  }
0x5b: {  	_ =	shalt  }
0x5c: {  	_ =	shalt  }
0x5d: {  	_ =	shalt  }
0x5e: {  	_ =	shalt  }
0x5f: {  	_ =	shalt  }
0x60: {  	_ =	shalt  }
0x61: {  	_ =	shalt  }
0x62: {  	_ =	shalt  }
0x63: {  	_ =	shalt  }
0x64: {  	_ =	shalt  }
0x65: {  	_ =	shalt  }
0x66: {  	_ =	shalt  }
0x67: {  	_ =	shalt  }
0x68: {  	_ =	shalt  }
0x69: {  	_ =	shalt  }
0x6a: {  	_ =	shalt  }
0x6b: {  	_ =	shalt  }
0x6c: {  	_ =	shalt  }
0x6d: {  	_ =	shalt  }
0x6e: {  	_ =	shalt  }
0x6f: {  	_ =	shalt  }
0x70: {  	_ =	shalt  }
0x71: {  	_ =	shalt  }
0x72: {  	_ =	shalt  }
0x73: {  	_ =	shalt  }
0x74: {  	_ =	shalt  }
0x75: {  	_ =	shalt  }
0x76: {  	_ =	shalt  }
0x77: {  	_ =	shalt  }
0x78: {  	_ =	shalt  }
0x79: {  	_ =	shalt  }
0x7a: {  	_ =	shalt  }
0x7b: {  	_ =	shalt  }
0x7c: {  	_ =	shalt  }
0x7d: {  	_ =	shalt  }
0x7e: {  	_ =	shalt  }
0x7f: {  	_ =	shalt  }
0x80: {  	_ =	shalt  }
0x81: {  	_ =	shalt  }
0x82: {  	_ =	shalt  }
0x83: {  	_ =	shalt  }
0x84: {  	_ =	shalt  }
0x85: {  	_ =	shalt  }
0x86: {  	_ =	shalt  }
0x87: {  	_ =	shalt  }
.Lfunc_end0:
.L_simem_size_0:
called_computation_lowered:
.L_overlay_start_0:
0x88: {  	s2 =	sld [smem:$0x3FD9]  }
0x89: {  	s3 =	sld [smem:$0x3FFE];
	_ =	sdelay $0x1  }
0x8a: {  	s1 =	srdreg.scid  }
0x8b: {  	s0 =	sand.u32 $0x1, s1  }
0x8c: {  	s17 =	sshll.u32 s0, $0xA;
	s2 =	sadd.s32 s3, s2  }
0x8d: {  	s2 =	sadd.s32 s2, s17  }
0x8e: {  	[smem:$0x3FBF] =	sst s2  }
0x8f: {  	_ = 	snop  }
0x90: {  	s2 =	sld [smem:$0x3FC7]  }
0x91: {  	s18 =	sld [smem:$0x3FD0];
	(tm) =	ssettm $0x1  }
0x92: {  	s4 =	sld [smem:$0x3FFB];
	_ =	sdelay $0x3  }
0x93: {  	_ =	strace s4  }
0x94: {  	s4 =	sld [smem:$0x3FFC];
	_ =	sdelay $0x3  }
0x95: {  	_ =	strace s4  }
0x96: {  	s4 =	sld [smem:$0x3FFD];
	_ =	sdelay $0x3  }
0x97: {  	_ =	strace s4  }
0x98: {  	_ =	strace $0x8FFFFFFF  }
0x99: {  	s19 =	sld [smem:$0x3FDB];
	_ =	sdelay $0x1  }
0x9a: {  	s5 =	simm.s32 $_scs_section_size  }
0x9b: {  	s6 =	simm.s32 $_size__tile_overlayer_lowered;
	s7 =	simm.s32 $_tile_overlayer_lowered  }
0x9c: {  	s22 =	simm.s32 $0x1BFF;
	s21 =	sshll.u32 s7, $0x1;
	s4 =	sadd.s32 s5, s19  }
0x9d: {  	s8 =	simm.s32 $0x0;
	s20 =	sshll.u32 s6, $0x1;
	s6 =	sadd.s32 s21, s4  }
0x9e: {  	[timem:s8], [sflag:s22] =	dma.local [hbm:s6], s20  }
0x9f: {  	_ =	swait.ge [sflag:s22], s20  }
0xa0: {  	s5 =	ssub.s32 $0x0, s20;
	[sflag:s22] =	ssyncset.done $0x0  }
0xa1: {  	[sflag:s22] =	ssyncadd.s32 s5;
	_ =	sdelay $0x1  }
0xa2: {  	s23 =	simm.s32 $0x1B8B  }
0xa3: {  	_ =	swait.ge [sflag:s23], $0x1  }
0xa4: {  	[sflag:s23] =	ssyncset.done $0x0  }
0xa5: {  	s25 =	simm.s32 $0x1B8E;
	s24 =	sld [smem:$0x3FFE];
	[sflag:s23] =	ssyncadd.s32 $0xFFFFFFFF  }
0xa6: {  	s26 =	simm.s32 $execute0_lowered;
	[smem:$0x3FD2] =	sst s25  }
0xa7: {  	s6 =	sshll.u32 s26, $0x1;
	_ =	strace $0x80000046;
	[dreg:$0x1] =	wrdreg $0xFFFFFFFF  }
0xa8: {  	s28 =	simm.s32 $_size_execute0_lowered;
	s4 =	sadd.s32 s4, s6;
	[dreg:$0x0] =	wrdreg $0x0  }
0xa9: {  	s6 =	sshll.u32 s28, $0x1;
	[dreg:$0x2] =	wrdreg s4  }
0xaa: {  	[dreg:$0x3] =	wrdreg s6  }
0xab: {  	[dreg:$0x4] =	wrdreg $0xC0  }
0xac: {  	_ =	task [dreg:s8], $0x5FFFF  }
0xad: {  	[dreg:$0x1] =	wrdreg $0xFFFFFFFF  }
0xae: {  	[dreg:$0x0] =	wrdreg $0x60  }
0xaf: {  	[dreg:$0x2] =	wrdreg s24  }
0xb0: {  	[dreg:$0x3] =	wrdreg s2  }
0xb1: {  	[dreg:$0x4] =	wrdreg s18  }
0xb2: {  	[dreg:$0x5] =	wrdreg $0x9  }
0xb3: {  	_ =	task.clear_ibuf [dreg:s8], $0x6FFFF;
	_ =	strace $0x90000046  }
0xb4: {  	s29 =	simm.s32 $0x9;
	_ =	strace $0x80000048  }
0xb5: {  	_ =	swait.ge [sflag:s29], $0x1  }
0xb6: {  	[sflag:s29] =	ssyncadd.s32 $0xFFFFFFFF  }
0xb7: {  	_ =	strace $0x90000048  }
0xb8: {  	_ =	sfence  }
0xb9: {  	s30 =	sld [smem:$0x0];
	_ =	sdelay $0x2  }
0xba: {  	s31 =	sshll.u32 s1, $0xD;
	s1 =	sshrl.u32 s1, $0x2  }
0xbb: {  	s3 =	sand.u32 $0x4000, s31;
	s1 =	sadd.s32 s1, s30  }
0xbc: {  	s0 =	sor.u32 s3, s0;
	s1 =	sshll.u32 s1, $0x11  }
0xbd: {  	s0 =	sor.u32 s1, s0  }
0xbe: {  	s0 =	sadd.s32 $0x8F2B, s0  }
0xbf: {  	[sflag:s0] =	ssyncadd.remote.s32 $0x1  }
0xc0: {  	_ =	sfence.sel $0xFFFF  }
0xc1: {  	[dreg:$0x0] =	wrdreg $0xFFFFFFFF;
	(pc) =	sbr.abs _section_cstart, $3  }
0xc2: {  	[dreg:$0x1] =	wrdreg $0xFFFFFFFF  }
0xc3: {  	_ =	task.clear_ibuf [dreg:s8], $0x2FFFF;
	_ =	strace $0x9FFFFFFF  }
0xc4: {  	(tm) =	ssettm $0x7FFFFFFF  }
0xc5: {  	_ =	shalt  }
tec
execute0_lowered:
.L_overlay_start_1:
0x0: {  	(tag) =	ssettag $0x1  }
0x1: {  	s0 =	rddreg [dreg:$0x0];
	s1 =	srdreg.scid  }
0x2: {  	s3 =	stileid.u32;
	s2 =	rddreg [dreg:$0x1]  }
0x3: {  	s5 =	rddreg [dreg:$0x2];
	s8 =	simm.s32 $0x400;
	s9 =	simm.s32 $0x7A1400  }
0x4: {  	s10 =	simm.s32 $0x200;
	s15 =	simm.s32 $0x5200;
	s16 =	simm.s32 $0x6200  }
0x5: {  	s17 =	simm.s32 $0x7200;
	s18 =	simm.s32 $0x8200;
	s19 =	simm.s32 $0x9200  }
0x6: {  	s20 =	simm.s32 $0xA200;
	s21 =	simm.s32 $0xB200;
	s22 =	simm.s32 $0xC200  }
0x7: {  	v0 =	vlaneseq.u32;
	s23 =	simm.s32 $0xD200;
	s1 =	sand.u32 $0x1, s1;
	s3 =	sshll.u32 s3, $0x1  }
0x8: {  	s24 =	simm.s32 $0xE200;
	s25 =	simm.s32 $0xF200;
	v0 =	vmul.u32 $0x80, v0;
	s4 =	sor.u32 s1, s3  }
0x9: {  	s26 =	simm.s32 $0x1;
	s28 =	simm.s32 $0x2;
	s6 =	smul.u32 $0x38, s4  }
.Ltmp0:
0xa: {  	s29 =	simm.s32 $0x10200;
	s3 =	simm.s32 $0x0;
	v1 =	vor.u32 $0x800, v0;
	v2 =	vor.u32 $0x1000, v0;
	v3 =	vor.u32 $0x1800, v0;
	(pc) =	sbr.rel .LBB2_1-.Ltmp0, $4  }
0xb: {  	s1 =	ssub.s32 $0x2, s1;
	[smem:$0x7FF] =	sst s3;
	s7 =	smul.u32 $0x700, s4;
	v4 =	vor.u32 $0x2000, v0;
	v5 =	vor.u32 $0x2800, v0;
	v6 =	vor.u32 $0x3000, v0  }
0xc: {  	s30 =	simm.s32 $0x0;
	s31 =	sshrl.u32 s1, $0x1;
	v7 =	vor.u32 $0x3800, v0;
	v8 =	vor.u32 $0x4000, v0;
	v9 =	vor.u32 $0x4800, v0;
	_ =	strace $0x80000047  }
0xd: {  	v10 =	vor.u32 $0x5000, v0;
	v11 =	vor.u32 $0x5800, v0;
	v12 =	vor.u32 $0x6000, v0;
	s1 =	ssub.s32 s1, s31;
	s0 =	sadd.s32 s6, s0;
	s5 =	sadd.s32 s5, s7  }
0xe: {  	v13 =	vor.u32 $0x6800, v0;
	v14 =	vor.u32 $0x7000, v0;
	v15 =	vor.u32 $0x7800, v0;
	s6 =	smax.u32 s1, $0x1;
	s7 =	simm.s32 $0x3;
	s4 =	sadd.s32 $0x1C00, s0  }
.LBB2_4:
0xf: {  	s30 =	sadd.s32 $0x1, s30  }
0x10: {  	p0 =	sne.s32 s30, s6  }
.Ltmp1:
0x11: {  	_ = 	snop;
	(pc) =	sbr.rel @!p0 .LBB2_5-.Ltmp1, $4  }
0x12: {  	[hbm4b:s5+s3] =	stream.linear.scatter [tilespmem:s29], [sflag:$0x3], $0x3800, $0x38;
	[tilespmem:$0x13A00] =	vst v63  }
0x13: {  	_ =	swait.ge [sflag:s7], $0x3800  }
0x14: {  	[sflag:s7] =	ssyncset.done $0x0  }
0x15: {  	[sflag:s7] =	ssyncadd.s32 $0xFFFFC800  }
.LBB2_1:
0x16: {  	[tilespmem:s3], [sflag:$0x3] =	stream.linear.gather [hbm4b:s4+s3], $0x1C0, $0x38;
	[tilespmem:$0x13A00] =	vst v63  }
0x17: {  	_ =	swait.ge [sflag:s7], $0x1C0  }
0x18: {  	[sflag:s7] =	ssyncset.done $0x0  }
0x19: {  	[sflag:s7] =	ssyncadd.s32 $0xFFFFFE40  }
0x1a: {  	v16 =	vld [tilespmem:$0x0];
	_ =	sdelay $0x4  }
0x1b: {  	(v2sf) =	vpush v16, $0x0  }
0x1c: {  	(v2sf) =	vpush v16, $0x1;
	_ =	sdelay $0x5  }
0x1d: {  	(v2sf) =	vpush v16, $0x2;
	_ =	sdelay $0x1  }
0x1e: {  	(v2sf) =	vpush v16, $0x3;
	_ =	sdelay $0x5  }
0x1f: {  	s0 =	spop (v2sf);
	(v2sf) =	vpush v16, $0x4  }
0x20: {  	s1 =	spop (v2sf);
	(v2sf) =	vpush v16, $0x5;
	_ =	sdelay $0x4  }
0x21: {  	s0 =	sand.u32 $0xFFFFF80, s0  }
0x22: {  	s0 =	sadd.s32 s2, s0;
	s11 =	spop (v2sf);
	(v2sf) =	vpush v16, $0x6  }
0x23: {  	[tilespmem:s10], [sflag:$0x1] =	stream.strided.gather [hbm4b:s0+s8], $0x1000, s9, s8, $0x38;
	[tilespmem:$0x13A00] =	vst v63  }
0x24: {  	s0 =	sand.u32 $0xFFFFF80, s1;
	s13 =	spop (v2sf);
	(v2sf) =	vpush v16, $0x7  }
0x25: {  	s1 =	simm.s32 $0x1200;
	s0 =	sadd.s32 s2, s0  }
0x26: {  	[tilespmem:s1], [sflag:$0x1] =	stream.strided.gather [hbm4b:s0+s8], $0x1000, s9, s8, $0x38;
	[tilespmem:$0x13A00] =	vst v63  }
0x27: {  	s0 =	sand.u32 $0xFFFFF80, s11  }
0x28: {  	s12 =	simm.s32 $0x2200;
	s0 =	sadd.s32 s2, s0  }
0x29: {  	[tilespmem:s12], [sflag:$0x1] =	stream.strided.gather [hbm4b:s0+s8], $0x1000, s9, s8, $0x38;
	[tilespmem:$0x13A00] =	vst v63  }
0x2a: {  	s0 =	sand.u32 $0xFFFFF80, s13;
	s11 =	spop (v2sf);
	(v2sf) =	vpush v16, $0x8  }
0x2b: {  	s14 =	simm.s32 $0x3200;
	s0 =	sadd.s32 s2, s0;
	s13 =	spop (v2sf);
	(v2sf) =	vpush v16, $0x9  }
0x2c: {  	[tilespmem:s14], [sflag:$0x1] =	stream.strided.gather [hbm4b:s0+s8], $0x1000, s9, s8, $0x38;
	[tilespmem:$0x13A00] =	vst v63  }
0x2d: {  	s0 =	sand.u32 $0xFFFFF80, s11;
	(v2sf) =	vpush v16, $0xA  }
0x2e: {  	s12 =	simm.s32 $0x4200;
	s0 =	sadd.s32 s2, s0  }
0x2f: {  	[tilespmem:s12], [sflag:$0x1] =	stream.strided.gather [hbm4b:s0+s8], $0x1000, s9, s8, $0x38;
	[tilespmem:$0x13A00] =	vst v63  }
0x30: {  	s0 =	sand.u32 $0xFFFFF80, s13  }
0x31: {  	s14 =	spop (v2sf);
	s0 =	sadd.s32 s2, s0  }
0x32: {  	(v2sf) =	vpush v16, $0xB;
	[tilespmem:s15], [sflag:$0x1] =	stream.strided.gather [hbm4b:s0+s8], $0x1000, s9, s8, $0x38;
	[tilespmem:$0x13A00] =	vst v63  }
0x33: {  	s1 =	spop (v2sf);
	(v2sf) =	vpush v16, $0xC;
	s0 =	sand.u32 $0xFFFFF80, s14  }
0x34: {  	s0 =	sadd.s32 s2, s0  }
0x35: {  	[tilespmem:s16], [sflag:$0x1] =	stream.strided.gather [hbm4b:s0+s8], $0x1000, s9, s8, $0x38;
	[tilespmem:$0x13A00] =	vst v63  }
0x36: {  	s0 =	sand.u32 $0xFFFFF80, s1  }
0x37: {  	s0 =	sadd.s32 s2, s0  }
0x38: {  	[tilespmem:s17], [sflag:$0x1] =	stream.strided.gather [hbm4b:s0+s8], $0x1000, s9, s8, $0x38;
	[tilespmem:$0x13A00] =	vst v63  }
0x39: {  	s11 =	spop (v2sf);
	(v2sf) =	vpush v16, $0xD  }
0x3a: {  	s12 =	spop (v2sf);
	(v2sf) =	vpush v16, $0xE  }
0x3b: {  	s0 =	sand.u32 $0xFFFFF80, s11  }
0x3c: {  	s0 =	sadd.s32 s2, s0;
	s13 =	spop (v2sf)  }
0x3d: {  	(v2sf) =	vpush v16, $0xF;
	[tilespmem:s18], [sflag:$0x2] =	stream.strided.gather [hbm4b:s0+s8], $0x1000, s9, s8, $0x38;
	[tilespmem:$0x13A00] =	vst v63  }
0x3e: {  	s0 =	sand.u32 $0xFFFFF80, s12  }
0x3f: {  	s0 =	sadd.s32 s2, s0  }
0x40: {  	[tilespmem:s19], [sflag:$0x2] =	stream.strided.gather [hbm4b:s0+s8], $0x1000, s9, s8, $0x38;
	[tilespmem:$0x13A00] =	vst v63  }
0x41: {  	s14 =	spop (v2sf);
	s0 =	sand.u32 $0xFFFFF80, s13  }
0x42: {  	s11 =	sand.u32 $0xFFFFF80, s14;
	s12 =	spop (v2sf);
	s0 =	sadd.s32 s2, s0  }
0x43: {  	[tilespmem:s20], [sflag:$0x2] =	stream.strided.gather [hbm4b:s0+s8], $0x1000, s9, s8, $0x38;
	[tilespmem:$0x13A00] =	vst v63  }
0x44: {  	s13 =	sand.u32 $0xFFFFF80, s12;
	s0 =	sadd.s32 s2, s11  }
0x45: {  	[tilespmem:s21], [sflag:$0x2] =	stream.strided.gather [hbm4b:s0+s8], $0x1000, s9, s8, $0x38;
	[tilespmem:$0x13A00] =	vst v63  }
0x46: {  	s0 =	sadd.s32 s2, s13  }
0x47: {  	[tilespmem:s22], [sflag:$0x2] =	stream.strided.gather [hbm4b:s0+s8], $0x1000, s9, s8, $0x38;
	[tilespmem:$0x13A00] =	vst v63  }
0x48: {  	s14 =	spop (v2sf)  }
0x49: {  	s11 =	sand.u32 $0xFFFFF80, s14;
	s12 =	spop (v2sf)  }
0x4a: {  	s0 =	sadd.s32 s2, s11;
	s13 =	sand.u32 $0xFFFFF80, s12  }
0x4b: {  	[tilespmem:s23], [sflag:$0x2] =	stream.strided.gather [hbm4b:s0+s8], $0x1000, s9, s8, $0x38;
	[tilespmem:$0x13A00] =	vst v63  }
0x4c: {  	s14 =	spop (v2sf);
	s0 =	sadd.s32 s2, s13  }
0x4d: {  	[tilespmem:s24], [sflag:$0x2] =	stream.strided.gather [hbm4b:s0+s8], $0x1000, s9, s8, $0x38;
	[tilespmem:$0x13A00] =	vst v63  }
0x4e: {  	s0 =	sand.u32 $0xFFFFF80, s14  }
0x4f: {  	s31 =	simm.s32 $0x40;
	s1 =	simm.s32 $0x10300;
	s0 =	sadd.s32 s2, s0  }
0x50: {  	[tilespmem:s25], [sflag:$0x2] =	stream.strided.gather [hbm4b:s0+s8], $0x1000, s9, s8, $0x38;
	[tilespmem:$0x13A00] =	vst v63  }
.LBB2_2:
0x51: {  	s0 =	sshra.s32 s31, $0x2  }
0x52: {  	v16 =	vld [tilespmem:s0+$0xFFFFFFF0];
	_ =	swait.ge [sflag:s26], $0x1000  }
0x53: {  	[sflag:s26] =	ssyncset.done $0x0  }
0x54: {  	[sflag:s26] =	ssyncadd.s32 $0xFFFFF000  }
0x55: {  	_ =	swait.ge [sflag:s26], $0x1000  }
0x56: {  	[sflag:s26] =	ssyncset.done $0x0  }
0x57: {  	[sflag:s26] =	ssyncadd.s32 $0xFFFFF000  }
0x58: {  	_ =	swait.ge [sflag:s26], $0x1000  }
0x59: {  	[sflag:s26] =	ssyncset.done $0x0  }
0x5a: {  	[sflag:s26] =	ssyncadd.s32 $0xFFFFF000  }
0x5b: {  	_ =	swait.ge [sflag:s26], $0x1000  }
0x5c: {  	[sflag:s26] =	ssyncset.done $0x0  }
0x5d: {  	[sflag:s26] =	ssyncadd.s32 $0xFFFFF000  }
0x5e: {  	_ =	swait.ge [sflag:s26], $0x1000  }
0x5f: {  	[sflag:s26] =	ssyncset.done $0x0  }
0x60: {  	[sflag:s26] =	ssyncadd.s32 $0xFFFFF000  }
0x61: {  	_ =	swait.ge [sflag:s26], $0x1000  }
0x62: {  	[sflag:s26] =	ssyncset.done $0x0  }
0x63: {  	[sflag:s26] =	ssyncadd.s32 $0xFFFFF000  }
0x64: {  	_ =	swait.ge [sflag:s26], $0x1000  }
0x65: {  	[sflag:s26] =	ssyncset.done $0x0  }
0x66: {  	[sflag:s26] =	ssyncadd.s32 $0xFFFFF000  }
0x67: {  	_ =	swait.ge [sflag:s26], $0x1000  }
0x68: {  	(v2sf) =	vpush v16, $0x0;
	_ =	sdelay $0x6  }
0x69: {  	(v2sf) =	vpush v16, $0x1;
	_ =	sdelay $0x6  }
0x6a: {  	(v2sf) =	vpush v16, $0x2  }
0x6b: {  	s11 =	spop (v2sf)  }
0x6c: {  	s11 =	sand.u32 $0x7F, s11  }
0x6d: {  	v17 =	vor.u32 s11, v0  }
0x6e: {  	v18 =	vor.u32 s11, v1;
	_ =	sdelay $0x1  }
0x6f: {  	[sflag:s26] =	ssyncset.done $0x0  }
0x70: {  	[sflag:s26] =	ssyncadd.s32 $0xFFFFF000;
	(v2sf) =	vpush v16, $0x3  }
0x71: {  	s12 =	spop (v2sf);
	v17 =	vld.idx.msk [tilespmem:v17+s10+$0x0], $0xffff  }
0x72: {  	s11 =	sand.u32 $0x7F, s12;
	v18 =	vld.idx.msk [tilespmem:v18+s10+$0x0], $0xffff  }
0x73: {  	v19 =	vor.u32 s11, v2  }
0x74: {  	v20 =	vor.u32 s11, v3;
	_ =	sdelay $0x1  }
0x75: {  	[tilespmem:s1+$0xFFFFFF00] =	vst v17  }
0x76: {  	(v2sf) =	vpush v16, $0x4;
	[tilespmem:s1+$0xFFFFFF10] =	vst v18  }
0x77: {  	s13 =	spop (v2sf);
	v17 =	vld.idx.msk [tilespmem:v19+s10+$0x0], $0xffff  }
0x78: {  	s11 =	sand.u32 $0x7F, s13;
	v18 =	vld.idx.msk [tilespmem:v20+s10+$0x0], $0xffff  }
0x79: {  	v37 =	vor.u32 s11, v4  }
0x7a: {  	v38 =	vor.u32 s11, v5;
	_ =	sdelay $0x1  }
0x7b: {  	[tilespmem:s1+$0xFFFFFF20] =	vst v17  }
0x7c: {  	(v2sf) =	vpush v16, $0x5;
	[tilespmem:s1+$0xFFFFFF30] =	vst v18  }
0x7d: {  	s14 =	spop (v2sf);
	v17 =	vld.idx.msk [tilespmem:v37+s10+$0x0], $0xffff  }
0x7e: {  	s11 =	sand.u32 $0x7F, s14;
	v18 =	vld.idx.msk [tilespmem:v38+s10+$0x0], $0xffff  }
0x7f: {  	v39 =	vor.u32 s11, v6  }
0x80: {  	v40 =	vor.u32 s11, v7;
	_ =	sdelay $0x1  }
0x81: {  	[tilespmem:s1+$0xFFFFFF40] =	vst v17  }
0x82: {  	(v2sf) =	vpush v16, $0x6;
	[tilespmem:s1+$0xFFFFFF50] =	vst v18  }
0x83: {  	s12 =	spop (v2sf);
	v17 =	vld.idx.msk [tilespmem:v39+s10+$0x0], $0xffff  }
0x84: {  	s11 =	sand.u32 $0x7F, s12;
	v18 =	vld.idx.msk [tilespmem:v40+s10+$0x0], $0xffff  }
0x85: {  	v41 =	vor.u32 s11, v8  }
0x86: {  	v42 =	vor.u32 s11, v9;
	_ =	sdelay $0x1  }
0x87: {  	[tilespmem:s1+$0xFFFFFF60] =	vst v17  }
0x88: {  	(v2sf) =	vpush v16, $0x7;
	[tilespmem:s1+$0xFFFFFF70] =	vst v18  }
0x89: {  	s13 =	spop (v2sf);
	v17 =	vld.idx.msk [tilespmem:v41+s10+$0x0], $0xffff  }
0x8a: {  	s11 =	sand.u32 $0x7F, s13;
	v18 =	vld.idx.msk [tilespmem:v42+s10+$0x0], $0xffff  }
0x8b: {  	v43 =	vor.u32 s11, v10  }
0x8c: {  	v44 =	vor.u32 s11, v11;
	_ =	sdelay $0x1  }
0x8d: {  	[tilespmem:s1+$0xFFFFFF80] =	vst v17  }
0x8e: {  	[tilespmem:s1+$0xFFFFFF90] =	vst v18  }
0x8f: {  	s14 =	spop (v2sf);
	v17 =	vld.idx.msk [tilespmem:v43+s10+$0x0], $0xffff  }
0x90: {  	s11 =	sand.u32 $0x7F, s14;
	v18 =	vld.idx.msk [tilespmem:v44+s10+$0x0], $0xffff  }
0x91: {  	v45 =	vor.u32 s11, v12  }
0x92: {  	v46 =	vor.u32 s11, v13;
	_ =	sdelay $0x1  }
0x93: {  	[tilespmem:s1+$0xFFFFFFA0] =	vst v17  }
0x94: {  	[tilespmem:s1+$0xFFFFFFB0] =	vst v18  }
0x95: {  	s12 =	spop (v2sf);
	v17 =	vld.idx.msk [tilespmem:v45+s10+$0x0], $0xffff  }
0x96: {  	s11 =	sand.u32 $0x7F, s12;
	v18 =	vld.idx.msk [tilespmem:v46+s10+$0x0], $0xffff  }
0x97: {  	v47 =	vor.u32 s11, v14  }
0x98: {  	v48 =	vor.u32 s11, v15;
	_ =	sdelay $0x1  }
0x99: {  	[tilespmem:s1+$0xFFFFFFC0] =	vst v17  }
0x9a: {  	[tilespmem:s1+$0xFFFFFFD0] =	vst v18  }
0x9b: {  	v17 =	vld.idx.msk [tilespmem:v47+s10+$0x0], $0xffff  }
0x9c: {  	v18 =	vld.idx.msk [tilespmem:v48+s10+$0x0], $0xffff;
	_ =	sdelay $0x3  }
0x9d: {  	p0 =	seq.s32 s31, $0x700;
	[tilespmem:s1+$0xFFFFFFE0] =	vst v17  }
0x9e: {  	s11 =	sshra.s32 @!p0 s31, $0x2;
	[tilespmem:s1+$0xFFFFFFF0] =	vst v18  }
0x9f: {  	v17 =	vld @!p0 [tilespmem:s11+$0x0];
	_ =	sdelay $0x4  }
0xa0: {  	(v2sf) =	vpush @!p0 v17, $0x0;
	_ =	sdelay $0x3  }
0xa1: {  	(v2sf) =	vpush @!p0 v17, $0x1;
	_ =	sdelay $0x3  }
0xa2: {  	(v2sf) =	vpush @!p0 v17, $0x2;
	_ =	sdelay $0x3  }
0xa3: {  	(v2sf) =	vpush @!p0 v17, $0x3;
	_ =	sdelay $0x2  }
0xa4: {  	s11 =	spop @!p0 (v2sf)  }
0xa5: {  	s13 =	simm.s32 @!p0 $0x7A1400;
	(v2sf) =	vpush @!p0 v17, $0x4;
	s11 =	sand.u32 @!p0 $0xFFFFF80, s11  }
0xa6: {  	s14 =	simm.s32 @!p0 $0x200;
	s12 =	simm.s32 @!p0 $0x400;
	s11 =	sadd.s32 @!p0 s2, s11  }
0xa7: {  	[tilespmem:s14], [sflag:$0x1] =	stream.strided.gather @!p0 [hbm4b:s11+s12], $0x1000, s13, s12, $0x38;
	[tilespmem:$0x13A00] =	vst v63  }
0xa8: {  	s11 =	spop @!p0 (v2sf)  }
0xa9: {  	(v2sf) =	vpush @!p0 v17, $0x5;
	s11 =	sand.u32 @!p0 $0xFFFFF80, s11  }
0xaa: {  	s14 =	simm.s32 @!p0 $0x1200;
	s11 =	sadd.s32 @!p0 s2, s11  }
0xab: {  	[tilespmem:s14], [sflag:$0x1] =	stream.strided.gather @!p0 [hbm4b:s11+s12], $0x1000, s13, s12, $0x38;
	[tilespmem:$0x13A00] =	vst v63  }
0xac: {  	s11 =	spop @!p0 (v2sf)  }
0xad: {  	(v2sf) =	vpush @!p0 v17, $0x6;
	s11 =	sand.u32 @!p0 $0xFFFFF80, s11  }
0xae: {  	s14 =	simm.s32 @!p0 $0x2200;
	s11 =	sadd.s32 @!p0 s2, s11  }
0xaf: {  	[tilespmem:s14], [sflag:$0x1] =	stream.strided.gather @!p0 [hbm4b:s11+s12], $0x1000, s13, s12, $0x38;
	[tilespmem:$0x13A00] =	vst v63  }
0xb0: {  	s11 =	spop @!p0 (v2sf)  }
0xb1: {  	(v2sf) =	vpush @!p0 v17, $0x7;
	s11 =	sand.u32 @!p0 $0xFFFFF80, s11  }
0xb2: {  	s14 =	simm.s32 @!p0 $0x3200;
	s11 =	sadd.s32 @!p0 s2, s11  }
0xb3: {  	[tilespmem:s14], [sflag:$0x1] =	stream.strided.gather @!p0 [hbm4b:s11+s12], $0x1000, s13, s12, $0x38;
	[tilespmem:$0x13A00] =	vst v63  }
0xb4: {  	s11 =	spop @!p0 (v2sf)  }
0xb5: {  	s11 =	sand.u32 @!p0 $0xFFFFF80, s11  }
0xb6: {  	s14 =	simm.s32 @!p0 $0x4200;
	s11 =	sadd.s32 @!p0 s2, s11  }
0xb7: {  	[tilespmem:s14], [sflag:$0x1] =	stream.strided.gather @!p0 [hbm4b:s11+s12], $0x1000, s13, s12, $0x38;
	[tilespmem:$0x13A00] =	vst v63  }
0xb8: {  	s11 =	spop @!p0 (v2sf)  }
0xb9: {  	s11 =	sand.u32 @!p0 $0xFFFFF80, s11  }
0xba: {  	s14 =	simm.s32 @!p0 $0x5200;
	s11 =	sadd.s32 @!p0 s2, s11  }
0xbb: {  	[tilespmem:s14], [sflag:$0x1] =	stream.strided.gather @!p0 [hbm4b:s11+s12], $0x1000, s13, s12, $0x38;
	[tilespmem:$0x13A00] =	vst v63  }
0xbc: {  	s11 =	spop @!p0 (v2sf)  }
0xbd: {  	s11 =	sand.u32 @!p0 $0xFFFFF80, s11  }
0xbe: {  	s14 =	simm.s32 @!p0 $0x6200;
	s11 =	sadd.s32 @!p0 s2, s11  }
0xbf: {  	[tilespmem:s14], [sflag:$0x1] =	stream.strided.gather @!p0 [hbm4b:s11+s12], $0x1000, s13, s12, $0x38;
	[tilespmem:$0x13A00] =	vst v63  }
0xc0: {  	s11 =	spop @!p0 (v2sf)  }
0xc1: {  	s11 =	sand.u32 @!p0 $0xFFFFF80, s11  }
0xc2: {  	s14 =	simm.s32 @!p0 $0x7200;
	s11 =	sadd.s32 @!p0 s2, s11  }
0xc3: {  	[tilespmem:s14], [sflag:$0x1] =	stream.strided.gather @!p0 [hbm4b:s11+s12], $0x1000, s13, s12, $0x38;
	[tilespmem:$0x13A00] =	vst v63  }
0xc4: {  	_ =	swait.ge [sflag:s28], $0x1000  }
0xc5: {  	[sflag:s28] =	ssyncset.done $0x0  }
0xc6: {  	[sflag:s28] =	ssyncadd.s32 $0xFFFFF000  }
0xc7: {  	_ =	swait.ge [sflag:s28], $0x1000  }
0xc8: {  	[sflag:s28] =	ssyncset.done $0x0  }
0xc9: {  	[sflag:s28] =	ssyncadd.s32 $0xFFFFF000  }
0xca: {  	_ =	swait.ge [sflag:s28], $0x1000  }
0xcb: {  	[sflag:s28] =	ssyncset.done $0x0  }
0xcc: {  	[sflag:s28] =	ssyncadd.s32 $0xFFFFF000  }
0xcd: {  	_ =	swait.ge [sflag:s28], $0x1000  }
0xce: {  	[sflag:s28] =	ssyncset.done $0x0  }
0xcf: {  	[sflag:s28] =	ssyncadd.s32 $0xFFFFF000  }
0xd0: {  	_ =	swait.ge [sflag:s28], $0x1000  }
0xd1: {  	[sflag:s28] =	ssyncset.done $0x0  }
0xd2: {  	[sflag:s28] =	ssyncadd.s32 $0xFFFFF000  }
0xd3: {  	_ =	swait.ge [sflag:s28], $0x1000  }
0xd4: {  	[sflag:s28] =	ssyncset.done $0x0  }
0xd5: {  	[sflag:s28] =	ssyncadd.s32 $0xFFFFF000  }
0xd6: {  	_ =	swait.ge [sflag:s28], $0x1000  }
0xd7: {  	[sflag:s28] =	ssyncset.done $0x0  }
0xd8: {  	[sflag:s28] =	ssyncadd.s32 $0xFFFFF000  }
0xd9: {  	_ =	swait.ge [sflag:s28], $0x1000  }
0xda: {  	(v2sf) =	vpush v16, $0x8;
	_ =	sdelay $0x6  }
0xdb: {  	(v2sf) =	vpush v16, $0x9;
	_ =	sdelay $0x6  }
0xdc: {  	(v2sf) =	vpush v16, $0xA  }
0xdd: {  	s13 =	spop (v2sf)  }
0xde: {  	s11 =	sand.u32 $0x7F, s13  }
0xdf: {  	v17 =	vor.u32 s11, v0  }
0xe0: {  	v49 =	vor.u32 s11, v1;
	_ =	sdelay $0x1  }
0xe1: {  	[sflag:s28] =	ssyncset.done $0x0  }
0xe2: {  	[sflag:s28] =	ssyncadd.s32 $0xFFFFF000;
	(v2sf) =	vpush v16, $0xB  }
0xe3: {  	s14 =	spop (v2sf);
	v17 =	vld.idx.msk [tilespmem:v17+s18+$0x0], $0xffff  }
0xe4: {  	s11 =	sand.u32 $0x7F, s14;
	v18 =	vld.idx.msk [tilespmem:v49+s18+$0x0], $0xffff  }
0xe5: {  	v50 =	vor.u32 s11, v2  }
0xe6: {  	v51 =	vor.u32 s11, v3;
	_ =	sdelay $0x1  }
0xe7: {  	[tilespmem:s1+$0x0] =	vst v17  }
0xe8: {  	(v2sf) =	vpush v16, $0xC;
	[tilespmem:s1+$0x10] =	vst v18  }
0xe9: {  	s12 =	spop (v2sf);
	v17 =	vld.idx.msk [tilespmem:v50+s18+$0x0], $0xffff  }
0xea: {  	s11 =	sand.u32 $0x7F, s12;
	v18 =	vld.idx.msk [tilespmem:v51+s18+$0x0], $0xffff  }
0xeb: {  	v52 =	vor.u32 s11, v4  }
0xec: {  	v53 =	vor.u32 s11, v5;
	_ =	sdelay $0x1  }
0xed: {  	[tilespmem:s1+$0x20] =	vst v17  }
0xee: {  	(v2sf) =	vpush v16, $0xD;
	[tilespmem:s1+$0x30] =	vst v18  }
0xef: {  	s13 =	spop (v2sf);
	v17 =	vld.idx.msk [tilespmem:v52+s18+$0x0], $0xffff  }
0xf0: {  	s11 =	sand.u32 $0x7F, s13;
	v18 =	vld.idx.msk [tilespmem:v53+s18+$0x0], $0xffff  }
0xf1: {  	v54 =	vor.u32 s11, v6  }
0xf2: {  	v55 =	vor.u32 s11, v7;
	_ =	sdelay $0x1  }
0xf3: {  	[tilespmem:s1+$0x40] =	vst v17  }
0xf4: {  	(v2sf) =	vpush v16, $0xE;
	[tilespmem:s1+$0x50] =	vst v18  }
0xf5: {  	s14 =	spop (v2sf);
	v17 =	vld.idx.msk [tilespmem:v54+s18+$0x0], $0xffff  }
0xf6: {  	s11 =	sand.u32 $0x7F, s14;
	v18 =	vld.idx.msk [tilespmem:v55+s18+$0x0], $0xffff  }
0xf7: {  	v56 =	vor.u32 s11, v8  }
0xf8: {  	v57 =	vor.u32 s11, v9;
	_ =	sdelay $0x1  }
0xf9: {  	[tilespmem:s1+$0x60] =	vst v17  }
0xfa: {  	(v2sf) =	vpush v16, $0xF;
	[tilespmem:s1+$0x70] =	vst v18  }
0xfb: {  	s12 =	spop (v2sf);
	v16 =	vld.idx.msk [tilespmem:v56+s18+$0x0], $0xffff  }
0xfc: {  	s11 =	sand.u32 $0x7F, s12;
	v17 =	vld.idx.msk [tilespmem:v57+s18+$0x0], $0xffff  }
0xfd: {  	v58 =	vor.u32 s11, v10  }
0xfe: {  	v59 =	vor.u32 s11, v11;
	_ =	sdelay $0x1  }
0xff: {  	[tilespmem:s1+$0x80] =	vst v16  }
0x100: {  	[tilespmem:s1+$0x90] =	vst v17  }
0x101: {  	s13 =	spop (v2sf);
	v16 =	vld.idx.msk [tilespmem:v58+s18+$0x0], $0xffff  }
0x102: {  	s11 =	sand.u32 $0x7F, s13;
	v17 =	vld.idx.msk [tilespmem:v59+s18+$0x0], $0xffff  }
0x103: {  	v60 =	vor.u32 s11, v12  }
0x104: {  	v61 =	vor.u32 s11, v13;
	_ =	sdelay $0x1  }
0x105: {  	[tilespmem:s1+$0xA0] =	vst v16  }
0x106: {  	[tilespmem:s1+$0xB0] =	vst v17  }
0x107: {  	s14 =	spop (v2sf);
	v16 =	vld.idx.msk [tilespmem:v60+s18+$0x0], $0xffff  }
0x108: {  	s11 =	sand.u32 $0x7F, s14;
	v17 =	vld.idx.msk [tilespmem:v61+s18+$0x0], $0xffff  }
0x109: {  	v62 =	vor.u32 s11, v14  }
0x10a: {  	v63 =	vor.u32 s11, v15;
	_ =	sdelay $0x1  }
0x10b: {  	[tilespmem:s1+$0xC0] =	vst v16  }
0x10c: {  	[tilespmem:s1+$0xD0] =	vst v17  }
0x10d: {  	v16 =	vld.idx.msk [tilespmem:v62+s18+$0x0], $0xffff  }
0x10e: {  	v17 =	vld.idx.msk [tilespmem:v63+s18+$0x0], $0xffff  }
.Ltmp2:
0x10f: {  	_ = 	snop;
	(pc) =	sbr.rel @p0 .LBB2_4-.Ltmp2, $3  }
0x110: {  	_ =	sdelay $0x1  }
0x111: {  	[tilespmem:s1+$0xE0] =	vst v16  }
0x112: {  	[tilespmem:s1+$0xF0] =	vst v17  }
0x113: {  	v16 =	vld [tilespmem:s0+$0x0];
	_ =	sdelay $0x4  }
0x114: {  	(v2sf) =	vpush v16, $0x8;
	_ =	sdelay $0x1  }
0x115: {  	(v2sf) =	vpush v16, $0x9;
	_ =	sdelay $0x1  }
0x116: {  	(v2sf) =	vpush v16, $0xA;
	_ =	sdelay $0x2  }
0x117: {  	(v2sf) =	vpush v16, $0xB;
	_ =	sdelay $0x7  }
0x118: {  	s11 =	spop (v2sf);
	(v2sf) =	vpush v16, $0xC;
	_ =	sdelay $0x1  }
0x119: {  	s12 =	spop (v2sf);
	(v2sf) =	vpush v16, $0xD  }
0x11a: {  	s0 =	sand.u32 $0xFFFFF80, s11  }
0x11b: {  	s0 =	sadd.s32 s2, s0;
	s13 =	spop (v2sf)  }
0x11c: {  	(v2sf) =	vpush v16, $0xE;
	[tilespmem:s18], [sflag:$0x2] =	stream.strided.gather [hbm4b:s0+s8], $0x1000, s9, s8, $0x38;
	[tilespmem:$0x13A00] =	vst v63  }
0x11d: {  	s0 =	sand.u32 $0xFFFFF80, s12  }
0x11e: {  	s14 =	spop (v2sf);
	s0 =	sadd.s32 s2, s0  }
0x11f: {  	(v2sf) =	vpush v16, $0xF;
	[tilespmem:s19], [sflag:$0x2] =	stream.strided.gather [hbm4b:s0+s8], $0x1000, s9, s8, $0x38;
	[tilespmem:$0x13A00] =	vst v63  }
0x120: {  	s0 =	sand.u32 $0xFFFFF80, s13  }
0x121: {  	s0 =	sadd.s32 s2, s0  }
0x122: {  	[tilespmem:s20], [sflag:$0x2] =	stream.strided.gather [hbm4b:s0+s8], $0x1000, s9, s8, $0x38;
	[tilespmem:$0x13A00] =	vst v63  }
0x123: {  	s0 =	sand.u32 $0xFFFFF80, s14  }
0x124: {  	s0 =	sadd.s32 s2, s0  }
0x125: {  	[tilespmem:s21], [sflag:$0x2] =	stream.strided.gather [hbm4b:s0+s8], $0x1000, s9, s8, $0x38;
	[tilespmem:$0x13A00] =	vst v63  }
0x126: {  	s11 =	spop (v2sf)  }
0x127: {  	s0 =	sand.u32 $0xFFFFF80, s11  }
0x128: {  	s12 =	spop (v2sf);
	s0 =	sadd.s32 s2, s0  }
0x129: {  	[tilespmem:s22], [sflag:$0x2] =	stream.strided.gather [hbm4b:s0+s8], $0x1000, s9, s8, $0x38;
	[tilespmem:$0x13A00] =	vst v63  }
0x12a: {  	s0 =	sand.u32 $0xFFFFF80, s12  }
0x12b: {  	s13 =	spop (v2sf);
	s0 =	sadd.s32 s2, s0  }
0x12c: {  	[tilespmem:s23], [sflag:$0x2] =	stream.strided.gather [hbm4b:s0+s8], $0x1000, s9, s8, $0x38;
	[tilespmem:$0x13A00] =	vst v63  }
0x12d: {  	s0 =	sand.u32 $0xFFFFF80, s13  }
.Ltmp3:
0x12e: {  	s14 =	spop (v2sf);
	s0 =	sadd.s32 s2, s0;
	(pc) =	sbr.rel .LBB2_2-.Ltmp3, $4  }
0x12f: {  	[tilespmem:s24], [sflag:$0x2] =	stream.strided.gather [hbm4b:s0+s8], $0x1000, s9, s8, $0x38;
	[tilespmem:$0x13A00] =	vst v63  }
0x130: {  	s0 =	sand.u32 $0xFFFFF80, s14  }
0x131: {  	s31 =	sadd.s32 $0x40, s31;
	s1 =	sadd.s32 $0x200, s1;
	s0 =	sadd.s32 s2, s0  }
0x132: {  	[tilespmem:s25], [sflag:$0x2] =	stream.strided.gather [hbm4b:s0+s8], $0x1000, s9, s8, $0x38;
	[tilespmem:$0x13A00] =	vst v63  }
.LBB2_5:
0x133: {  	_ =	sfence.sel $0x180000  }
0x134: {  	[bflag:$0x0] =	sbarrier.arrive $0xFFFF  }
0x135: {  	_ =	strace $0x90000047  }
0x136: {  	s0 =	stileid.u32;
	[bflag:$0x2] =	sbarrier.arrive $0xFFFF  }
0x137: {  	p0 =	sne.s32 s0, $0x0;
	s0 =	rddreg [dreg:$0x3]  }
0x138: {  	s0 =	sadd.s32 @!p0 $0x100000, s0  }
0x139: {  	[sflag:s0] =	ssyncadd.tile.s32 @!p0 $0x1;
	_ =	shalt  }
.Lfunc_end2:
_tile_overlayer_lowered:
.L_overlay_start_2:
0x13a: {  	(tag) =	ssettag $0x2  }
0x13b: {  	s0 =	rddreg [dreg:$0x0];
	s2 =	stileid.u32  }
0x13c: {  	s1 =	rddreg [dreg:$0x1];
	p0 =	sne.s32 s2, $0x0  }
0x13d: {  	s3 =	rddreg [dreg:$0x2];
	[bflag:$0x3] =	sbarrier.arrive $0xFFFF;
	s2 =	simm.s32 @!p0 $0x1C03  }
0x13e: {  	[timem:s3], [sflag:s2] =	dma.local @!p0 [hbm:s0], s1  }
0x13f: {  	s0 =	simm.s32 @!p0 $0x3  }
0x140: {  	_ =	swait.ge @!p0 [sflag:s0], s1  }
0x141: {  	s1 =	ssub.s32 @!p0 $0x0, s1;
	[sflag:s0] =	ssyncset.done @!p0 $0x0  }
0x142: {  	[sflag:s0] =	ssyncadd.s32 @!p0 s1  }
0x143: {  	[bflag:$0x3] =	sbarrier.arrive $0xFFFF  }
0x144: {  	_ =	shalt  }

// kernel: kernel.9.cloned.1.call-start
scs
__scs_entry_jumppad:
0x0: {  	(pc) =	sbr.rel $0x88, $3  }
0x1: {  	(tag) =	ssettag $0x0;
	lr =	simm.s32 $0x1  }
0x2: {  	[smem:$0x3F98] =	sst lr;
	_ =	strace $0xD0000000  }
0x3: {  	_ = 	snop  }
0x4: {  	_ = 	snop  }
0x5: {  	_ = 	snop  }
0x6: {  	_ = 	snop  }
0x7: {  	_ = 	snop  }
__scs_overlays_trampoline_lowered:
0x8: {  	[smem:$0x3FA7] =	sst s0  }
0x9: {  	[smem:$0x3FA8] =	sst s1  }
0xa: {  	[smem:$0x3FA9] =	sst s2  }
0xb: {  	[smem:$0x3FAA] =	sst s3  }
0xc: {  	[smem:$0x3FAB] =	sst s4  }
0xd: {  	[smem:$0x3FAC] =	sst s5  }
0xe: {  	[smem:$0x3FAD] =	sst s6  }
0xf: {  	[smem:$0x3FAE] =	sst s7  }
0x10: {  	[smem:$0x3FAF] =	sst s8  }
0x11: {  	[smem:$0x3FB0] =	sst s9;
	s0 =	simm.s32 @!p0 $0x0  }
0x12: {  	s1 =	sld [smem:$0x3F96];
	s0 =	simm.s32 @p0 $0x1  }
0x13: {  	[smem:$0x3FB1] =	sst s0;
	s0 =	simm.s32 @!p1 $0x0  }
0x14: {  	s2 =	sld [smem:$0x3F95];
	s0 =	simm.s32 @p1 $0x1  }
0x15: {  	[smem:$0x3FB2] =	sst s0;
	s0 =	simm.s32 @!p2 $0x0  }
0x16: {  	s3 =	sld [smem:$0x3FDB];
	s0 =	simm.s32 @p2 $0x1  }
0x17: {  	s4 =	simm.s32 $0x1BF5;
	[smem:$0x3FB4] =	sst s0  }
0x18: {  	s0 =	sld [smem:$0x3F97];
	_ =	swait.ge [sflag:s4], $0x0  }
0x19: {  	s7 =	sld [smem:$0x3F98]  }
0x1a: {  	s8 =	sadd.s32 $0xFFFFE003, lr  }
0x1b: {  	s9 =	sadd.s32 $0xFFFFFEF7, lr;
	s5 =	simm.s32 $0xFFFFFFFF;
	p2 =	slt.u32 s8, $0xFFFFF086  }
0x1c: {  	p1 =	slt.u32 s9, $0xF7A;
	s5 =	simm.s32 @!p2 $0x0  }
0x1d: {  	s5 =	simm.s32 @p1 $0x1;
	p0 =	seq.s32 s7, s2  }
0x1e: {  	s7 =	smul.u32 @!p0 $0xF7A, s2;
	p2 =	seq.s32 @!p0 s5, $0x0  }
0x1f: {  	s9 =	smul.u32 $0xF7A, s1;
	s8 =	simm.s32 @!p0 $0x1BF5;
	p2 =	por !p2, p0  }
0x20: {  	[sflag:s8] =	ssyncset.s32 @!p0 $0xFFFFF086;
	s6 =	sadd.s32 @!p0 s3, s7;
	s7 =	simm.s32 @!p0 $0x108  }
0x21: {  	s3 =	sadd.s32 s3, s9;
	s6 =	sadd.s32 @!p0 $0x88, s6;
	s7 =	simm.s32 @p2 $0x1082  }
0x22: {  	[simem:s7], [sflag:s8] =	dma.local @!p0 [hbm:s6], $0xF7A  }
0x23: {  	s9 =	sor.u32 $0xD0000000, s2;
	s6 =	simm.s32 $0x108;
	_ =	swait.ge @!p0 [sflag:s8], $0x0  }
0x24: {  	s3 =	sadd.s32 $0x88, s3;
	s6 =	simm.s32 @!p1 $0x1082;
	[sflag:s4] =	ssyncset.s32 $0xFFFFF086  }
0x25: {  	[simem:s6], [sflag:s4] =	dma.local [hbm:s3], $0xF7A  }
0x26: {  	[smem:$0x3F98] =	sst s1;
	(tag) =	ssettag s2;
	_ =	strace s9  }
0x27: {  	s1 =	sld [smem:$0x3FA8]  }
0x28: {  	s2 =	sld [smem:$0x3FA9]  }
0x29: {  	s4 =	sld [smem:$0x3FAB]  }
0x2a: {  	p0 =	seq.s32 s5, $0x0;
	s5 =	sld [smem:$0x3FAC]  }
0x2b: {  	s6 =	sld [smem:$0x3FAD]  }
0x2c: {  	s7 =	sld [smem:$0x3FAE]  }
0x2d: {  	s3 =	simm.s32 $0x108;
	s8 =	sld [smem:$0x3FAF]  }
0x2e: {  	s3 =	simm.s32 @!p0 $0x1082;
	s9 =	sld [smem:$0x3FB0]  }
0x2f: {  	lr =	sadd.s32 s0, s3;
	s0 =	sld [smem:$0x3FA7]  }
0x30: {  	s3 =	sld [smem:$0x3FAA]  }
0x31: {  	[smem:$0x3FB3] =	sst s10  }
0x32: {  	s10 =	sld [smem:$0x3FB1];
	_ =	sdelay $0x3  }
0x33: {  	p0 =	seq.s32 s10, $0x1;
	s10 =	sld [smem:$0x3FB3];
	_ =	sdelay $0x3  }
0x34: {  	[smem:$0x3FB3] =	sst s10  }
0x35: {  	s10 =	sld [smem:$0x3FB2];
	_ =	sdelay $0x3  }
0x36: {  	p1 =	seq.s32 s10, $0x1;
	s10 =	sld [smem:$0x3FB3];
	_ =	sdelay $0x3  }
0x37: {  	[smem:$0x3FB3] =	sst s10  }
0x38: {  	s10 =	sld [smem:$0x3FB4]  }
0x39: {  	_ = 	snop;
	(pc) =	sbr.ind lr, $3  }
0x3a: {  	_ = 	snop  }
0x3b: {  	_ = 	snop  }
0x3c: {  	p2 =	seq.s32 s10, $0x1;
	s10 =	sld [smem:$0x3FB3]  }
0x3d: {  	_ =	shalt  }
0x3e: {  	_ =	shalt  }
0x3f: {  	_ =	shalt  }
0x40: {  	_ =	shalt  }
0x41: {  	_ =	shalt  }
0x42: {  	_ =	shalt  }
0x43: {  	_ =	shalt  }
0x44: {  	_ =	shalt  }
0x45: {  	_ =	shalt  }
0x46: {  	_ =	shalt  }
0x47: {  	_ =	shalt  }
0x48: {  	_ =	shalt  }
0x49: {  	_ =	shalt  }
0x4a: {  	_ =	shalt  }
0x4b: {  	_ =	shalt  }
0x4c: {  	_ =	shalt  }
0x4d: {  	_ =	shalt  }
0x4e: {  	_ =	shalt  }
0x4f: {  	_ =	shalt  }
0x50: {  	_ =	shalt  }
0x51: {  	_ =	shalt  }
0x52: {  	_ =	shalt  }
0x53: {  	_ =	shalt  }
0x54: {  	_ =	shalt  }
0x55: {  	_ =	shalt  }
0x56: {  	_ =	shalt  }
0x57: {  	_ =	shalt  }
0x58: {  	_ =	shalt  }
0x59: {  	_ =	shalt  }
0x5a: {  	_ =	shalt  }
0x5b: {  	_ =	shalt  }
0x5c: {  	_ =	shalt  }
0x5d: {  	_ =	shalt  }
0x5e: {  	_ =	shalt  }
0x5f: {  	_ =	shalt  }
0x60: {  	_ =	shalt  }
0x61: {  	_ =	shalt  }
0x62: {  	_ =	shalt  }
0x63: {  	_ =	shalt  }
0x64: {  	_ =	shalt  }
0x65: {  	_ =	shalt  }
0x66: {  	_ =	shalt  }
0x67: {  	_ =	shalt  }
0x68: {  	_ =	shalt  }
0x69: {  	_ =	shalt  }
0x6a: {  	_ =	shalt  }
0x6b: {  	_ =	shalt  }
0x6c: {  	_ =	shalt  }
0x6d: {  	_ =	shalt  }
0x6e: {  	_ =	shalt  }
0x6f: {  	_ =	shalt  }
0x70: {  	_ =	shalt  }
0x71: {  	_ =	shalt  }
0x72: {  	_ =	shalt  }
0x73: {  	_ =	shalt  }
0x74: {  	_ =	shalt  }
0x75: {  	_ =	shalt  }
0x76: {  	_ =	shalt  }
0x77: {  	_ =	shalt  }
0x78: {  	_ =	shalt  }
0x79: {  	_ =	shalt  }
0x7a: {  	_ =	shalt  }
0x7b: {  	_ =	shalt  }
0x7c: {  	_ =	shalt  }
0x7d: {  	_ =	shalt  }
0x7e: {  	_ =	shalt  }
0x7f: {  	_ =	shalt  }
0x80: {  	_ =	shalt  }
0x81: {  	_ =	shalt  }
0x82: {  	_ =	shalt  }
0x83: {  	_ =	shalt  }
0x84: {  	_ =	shalt  }
0x85: {  	_ =	shalt  }
0x86: {  	_ =	shalt  }
0x87: {  	_ =	shalt  }
.Lfunc_end0:
.L_simem_size_0:
called_computation.1_lowered:
.L_overlay_start_0:
0x88: {  	s2 =	sld [smem:$0x3FD9]  }
0x89: {  	s3 =	sld [smem:$0x3FFE];
	_ =	sdelay $0x1  }
0x8a: {  	s1 =	srdreg.scid  }
0x8b: {  	s0 =	sand.u32 $0x1, s1  }
0x8c: {  	s17 =	sshll.u32 s0, $0xA;
	s2 =	sadd.s32 s3, s2  }
0x8d: {  	s2 =	sadd.s32 s2, s17  }
0x8e: {  	[smem:$0x3FBF] =	sst s2  }
0x8f: {  	_ = 	snop  }
0x90: {  	s18 =	sld [smem:$0x3FC7];
	(tm) =	ssettm $0x1  }
0x91: {  	s19 =	sld [smem:$0x3FFB];
	_ =	sdelay $0x3  }
0x92: {  	_ =	strace s19  }
0x93: {  	s2 =	sld [smem:$0x3FFC];
	_ =	sdelay $0x3  }
0x94: {  	_ =	strace s2  }
0x95: {  	s2 =	sld [smem:$0x3FFD];
	_ =	sdelay $0x3  }
0x96: {  	_ =	strace s2  }
0x97: {  	_ =	strace $0x8FFFFFFF  }
0x98: {  	s20 =	sld [smem:$0x3FDB];
	_ =	sdelay $0x1  }
0x99: {  	s4 =	simm.s32 $_scs_section_size  }
0x9a: {  	s5 =	simm.s32 $_size__tile_overlayer_lowered;
	s6 =	simm.s32 $_tile_overlayer_lowered  }
0x9b: {  	s7 =	simm.s32 $0x1BFF;
	s21 =	sshll.u32 s6, $0x1;
	s4 =	sadd.s32 s4, s20  }
0x9c: {  	s22 =	simm.s32 $0x0;
	s5 =	sshll.u32 s5, $0x1;
	s6 =	sadd.s32 s21, s4  }
0x9d: {  	[timem:s22], [sflag:s7] =	dma.local [hbm:s6], s5  }
0x9e: {  	_ =	swait.ge [sflag:s7], s5  }
0x9f: {  	s5 =	ssub.s32 $0x0, s5;
	[sflag:s7] =	ssyncset.done $0x0  }
0xa0: {  	[sflag:s7] =	ssyncadd.s32 s5;
	_ =	sdelay $0x1  }
0xa1: {  	s23 =	simm.s32 $0x1B8B  }
0xa2: {  	_ =	swait.ge [sflag:s23], $0x1  }
0xa3: {  	[sflag:s23] =	ssyncset.done $0x0  }
0xa4: {  	[sflag:s23] =	ssyncadd.s32 $0xFFFFFFFF  }
0xa5: {  	s5 =	sld [smem:$0x0]  }
0xa6: {  	s6 =	sand.u32 $0xFFFFFFFE, s1  }
0xa7: {  	p0 =	sne.s32 s1, s6  }
0xa8: {  	s6 =	sshll.u32 @p0 s6, $0xE  }
0xa9: {  	s6 =	sadd.s32 @p0 $0x11B8D, s6;
	s7 =	sshll.u32 @p0 s5, $0x11  }
0xaa: {  	s6 =	sor.u32 @p0 s7, s6  }
0xab: {  	[sflag:s6] =	ssyncadd.remote.s32 @p0 $0x1;
	_ =	sdelay $0x1  }
0xac: {  	s6 =	simm.s32 @p0 $0x1B8D  }
0xad: {  	_ =	swait.eq @p0 [sflag:s6], $0x1  }
0xae: {  	[sflag:s6] =	ssyncadd.s32 @p0 $0xFFFFFFFF  }
0xaf: {  	s7 =	sshll.u32 @!p0 s1, $0xE  }
0xb0: {  	s7 =	sor.u32 @!p0 $0x4000, s7;
	s6 =	simm.s32 @!p0 $0x1B8D  }
0xb1: {  	s5 =	sshll.u32 @!p0 s5, $0x11;
	s7 =	sadd.s32 @!p0 $0x11B8D, s7;
	_ =	swait.eq @!p0 [sflag:s6], $0x1  }
0xb2: {  	s5 =	sor.u32 @!p0 s5, s7;
	[sflag:s6] =	ssyncadd.s32 @!p0 $0xFFFFFFFF  }
0xb3: {  	s25 =	simm.s32 $0x1B8E;
	s24 =	sld [smem:$0x3FFE];
	[sflag:s5] =	ssyncadd.remote.s32 @!p0 $0x1  }
0xb4: {  	s26 =	simm.s32 $execute0_lowered;
	[smem:$0x3FD2] =	sst s25  }
0xb5: {  	s6 =	sshll.u32 s26, $0x1;
	_ =	strace $0x80000049;
	[dreg:$0x1] =	wrdreg $0xFFFFFFFF  }
0xb6: {  	s28 =	simm.s32 $_size_execute0_lowered;
	s4 =	sadd.s32 s4, s6;
	[dreg:$0x0] =	wrdreg $0x0  }
0xb7: {  	s6 =	sshll.u32 s28, $0x1;
	[dreg:$0x2] =	wrdreg s4  }
0xb8: {  	[dreg:$0x3] =	wrdreg s6  }
0xb9: {  	[dreg:$0x4] =	wrdreg $0xC0  }
0xba: {  	_ =	task [dreg:s22], $0x5FFFF  }
0xbb: {  	[dreg:$0x1] =	wrdreg $0xFFFFFFFF  }
0xbc: {  	[dreg:$0x0] =	wrdreg $0x60  }
0xbd: {  	[dreg:$0x2] =	wrdreg s24  }
0xbe: {  	[dreg:$0x3] =	wrdreg s18  }
0xbf: {  	[dreg:$0x4] =	wrdreg $0xA  }
0xc0: {  	_ =	task.clear_ibuf [dreg:s22], $0x5FFFF;
	_ =	strace $0x90000049  }
0xc1: {  	s29 =	simm.s32 $0xA;
	_ =	strace $0x8000004B  }
0xc2: {  	_ =	swait.ge [sflag:s29], $0x1  }
0xc3: {  	[sflag:s29] =	ssyncadd.s32 $0xFFFFFFFF  }
0xc4: {  	_ =	strace $0x9000004B  }
0xc5: {  	_ =	sfence  }
0xc6: {  	s30 =	sld [smem:$0x0];
	_ =	sdelay $0x2  }
0xc7: {  	s31 =	sshll.u32 s1, $0xD;
	s1 =	sshrl.u32 s1, $0x2  }
0xc8: {  	s4 =	sand.u32 $0x4000, s31;
	s1 =	sadd.s32 s1, s30  }
0xc9: {  	s0 =	sor.u32 s4, s0;
	s1 =	sshll.u32 s1, $0x11  }
0xca: {  	s0 =	sor.u32 s1, s0  }
0xcb: {  	s0 =	sadd.s32 $0x8F2B, s0  }
0xcc: {  	[sflag:s0] =	ssyncadd.remote.s32 $0x1  }
0xcd: {  	_ =	sfence.sel $0xFFFF  }
0xce: {  	[dreg:$0x0] =	wrdreg $0xFFFFFFFF;
	(pc) =	sbr.abs _section_cstart, $3  }
0xcf: {  	[dreg:$0x1] =	wrdreg $0xFFFFFFFF  }
0xd0: {  	_ =	task.clear_ibuf [dreg:s22], $0x2FFFF;
	_ =	strace $0x9FFFFFFF  }
0xd1: {  	(tm) =	ssettm $0x7FFFFFFF  }
tec
execute0_lowered:
.L_overlay_start_1:
0x0: {  	(tag) =	ssettag $0x1  }
0x1: {  	s0 =	rddreg [dreg:$0x0]  }
0x2: {  	s2 =	rddreg [dreg:$0x1];
	s3 =	simm.s32 $0x0;
	s1 =	srdreg.scid  }
0x3: {  	s4 =	stileid.u32;
	s7 =	simm.s32 $0x3;
	s8 =	simm.s32 $0x400  }
0x4: {  	s9 =	simm.s32 $0x7A1400;
	s10 =	simm.s32 $0x80;
	s15 =	simm.s32 $0x5080  }
0x5: {  	s16 =	simm.s32 $0x6080;
	s17 =	simm.s32 $0x7080;
	s18 =	simm.s32 $0x8080  }
0x6: {  	s19 =	simm.s32 $0x9080;
	s20 =	simm.s32 $0xA080;
	s21 =	simm.s32 $0xB080  }
0x7: {  	v0 =	vlaneseq.u32;
	s22 =	simm.s32 $0xC080;
	s23 =	simm.s32 $0xD080;
	s24 =	simm.s32 $0xE080  }
0x8: {  	s25 =	simm.s32 $0xF080;
	s26 =	simm.s32 $0x1;
	s28 =	simm.s32 $0x2;
	v0 =	vmul.u32 $0x80, v0  }
0x9: {  	s29 =	simm.s32 $0x10080;
	s30 =	simm.s32 $0x0;
	[smem:$0x7FF] =	sst s3  }
.Ltmp0:
0xa: {  	s1 =	sand.u32 $0x1, s1;
	s4 =	sshll.u32 s4, $0x1;
	v1 =	vor.u32 $0x800, v0;
	v2 =	vor.u32 $0x1000, v0;
	v3 =	vor.u32 $0x1800, v0;
	(pc) =	sbr.rel .LBB2_1-.Ltmp0, $4  }
0xb: {  	_ =	strace $0x8000004A;
	s4 =	sor.u32 s1, s4;
	s1 =	ssub.s32 $0x2, s1;
	v4 =	vor.u32 $0x2000, v0;
	v5 =	vor.u32 $0x2800, v0;
	v6 =	vor.u32 $0x3000, v0  }
0xc: {  	s5 =	sshll.u32 s4, $0x3;
	s4 =	sshll.u32 s4, $0x8;
	s31 =	sshrl.u32 s1, $0x1;
	v7 =	vor.u32 $0x3800, v0;
	v8 =	vor.u32 $0x4000, v0;
	v9 =	vor.u32 $0x4800, v0  }
0xd: {  	v10 =	vor.u32 $0x5000, v0;
	v11 =	vor.u32 $0x5800, v0;
	v12 =	vor.u32 $0x6000, v0;
	s5 =	sadd.s32 s5, s0;
	s0 =	sadd.s32 s4, s0;
	s1 =	ssub.s32 s1, s31  }
0xe: {  	v13 =	vor.u32 $0x6800, v0;
	v14 =	vor.u32 $0x7000, v0;
	v15 =	vor.u32 $0x7800, v0;
	s4 =	sadd.s32 $0x2400, s5;
	s5 =	sadd.s32 $0x2600, s0;
	s6 =	smax.u32 s1, $0x1  }
.LBB2_4:
0xf: {  	s30 =	sadd.s32 $0x1, s30  }
0x10: {  	p0 =	sne.s32 s30, s6  }
.Ltmp1:
0x11: {  	_ = 	snop;
	(pc) =	sbr.rel @!p0 .LBB2_5-.Ltmp1, $4  }
0x12: {  	[hbm4b:s5+s3] =	stream.linear.scatter [tilespmem:s29], [sflag:$0x3], $0x800, $0x38;
	[tilespmem:$0x10880] =	vst v63  }
0x13: {  	_ =	swait.ge [sflag:s7], $0x800  }
0x14: {  	[sflag:s7] =	ssyncset.done $0x0  }
0x15: {  	[sflag:s7] =	ssyncadd.s32 $0xFFFFF800  }
.LBB2_1:
0x16: {  	[tilespmem:s3], [sflag:$0x3] =	stream.linear.gather [hbm4b:s4+s3], $0x40, $0x38;
	[tilespmem:$0x10880] =	vst v63  }
0x17: {  	_ =	swait.ge [sflag:s7], $0x40  }
0x18: {  	[sflag:s7] =	ssyncset.done $0x0  }
0x19: {  	[sflag:s7] =	ssyncadd.s32 $0xFFFFFFC0  }
0x1a: {  	v16 =	vld [tilespmem:$0x0];
	_ =	sdelay $0x4  }
0x1b: {  	(v2sf) =	vpush v16, $0x0  }
0x1c: {  	(v2sf) =	vpush v16, $0x1;
	_ =	sdelay $0x5  }
0x1d: {  	(v2sf) =	vpush v16, $0x2;
	_ =	sdelay $0x1  }
0x1e: {  	(v2sf) =	vpush v16, $0x3;
	_ =	sdelay $0x5  }
0x1f: {  	s0 =	spop (v2sf);
	(v2sf) =	vpush v16, $0x4  }
0x20: {  	s1 =	spop (v2sf);
	(v2sf) =	vpush v16, $0x5;
	_ =	sdelay $0x4  }
0x21: {  	s0 =	sand.u32 $0xFFFFF80, s0  }
0x22: {  	s0 =	sadd.s32 s2, s0;
	s11 =	spop (v2sf);
	(v2sf) =	vpush v16, $0x6  }
0x23: {  	[tilespmem:s10], [sflag:$0x1] =	stream.strided.gather [hbm4b:s0+s8], $0x1000, s9, s8, $0x38;
	[tilespmem:$0x10880] =	vst v63  }
0x24: {  	s0 =	sand.u32 $0xFFFFF80, s1;
	s13 =	spop (v2sf);
	(v2sf) =	vpush v16, $0x7  }
0x25: {  	s1 =	simm.s32 $0x1080;
	s0 =	sadd.s32 s2, s0  }
0x26: {  	[tilespmem:s1], [sflag:$0x1] =	stream.strided.gather [hbm4b:s0+s8], $0x1000, s9, s8, $0x38;
	[tilespmem:$0x10880] =	vst v63  }
0x27: {  	s0 =	sand.u32 $0xFFFFF80, s11  }
0x28: {  	s12 =	simm.s32 $0x2080;
	s0 =	sadd.s32 s2, s0  }
0x29: {  	[tilespmem:s12], [sflag:$0x1] =	stream.strided.gather [hbm4b:s0+s8], $0x1000, s9, s8, $0x38;
	[tilespmem:$0x10880] =	vst v63  }
0x2a: {  	s0 =	sand.u32 $0xFFFFF80, s13;
	s11 =	spop (v2sf);
	(v2sf) =	vpush v16, $0x8  }
0x2b: {  	s14 =	simm.s32 $0x3080;
	s0 =	sadd.s32 s2, s0;
	s13 =	spop (v2sf);
	(v2sf) =	vpush v16, $0x9  }
0x2c: {  	[tilespmem:s14], [sflag:$0x1] =	stream.strided.gather [hbm4b:s0+s8], $0x1000, s9, s8, $0x38;
	[tilespmem:$0x10880] =	vst v63  }
0x2d: {  	s0 =	sand.u32 $0xFFFFF80, s11;
	(v2sf) =	vpush v16, $0xA  }
0x2e: {  	s12 =	simm.s32 $0x4080;
	s0 =	sadd.s32 s2, s0  }
0x2f: {  	[tilespmem:s12], [sflag:$0x1] =	stream.strided.gather [hbm4b:s0+s8], $0x1000, s9, s8, $0x38;
	[tilespmem:$0x10880] =	vst v63  }
0x30: {  	s0 =	sand.u32 $0xFFFFF80, s13  }
0x31: {  	s14 =	spop (v2sf);
	s0 =	sadd.s32 s2, s0  }
0x32: {  	(v2sf) =	vpush v16, $0xB;
	[tilespmem:s15], [sflag:$0x1] =	stream.strided.gather [hbm4b:s0+s8], $0x1000, s9, s8, $0x38;
	[tilespmem:$0x10880] =	vst v63  }
0x33: {  	s1 =	spop (v2sf);
	(v2sf) =	vpush v16, $0xC;
	s0 =	sand.u32 $0xFFFFF80, s14  }
0x34: {  	s0 =	sadd.s32 s2, s0  }
0x35: {  	[tilespmem:s16], [sflag:$0x1] =	stream.strided.gather [hbm4b:s0+s8], $0x1000, s9, s8, $0x38;
	[tilespmem:$0x10880] =	vst v63  }
0x36: {  	s0 =	sand.u32 $0xFFFFF80, s1  }
0x37: {  	s0 =	sadd.s32 s2, s0  }
0x38: {  	[tilespmem:s17], [sflag:$0x1] =	stream.strided.gather [hbm4b:s0+s8], $0x1000, s9, s8, $0x38;
	[tilespmem:$0x10880] =	vst v63  }
0x39: {  	s11 =	spop (v2sf);
	(v2sf) =	vpush v16, $0xD  }
0x3a: {  	s12 =	spop (v2sf);
	(v2sf) =	vpush v16, $0xE  }
0x3b: {  	s0 =	sand.u32 $0xFFFFF80, s11  }
0x3c: {  	s0 =	sadd.s32 s2, s0;
	s13 =	spop (v2sf)  }
0x3d: {  	(v2sf) =	vpush v16, $0xF;
	[tilespmem:s18], [sflag:$0x2] =	stream.strided.gather [hbm4b:s0+s8], $0x1000, s9, s8, $0x38;
	[tilespmem:$0x10880] =	vst v63  }
0x3e: {  	s0 =	sand.u32 $0xFFFFF80, s12  }
0x3f: {  	s0 =	sadd.s32 s2, s0  }
0x40: {  	[tilespmem:s19], [sflag:$0x2] =	stream.strided.gather [hbm4b:s0+s8], $0x1000, s9, s8, $0x38;
	[tilespmem:$0x10880] =	vst v63  }
0x41: {  	s14 =	spop (v2sf);
	s0 =	sand.u32 $0xFFFFF80, s13  }
0x42: {  	s11 =	sand.u32 $0xFFFFF80, s14;
	s12 =	spop (v2sf);
	s0 =	sadd.s32 s2, s0  }
0x43: {  	[tilespmem:s20], [sflag:$0x2] =	stream.strided.gather [hbm4b:s0+s8], $0x1000, s9, s8, $0x38;
	[tilespmem:$0x10880] =	vst v63  }
0x44: {  	s13 =	sand.u32 $0xFFFFF80, s12;
	s0 =	sadd.s32 s2, s11  }
0x45: {  	[tilespmem:s21], [sflag:$0x2] =	stream.strided.gather [hbm4b:s0+s8], $0x1000, s9, s8, $0x38;
	[tilespmem:$0x10880] =	vst v63  }
0x46: {  	s0 =	sadd.s32 s2, s13  }
0x47: {  	[tilespmem:s22], [sflag:$0x2] =	stream.strided.gather [hbm4b:s0+s8], $0x1000, s9, s8, $0x38;
	[tilespmem:$0x10880] =	vst v63  }
0x48: {  	s14 =	spop (v2sf)  }
0x49: {  	s11 =	sand.u32 $0xFFFFF80, s14;
	s12 =	spop (v2sf)  }
0x4a: {  	s0 =	sadd.s32 s2, s11;
	s13 =	sand.u32 $0xFFFFF80, s12  }
0x4b: {  	[tilespmem:s23], [sflag:$0x2] =	stream.strided.gather [hbm4b:s0+s8], $0x1000, s9, s8, $0x38;
	[tilespmem:$0x10880] =	vst v63  }
0x4c: {  	s14 =	spop (v2sf);
	s0 =	sadd.s32 s2, s13  }
0x4d: {  	[tilespmem:s24], [sflag:$0x2] =	stream.strided.gather [hbm4b:s0+s8], $0x1000, s9, s8, $0x38;
	[tilespmem:$0x10880] =	vst v63  }
0x4e: {  	s0 =	sand.u32 $0xFFFFF80, s14  }
0x4f: {  	s0 =	sadd.s32 s2, s0  }
0x50: {  	[tilespmem:s25], [sflag:$0x2] =	stream.strided.gather [hbm4b:s0+s8], $0x1000, s9, s8, $0x38;
	[tilespmem:$0x10880] =	vst v63  }
0x51: {  	s31 =	simm.s32 $0x40;
	s0 =	simm.s32 $0x10180  }
.LBB2_2:
0x52: {  	s1 =	sshra.s32 s31, $0x2  }
0x53: {  	v16 =	vld [tilespmem:s1+$0xFFFFFFF0];
	_ =	swait.ge [sflag:s26], $0x1000  }
0x54: {  	[sflag:s26] =	ssyncset.done $0x0  }
0x55: {  	[sflag:s26] =	ssyncadd.s32 $0xFFFFF000  }
0x56: {  	_ =	swait.ge [sflag:s26], $0x1000  }
0x57: {  	[sflag:s26] =	ssyncset.done $0x0  }
0x58: {  	[sflag:s26] =	ssyncadd.s32 $0xFFFFF000  }
0x59: {  	_ =	swait.ge [sflag:s26], $0x1000  }
0x5a: {  	[sflag:s26] =	ssyncset.done $0x0  }
0x5b: {  	[sflag:s26] =	ssyncadd.s32 $0xFFFFF000  }
0x5c: {  	_ =	swait.ge [sflag:s26], $0x1000  }
0x5d: {  	[sflag:s26] =	ssyncset.done $0x0  }
0x5e: {  	[sflag:s26] =	ssyncadd.s32 $0xFFFFF000  }
0x5f: {  	_ =	swait.ge [sflag:s26], $0x1000  }
0x60: {  	[sflag:s26] =	ssyncset.done $0x0  }
0x61: {  	[sflag:s26] =	ssyncadd.s32 $0xFFFFF000  }
0x62: {  	_ =	swait.ge [sflag:s26], $0x1000  }
0x63: {  	[sflag:s26] =	ssyncset.done $0x0  }
0x64: {  	[sflag:s26] =	ssyncadd.s32 $0xFFFFF000  }
0x65: {  	_ =	swait.ge [sflag:s26], $0x1000  }
0x66: {  	[sflag:s26] =	ssyncset.done $0x0  }
0x67: {  	[sflag:s26] =	ssyncadd.s32 $0xFFFFF000  }
0x68: {  	_ =	swait.ge [sflag:s26], $0x1000  }
0x69: {  	(v2sf) =	vpush v16, $0x0;
	_ =	sdelay $0x6  }
0x6a: {  	(v2sf) =	vpush v16, $0x1;
	_ =	sdelay $0x6  }
0x6b: {  	(v2sf) =	vpush v16, $0x2  }
0x6c: {  	s11 =	spop (v2sf)  }
0x6d: {  	s11 =	sand.u32 $0x7F, s11  }
0x6e: {  	v17 =	vor.u32 s11, v0  }
0x6f: {  	v18 =	vor.u32 s11, v1;
	_ =	sdelay $0x1  }
0x70: {  	[sflag:s26] =	ssyncset.done $0x0  }
0x71: {  	[sflag:s26] =	ssyncadd.s32 $0xFFFFF000;
	(v2sf) =	vpush v16, $0x3  }
0x72: {  	s12 =	spop (v2sf);
	v17 =	vld.idx.msk [tilespmem:v17+s10+$0x0], $0xffff  }
0x73: {  	s11 =	sand.u32 $0x7F, s12;
	v18 =	vld.idx.msk [tilespmem:v18+s10+$0x0], $0xffff  }
0x74: {  	v19 =	vor.u32 s11, v2  }
0x75: {  	v20 =	vor.u32 s11, v3;
	_ =	sdelay $0x1  }
0x76: {  	[tilespmem:s0+$0xFFFFFF00] =	vst v17  }
0x77: {  	(v2sf) =	vpush v16, $0x4;
	[tilespmem:s0+$0xFFFFFF10] =	vst v18  }
0x78: {  	s13 =	spop (v2sf);
	v17 =	vld.idx.msk [tilespmem:v19+s10+$0x0], $0xffff  }
0x79: {  	s11 =	sand.u32 $0x7F, s13;
	v18 =	vld.idx.msk [tilespmem:v20+s10+$0x0], $0xffff  }
0x7a: {  	v37 =	vor.u32 s11, v4  }
0x7b: {  	v38 =	vor.u32 s11, v5;
	_ =	sdelay $0x1  }
0x7c: {  	[tilespmem:s0+$0xFFFFFF20] =	vst v17  }
0x7d: {  	(v2sf) =	vpush v16, $0x5;
	[tilespmem:s0+$0xFFFFFF30] =	vst v18  }
0x7e: {  	s14 =	spop (v2sf);
	v17 =	vld.idx.msk [tilespmem:v37+s10+$0x0], $0xffff  }
0x7f: {  	s11 =	sand.u32 $0x7F, s14;
	v18 =	vld.idx.msk [tilespmem:v38+s10+$0x0], $0xffff  }
0x80: {  	v39 =	vor.u32 s11, v6  }
0x81: {  	v40 =	vor.u32 s11, v7;
	_ =	sdelay $0x1  }
0x82: {  	[tilespmem:s0+$0xFFFFFF40] =	vst v17  }
0x83: {  	(v2sf) =	vpush v16, $0x6;
	[tilespmem:s0+$0xFFFFFF50] =	vst v18  }
0x84: {  	s12 =	spop (v2sf);
	v17 =	vld.idx.msk [tilespmem:v39+s10+$0x0], $0xffff  }
0x85: {  	s11 =	sand.u32 $0x7F, s12;
	v18 =	vld.idx.msk [tilespmem:v40+s10+$0x0], $0xffff  }
0x86: {  	v41 =	vor.u32 s11, v8  }
0x87: {  	v42 =	vor.u32 s11, v9;
	_ =	sdelay $0x1  }
0x88: {  	[tilespmem:s0+$0xFFFFFF60] =	vst v17  }
0x89: {  	(v2sf) =	vpush v16, $0x7;
	[tilespmem:s0+$0xFFFFFF70] =	vst v18  }
0x8a: {  	s13 =	spop (v2sf);
	v17 =	vld.idx.msk [tilespmem:v41+s10+$0x0], $0xffff  }
0x8b: {  	s11 =	sand.u32 $0x7F, s13;
	v18 =	vld.idx.msk [tilespmem:v42+s10+$0x0], $0xffff  }
0x8c: {  	v43 =	vor.u32 s11, v10  }
0x8d: {  	v44 =	vor.u32 s11, v11;
	_ =	sdelay $0x1  }
0x8e: {  	[tilespmem:s0+$0xFFFFFF80] =	vst v17  }
0x8f: {  	[tilespmem:s0+$0xFFFFFF90] =	vst v18  }
0x90: {  	s14 =	spop (v2sf);
	v17 =	vld.idx.msk [tilespmem:v43+s10+$0x0], $0xffff  }
0x91: {  	s11 =	sand.u32 $0x7F, s14;
	v18 =	vld.idx.msk [tilespmem:v44+s10+$0x0], $0xffff  }
0x92: {  	v45 =	vor.u32 s11, v12  }
0x93: {  	v46 =	vor.u32 s11, v13;
	_ =	sdelay $0x1  }
0x94: {  	[tilespmem:s0+$0xFFFFFFA0] =	vst v17  }
0x95: {  	[tilespmem:s0+$0xFFFFFFB0] =	vst v18  }
0x96: {  	s12 =	spop (v2sf);
	v17 =	vld.idx.msk [tilespmem:v45+s10+$0x0], $0xffff  }
0x97: {  	s11 =	sand.u32 $0x7F, s12;
	v18 =	vld.idx.msk [tilespmem:v46+s10+$0x0], $0xffff  }
0x98: {  	v47 =	vor.u32 s11, v14  }
0x99: {  	v48 =	vor.u32 s11, v15;
	_ =	sdelay $0x1  }
0x9a: {  	[tilespmem:s0+$0xFFFFFFC0] =	vst v17  }
0x9b: {  	[tilespmem:s0+$0xFFFFFFD0] =	vst v18  }
0x9c: {  	v17 =	vld.idx.msk [tilespmem:v47+s10+$0x0], $0xffff  }
0x9d: {  	v18 =	vld.idx.msk [tilespmem:v48+s10+$0x0], $0xffff;
	_ =	sdelay $0x3  }
0x9e: {  	p0 =	seq.s32 s31, $0x100;
	[tilespmem:s0+$0xFFFFFFE0] =	vst v17  }
0x9f: {  	s11 =	sshra.s32 @!p0 s31, $0x2;
	[tilespmem:s0+$0xFFFFFFF0] =	vst v18  }
0xa0: {  	v17 =	vld @!p0 [tilespmem:s11+$0x0];
	_ =	sdelay $0x4  }
0xa1: {  	(v2sf) =	vpush @!p0 v17, $0x0;
	_ =	sdelay $0x3  }
0xa2: {  	(v2sf) =	vpush @!p0 v17, $0x1;
	_ =	sdelay $0x3  }
0xa3: {  	(v2sf) =	vpush @!p0 v17, $0x2;
	_ =	sdelay $0x3  }
0xa4: {  	(v2sf) =	vpush @!p0 v17, $0x3;
	_ =	sdelay $0x2  }
0xa5: {  	s11 =	spop @!p0 (v2sf)  }
0xa6: {  	s13 =	simm.s32 @!p0 $0x7A1400;
	(v2sf) =	vpush @!p0 v17, $0x4;
	s11 =	sand.u32 @!p0 $0xFFFFF80, s11  }
0xa7: {  	s14 =	simm.s32 @!p0 $0x80;
	s12 =	simm.s32 @!p0 $0x400;
	s11 =	sadd.s32 @!p0 s2, s11  }
0xa8: {  	[tilespmem:s14], [sflag:$0x1] =	stream.strided.gather @!p0 [hbm4b:s11+s12], $0x1000, s13, s12, $0x38;
	[tilespmem:$0x10880] =	vst v63  }
0xa9: {  	s11 =	spop @!p0 (v2sf)  }
0xaa: {  	(v2sf) =	vpush @!p0 v17, $0x5;
	s11 =	sand.u32 @!p0 $0xFFFFF80, s11  }
0xab: {  	s14 =	simm.s32 @!p0 $0x1080;
	s11 =	sadd.s32 @!p0 s2, s11  }
0xac: {  	[tilespmem:s14], [sflag:$0x1] =	stream.strided.gather @!p0 [hbm4b:s11+s12], $0x1000, s13, s12, $0x38;
	[tilespmem:$0x10880] =	vst v63  }
0xad: {  	s11 =	spop @!p0 (v2sf)  }
0xae: {  	(v2sf) =	vpush @!p0 v17, $0x6;
	s11 =	sand.u32 @!p0 $0xFFFFF80, s11  }
0xaf: {  	s14 =	simm.s32 @!p0 $0x2080;
	s11 =	sadd.s32 @!p0 s2, s11  }
0xb0: {  	[tilespmem:s14], [sflag:$0x1] =	stream.strided.gather @!p0 [hbm4b:s11+s12], $0x1000, s13, s12, $0x38;
	[tilespmem:$0x10880] =	vst v63  }
0xb1: {  	s11 =	spop @!p0 (v2sf)  }
0xb2: {  	(v2sf) =	vpush @!p0 v17, $0x7;
	s11 =	sand.u32 @!p0 $0xFFFFF80, s11  }
0xb3: {  	s14 =	simm.s32 @!p0 $0x3080;
	s11 =	sadd.s32 @!p0 s2, s11  }
0xb4: {  	[tilespmem:s14], [sflag:$0x1] =	stream.strided.gather @!p0 [hbm4b:s11+s12], $0x1000, s13, s12, $0x38;
	[tilespmem:$0x10880] =	vst v63  }
0xb5: {  	s11 =	spop @!p0 (v2sf)  }
0xb6: {  	s11 =	sand.u32 @!p0 $0xFFFFF80, s11  }
0xb7: {  	s14 =	simm.s32 @!p0 $0x4080;
	s11 =	sadd.s32 @!p0 s2, s11  }
0xb8: {  	[tilespmem:s14], [sflag:$0x1] =	stream.strided.gather @!p0 [hbm4b:s11+s12], $0x1000, s13, s12, $0x38;
	[tilespmem:$0x10880] =	vst v63  }
0xb9: {  	s11 =	spop @!p0 (v2sf)  }
0xba: {  	s11 =	sand.u32 @!p0 $0xFFFFF80, s11  }
0xbb: {  	s14 =	simm.s32 @!p0 $0x5080;
	s11 =	sadd.s32 @!p0 s2, s11  }
0xbc: {  	[tilespmem:s14], [sflag:$0x1] =	stream.strided.gather @!p0 [hbm4b:s11+s12], $0x1000, s13, s12, $0x38;
	[tilespmem:$0x10880] =	vst v63  }
0xbd: {  	s11 =	spop @!p0 (v2sf)  }
0xbe: {  	s11 =	sand.u32 @!p0 $0xFFFFF80, s11  }
0xbf: {  	s14 =	simm.s32 @!p0 $0x6080;
	s11 =	sadd.s32 @!p0 s2, s11  }
0xc0: {  	[tilespmem:s14], [sflag:$0x1] =	stream.strided.gather @!p0 [hbm4b:s11+s12], $0x1000, s13, s12, $0x38;
	[tilespmem:$0x10880] =	vst v63  }
0xc1: {  	s11 =	spop @!p0 (v2sf)  }
0xc2: {  	s11 =	sand.u32 @!p0 $0xFFFFF80, s11  }
0xc3: {  	s14 =	simm.s32 @!p0 $0x7080;
	s11 =	sadd.s32 @!p0 s2, s11  }
0xc4: {  	[tilespmem:s14], [sflag:$0x1] =	stream.strided.gather @!p0 [hbm4b:s11+s12], $0x1000, s13, s12, $0x38;
	[tilespmem:$0x10880] =	vst v63  }
0xc5: {  	_ =	swait.ge [sflag:s28], $0x1000  }
0xc6: {  	[sflag:s28] =	ssyncset.done $0x0  }
0xc7: {  	[sflag:s28] =	ssyncadd.s32 $0xFFFFF000  }
0xc8: {  	_ =	swait.ge [sflag:s28], $0x1000  }
0xc9: {  	[sflag:s28] =	ssyncset.done $0x0  }
0xca: {  	[sflag:s28] =	ssyncadd.s32 $0xFFFFF000  }
0xcb: {  	_ =	swait.ge [sflag:s28], $0x1000  }
0xcc: {  	[sflag:s28] =	ssyncset.done $0x0  }
0xcd: {  	[sflag:s28] =	ssyncadd.s32 $0xFFFFF000  }
0xce: {  	_ =	swait.ge [sflag:s28], $0x1000  }
0xcf: {  	[sflag:s28] =	ssyncset.done $0x0  }
0xd0: {  	[sflag:s28] =	ssyncadd.s32 $0xFFFFF000  }
0xd1: {  	_ =	swait.ge [sflag:s28], $0x1000  }
0xd2: {  	[sflag:s28] =	ssyncset.done $0x0  }
0xd3: {  	[sflag:s28] =	ssyncadd.s32 $0xFFFFF000  }
0xd4: {  	_ =	swait.ge [sflag:s28], $0x1000  }
0xd5: {  	[sflag:s28] =	ssyncset.done $0x0  }
0xd6: {  	[sflag:s28] =	ssyncadd.s32 $0xFFFFF000  }
0xd7: {  	_ =	swait.ge [sflag:s28], $0x1000  }
0xd8: {  	[sflag:s28] =	ssyncset.done $0x0  }
0xd9: {  	[sflag:s28] =	ssyncadd.s32 $0xFFFFF000  }
0xda: {  	_ =	swait.ge [sflag:s28], $0x1000  }
0xdb: {  	(v2sf) =	vpush v16, $0x8;
	_ =	sdelay $0x6  }
0xdc: {  	(v2sf) =	vpush v16, $0x9;
	_ =	sdelay $0x6  }
0xdd: {  	(v2sf) =	vpush v16, $0xA  }
0xde: {  	s13 =	spop (v2sf)  }
0xdf: {  	s11 =	sand.u32 $0x7F, s13  }
0xe0: {  	v17 =	vor.u32 s11, v0  }
0xe1: {  	v49 =	vor.u32 s11, v1;
	_ =	sdelay $0x1  }
0xe2: {  	[sflag:s28] =	ssyncset.done $0x0  }
0xe3: {  	[sflag:s28] =	ssyncadd.s32 $0xFFFFF000;
	(v2sf) =	vpush v16, $0xB  }
0xe4: {  	s14 =	spop (v2sf);
	v17 =	vld.idx.msk [tilespmem:v17+s18+$0x0], $0xffff  }
0xe5: {  	s11 =	sand.u32 $0x7F, s14;
	v18 =	vld.idx.msk [tilespmem:v49+s18+$0x0], $0xffff  }
0xe6: {  	v50 =	vor.u32 s11, v2  }
0xe7: {  	v51 =	vor.u32 s11, v3;
	_ =	sdelay $0x1  }
0xe8: {  	[tilespmem:s0+$0x0] =	vst v17  }
0xe9: {  	(v2sf) =	vpush v16, $0xC;
	[tilespmem:s0+$0x10] =	vst v18  }
0xea: {  	s12 =	spop (v2sf);
	v17 =	vld.idx.msk [tilespmem:v50+s18+$0x0], $0xffff  }
0xeb: {  	s11 =	sand.u32 $0x7F, s12;
	v18 =	vld.idx.msk [tilespmem:v51+s18+$0x0], $0xffff  }
0xec: {  	v52 =	vor.u32 s11, v4  }
0xed: {  	v53 =	vor.u32 s11, v5;
	_ =	sdelay $0x1  }
0xee: {  	[tilespmem:s0+$0x20] =	vst v17  }
0xef: {  	(v2sf) =	vpush v16, $0xD;
	[tilespmem:s0+$0x30] =	vst v18  }
0xf0: {  	s13 =	spop (v2sf);
	v17 =	vld.idx.msk [tilespmem:v52+s18+$0x0], $0xffff  }
0xf1: {  	s11 =	sand.u32 $0x7F, s13;
	v18 =	vld.idx.msk [tilespmem:v53+s18+$0x0], $0xffff  }
0xf2: {  	v54 =	vor.u32 s11, v6  }
0xf3: {  	v55 =	vor.u32 s11, v7;
	_ =	sdelay $0x1  }
0xf4: {  	[tilespmem:s0+$0x40] =	vst v17  }
0xf5: {  	(v2sf) =	vpush v16, $0xE;
	[tilespmem:s0+$0x50] =	vst v18  }
0xf6: {  	s14 =	spop (v2sf);
	v17 =	vld.idx.msk [tilespmem:v54+s18+$0x0], $0xffff  }
0xf7: {  	s11 =	sand.u32 $0x7F, s14;
	v18 =	vld.idx.msk [tilespmem:v55+s18+$0x0], $0xffff  }
0xf8: {  	v56 =	vor.u32 s11, v8  }
0xf9: {  	v57 =	vor.u32 s11, v9;
	_ =	sdelay $0x1  }
0xfa: {  	[tilespmem:s0+$0x60] =	vst v17  }
0xfb: {  	(v2sf) =	vpush v16, $0xF;
	[tilespmem:s0+$0x70] =	vst v18  }
0xfc: {  	s12 =	spop (v2sf);
	v16 =	vld.idx.msk [tilespmem:v56+s18+$0x0], $0xffff  }
0xfd: {  	s11 =	sand.u32 $0x7F, s12;
	v17 =	vld.idx.msk [tilespmem:v57+s18+$0x0], $0xffff  }
0xfe: {  	v58 =	vor.u32 s11, v10  }
0xff: {  	v59 =	vor.u32 s11, v11;
	_ =	sdelay $0x1  }
0x100: {  	[tilespmem:s0+$0x80] =	vst v16  }
0x101: {  	[tilespmem:s0+$0x90] =	vst v17  }
0x102: {  	s13 =	spop (v2sf);
	v16 =	vld.idx.msk [tilespmem:v58+s18+$0x0], $0xffff  }
0x103: {  	s11 =	sand.u32 $0x7F, s13;
	v17 =	vld.idx.msk [tilespmem:v59+s18+$0x0], $0xffff  }
0x104: {  	v60 =	vor.u32 s11, v12  }
0x105: {  	v61 =	vor.u32 s11, v13;
	_ =	sdelay $0x1  }
0x106: {  	[tilespmem:s0+$0xA0] =	vst v16  }
0x107: {  	[tilespmem:s0+$0xB0] =	vst v17  }
0x108: {  	s14 =	spop (v2sf);
	v16 =	vld.idx.msk [tilespmem:v60+s18+$0x0], $0xffff  }
0x109: {  	s11 =	sand.u32 $0x7F, s14;
	v17 =	vld.idx.msk [tilespmem:v61+s18+$0x0], $0xffff  }
0x10a: {  	v62 =	vor.u32 s11, v14  }
0x10b: {  	v63 =	vor.u32 s11, v15;
	_ =	sdelay $0x1  }
0x10c: {  	[tilespmem:s0+$0xC0] =	vst v16  }
0x10d: {  	[tilespmem:s0+$0xD0] =	vst v17  }
0x10e: {  	v16 =	vld.idx.msk [tilespmem:v62+s18+$0x0], $0xffff  }
0x10f: {  	v17 =	vld.idx.msk [tilespmem:v63+s18+$0x0], $0xffff  }
.Ltmp2:
0x110: {  	_ = 	snop;
	(pc) =	sbr.rel @p0 .LBB2_4-.Ltmp2, $3  }
0x111: {  	_ =	sdelay $0x1  }
0x112: {  	[tilespmem:s0+$0xE0] =	vst v16  }
0x113: {  	[tilespmem:s0+$0xF0] =	vst v17  }
0x114: {  	v16 =	vld [tilespmem:s1+$0x0];
	_ =	sdelay $0x4  }
0x115: {  	(v2sf) =	vpush v16, $0x8;
	_ =	sdelay $0x1  }
0x116: {  	(v2sf) =	vpush v16, $0x9;
	_ =	sdelay $0x1  }
0x117: {  	(v2sf) =	vpush v16, $0xA;
	_ =	sdelay $0x2  }
0x118: {  	(v2sf) =	vpush v16, $0xB;
	_ =	sdelay $0x7  }
0x119: {  	s11 =	spop (v2sf);
	(v2sf) =	vpush v16, $0xC;
	_ =	sdelay $0x1  }
0x11a: {  	s12 =	spop (v2sf);
	(v2sf) =	vpush v16, $0xD  }
0x11b: {  	s1 =	sand.u32 $0xFFFFF80, s11  }
0x11c: {  	s1 =	sadd.s32 s2, s1;
	s13 =	spop (v2sf)  }
0x11d: {  	(v2sf) =	vpush v16, $0xE;
	[tilespmem:s18], [sflag:$0x2] =	stream.strided.gather [hbm4b:s1+s8], $0x1000, s9, s8, $0x38;
	[tilespmem:$0x10880] =	vst v63  }
0x11e: {  	s1 =	sand.u32 $0xFFFFF80, s12  }
0x11f: {  	s14 =	spop (v2sf);
	s1 =	sadd.s32 s2, s1  }
0x120: {  	(v2sf) =	vpush v16, $0xF;
	[tilespmem:s19], [sflag:$0x2] =	stream.strided.gather [hbm4b:s1+s8], $0x1000, s9, s8, $0x38;
	[tilespmem:$0x10880] =	vst v63  }
0x121: {  	s1 =	sand.u32 $0xFFFFF80, s13  }
0x122: {  	s1 =	sadd.s32 s2, s1  }
0x123: {  	[tilespmem:s20], [sflag:$0x2] =	stream.strided.gather [hbm4b:s1+s8], $0x1000, s9, s8, $0x38;
	[tilespmem:$0x10880] =	vst v63  }
0x124: {  	s1 =	sand.u32 $0xFFFFF80, s14  }
0x125: {  	s1 =	sadd.s32 s2, s1  }
0x126: {  	[tilespmem:s21], [sflag:$0x2] =	stream.strided.gather [hbm4b:s1+s8], $0x1000, s9, s8, $0x38;
	[tilespmem:$0x10880] =	vst v63  }
0x127: {  	s11 =	spop (v2sf)  }
0x128: {  	s1 =	sand.u32 $0xFFFFF80, s11  }
0x129: {  	s12 =	spop (v2sf);
	s1 =	sadd.s32 s2, s1  }
0x12a: {  	[tilespmem:s22], [sflag:$0x2] =	stream.strided.gather [hbm4b:s1+s8], $0x1000, s9, s8, $0x38;
	[tilespmem:$0x10880] =	vst v63  }
0x12b: {  	s1 =	sand.u32 $0xFFFFF80, s12  }
0x12c: {  	s13 =	spop (v2sf);
	s1 =	sadd.s32 s2, s1  }
0x12d: {  	[tilespmem:s23], [sflag:$0x2] =	stream.strided.gather [hbm4b:s1+s8], $0x1000, s9, s8, $0x38;
	[tilespmem:$0x10880] =	vst v63  }
0x12e: {  	s1 =	sand.u32 $0xFFFFF80, s13  }
.Ltmp3:
0x12f: {  	s14 =	spop (v2sf);
	s1 =	sadd.s32 s2, s1;
	(pc) =	sbr.rel .LBB2_2-.Ltmp3, $4  }
0x130: {  	[tilespmem:s24], [sflag:$0x2] =	stream.strided.gather [hbm4b:s1+s8], $0x1000, s9, s8, $0x38;
	[tilespmem:$0x10880] =	vst v63  }
0x131: {  	s1 =	sand.u32 $0xFFFFF80, s14  }
0x132: {  	s31 =	sadd.s32 $0x40, s31;
	s0 =	sadd.s32 $0x200, s0;
	s1 =	sadd.s32 s2, s1  }
0x133: {  	[tilespmem:s25], [sflag:$0x2] =	stream.strided.gather [hbm4b:s1+s8], $0x1000, s9, s8, $0x38;
	[tilespmem:$0x10880] =	vst v63  }
.LBB2_5:
0x134: {  	_ =	sfence.sel $0x180000  }
0x135: {  	[bflag:$0x0] =	sbarrier.arrive $0xFFFF  }
0x136: {  	_ =	strace $0x9000004A  }
0x137: {  	s0 =	stileid.u32;
	[bflag:$0x2] =	sbarrier.arrive $0xFFFF  }
0x138: {  	p0 =	sne.s32 s0, $0x0;
	s0 =	rddreg [dreg:$0x2]  }
0x139: {  	s0 =	sadd.s32 @!p0 $0x100000, s0  }
0x13a: {  	[sflag:s0] =	ssyncadd.tile.s32 @!p0 $0x1;
	_ =	shalt  }
.Lfunc_end2:
_tile_overlayer_lowered:
.L_overlay_start_2:
0x13b: {  	(tag) =	ssettag $0x2  }
0x13c: {  	s0 =	rddreg [dreg:$0x0];
	s2 =	stileid.u32  }
0x13d: {  	s1 =	rddreg [dreg:$0x1];
	p0 =	sne.s32 s2, $0x0  }
0x13e: {  	s3 =	rddreg [dreg:$0x2];
	[bflag:$0x3] =	sbarrier.arrive $0xFFFF;
	s2 =	simm.s32 @!p0 $0x1C03  }
0x13f: {  	[timem:s3], [sflag:s2] =	dma.local @!p0 [hbm:s0], s1  }
0x140: {  	s0 =	simm.s32 @!p0 $0x3  }
0x141: {  	_ =	swait.ge @!p0 [sflag:s0], s1  }
0x142: {  	s1 =	ssub.s32 @!p0 $0x0, s1;
	[sflag:s0] =	ssyncset.done @!p0 $0x0  }
0x143: {  	[sflag:s0] =	ssyncadd.s32 @!p0 s1  }
0x144: {  	[bflag:$0x3] =	sbarrier.arrive $0xFFFF  }
0x145: {  	_ =	shalt  }

</sc_bundles>
